<compile_context>
chip_gen: v7x
topology: tpu7x:2x2x1
jax: 0.10.2.dev20260603
libtpu: 0.0.44.dev20260713+nightly
codegen_flags: <defaults>
</compile_context>

<pallas_src>
import functools

import jax
import jax.numpy as jnp
from jax import lax
from jax.experimental import pallas as pl
from jax.experimental.pallas import tpu as pltpu
from jax.experimental.pallas import tpu_sc as plsc

N = 10000
E = 320000
D_IN = 128
D_HID = 128
D_OUT = 64

NC = 2
NS = 16
CHUNK = 500
EROWS = E // CHUNK
EROWS_PER_TILE = EROWS // (NC * NS)
ERT_ALL = EROWS // NS
RPT = N // NS
WF = D_OUT // NC

_mesh = plsc.VectorSubcoreMesh(core_axis_name="c", subcore_axis_name="s")
_sc_params = pltpu.CompilerParams(use_tc_tiling_on_sc=False,
                                  needs_layout_passes=False)


def _zero_fill(zb, rows, width):
    @pl.loop(0, rows)
    def _(i):
        for t in range(width // 16):
            zb[i, pl.ds(t * 16, 16)] = jnp.zeros((16,), jnp.float32)


@functools.partial(
    pl.kernel,
    out_type=jax.ShapeDtypeStruct((NC, N, 16), jnp.float32),
    mesh=_mesh,
    scratch_types=[
        pltpu.VMEM((EROWS_PER_TILE, CHUNK), jnp.int32),
        pltpu.VMEM((512,), jnp.float32),
        pltpu.VMEM((2000,), jnp.float32),
        pltpu.VMEM((1000,), jnp.float32),
        pltpu.VMEM((1000, 16), jnp.float32),
        pltpu.VMEM_SHARED((N,), jnp.float32),
    ],
    compiler_params=_sc_params,
)
def _sc_degree(dst_hbm, cnt_hbm, idx_d, ones_v, z1, tmp, rep, acc):
    c = lax.axis_index("c")
    s = lax.axis_index("s")

    @pl.loop(0, 32)
    def _(i):
        ones_v[pl.ds(i * 16, 16)] = jnp.full((16,), 1.0, jnp.float32)

    @pl.loop(0, 125)
    def _(i):
        z1[pl.ds(i * 16, 16)] = jnp.zeros((16,), jnp.float32)

    @pl.when(s == 0)
    def _():
        for k in range(5):
            pltpu.sync_copy(z1, acc.at[pl.ds(k * 2000, 2000)])

    row0 = (c * NS + s) * EROWS_PER_TILE
    pltpu.sync_copy(dst_hbm.at[pl.ds(row0, EROWS_PER_TILE)], idx_d)
    plsc.subcore_barrier()

    @pl.loop(0, EROWS_PER_TILE)
    def _(j):
        pltpu.sync_copy(ones_v.at[pl.ds(0, CHUNK)], acc.at[idx_d.at[j]],
                        add=True)

    plsc.subcore_barrier()

    @pl.when(s < 10)
    def _():
        pltpu.sync_copy(acc.at[pl.ds(s * 1000, 1000)], tmp)

        @pl.loop(0, 1000)
        def _(r):
            idxv = jnp.zeros((16,), jnp.int32) + r
            rep[r, :] = plsc.load_gather(tmp, [idxv])

        pltpu.sync_copy(rep, cnt_hbm.at[c, pl.ds(s * 1000, 1000)])


CH1 = 125
ER1 = E // CH1
ER1_PER_TILE = ER1 // (NC * NS)
BR = 16
NBLK = ER1_PER_TILE // BR


@functools.partial(
    pl.kernel,
    out_type=jax.ShapeDtypeStruct((NC, N, D_HID), jnp.float32),
    mesh=_mesh,
    scratch_types=[
        pltpu.VMEM((2, BR, CH1), jnp.int32),
        pltpu.VMEM((2, BR, CH1), jnp.int32),
        pltpu.VMEM((CH1, D_HID), jnp.float32),
        pltpu.VMEM((CH1, D_HID), jnp.float32),
        pltpu.VMEM_SHARED((N, D_HID), jnp.float32),
        pltpu.SemaphoreType.DMA,
        pltpu.SemaphoreType.DMA,
        pltpu.SemaphoreType.DMA,
        pltpu.SemaphoreType.DMA,
    ],
    compiler_params=_sc_params,
)
def _sc_scatter_l1(src_hbm, dst_hbm, y_hbm, out_ref,
                   idx_s, idx_d, buf_a, buf_b, acc,
                   sem_a, sem_b, sem_is, sem_id):
    c = lax.axis_index("c")
    s = lax.axis_index("s")
    row0 = (c * NS + s) * ER1_PER_TILE

    pltpu.sync_copy(src_hbm.at[pl.ds(row0, BR)], idx_s.at[0])
    pltpu.sync_copy(dst_hbm.at[pl.ds(row0, BR)], idx_d.at[0])

    _zero_fill(buf_a, CH1, D_HID)
    for k in range(RPT // CH1):
        pltpu.sync_copy(buf_a, acc.at[pl.ds(s * RPT + k * CH1, CH1)])
    plsc.subcore_barrier()

    pltpu.async_copy(y_hbm.at[idx_s.at[0, 0]], buf_a, sem_a)

    for blk in range(NBLK):
        p = blk % 2
        q = (blk + 1) % 2
        nrow0 = row0 + (blk + 1) * BR
        if blk + 1 < NBLK:
            pltpu.async_copy(src_hbm.at[pl.ds(nrow0, BR)], idx_s.at[q],
                             sem_is)
            pltpu.async_copy(dst_hbm.at[pl.ds(nrow0, BR)], idx_d.at[q],
                             sem_id)

        @pl.loop(0, BR - 2, step=2)
        def _(j):
            pltpu.async_copy(y_hbm.at[idx_s.at[p, j + 1]], buf_b, sem_b)
            pltpu.make_async_copy(y_hbm.at[idx_s.at[p, j]], buf_a,
                                  sem_a).wait()
            pltpu.sync_copy(buf_a, acc.at[idx_d.at[p, j]], add=True)
            pltpu.async_copy(y_hbm.at[idx_s.at[p, j + 2]], buf_a, sem_a)
            pltpu.make_async_copy(y_hbm.at[idx_s.at[p, j + 1]], buf_b,
                                  sem_b).wait()
            pltpu.sync_copy(buf_b, acc.at[idx_d.at[p, j + 1]], add=True)

        last = BR - 2
        pltpu.async_copy(y_hbm.at[idx_s.at[p, last + 1]], buf_b, sem_b)
        pltpu.make_async_copy(y_hbm.at[idx_s.at[p, last]], buf_a,
                              sem_a).wait()
        pltpu.sync_copy(buf_a, acc.at[idx_d.at[p, last]], add=True)
        if blk + 1 < NBLK:
            pltpu.make_async_copy(src_hbm.at[pl.ds(nrow0, BR)], idx_s.at[q],
                                  sem_is).wait()
            pltpu.make_async_copy(dst_hbm.at[pl.ds(nrow0, BR)], idx_d.at[q],
                                  sem_id).wait()
            pltpu.async_copy(y_hbm.at[idx_s.at[q, 0]], buf_a, sem_a)
        pltpu.make_async_copy(y_hbm.at[idx_s.at[p, last + 1]], buf_b,
                              sem_b).wait()
        pltpu.sync_copy(buf_b, acc.at[idx_d.at[p, last + 1]], add=True)

    plsc.subcore_barrier()
    pltpu.sync_copy(acc.at[pl.ds(s * RPT, RPT)],
                    out_ref.at[c, pl.ds(s * RPT, RPT)])


@functools.partial(
    pl.kernel,
    out_type=jax.ShapeDtypeStruct((N, D_OUT), jnp.float32),
    mesh=_mesh,
    scratch_types=[
        pltpu.VMEM((ERT_ALL, CHUNK), jnp.int32),
        pltpu.VMEM((ERT_ALL, CHUNK), jnp.int32),
        pltpu.VMEM((CHUNK, WF), jnp.float32),
        pltpu.VMEM((CHUNK, WF), jnp.float32),
        pltpu.VMEM((CHUNK, 16), jnp.float32),
        pltpu.VMEM((WF,), jnp.float32),
        pltpu.VMEM_SHARED((N, WF), jnp.float32),
        pltpu.SemaphoreType.DMA,
        pltpu.SemaphoreType.DMA,
    ],
    compiler_params=_sc_params,
)
def _sc_scatter_l2f(src_hbm, dst_hbm, y2_hbm, dinv_hbm, b2_hbm, out_ref,
                    idx_s, idx_d, buf_a, buf_b, dinv_t, b2_t, acc,
                    sem_a, sem_b):
    c = lax.axis_index("c")
    s = lax.axis_index("s")

    row0 = s * ERT_ALL
    pltpu.sync_copy(src_hbm.at[pl.ds(row0, ERT_ALL)], idx_s)
    pltpu.sync_copy(dst_hbm.at[pl.ds(row0, ERT_ALL)], idx_d)
    pltpu.sync_copy(b2_hbm.at[0, pl.ds(c * WF, WF)], b2_t)

    tab = y2_hbm.at[c]
    _zero_fill(buf_a, CHUNK, WF)
    pltpu.sync_copy(buf_a, acc.at[pl.ds(s * RPT, CHUNK)])
    pltpu.sync_copy(buf_a.at[pl.ds(0, RPT - CHUNK)],
                    acc.at[pl.ds(s * RPT + CHUNK, RPT - CHUNK)])
    plsc.subcore_barrier()

    pltpu.async_copy(tab.at[idx_s.at[0]], buf_a, sem_a)

    @pl.loop(0, ERT_ALL - 2, step=2)
    def _(j):
        pltpu.async_copy(tab.at[idx_s.at[j + 1]], buf_b, sem_b)
        pltpu.make_async_copy(tab.at[idx_s.at[j]], buf_a, sem_a).wait()
        pltpu.sync_copy(buf_a, acc.at[idx_d.at[j]], add=True)
        pltpu.async_copy(tab.at[idx_s.at[j + 2]], buf_a, sem_a)
        pltpu.make_async_copy(tab.at[idx_s.at[j + 1]], buf_b, sem_b).wait()
        pltpu.sync_copy(buf_b, acc.at[idx_d.at[j + 1]], add=True)

    last = ERT_ALL - 2
    pltpu.async_copy(tab.at[idx_s.at[last + 1]], buf_b, sem_b)
    pltpu.make_async_copy(tab.at[idx_s.at[last]], buf_a, sem_a).wait()
    pltpu.sync_copy(buf_a, acc.at[idx_d.at[last]], add=True)
    pltpu.make_async_copy(tab.at[idx_s.at[last + 1]], buf_b, sem_b).wait()
    pltpu.sync_copy(buf_b, acc.at[idx_d.at[last + 1]], add=True)

    plsc.subcore_barrier()

    for off, nr in ((0, CHUNK), (CHUNK, RPT - CHUNK)):
        rows0 = s * RPT + off
        pltpu.sync_copy(acc.at[pl.ds(rows0, nr)], buf_a.at[pl.ds(0, nr)])
        pltpu.sync_copy(y2_hbm.at[c, pl.ds(rows0, nr)], buf_b.at[pl.ds(0, nr)])
        pltpu.sync_copy(dinv_hbm.at[pl.ds(rows0, nr)], dinv_t.at[pl.ds(0, nr)])

        @pl.loop(0, nr)
        def _(r):
            d = dinv_t[r, pl.ds(0, 16)]
            for t in range(WF // 16):
                col = pl.ds(t * 16, 16)
                buf_a[r, col] = (d * (buf_a[r, col] + buf_b[r, col])
                                 + b2_t[pl.ds(t * 16, 16)])

        pltpu.sync_copy(buf_a.at[pl.ds(0, nr)],
                        out_ref.at[pl.ds(rows0, nr), pl.ds(c * WF, WF)])

_B = 2000


def _dinv_from_cnt(cnt_blk):
    deg = cnt_blk[0, :, 0:1] + cnt_blk[1, :, 0:1] + 1.0
    return lax.rsqrt(deg)


def _tc0_body(x_ref, w1_ref, xw_ref):
    xw_ref[...] = jnp.dot(x_ref[...], w1_ref[...],
                          preferred_element_type=jnp.float32)


def _tc1_body(xw_ref, cnt_ref, y1_ref, dinv_ref):
    dinv = _dinv_from_cnt(cnt_ref)
    y1_ref[...] = xw_ref[...] * dinv
    dinv_ref[...] = jnp.broadcast_to(dinv, (dinv.shape[0], 16))


def _tc2_body(a_ref, y1_ref, cnt_ref, b1_ref, w2_ref, y2_ref):
    dinv = _dinv_from_cnt(cnt_ref)
    pre = (a_ref[0] + a_ref[1] + y1_ref[...]) * dinv + b1_ref[...]
    h = jnp.maximum(pre, 0.0)
    hw = jnp.dot(h, w2_ref[...], preferred_element_type=jnp.float32)
    y2 = hw * dinv
    y2_ref[0] = y2[:, :WF]
    y2_ref[1] = y2[:, WF:]


def _tc0(x, W1):
    return pl.pallas_call(
        _tc0_body,
        grid=(N // _B,),
        in_specs=[
            pl.BlockSpec((_B, D_IN), lambda i: (i, 0)),
            pl.BlockSpec((D_IN, D_HID), lambda i: (0, 0)),
        ],
        out_specs=pl.BlockSpec((_B, D_HID), lambda i: (i, 0)),
        out_shape=jax.ShapeDtypeStruct((N, D_HID), jnp.float32),
    )(x, W1)


def _tc1(xw, cnt):
    return pl.pallas_call(
        _tc1_body,
        grid=(N // _B,),
        in_specs=[
            pl.BlockSpec((_B, D_HID), lambda i: (i, 0)),
            pl.BlockSpec((NC, _B, 16), lambda i: (0, i, 0)),
        ],
        out_specs=[
            pl.BlockSpec((_B, D_HID), lambda i: (i, 0)),
            pl.BlockSpec((_B, 16), lambda i: (i, 0)),
        ],
        out_shape=[
            jax.ShapeDtypeStruct((N, D_HID), jnp.float32),
            jax.ShapeDtypeStruct((N, 16), jnp.float32),
        ],
    )(xw, cnt)


def _tc2(a, y1, cnt, b1, W2):
    return pl.pallas_call(
        _tc2_body,
        grid=(N // _B,),
        in_specs=[
            pl.BlockSpec((NC, _B, D_HID), lambda i: (0, i, 0)),
            pl.BlockSpec((_B, D_HID), lambda i: (i, 0)),
            pl.BlockSpec((NC, _B, 16), lambda i: (0, i, 0)),
            pl.BlockSpec((1, D_HID), lambda i: (0, 0)),
            pl.BlockSpec((D_HID, D_OUT), lambda i: (0, 0)),
        ],
        out_specs=pl.BlockSpec((2, _B, WF), lambda i: (0, i, 0)),
        out_shape=jax.ShapeDtypeStruct((2, N, WF), jnp.float32),
    )(a, y1, cnt, b1, W2)


def kernel(x, edge_index, W1, b1, W2, b2):
    src = edge_index[0].astype(jnp.int32)
    dst = edge_index[1].astype(jnp.int32)
    src5 = src.reshape(EROWS, CHUNK)
    dst5 = dst.reshape(EROWS, CHUNK)
    src1 = src.reshape(ER1, CH1)
    dst1 = dst.reshape(ER1, CH1)
    cnt = _sc_degree(dst5)
    y1, dinv = _tc1(_tc0(x, W1), cnt)
    a = _sc_scatter_l1(src1, dst1, y1)
    y2 = _tc2(a, y1, cnt, b1.reshape(1, D_HID), W2)
    return _sc_scatter_l2f(src5, dst5, y2, dinv, b2.reshape(1, D_OUT))

# --- scband reference (transcript-rebuilt; emitter-appended) ---
"""Pipeline reference for scband-jaccard-30966714204224 (READ-ONLY COPY).

The authoritative reference and input builder live on the scoring server;
editing this copy changes nothing except your own understanding.
"""

import jax, jax.numpy as jnp
import numpy as np

N_NODES = 10000
N_EDGES = 320000
D_IN = 128
D_HID = 128
D_OUT = 64


def setup_inputs(seed: int = 0) -> dict:
    key = jax.random.key(seed)
    k1, k2, k3, k4, k5, k6 = jax.random.split(key, 6)
    x = jax.random.normal(k1, (N_NODES, D_IN), dtype=jnp.float32)
    edge_index = jax.random.randint(k2, (2, N_EDGES), 0, N_NODES, dtype=jnp.int64)
    # GCNConv weights (glorot-style scaling)
    W1 = jax.random.normal(k3, (D_IN, D_HID), dtype=jnp.float32) * (1.0 / np.sqrt(D_IN))
    b1 = jnp.zeros((D_HID,), dtype=jnp.float32)
    W2 = jax.random.normal(k4, (D_HID, D_OUT), dtype=jnp.float32) * (1.0 / np.sqrt(D_HID))
    b2 = jnp.zeros((D_OUT,), dtype=jnp.float32)
    return {"x": x, "edge_index": edge_index, "W1": W1, "b1": b1, "W2": W2, "b2": b2}


def _gcn_conv(x, edge_index, W, b, num_nodes):
    # PyG GCNConv: add self-loops, symmetric normalization D^-1/2 (A+I) D^-1/2, then X W + b
    src = edge_index[0]
    dst = edge_index[1]
    loop = jnp.arange(num_nodes, dtype=src.dtype)
    src = jnp.concatenate([src, loop], axis=0)
    dst = jnp.concatenate([dst, loop], axis=0)
    ones = jnp.ones_like(dst, dtype=x.dtype)
    deg = jax.ops.segment_sum(ones, dst, num_segments=num_nodes)
    deg_inv_sqrt = jnp.where(deg > 0, 1.0 / jnp.sqrt(deg), 0.0)
    norm = deg_inv_sqrt[src] * deg_inv_sqrt[dst]
    xw = x @ W
    msgs = xw[src] * norm[:, None]
    out = jax.ops.segment_sum(msgs, dst, num_segments=num_nodes)
    return out + b


def reference(x, edge_index, W1, b1, W2, b2):
    num_nodes = x.shape[0]
    h = _gcn_conv(x, edge_index, W1, b1, num_nodes)
    h = jax.nn.relu(h)
    # dropout p=0.0 -> identity
    out = _gcn_conv(h, edge_index, W2, b2, num_nodes)
    return out

if __name__ == "__main__":
    import jax
    _d = setup_inputs()
    print(jax.jit(kernel)(*tuple(_d.values())))

</pallas_src>

<mosaic_0001>
#map = affine_map<(d0, d1) -> (0, 0)>
#map1 = affine_map<(d0, d1) -> (0, 0, 0)>
module attributes {stable_mosaic.version = 14 : i64} {
  func.func @_sc_degree(%arg0: i32, %arg1: i32, %arg2: memref<640x500xi32, #tpu.memory_space<hbm>>, %arg3: memref<2x10000x16xf32, #tpu.memory_space<hbm>>, %arg4: memref<20x500xi32, #tpu.memory_space<vmem>>, %arg5: memref<512xf32, #tpu.memory_space<vmem>>, %arg6: memref<2000xf32, #tpu.memory_space<vmem>>, %arg7: memref<1000xf32, #tpu.memory_space<vmem>>, %arg8: memref<1000x16xf32, #tpu.memory_space<vmem>>, %arg9: memref<10000xf32, #tpu.memory_space<vmem_shared>>) attributes {dimension_semantics = [#tpu.dimension_semantics<core_parallel>, #tpu.dimension_semantics<subcore_parallel>], iteration_bounds = array<i64: 2, 16>, scalar_prefetch = 0 : i64, scratch_operands = 6 : i64, tpu.core_type = #tpu.core_type<sc_vector_subcore>, window_params = [{transform_indices = #map}, {transform_indices = #map1}]} {
    %scan3A = arith.constant 0 : i32
    %scan3A_0 = arith.constant 32 : i32
    %scan3A_1 = arith.addi %scan3A, %scan3A_0 : i32
    %scan3A_2 = arith.constant 1 : i32
    scf.for %scan3A_24 = %scan3A to %scan3A_1 step %scan3A_2  : i32 {
      %mul3A_25 = arith.constant 1 : i32
      %mul3A_26 = arith.muli %scan3A_24, %mul3A_25 : i32
      %add3A_27 = arith.constant 0 : i32
      %add3A_28 = arith.addi %add3A_27, %mul3A_26 : i32
      %broadcast_in_dim3A = arith.constant 1.000000e+00 : f32
      %broadcast_in_dim3A_29 = vector.broadcast %broadcast_in_dim3A : f32 to vector<16xf32>
      %mul3A_30 = arith.constant 16 : i32
      %mul3A_31 = arith.muli %add3A_28, %mul3A_30 : i32
      %swap3A = arith.index_cast %mul3A_31 : i32 to index
      %swap3A_32 = tpu.vector_load %arg5[%swap3A] {strides = array<i32>} : memref<512xf32, #tpu.memory_space<vmem>>, vector<16xf32>,
      tpu.vector_store %arg5[%swap3A], %broadcast_in_dim3A_29 {strides = array<i32>} : memref<512xf32, #tpu.memory_space<vmem>>, vector<16xf32>,
    }
    %scan3A_3 = arith.constant 32 : i32
    %scan3A_4 = arith.constant 0 : i32
    %scan3A_5 = arith.constant 125 : i32
    %scan3A_6 = arith.addi %scan3A_4, %scan3A_5 : i32
    %scan3A_7 = arith.constant 1 : i32
    scf.for %scan3A_24 = %scan3A_4 to %scan3A_6 step %scan3A_7  : i32 {
      %mul3A_25 = arith.constant 1 : i32
      %mul3A_26 = arith.muli %scan3A_24, %mul3A_25 : i32
      %add3A_27 = arith.constant 0 : i32
      %add3A_28 = arith.addi %add3A_27, %mul3A_26 : i32
      %broadcast_in_dim3A = arith.constant 0.000000e+00 : f32
      %broadcast_in_dim3A_29 = vector.broadcast %broadcast_in_dim3A : f32 to vector<16xf32>
      %mul3A_30 = arith.constant 16 : i32
      %mul3A_31 = arith.muli %add3A_28, %mul3A_30 : i32
      %swap3A = arith.index_cast %mul3A_31 : i32 to index
      %swap3A_32 = tpu.vector_load %arg6[%swap3A] {strides = array<i32>} : memref<2000xf32, #tpu.memory_space<vmem>>, vector<16xf32>,
      tpu.vector_store %arg6[%swap3A], %broadcast_in_dim3A_29 {strides = array<i32>} : memref<2000xf32, #tpu.memory_space<vmem>>, vector<16xf32>,
    }
    %scan3A_8 = arith.constant 125 : i32
    %eq3A = arith.constant 0 : i32
    %eq3A_9 = arith.cmpi eq, %arg1, %eq3A : i32
    %convert_element_type3A = arith.extui %eq3A_9 : i1 to i32
    %cond3A = arith.constant 0 : i32
    %cond3A_10 = arith.cmpi ne, %convert_element_type3A, %cond3A : i32
    scf.if %cond3A_10 {
      "tpu.region"() ({
        %run_scoped3A = tpu.sem_alloc : memref<!tpu.dma_semaphore, #tpu.memory_space<semaphore_mem>>
        %dma_start3A = arith.constant 0 : i32
        %dma_start3A_24 = tpu.memref_slice %arg9[%dma_start3A] : memref<10000xf32, #tpu.memory_space<vmem_shared>> -> memref<2000xf32, #tpu.memory_space<vmem_shared>>
        %dma_start3A_25 = arith.constant 0 : i32
        %dma_start3A_26 = tpu.memref_slice %arg9[%dma_start3A_25] : memref<10000xf32, #tpu.memory_space<vmem_shared>> -> memref<2000xf32, #tpu.memory_space<vmem_shared>>
        tpu.enqueue_dma source(%arg6 : memref<2000xf32, #tpu.memory_space<vmem>>) target(%dma_start3A_26 : memref<2000xf32, #tpu.memory_space<vmem_shared>>) target_semaphore(%run_scoped3A : memref<!tpu.dma_semaphore, #tpu.memory_space<semaphore_mem>>)
        %dma_wait3A = arith.constant 0 : i32
        %dma_wait3A_27 = tpu.memref_slice %arg9[%dma_wait3A] : memref<10000xf32, #tpu.memory_space<vmem_shared>> -> memref<2000xf32, #tpu.memory_space<vmem_shared>>
        %dma_wait3A_28 = arith.constant 0 : i32
        %dma_wait3A_29 = tpu.memref_slice %arg9[%dma_wait3A_28] : memref<10000xf32, #tpu.memory_space<vmem_shared>> -> memref<2000xf32, #tpu.memory_space<vmem_shared>>
        tpu.wait_dma2 semaphore(%run_scoped3A : memref<!tpu.dma_semaphore, #tpu.memory_space<semaphore_mem>>) src(%arg6 : memref<2000xf32, #tpu.memory_space<vmem>>) dst(%dma_wait3A_29 : memref<2000xf32, #tpu.memory_space<vmem_shared>>)
        tpu.yield
      }) : () -> ()
      "tpu.region"() ({
        %run_scoped3A = tpu.sem_alloc : memref<!tpu.dma_semaphore, #tpu.memory_space<semaphore_mem>>
        %dma_start3A = arith.constant 2000 : i32
        %dma_start3A_24 = tpu.memref_slice %arg9[%dma_start3A] : memref<10000xf32, #tpu.memory_space<vmem_shared>> -> memref<2000xf32, #tpu.memory_space<vmem_shared>>
        %dma_start3A_25 = arith.constant 2000 : i32
        %dma_start3A_26 = tpu.memref_slice %arg9[%dma_start3A_25] : memref<10000xf32, #tpu.memory_space<vmem_shared>> -> memref<2000xf32, #tpu.memory_space<vmem_shared>>
        tpu.enqueue_dma source(%arg6 : memref<2000xf32, #tpu.memory_space<vmem>>) target(%dma_start3A_26 : memref<2000xf32, #tpu.memory_space<vmem_shared>>) target_semaphore(%run_scoped3A : memref<!tpu.dma_semaphore, #tpu.memory_space<semaphore_mem>>)
        %dma_wait3A = arith.constant 2000 : i32
        %dma_wait3A_27 = tpu.memref_slice %arg9[%dma_wait3A] : memref<10000xf32, #tpu.memory_space<vmem_shared>> -> memref<2000xf32, #tpu.memory_space<vmem_shared>>
        %dma_wait3A_28 = arith.constant 2000 : i32
        %dma_wait3A_29 = tpu.memref_slice %arg9[%dma_wait3A_28] : memref<10000xf32, #tpu.memory_space<vmem_shared>> -> memref<2000xf32, #tpu.memory_space<vmem_shared>>
        tpu.wait_dma2 semaphore(%run_scoped3A : memref<!tpu.dma_semaphore, #tpu.memory_space<semaphore_mem>>) src(%arg6 : memref<2000xf32, #tpu.memory_space<vmem>>) dst(%dma_wait3A_29 : memref<2000xf32, #tpu.memory_space<vmem_shared>>)
        tpu.yield
      }) : () -> ()
      "tpu.region"() ({
        %run_scoped3A = tpu.sem_alloc : memref<!tpu.dma_semaphore, #tpu.memory_space<semaphore_mem>>
        %dma_start3A = arith.constant 4000 : i32
        %dma_start3A_24 = tpu.memref_slice %arg9[%dma_start3A] : memref<10000xf32, #tpu.memory_space<vmem_shared>> -> memref<2000xf32, #tpu.memory_space<vmem_shared>>
        %dma_start3A_25 = arith.constant 4000 : i32
        %dma_start3A_26 = tpu.memref_slice %arg9[%dma_start3A_25] : memref<10000xf32, #tpu.memory_space<vmem_shared>> -> memref<2000xf32, #tpu.memory_space<vmem_shared>>
        tpu.enqueue_dma source(%arg6 : memref<2000xf32, #tpu.memory_space<vmem>>) target(%dma_start3A_26 : memref<2000xf32, #tpu.memory_space<vmem_shared>>) target_semaphore(%run_scoped3A : memref<!tpu.dma_semaphore, #tpu.memory_space<semaphore_mem>>)
        %dma_wait3A = arith.constant 4000 : i32
        %dma_wait3A_27 = tpu.memref_slice %arg9[%dma_wait3A] : memref<10000xf32, #tpu.memory_space<vmem_shared>> -> memref<2000xf32, #tpu.memory_space<vmem_shared>>
        %dma_wait3A_28 = arith.constant 4000 : i32
        %dma_wait3A_29 = tpu.memref_slice %arg9[%dma_wait3A_28] : memref<10000xf32, #tpu.memory_space<vmem_shared>> -> memref<2000xf32, #tpu.memory_space<vmem_shared>>
        tpu.wait_dma2 semaphore(%run_scoped3A : memref<!tpu.dma_semaphore, #tpu.memory_space<semaphore_mem>>) src(%arg6 : memref<2000xf32, #tpu.memory_space<vmem>>) dst(%dma_wait3A_29 : memref<2000xf32, #tpu.memory_space<vmem_shared>>)
        tpu.yield
      }) : () -> ()
      "tpu.region"() ({
        %run_scoped3A = tpu.sem_alloc : memref<!tpu.dma_semaphore, #tpu.memory_space<semaphore_mem>>
        %dma_start3A = arith.constant 6000 : i32
        %dma_start3A_24 = tpu.memref_slice %arg9[%dma_start3A] : memref<10000xf32, #tpu.memory_space<vmem_shared>> -> memref<2000xf32, #tpu.memory_space<vmem_shared>>
        %dma_start3A_25 = arith.constant 6000 : i32
        %dma_start3A_26 = tpu.memref_slice %arg9[%dma_start3A_25] : memref<10000xf32, #tpu.memory_space<vmem_shared>> -> memref<2000xf32, #tpu.memory_space<vmem_shared>>
        tpu.enqueue_dma source(%arg6 : memref<2000xf32, #tpu.memory_space<vmem>>) target(%dma_start3A_26 : memref<2000xf32, #tpu.memory_space<vmem_shared>>) target_semaphore(%run_scoped3A : memref<!tpu.dma_semaphore, #tpu.memory_space<semaphore_mem>>)
        %dma_wait3A = arith.constant 6000 : i32
        %dma_wait3A_27 = tpu.memref_slice %arg9[%dma_wait3A] : memref<10000xf32, #tpu.memory_space<vmem_shared>> -> memref<2000xf32, #tpu.memory_space<vmem_shared>>
        %dma_wait3A_28 = arith.constant 6000 : i32
        %dma_wait3A_29 = tpu.memref_slice %arg9[%dma_wait3A_28] : memref<10000xf32, #tpu.memory_space<vmem_shared>> -> memref<2000xf32, #tpu.memory_space<vmem_shared>>
        tpu.wait_dma2 semaphore(%run_scoped3A : memref<!tpu.dma_semaphore, #tpu.memory_space<semaphore_mem>>) src(%arg6 : memref<2000xf32, #tpu.memory_space<vmem>>) dst(%dma_wait3A_29 : memref<2000xf32, #tpu.memory_space<vmem_shared>>)
        tpu.yield
      }) : () -> ()
      "tpu.region"() ({
        %run_scoped3A = tpu.sem_alloc : memref<!tpu.dma_semaphore, #tpu.memory_space<semaphore_mem>>
        %dma_start3A = arith.constant 8000 : i32
        %dma_start3A_24 = tpu.memref_slice %arg9[%dma_start3A] : memref<10000xf32, #tpu.memory_space<vmem_shared>> -> memref<2000xf32, #tpu.memory_space<vmem_shared>>
        %dma_start3A_25 = arith.constant 8000 : i32
        %dma_start3A_26 = tpu.memref_slice %arg9[%dma_start3A_25] : memref<10000xf32, #tpu.memory_space<vmem_shared>> -> memref<2000xf32, #tpu.memory_space<vmem_shared>>
        tpu.enqueue_dma source(%arg6 : memref<2000xf32, #tpu.memory_space<vmem>>) target(%dma_start3A_26 : memref<2000xf32, #tpu.memory_space<vmem_shared>>) target_semaphore(%run_scoped3A : memref<!tpu.dma_semaphore, #tpu.memory_space<semaphore_mem>>)
        %dma_wait3A = arith.constant 8000 : i32
        %dma_wait3A_27 = tpu.memref_slice %arg9[%dma_wait3A] : memref<10000xf32, #tpu.memory_space<vmem_shared>> -> memref<2000xf32, #tpu.memory_space<vmem_shared>>
        %dma_wait3A_28 = arith.constant 8000 : i32
        %dma_wait3A_29 = tpu.memref_slice %arg9[%dma_wait3A_28] : memref<10000xf32, #tpu.memory_space<vmem_shared>> -> memref<2000xf32, #tpu.memory_space<vmem_shared>>
        tpu.wait_dma2 semaphore(%run_scoped3A : memref<!tpu.dma_semaphore, #tpu.memory_space<semaphore_mem>>) src(%arg6 : memref<2000xf32, #tpu.memory_space<vmem>>) dst(%dma_wait3A_29 : memref<2000xf32, #tpu.memory_space<vmem_shared>>)
        tpu.yield
      }) : () -> ()
    } else {
    }
    %mul3A = arith.constant 16 : i32
    %mul3A_11 = arith.muli %arg0, %mul3A : i32
    %add3A = arith.addi %mul3A_11, %arg1 : i32
    %mul3A_12 = arith.constant 20 : i32
    %mul3A_13 = arith.muli %add3A, %mul3A_12 : i32
    "tpu.region"() ({
      %run_scoped3A = tpu.sem_alloc : memref<!tpu.dma_semaphore, #tpu.memory_space<semaphore_mem>>
      %dma_start3A = arith.constant 0 : i32
      %dma_start3A_24 = tpu.memref_slice %arg2[%mul3A_13, %dma_start3A] : memref<640x500xi32, #tpu.memory_space<hbm>> -> memref<20x500xi32, #tpu.memory_space<hbm>>
      %dma_start3A_25 = arith.constant 0 : i32
      %dma_start3A_26 = tpu.memref_slice %arg2[%mul3A_13, %dma_start3A_25] : memref<640x500xi32, #tpu.memory_space<hbm>> -> memref<20x500xi32, #tpu.memory_space<hbm>>
      tpu.enqueue_dma source(%dma_start3A_26 : memref<20x500xi32, #tpu.memory_space<hbm>>) target(%arg4 : memref<20x500xi32, #tpu.memory_space<vmem>>) target_semaphore(%run_scoped3A : memref<!tpu.dma_semaphore, #tpu.memory_space<semaphore_mem>>)
      %dma_wait3A = arith.constant 0 : i32
      %dma_wait3A_27 = tpu.memref_slice %arg2[%mul3A_13, %dma_wait3A] : memref<640x500xi32, #tpu.memory_space<hbm>> -> memref<20x500xi32, #tpu.memory_space<hbm>>
      %dma_wait3A_28 = arith.constant 0 : i32
      %dma_wait3A_29 = tpu.memref_slice %arg2[%mul3A_13, %dma_wait3A_28] : memref<640x500xi32, #tpu.memory_space<hbm>> -> memref<20x500xi32, #tpu.memory_space<hbm>>
      tpu.wait_dma2 semaphore(%run_scoped3A : memref<!tpu.dma_semaphore, #tpu.memory_space<semaphore_mem>>) src(%dma_wait3A_29 : memref<20x500xi32, #tpu.memory_space<hbm>>) dst(%arg4 : memref<20x500xi32, #tpu.memory_space<vmem>>)
      tpu.yield
    }) : () -> ()
    %barrier3A = arith.constant 0 : index
    tpu.barrier barrier_id(%barrier3A)
    %scan3A_14 = arith.constant 0 : i32
    %scan3A_15 = arith.constant 20 : i32
    %scan3A_16 = arith.addi %scan3A_14, %scan3A_15 : i32
    %scan3A_17 = arith.constant 1 : i32
    scf.for %scan3A_24 = %scan3A_14 to %scan3A_16 step %scan3A_17  : i32 {
      %mul3A_25 = arith.constant 1 : i32
      %mul3A_26 = arith.muli %scan3A_24, %mul3A_25 : i32
      %add3A_27 = arith.constant 0 : i32
      %add3A_28 = arith.addi %add3A_27, %mul3A_26 : i32
      "tpu.region"() ({
        %run_scoped3A = tpu.sem_alloc : memref<!tpu.dma_semaphore, #tpu.memory_space<semaphore_mem>>
        %dma_start3A = arith.constant 0 : i32
        %dma_start3A_29 = tpu.memref_slice %arg5[%dma_start3A] : memref<512xf32, #tpu.memory_space<vmem>> -> memref<500xf32, #tpu.memory_space<vmem>>
        %dma_start3A_30 = arith.constant 0 : i32
        %dma_start3A_31 = tpu.memref_slice %arg4[%add3A_28, %dma_start3A_30] : memref<20x500xi32, #tpu.memory_space<vmem>> -> memref<1x500xi32, #tpu.memory_space<vmem>>
        %dma_start3A_32 = tpu.memref_squeeze %dma_start3A_31 : memref<1x500xi32, #tpu.memory_space<vmem>> -> memref<500xi32, #tpu.memory_space<vmem>>
        %dma_start3A_33 = arith.constant 0 : i32
        %dma_start3A_34 = tpu.memref_slice %arg9[%dma_start3A_33] : memref<10000xf32, #tpu.memory_space<vmem_shared>> -> memref<10000xf32, #tpu.memory_space<vmem_shared>>
        tpu.enqueue_indirect_dma source(%dma_start3A_29 : memref<500xf32, #tpu.memory_space<vmem>>) target(%dma_start3A_34 : memref<10000xf32, #tpu.memory_space<vmem_shared>>) offsets(%dma_start3A_32 : memref<500xi32, #tpu.memory_space<vmem>>) semaphore(%run_scoped3A : memref<!tpu.dma_semaphore, #tpu.memory_space<semaphore_mem>>) {add = true}
        %dma_wait3A = arith.constant 0 : i32
        %dma_wait3A_35 = tpu.memref_slice %arg5[%dma_wait3A] : memref<512xf32, #tpu.memory_space<vmem>> -> memref<500xf32, #tpu.memory_space<vmem>>
        %dma_wait3A_36 = arith.constant 0 : i32
        %dma_wait3A_37 = tpu.memref_slice %arg4[%add3A_28, %dma_wait3A_36] : memref<20x500xi32, #tpu.memory_space<vmem>> -> memref<1x500xi32, #tpu.memory_space<vmem>>
        %dma_wait3A_38 = tpu.memref_squeeze %dma_wait3A_37 : memref<1x500xi32, #tpu.memory_space<vmem>> -> memref<500xi32, #tpu.memory_space<vmem>>
        %dma_wait3A_39 = arith.constant 0 : i32
        %dma_wait3A_40 = tpu.memref_slice %arg9[%dma_wait3A_39] : memref<10000xf32, #tpu.memory_space<vmem_shared>> -> memref<10000xf32, #tpu.memory_space<vmem_shared>>
        tpu.wait_indirect_dma semaphore(%run_scoped3A : memref<!tpu.dma_semaphore, #tpu.memory_space<semaphore_mem>>) src(%dma_wait3A_35 : memref<500xf32, #tpu.memory_space<vmem>>) dst(%dma_wait3A_40 : memref<10000xf32, #tpu.memory_space<vmem_shared>>)
        tpu.yield
      }) : () -> ()
    }
    %scan3A_18 = arith.constant 20 : i32
    %barrier3A_19 = arith.constant 0 : index
    tpu.barrier barrier_id(%barrier3A_19)
    %lt3A = arith.constant 10 : i32
    %lt3A_20 = arith.cmpi slt, %arg1, %lt3A : i32
    %convert_element_type3A_21 = arith.extui %lt3A_20 : i1 to i32
    %cond3A_22 = arith.constant 0 : i32
    %cond3A_23 = arith.cmpi ne, %convert_element_type3A_21, %cond3A_22 : i32
    scf.if %cond3A_23 {
      %mul3A_24 = arith.constant 1000 : i32
      %mul3A_25 = arith.muli %arg1, %mul3A_24 : i32
      "tpu.region"() ({
        %run_scoped3A = tpu.sem_alloc : memref<!tpu.dma_semaphore, #tpu.memory_space<semaphore_mem>>
        %dma_start3A = tpu.memref_slice %arg9[%mul3A_25] : memref<10000xf32, #tpu.memory_space<vmem_shared>> -> memref<1000xf32, #tpu.memory_space<vmem_shared>>
        %dma_start3A_33 = tpu.memref_slice %arg9[%mul3A_25] : memref<10000xf32, #tpu.memory_space<vmem_shared>> -> memref<1000xf32, #tpu.memory_space<vmem_shared>>
        tpu.enqueue_dma source(%dma_start3A_33 : memref<1000xf32, #tpu.memory_space<vmem_shared>>) target(%arg7 : memref<1000xf32, #tpu.memory_space<vmem>>) target_semaphore(%run_scoped3A : memref<!tpu.dma_semaphore, #tpu.memory_space<semaphore_mem>>)
        %dma_wait3A = tpu.memref_slice %arg9[%mul3A_25] : memref<10000xf32, #tpu.memory_space<vmem_shared>> -> memref<1000xf32, #tpu.memory_space<vmem_shared>>
        %dma_wait3A_34 = tpu.memref_slice %arg9[%mul3A_25] : memref<10000xf32, #tpu.memory_space<vmem_shared>> -> memref<1000xf32, #tpu.memory_space<vmem_shared>>
        tpu.wait_dma2 semaphore(%run_scoped3A : memref<!tpu.dma_semaphore, #tpu.memory_space<semaphore_mem>>) src(%dma_wait3A_34 : memref<1000xf32, #tpu.memory_space<vmem_shared>>) dst(%arg7 : memref<1000xf32, #tpu.memory_space<vmem>>)
        tpu.yield
      }) : () -> ()
      %scan3A_26 = arith.constant 0 : i32
      %scan3A_27 = arith.constant 1000 : i32
      %scan3A_28 = arith.addi %scan3A_26, %scan3A_27 : i32
      %scan3A_29 = arith.constant 1 : i32
      scf.for %scan3A_33 = %scan3A_26 to %scan3A_28 step %scan3A_29  : i32 {
        %mul3A_34 = arith.constant 1 : i32
        %mul3A_35 = arith.muli %scan3A_33, %mul3A_34 : i32
        %add3A_36 = arith.constant 0 : i32
        %add3A_37 = arith.addi %add3A_36, %mul3A_35 : i32
        %broadcast_in_dim3A = arith.constant 0 : i32
        %broadcast_in_dim3A_38 = vector.broadcast %broadcast_in_dim3A : i32 to vector<16xi32>
        %add3A_39 = vector.broadcast %add3A_37 : i32 to vector<16xi32>
        %add3A_40 = arith.addi %broadcast_in_dim3A_38, %add3A_39 : vector<16xi32>
        %gather3A = tpu.vector_load_idx %arg7[%add3A_40] : memref<1000xf32, #tpu.memory_space<vmem>>[vector<16xi32>], vector<16xf32>,
        %swap3A = arith.index_cast %add3A_37 : i32 to index
        %swap3A_41 = arith.constant 0 : index
        %swap3A_42 = tpu.vector_load %arg8[%swap3A, %swap3A_41] {strides = array<i32>} : memref<1000x16xf32, #tpu.memory_space<vmem>>, vector<16xf32>,
        tpu.vector_store %arg8[%swap3A, %swap3A_41], %gather3A {strides = array<i32>} : memref<1000x16xf32, #tpu.memory_space<vmem>>, vector<16xf32>,
      }
      %scan3A_30 = arith.constant 1000 : i32
      %mul3A_31 = arith.constant 1000 : i32
      %mul3A_32 = arith.muli %arg1, %mul3A_31 : i32
      "tpu.region"() ({
        %run_scoped3A = tpu.sem_alloc : memref<!tpu.dma_semaphore, #tpu.memory_space<semaphore_mem>>
        %dma_start3A = arith.constant 0 : i32
        %dma_start3A_33 = tpu.memref_slice %arg3[%arg0, %mul3A_32, %dma_start3A] : memref<2x10000x16xf32, #tpu.memory_space<hbm>> -> memref<1x1000x16xf32, #tpu.memory_space<hbm>>
        %dma_start3A_34 = tpu.memref_squeeze %dma_start3A_33 : memref<1x1000x16xf32, #tpu.memory_space<hbm>> -> memref<1000x16xf32, #tpu.memory_space<hbm>>
        %dma_start3A_35 = arith.constant 0 : i32
        %dma_start3A_36 = tpu.memref_slice %arg3[%arg0, %mul3A_32, %dma_start3A_35] : memref<2x10000x16xf32, #tpu.memory_space<hbm>> -> memref<1x1000x16xf32, #tpu.memory_space<hbm>>
        %dma_start3A_37 = tpu.memref_squeeze %dma_start3A_36 : memref<1x1000x16xf32, #tpu.memory_space<hbm>> -> memref<1000x16xf32, #tpu.memory_space<hbm>>
        tpu.enqueue_dma source(%arg8 : memref<1000x16xf32, #tpu.memory_space<vmem>>) target(%dma_start3A_37 : memref<1000x16xf32, #tpu.memory_space<hbm>>) target_semaphore(%run_scoped3A : memref<!tpu.dma_semaphore, #tpu.memory_space<semaphore_mem>>)
        %dma_wait3A = arith.constant 0 : i32
        %dma_wait3A_38 = tpu.memref_slice %arg3[%arg0, %mul3A_32, %dma_wait3A] : memref<2x10000x16xf32, #tpu.memory_space<hbm>> -> memref<1x1000x16xf32, #tpu.memory_space<hbm>>
        %dma_wait3A_39 = tpu.memref_squeeze %dma_wait3A_38 : memref<1x1000x16xf32, #tpu.memory_space<hbm>> -> memref<1000x16xf32, #tpu.memory_space<hbm>>
        %dma_wait3A_40 = arith.constant 0 : i32
        %dma_wait3A_41 = tpu.memref_slice %arg3[%arg0, %mul3A_32, %dma_wait3A_40] : memref<2x10000x16xf32, #tpu.memory_space<hbm>> -> memref<1x1000x16xf32, #tpu.memory_space<hbm>>
        %dma_wait3A_42 = tpu.memref_squeeze %dma_wait3A_41 : memref<1x1000x16xf32, #tpu.memory_space<hbm>> -> memref<1000x16xf32, #tpu.memory_space<hbm>>
        tpu.wait_dma2 semaphore(%run_scoped3A : memref<!tpu.dma_semaphore, #tpu.memory_space<semaphore_mem>>) src(%arg8 : memref<1000x16xf32, #tpu.memory_space<vmem>>) dst(%dma_wait3A_42 : memref<1000x16xf32, #tpu.memory_space<hbm>>)
        tpu.yield
      }) : () -> ()
    } else {
    }
    return
  }
}

#map = affine_map<(d0, d1) -> (0, 0)>
#map1 = affine_map<(d0, d1) -> (0, 0, 0)>
module attributes {stable_mosaic.version = 14 : i64} {
  func.func @_sc_scatter_l1(%arg0: i32, %arg1: i32, %arg2: memref<2560x125xi32, #tpu.memory_space<hbm>>, %arg3: memref<2560x125xi32, #tpu.memory_space<hbm>>, %arg4: memref<10000x128xf32, #tpu.memory_space<hbm>>, %arg5: memref<2x10000x128xf32, #tpu.memory_space<hbm>>, %arg6: memref<2x16x125xi32, #tpu.memory_space<vmem>>, %arg7: memref<2x16x125xi32, #tpu.memory_space<vmem>>, %arg8: memref<125x128xf32, #tpu.memory_space<vmem>>, %arg9: memref<125x128xf32, #tpu.memory_space<vmem>>, %arg10: memref<10000x128xf32, #tpu.memory_space<vmem_shared>>, %arg11: memref<!tpu.dma_semaphore, #tpu.memory_space<semaphore_mem>>, %arg12: memref<!tpu.dma_semaphore, #tpu.memory_space<semaphore_mem>>, %arg13: memref<!tpu.dma_semaphore, #tpu.memory_space<semaphore_mem>>, %arg14: memref<!tpu.dma_semaphore, #tpu.memory_space<semaphore_mem>>) attributes {dimension_semantics = [#tpu.dimension_semantics<core_parallel>, #tpu.dimension_semantics<subcore_parallel>], iteration_bounds = array<i64: 2, 16>, scalar_prefetch = 0 : i64, scratch_operands = 9 : i64, tpu.core_type = #tpu.core_type<sc_vector_subcore>, window_params = [{transform_indices = #map}, {transform_indices = #map}, {transform_indices = #map}, {transform_indices = #map1}]} {
    %mul3A = arith.constant 16 : i32
    %mul3A_0 = arith.muli %arg0, %mul3A : i32
    %add3A = arith.addi %mul3A_0, %arg1 : i32
    %mul3A_1 = arith.constant 80 : i32
    %mul3A_2 = arith.muli %add3A, %mul3A_1 : i32
    %run_scoped3A = arith.constant 0 : i32
    "tpu.region"() ({
      %run_scoped3A_454 = tpu.sem_alloc : memref<!tpu.dma_semaphore, #tpu.memory_space<semaphore_mem>>
      %dma_start3A_455 = arith.constant 0 : i32
      %dma_start3A_456 = arith.constant 0 : i32
      %dma_start3A_457 = tpu.memref_slice %arg6[%run_scoped3A, %dma_start3A_455, %dma_start3A_456] : memref<2x16x125xi32, #tpu.memory_space<vmem>> -> memref<1x16x125xi32, #tpu.memory_space<vmem>>
      %dma_start3A_458 = tpu.memref_squeeze %dma_start3A_457 : memref<1x16x125xi32, #tpu.memory_space<vmem>> -> memref<16x125xi32, #tpu.memory_space<vmem>>
      %dma_start3A_459 = arith.constant 0 : i32
      %dma_start3A_460 = tpu.memref_slice %arg2[%mul3A_2, %dma_start3A_459] : memref<2560x125xi32, #tpu.memory_space<hbm>> -> memref<16x125xi32, #tpu.memory_space<hbm>>
      %dma_start3A_461 = arith.constant 0 : i32
      %dma_start3A_462 = arith.constant 0 : i32
      %dma_start3A_463 = tpu.memref_slice %arg6[%run_scoped3A, %dma_start3A_461, %dma_start3A_462] : memref<2x16x125xi32, #tpu.memory_space<vmem>> -> memref<1x16x125xi32, #tpu.memory_space<vmem>>
      %dma_start3A_464 = tpu.memref_squeeze %dma_start3A_463 : memref<1x16x125xi32, #tpu.memory_space<vmem>> -> memref<16x125xi32, #tpu.memory_space<vmem>>
      %dma_start3A_465 = arith.constant 0 : i32
      %dma_start3A_466 = tpu.memref_slice %arg2[%mul3A_2, %dma_start3A_465] : memref<2560x125xi32, #tpu.memory_space<hbm>> -> memref<16x125xi32, #tpu.memory_space<hbm>>
      tpu.enqueue_dma source(%dma_start3A_466 : memref<16x125xi32, #tpu.memory_space<hbm>>) target(%dma_start3A_464 : memref<16x125xi32, #tpu.memory_space<vmem>>) target_semaphore(%run_scoped3A_454 : memref<!tpu.dma_semaphore, #tpu.memory_space<semaphore_mem>>)
      %dma_wait3A_467 = arith.constant 0 : i32
      %dma_wait3A_468 = arith.constant 0 : i32
      %dma_wait3A_469 = tpu.memref_slice %arg6[%run_scoped3A, %dma_wait3A_467, %dma_wait3A_468] : memref<2x16x125xi32, #tpu.memory_space<vmem>> -> memref<1x16x125xi32, #tpu.memory_space<vmem>>
      %dma_wait3A_470 = tpu.memref_squeeze %dma_wait3A_469 : memref<1x16x125xi32, #tpu.memory_space<vmem>> -> memref<16x125xi32, #tpu.memory_space<vmem>>
      %dma_wait3A_471 = arith.constant 0 : i32
      %dma_wait3A_472 = tpu.memref_slice %arg2[%mul3A_2, %dma_wait3A_471] : memref<2560x125xi32, #tpu.memory_space<hbm>> -> memref<16x125xi32, #tpu.memory_space<hbm>>
      %dma_wait3A_473 = arith.constant 0 : i32
      %dma_wait3A_474 = arith.constant 0 : i32
      %dma_wait3A_475 = tpu.memref_slice %arg6[%run_scoped3A, %dma_wait3A_473, %dma_wait3A_474] : memref<2x16x125xi32, #tpu.memory_space<vmem>> -> memref<1x16x125xi32, #tpu.memory_space<vmem>>
      %dma_wait3A_476 = tpu.memref_squeeze %dma_wait3A_475 : memref<1x16x125xi32, #tpu.memory_space<vmem>> -> memref<16x125xi32, #tpu.memory_space<vmem>>
      %dma_wait3A_477 = arith.constant 0 : i32
      %dma_wait3A_478 = tpu.memref_slice %arg2[%mul3A_2, %dma_wait3A_477] : memref<2560x125xi32, #tpu.memory_space<hbm>> -> memref<16x125xi32, #tpu.memory_space<hbm>>
      tpu.wait_dma2 semaphore(%run_scoped3A_454 : memref<!tpu.dma_semaphore, #tpu.memory_space<semaphore_mem>>) src(%dma_wait3A_478 : memref<16x125xi32, #tpu.memory_space<hbm>>) dst(%dma_wait3A_476 : memref<16x125xi32, #tpu.memory_space<vmem>>)
      tpu.yield
    }) : () -> ()
    %run_scoped3A_3 = arith.constant 0 : i32
    "tpu.region"() ({
      %run_scoped3A_454 = tpu.sem_alloc : memref<!tpu.dma_semaphore, #tpu.memory_space<semaphore_mem>>
      %dma_start3A_455 = arith.constant 0 : i32
      %dma_start3A_456 = arith.constant 0 : i32
      %dma_start3A_457 = tpu.memref_slice %arg7[%run_scoped3A_3, %dma_start3A_455, %dma_start3A_456] : memref<2x16x125xi32, #tpu.memory_space<vmem>> -> memref<1x16x125xi32, #tpu.memory_space<vmem>>
      %dma_start3A_458 = tpu.memref_squeeze %dma_start3A_457 : memref<1x16x125xi32, #tpu.memory_space<vmem>> -> memref<16x125xi32, #tpu.memory_space<vmem>>
      %dma_start3A_459 = arith.constant 0 : i32
      %dma_start3A_460 = tpu.memref_slice %arg3[%mul3A_2, %dma_start3A_459] : memref<2560x125xi32, #tpu.memory_space<hbm>> -> memref<16x125xi32, #tpu.memory_space<hbm>>
      %dma_start3A_461 = arith.constant 0 : i32
      %dma_start3A_462 = arith.constant 0 : i32
      %dma_start3A_463 = tpu.memref_slice %arg7[%run_scoped3A_3, %dma_start3A_461, %dma_start3A_462] : memref<2x16x125xi32, #tpu.memory_space<vmem>> -> memref<1x16x125xi32, #tpu.memory_space<vmem>>
      %dma_start3A_464 = tpu.memref_squeeze %dma_start3A_463 : memref<1x16x125xi32, #tpu.memory_space<vmem>> -> memref<16x125xi32, #tpu.memory_space<vmem>>
      %dma_start3A_465 = arith.constant 0 : i32
      %dma_start3A_466 = tpu.memref_slice %arg3[%mul3A_2, %dma_start3A_465] : memref<2560x125xi32, #tpu.memory_space<hbm>> -> memref<16x125xi32, #tpu.memory_space<hbm>>
      tpu.enqueue_dma source(%dma_start3A_466 : memref<16x125xi32, #tpu.memory_space<hbm>>) target(%dma_start3A_464 : memref<16x125xi32, #tpu.memory_space<vmem>>) target_semaphore(%run_scoped3A_454 : memref<!tpu.dma_semaphore, #tpu.memory_space<semaphore_mem>>)
      %dma_wait3A_467 = arith.constant 0 : i32
      %dma_wait3A_468 = arith.constant 0 : i32
      %dma_wait3A_469 = tpu.memref_slice %arg7[%run_scoped3A_3, %dma_wait3A_467, %dma_wait3A_468] : memref<2x16x125xi32, #tpu.memory_space<vmem>> -> memref<1x16x125xi32, #tpu.memory_space<vmem>>
      %dma_wait3A_470 = tpu.memref_squeeze %dma_wait3A_469 : memref<1x16x125xi32, #tpu.memory_space<vmem>> -> memref<16x125xi32, #tpu.memory_space<vmem>>
      %dma_wait3A_471 = arith.constant 0 : i32
      %dma_wait3A_472 = tpu.memref_slice %arg3[%mul3A_2, %dma_wait3A_471] : memref<2560x125xi32, #tpu.memory_space<hbm>> -> memref<16x125xi32, #tpu.memory_space<hbm>>
      %dma_wait3A_473 = arith.constant 0 : i32
      %dma_wait3A_474 = arith.constant 0 : i32
      %dma_wait3A_475 = tpu.memref_slice %arg7[%run_scoped3A_3, %dma_wait3A_473, %dma_wait3A_474] : memref<2x16x125xi32, #tpu.memory_space<vmem>> -> memref<1x16x125xi32, #tpu.memory_space<vmem>>
      %dma_wait3A_476 = tpu.memref_squeeze %dma_wait3A_475 : memref<1x16x125xi32, #tpu.memory_space<vmem>> -> memref<16x125xi32, #tpu.memory_space<vmem>>
      %dma_wait3A_477 = arith.constant 0 : i32
      %dma_wait3A_478 = tpu.memref_slice %arg3[%mul3A_2, %dma_wait3A_477] : memref<2560x125xi32, #tpu.memory_space<hbm>> -> memref<16x125xi32, #tpu.memory_space<hbm>>
      tpu.wait_dma2 semaphore(%run_scoped3A_454 : memref<!tpu.dma_semaphore, #tpu.memory_space<semaphore_mem>>) src(%dma_wait3A_478 : memref<16x125xi32, #tpu.memory_space<hbm>>) dst(%dma_wait3A_476 : memref<16x125xi32, #tpu.memory_space<vmem>>)
      tpu.yield
    }) : () -> ()
    %scan3A = arith.constant 0 : i32
    %scan3A_4 = arith.constant 125 : i32
    %scan3A_5 = arith.addi %scan3A, %scan3A_4 : i32
    %scan3A_6 = arith.constant 1 : i32
    scf.for %scan3A_454 = %scan3A to %scan3A_5 step %scan3A_6  : i32 {
      %mul3A_455 = arith.constant 1 : i32
      %mul3A_456 = arith.muli %scan3A_454, %mul3A_455 : i32
      %add3A_457 = arith.constant 0 : i32
      %add3A_458 = arith.addi %add3A_457, %mul3A_456 : i32
      %broadcast_in_dim3A = arith.constant 0.000000e+00 : f32
      %broadcast_in_dim3A_459 = vector.broadcast %broadcast_in_dim3A : f32 to vector<16xf32>
      %swap3A = arith.index_cast %add3A_458 : i32 to index
      %swap3A_460 = arith.constant 0 : index
      %swap3A_461 = tpu.vector_load %arg8[%swap3A, %swap3A_460] {strides = array<i32>} : memref<125x128xf32, #tpu.memory_space<vmem>>, vector<16xf32>,
      tpu.vector_store %arg8[%swap3A, %swap3A_460], %broadcast_in_dim3A_459 {strides = array<i32>} : memref<125x128xf32, #tpu.memory_space<vmem>>, vector<16xf32>,
      %broadcast_in_dim3A_462 = arith.constant 0.000000e+00 : f32
      %broadcast_in_dim3A_463 = vector.broadcast %broadcast_in_dim3A_462 : f32 to vector<16xf32>
      %swap3A_464 = arith.index_cast %add3A_458 : i32 to index
      %swap3A_465 = arith.constant 16 : index
      %swap3A_466 = tpu.vector_load %arg8[%swap3A_464, %swap3A_465] {strides = array<i32>} : memref<125x128xf32, #tpu.memory_space<vmem>>, vector<16xf32>,
      tpu.vector_store %arg8[%swap3A_464, %swap3A_465], %broadcast_in_dim3A_463 {strides = array<i32>} : memref<125x128xf32, #tpu.memory_space<vmem>>, vector<16xf32>,
      %broadcast_in_dim3A_467 = arith.constant 0.000000e+00 : f32
      %broadcast_in_dim3A_468 = vector.broadcast %broadcast_in_dim3A_467 : f32 to vector<16xf32>
      %swap3A_469 = arith.index_cast %add3A_458 : i32 to index
      %swap3A_470 = arith.constant 32 : index
      %swap3A_471 = tpu.vector_load %arg8[%swap3A_469, %swap3A_470] {strides = array<i32>} : memref<125x128xf32, #tpu.memory_space<vmem>>, vector<16xf32>,
      tpu.vector_store %arg8[%swap3A_469, %swap3A_470], %broadcast_in_dim3A_468 {strides = array<i32>} : memref<125x128xf32, #tpu.memory_space<vmem>>, vector<16xf32>,
      %broadcast_in_dim3A_472 = arith.constant 0.000000e+00 : f32
      %broadcast_in_dim3A_473 = vector.broadcast %broadcast_in_dim3A_472 : f32 to vector<16xf32>
      %swap3A_474 = arith.index_cast %add3A_458 : i32 to index
      %swap3A_475 = arith.constant 48 : index
      %swap3A_476 = tpu.vector_load %arg8[%swap3A_474, %swap3A_475] {strides = array<i32>} : memref<125x128xf32, #tpu.memory_space<vmem>>, vector<16xf32>,
      tpu.vector_store %arg8[%swap3A_474, %swap3A_475], %broadcast_in_dim3A_473 {strides = array<i32>} : memref<125x128xf32, #tpu.memory_space<vmem>>, vector<16xf32>,
      %broadcast_in_dim3A_477 = arith.constant 0.000000e+00 : f32
      %broadcast_in_dim3A_478 = vector.broadcast %broadcast_in_dim3A_477 : f32 to vector<16xf32>
      %swap3A_479 = arith.index_cast %add3A_458 : i32 to index
      %swap3A_480 = arith.constant 64 : index
      %swap3A_481 = tpu.vector_load %arg8[%swap3A_479, %swap3A_480] {strides = array<i32>} : memref<125x128xf32, #tpu.memory_space<vmem>>, vector<16xf32>,
      tpu.vector_store %arg8[%swap3A_479, %swap3A_480], %broadcast_in_dim3A_478 {strides = array<i32>} : memref<125x128xf32, #tpu.memory_space<vmem>>, vector<16xf32>,
      %broadcast_in_dim3A_482 = arith.constant 0.000000e+00 : f32
      %broadcast_in_dim3A_483 = vector.broadcast %broadcast_in_dim3A_482 : f32 to vector<16xf32>
      %swap3A_484 = arith.index_cast %add3A_458 : i32 to index
      %swap3A_485 = arith.constant 80 : index
      %swap3A_486 = tpu.vector_load %arg8[%swap3A_484, %swap3A_485] {strides = array<i32>} : memref<125x128xf32, #tpu.memory_space<vmem>>, vector<16xf32>,
      tpu.vector_store %arg8[%swap3A_484, %swap3A_485], %broadcast_in_dim3A_483 {strides = array<i32>} : memref<125x128xf32, #tpu.memory_space<vmem>>, vector<16xf32>,
      %broadcast_in_dim3A_487 = arith.constant 0.000000e+00 : f32
      %broadcast_in_dim3A_488 = vector.broadcast %broadcast_in_dim3A_487 : f32 to vector<16xf32>
      %swap3A_489 = arith.index_cast %add3A_458 : i32 to index
      %swap3A_490 = arith.constant 96 : index
      %swap3A_491 = tpu.vector_load %arg8[%swap3A_489, %swap3A_490] {strides = array<i32>} : memref<125x128xf32, #tpu.memory_space<vmem>>, vector<16xf32>,
      tpu.vector_store %arg8[%swap3A_489, %swap3A_490], %broadcast_in_dim3A_488 {strides = array<i32>} : memref<125x128xf32, #tpu.memory_space<vmem>>, vector<16xf32>,
      %broadcast_in_dim3A_492 = arith.constant 0.000000e+00 : f32
      %broadcast_in_dim3A_493 = vector.broadcast %broadcast_in_dim3A_492 : f32 to vector<16xf32>
      %swap3A_494 = arith.index_cast %add3A_458 : i32 to index
      %swap3A_495 = arith.constant 112 : index
      %swap3A_496 = tpu.vector_load %arg8[%swap3A_494, %swap3A_495] {strides = array<i32>} : memref<125x128xf32, #tpu.memory_space<vmem>>, vector<16xf32>,
      tpu.vector_store %arg8[%swap3A_494, %swap3A_495], %broadcast_in_dim3A_493 {strides = array<i32>} : memref<125x128xf32, #tpu.memory_space<vmem>>, vector<16xf32>,
    }
    %scan3A_7 = arith.constant 125 : i32
    %mul3A_8 = arith.constant 625 : i32
    %mul3A_9 = arith.muli %arg1, %mul3A_8 : i32
    %add3A_10 = arith.constant 0 : i32
    %add3A_11 = arith.addi %mul3A_9, %add3A_10 : i32
    "tpu.region"() ({
      %run_scoped3A_454 = tpu.sem_alloc : memref<!tpu.dma_semaphore, #tpu.memory_space<semaphore_mem>>
      %dma_start3A_455 = arith.constant 0 : i32
      %dma_start3A_456 = tpu.memref_slice %arg10[%add3A_11, %dma_start3A_455] : memref<10000x128xf32, #tpu.memory_space<vmem_shared>> -> memref<125x128xf32, #tpu.memory_space<vmem_shared>>
      %dma_start3A_457 = arith.constant 0 : i32
      %dma_start3A_458 = tpu.memref_slice %arg10[%add3A_11, %dma_start3A_457] : memref<10000x128xf32, #tpu.memory_space<vmem_shared>> -> memref<125x128xf32, #tpu.memory_space<vmem_shared>>
      tpu.enqueue_dma source(%arg8 : memref<125x128xf32, #tpu.memory_space<vmem>>) target(%dma_start3A_458 : memref<125x128xf32, #tpu.memory_space<vmem_shared>>) target_semaphore(%run_scoped3A_454 : memref<!tpu.dma_semaphore, #tpu.memory_space<semaphore_mem>>)
      %dma_wait3A_459 = arith.constant 0 : i32
      %dma_wait3A_460 = tpu.memref_slice %arg10[%add3A_11, %dma_wait3A_459] : memref<10000x128xf32, #tpu.memory_space<vmem_shared>> -> memref<125x128xf32, #tpu.memory_space<vmem_shared>>
      %dma_wait3A_461 = arith.constant 0 : i32
      %dma_wait3A_462 = tpu.memref_slice %arg10[%add3A_11, %dma_wait3A_461] : memref<10000x128xf32, #tpu.memory_space<vmem_shared>> -> memref<125x128xf32, #tpu.memory_space<vmem_shared>>
      tpu.wait_dma2 semaphore(%run_scoped3A_454 : memref<!tpu.dma_semaphore, #tpu.memory_space<semaphore_mem>>) src(%arg8 : memref<125x128xf32, #tpu.memory_space<vmem>>) dst(%dma_wait3A_462 : memref<125x128xf32, #tpu.memory_space<vmem_shared>>)
      tpu.yield
    }) : () -> ()
    %mul3A_12 = arith.constant 625 : i32
    %mul3A_13 = arith.muli %arg1, %mul3A_12 : i32
    %add3A_14 = arith.constant 125 : i32
    %add3A_15 = arith.addi %mul3A_13, %add3A_14 : i32
    "tpu.region"() ({
      %run_scoped3A_454 = tpu.sem_alloc : memref<!tpu.dma_semaphore, #tpu.memory_space<semaphore_mem>>
      %dma_start3A_455 = arith.constant 0 : i32
      %dma_start3A_456 = tpu.memref_slice %arg10[%add3A_15, %dma_start3A_455] : memref<10000x128xf32, #tpu.memory_space<vmem_shared>> -> memref<125x128xf32, #tpu.memory_space<vmem_shared>>
      %dma_start3A_457 = arith.constant 0 : i32
      %dma_start3A_458 = tpu.memref_slice %arg10[%add3A_15, %dma_start3A_457] : memref<10000x128xf32, #tpu.memory_space<vmem_shared>> -> memref<125x128xf32, #tpu.memory_space<vmem_shared>>
      tpu.enqueue_dma source(%arg8 : memref<125x128xf32, #tpu.memory_space<vmem>>) target(%dma_start3A_458 : memref<125x128xf32, #tpu.memory_space<vmem_shared>>) target_semaphore(%run_scoped3A_454 : memref<!tpu.dma_semaphore, #tpu.memory_space<semaphore_mem>>)
      %dma_wait3A_459 = arith.constant 0 : i32
      %dma_wait3A_460 = tpu.memref_slice %arg10[%add3A_15, %dma_wait3A_459] : memref<10000x128xf32, #tpu.memory_space<vmem_shared>> -> memref<125x128xf32, #tpu.memory_space<vmem_shared>>
      %dma_wait3A_461 = arith.constant 0 : i32
      %dma_wait3A_462 = tpu.memref_slice %arg10[%add3A_15, %dma_wait3A_461] : memref<10000x128xf32, #tpu.memory_space<vmem_shared>> -> memref<125x128xf32, #tpu.memory_space<vmem_shared>>
      tpu.wait_dma2 semaphore(%run_scoped3A_454 : memref<!tpu.dma_semaphore, #tpu.memory_space<semaphore_mem>>) src(%arg8 : memref<125x128xf32, #tpu.memory_space<vmem>>) dst(%dma_wait3A_462 : memref<125x128xf32, #tpu.memory_space<vmem_shared>>)
      tpu.yield
    }) : () -> ()
    %mul3A_16 = arith.constant 625 : i32
    %mul3A_17 = arith.muli %arg1, %mul3A_16 : i32
    %add3A_18 = arith.constant 250 : i32
    %add3A_19 = arith.addi %mul3A_17, %add3A_18 : i32
    "tpu.region"() ({
      %run_scoped3A_454 = tpu.sem_alloc : memref<!tpu.dma_semaphore, #tpu.memory_space<semaphore_mem>>
      %dma_start3A_455 = arith.constant 0 : i32
      %dma_start3A_456 = tpu.memref_slice %arg10[%add3A_19, %dma_start3A_455] : memref<10000x128xf32, #tpu.memory_space<vmem_shared>> -> memref<125x128xf32, #tpu.memory_space<vmem_shared>>
      %dma_start3A_457 = arith.constant 0 : i32
      %dma_start3A_458 = tpu.memref_slice %arg10[%add3A_19, %dma_start3A_457] : memref<10000x128xf32, #tpu.memory_space<vmem_shared>> -> memref<125x128xf32, #tpu.memory_space<vmem_shared>>
      tpu.enqueue_dma source(%arg8 : memref<125x128xf32, #tpu.memory_space<vmem>>) target(%dma_start3A_458 : memref<125x128xf32, #tpu.memory_space<vmem_shared>>) target_semaphore(%run_scoped3A_454 : memref<!tpu.dma_semaphore, #tpu.memory_space<semaphore_mem>>)
      %dma_wait3A_459 = arith.constant 0 : i32
      %dma_wait3A_460 = tpu.memref_slice %arg10[%add3A_19, %dma_wait3A_459] : memref<10000x128xf32, #tpu.memory_space<vmem_shared>> -> memref<125x128xf32, #tpu.memory_space<vmem_shared>>
      %dma_wait3A_461 = arith.constant 0 : i32
      %dma_wait3A_462 = tpu.memref_slice %arg10[%add3A_19, %dma_wait3A_461] : memref<10000x128xf32, #tpu.memory_space<vmem_shared>> -> memref<125x128xf32, #tpu.memory_space<vmem_shared>>
      tpu.wait_dma2 semaphore(%run_scoped3A_454 : memref<!tpu.dma_semaphore, #tpu.memory_space<semaphore_mem>>) src(%arg8 : memref<125x128xf32, #tpu.memory_space<vmem>>) dst(%dma_wait3A_462 : memref<125x128xf32, #tpu.memory_space<vmem_shared>>)
      tpu.yield
    }) : () -> ()
    %mul3A_20 = arith.constant 625 : i32
    %mul3A_21 = arith.muli %arg1, %mul3A_20 : i32
    %add3A_22 = arith.constant 375 : i32
    %add3A_23 = arith.addi %mul3A_21, %add3A_22 : i32
    "tpu.region"() ({
      %run_scoped3A_454 = tpu.sem_alloc : memref<!tpu.dma_semaphore, #tpu.memory_space<semaphore_mem>>
      %dma_start3A_455 = arith.constant 0 : i32
      %dma_start3A_456 = tpu.memref_slice %arg10[%add3A_23, %dma_start3A_455] : memref<10000x128xf32, #tpu.memory_space<vmem_shared>> -> memref<125x128xf32, #tpu.memory_space<vmem_shared>>
      %dma_start3A_457 = arith.constant 0 : i32
      %dma_start3A_458 = tpu.memref_slice %arg10[%add3A_23, %dma_start3A_457] : memref<10000x128xf32, #tpu.memory_space<vmem_shared>> -> memref<125x128xf32, #tpu.memory_space<vmem_shared>>
      tpu.enqueue_dma source(%arg8 : memref<125x128xf32, #tpu.memory_space<vmem>>) target(%dma_start3A_458 : memref<125x128xf32, #tpu.memory_space<vmem_shared>>) target_semaphore(%run_scoped3A_454 : memref<!tpu.dma_semaphore, #tpu.memory_space<semaphore_mem>>)
      %dma_wait3A_459 = arith.constant 0 : i32
      %dma_wait3A_460 = tpu.memref_slice %arg10[%add3A_23, %dma_wait3A_459] : memref<10000x128xf32, #tpu.memory_space<vmem_shared>> -> memref<125x128xf32, #tpu.memory_space<vmem_shared>>
      %dma_wait3A_461 = arith.constant 0 : i32
      %dma_wait3A_462 = tpu.memref_slice %arg10[%add3A_23, %dma_wait3A_461] : memref<10000x128xf32, #tpu.memory_space<vmem_shared>> -> memref<125x128xf32, #tpu.memory_space<vmem_shared>>
      tpu.wait_dma2 semaphore(%run_scoped3A_454 : memref<!tpu.dma_semaphore, #tpu.memory_space<semaphore_mem>>) src(%arg8 : memref<125x128xf32, #tpu.memory_space<vmem>>) dst(%dma_wait3A_462 : memref<125x128xf32, #tpu.memory_space<vmem_shared>>)
      tpu.yield
    }) : () -> ()
    %mul3A_24 = arith.constant 625 : i32
    %mul3A_25 = arith.muli %arg1, %mul3A_24 : i32
    %add3A_26 = arith.constant 500 : i32
    %add3A_27 = arith.addi %mul3A_25, %add3A_26 : i32
    "tpu.region"() ({
      %run_scoped3A_454 = tpu.sem_alloc : memref<!tpu.dma_semaphore, #tpu.memory_space<semaphore_mem>>
      %dma_start3A_455 = arith.constant 0 : i32
      %dma_start3A_456 = tpu.memref_slice %arg10[%add3A_27, %dma_start3A_455] : memref<10000x128xf32, #tpu.memory_space<vmem_shared>> -> memref<125x128xf32, #tpu.memory_space<vmem_shared>>
      %dma_start3A_457 = arith.constant 0 : i32
      %dma_start3A_458 = tpu.memref_slice %arg10[%add3A_27, %dma_start3A_457] : memref<10000x128xf32, #tpu.memory_space<vmem_shared>> -> memref<125x128xf32, #tpu.memory_space<vmem_shared>>
      tpu.enqueue_dma source(%arg8 : memref<125x128xf32, #tpu.memory_space<vmem>>) target(%dma_start3A_458 : memref<125x128xf32, #tpu.memory_space<vmem_shared>>) target_semaphore(%run_scoped3A_454 : memref<!tpu.dma_semaphore, #tpu.memory_space<semaphore_mem>>)
      %dma_wait3A_459 = arith.constant 0 : i32
      %dma_wait3A_460 = tpu.memref_slice %arg10[%add3A_27, %dma_wait3A_459] : memref<10000x128xf32, #tpu.memory_space<vmem_shared>> -> memref<125x128xf32, #tpu.memory_space<vmem_shared>>
      %dma_wait3A_461 = arith.constant 0 : i32
      %dma_wait3A_462 = tpu.memref_slice %arg10[%add3A_27, %dma_wait3A_461] : memref<10000x128xf32, #tpu.memory_space<vmem_shared>> -> memref<125x128xf32, #tpu.memory_space<vmem_shared>>
      tpu.wait_dma2 semaphore(%run_scoped3A_454 : memref<!tpu.dma_semaphore, #tpu.memory_space<semaphore_mem>>) src(%arg8 : memref<125x128xf32, #tpu.memory_space<vmem>>) dst(%dma_wait3A_462 : memref<125x128xf32, #tpu.memory_space<vmem_shared>>)
      tpu.yield
    }) : () -> ()
    %barrier3A = arith.constant 0 : index
    tpu.barrier barrier_id(%barrier3A)
    %dma_start3A = arith.constant 0 : i32
    %dma_start3A_28 = arith.constant 0 : i32
    %dma_start3A_29 = arith.constant 0 : i32
    %dma_start3A_30 = tpu.memref_slice %arg6[%dma_start3A, %dma_start3A_28, %dma_start3A_29] : memref<2x16x125xi32, #tpu.memory_space<vmem>> -> memref<1x1x125xi32, #tpu.memory_space<vmem>>
    %dma_start3A_31 = tpu.memref_squeeze %dma_start3A_30 : memref<1x1x125xi32, #tpu.memory_space<vmem>> -> memref<125xi32, #tpu.memory_space<vmem>>
    %dma_start3A_32 = arith.constant 0 : i32
    %dma_start3A_33 = arith.constant 0 : i32
    %dma_start3A_34 = tpu.memref_slice %arg4[%dma_start3A_32, %dma_start3A_33] : memref<10000x128xf32, #tpu.memory_space<hbm>> -> memref<10000x128xf32, #tpu.memory_space<hbm>>
    tpu.enqueue_indirect_dma source(%dma_start3A_34 : memref<10000x128xf32, #tpu.memory_space<hbm>>) target(%arg8 : memref<125x128xf32, #tpu.memory_space<vmem>>) offsets(%dma_start3A_31 : memref<125xi32, #tpu.memory_space<vmem>>) semaphore(%arg11 : memref<!tpu.dma_semaphore, #tpu.memory_space<semaphore_mem>>)
    %add3A_35 = arith.constant 16 : i32
    %add3A_36 = arith.addi %mul3A_2, %add3A_35 : i32
    %dma_start3A_37 = arith.constant 1 : i32
    %dma_start3A_38 = arith.constant 0 : i32
    %dma_start3A_39 = arith.constant 0 : i32
    %dma_start3A_40 = tpu.memref_slice %arg6[%dma_start3A_37, %dma_start3A_38, %dma_start3A_39] : memref<2x16x125xi32, #tpu.memory_space<vmem>> -> memref<1x16x125xi32, #tpu.memory_space<vmem>>
    %dma_start3A_41 = tpu.memref_squeeze %dma_start3A_40 : memref<1x16x125xi32, #tpu.memory_space<vmem>> -> memref<16x125xi32, #tpu.memory_space<vmem>>
    %dma_start3A_42 = arith.constant 0 : i32
    %dma_start3A_43 = tpu.memref_slice %arg2[%add3A_36, %dma_start3A_42] : memref<2560x125xi32, #tpu.memory_space<hbm>> -> memref<16x125xi32, #tpu.memory_space<hbm>>
    %dma_start3A_44 = arith.constant 0 : i32
    %dma_start3A_45 = arith.constant 0 : i32
    %dma_start3A_46 = tpu.memref_slice %arg6[%dma_start3A_37, %dma_start3A_44, %dma_start3A_45] : memref<2x16x125xi32, #tpu.memory_space<vmem>> -> memref<1x16x125xi32, #tpu.memory_space<vmem>>
    %dma_start3A_47 = tpu.memref_squeeze %dma_start3A_46 : memref<1x16x125xi32, #tpu.memory_space<vmem>> -> memref<16x125xi32, #tpu.memory_space<vmem>>
    %dma_start3A_48 = arith.constant 0 : i32
    %dma_start3A_49 = tpu.memref_slice %arg2[%add3A_36, %dma_start3A_48] : memref<2560x125xi32, #tpu.memory_space<hbm>> -> memref<16x125xi32, #tpu.memory_space<hbm>>
    tpu.enqueue_dma source(%dma_start3A_49 : memref<16x125xi32, #tpu.memory_space<hbm>>) target(%dma_start3A_47 : memref<16x125xi32, #tpu.memory_space<vmem>>) target_semaphore(%arg13 : memref<!tpu.dma_semaphore, #tpu.memory_space<semaphore_mem>>)
    %dma_start3A_50 = arith.constant 1 : i32
    %dma_start3A_51 = arith.constant 0 : i32
    %dma_start3A_52 = arith.constant 0 : i32
    %dma_start3A_53 = tpu.memref_slice %arg7[%dma_start3A_50, %dma_start3A_51, %dma_start3A_52] : memref<2x16x125xi32, #tpu.memory_space<vmem>> -> memref<1x16x125xi32, #tpu.memory_space<vmem>>
    %dma_start3A_54 = tpu.memref_squeeze %dma_start3A_53 : memref<1x16x125xi32, #tpu.memory_space<vmem>> -> memref<16x125xi32, #tpu.memory_space<vmem>>
    %dma_start3A_55 = arith.constant 0 : i32
    %dma_start3A_56 = tpu.memref_slice %arg3[%add3A_36, %dma_start3A_55] : memref<2560x125xi32, #tpu.memory_space<hbm>> -> memref<16x125xi32, #tpu.memory_space<hbm>>
    %dma_start3A_57 = arith.constant 0 : i32
    %dma_start3A_58 = arith.constant 0 : i32
    %dma_start3A_59 = tpu.memref_slice %arg7[%dma_start3A_50, %dma_start3A_57, %dma_start3A_58] : memref<2x16x125xi32, #tpu.memory_space<vmem>> -> memref<1x16x125xi32, #tpu.memory_space<vmem>>
    %dma_start3A_60 = tpu.memref_squeeze %dma_start3A_59 : memref<1x16x125xi32, #tpu.memory_space<vmem>> -> memref<16x125xi32, #tpu.memory_space<vmem>>
    %dma_start3A_61 = arith.constant 0 : i32
    %dma_start3A_62 = tpu.memref_slice %arg3[%add3A_36, %dma_start3A_61] : memref<2560x125xi32, #tpu.memory_space<hbm>> -> memref<16x125xi32, #tpu.memory_space<hbm>>
    tpu.enqueue_dma source(%dma_start3A_62 : memref<16x125xi32, #tpu.memory_space<hbm>>) target(%dma_start3A_60 : memref<16x125xi32, #tpu.memory_space<vmem>>) target_semaphore(%arg14 : memref<!tpu.dma_semaphore, #tpu.memory_space<semaphore_mem>>)
    %scan3A_63 = arith.constant 0 : i32
    %scan3A_64 = arith.constant 7 : i32
    %scan3A_65 = arith.addi %scan3A_63, %scan3A_64 : i32
    %scan3A_66 = arith.constant 1 : i32
    scf.for %scan3A_454 = %scan3A_63 to %scan3A_65 step %scan3A_66  : i32 {
      %mul3A_455 = arith.constant 2 : i32
      %mul3A_456 = arith.muli %scan3A_454, %mul3A_455 : i32
      %add3A_457 = arith.constant 0 : i32
      %add3A_458 = arith.addi %add3A_457, %mul3A_456 : i32
      %add3A_459 = arith.constant 1 : i32
      %add3A_460 = arith.addi %add3A_458, %add3A_459 : i32
      %dma_start3A_461 = arith.constant 0 : i32
      %dma_start3A_462 = arith.constant 0 : i32
      %dma_start3A_463 = tpu.memref_slice %arg6[%dma_start3A_461, %add3A_460, %dma_start3A_462] : memref<2x16x125xi32, #tpu.memory_space<vmem>> -> memref<1x1x125xi32, #tpu.memory_space<vmem>>
      %dma_start3A_464 = tpu.memref_squeeze %dma_start3A_463 : memref<1x1x125xi32, #tpu.memory_space<vmem>> -> memref<125xi32, #tpu.memory_space<vmem>>
      %dma_start3A_465 = arith.constant 0 : i32
      %dma_start3A_466 = arith.constant 0 : i32
      %dma_start3A_467 = tpu.memref_slice %arg4[%dma_start3A_465, %dma_start3A_466] : memref<10000x128xf32, #tpu.memory_space<hbm>> -> memref<10000x128xf32, #tpu.memory_space<hbm>>
      tpu.enqueue_indirect_dma source(%dma_start3A_467 : memref<10000x128xf32, #tpu.memory_space<hbm>>) target(%arg9 : memref<125x128xf32, #tpu.memory_space<vmem>>) offsets(%dma_start3A_464 : memref<125xi32, #tpu.memory_space<vmem>>) semaphore(%arg12 : memref<!tpu.dma_semaphore, #tpu.memory_space<semaphore_mem>>)
      %dma_wait3A_468 = arith.constant 0 : i32
      %dma_wait3A_469 = arith.constant 0 : i32
      %dma_wait3A_470 = tpu.memref_slice %arg6[%dma_wait3A_468, %add3A_458, %dma_wait3A_469] : memref<2x16x125xi32, #tpu.memory_space<vmem>> -> memref<1x1x125xi32, #tpu.memory_space<vmem>>
      %dma_wait3A_471 = tpu.memref_squeeze %dma_wait3A_470 : memref<1x1x125xi32, #tpu.memory_space<vmem>> -> memref<125xi32, #tpu.memory_space<vmem>>
      %dma_wait3A_472 = arith.constant 0 : i32
      %dma_wait3A_473 = arith.constant 0 : i32
      %dma_wait3A_474 = tpu.memref_slice %arg4[%dma_wait3A_472, %dma_wait3A_473] : memref<10000x128xf32, #tpu.memory_space<hbm>> -> memref<10000x128xf32, #tpu.memory_space<hbm>>
      tpu.wait_indirect_dma semaphore(%arg11 : memref<!tpu.dma_semaphore, #tpu.memory_space<semaphore_mem>>) src(%dma_wait3A_474 : memref<10000x128xf32, #tpu.memory_space<hbm>>) dst(%arg8 : memref<125x128xf32, #tpu.memory_space<vmem>>)
      %run_scoped3A_475 = arith.constant 0 : i32
      "tpu.region"() ({
        %run_scoped3A_497 = tpu.sem_alloc : memref<!tpu.dma_semaphore, #tpu.memory_space<semaphore_mem>>
        %dma_start3A_498 = arith.constant 0 : i32
        %dma_start3A_499 = tpu.memref_slice %arg7[%run_scoped3A_475, %add3A_458, %dma_start3A_498] : memref<2x16x125xi32, #tpu.memory_space<vmem>> -> memref<1x1x125xi32, #tpu.memory_space<vmem>>
        %dma_start3A_500 = tpu.memref_squeeze %dma_start3A_499 : memref<1x1x125xi32, #tpu.memory_space<vmem>> -> memref<125xi32, #tpu.memory_space<vmem>>
        %dma_start3A_501 = arith.constant 0 : i32
        %dma_start3A_502 = arith.constant 0 : i32
        %dma_start3A_503 = tpu.memref_slice %arg10[%dma_start3A_501, %dma_start3A_502] : memref<10000x128xf32, #tpu.memory_space<vmem_shared>> -> memref<10000x128xf32, #tpu.memory_space<vmem_shared>>
        tpu.enqueue_indirect_dma source(%arg8 : memref<125x128xf32, #tpu.memory_space<vmem>>) target(%dma_start3A_503 : memref<10000x128xf32, #tpu.memory_space<vmem_shared>>) offsets(%dma_start3A_500 : memref<125xi32, #tpu.memory_space<vmem>>) semaphore(%run_scoped3A_497 : memref<!tpu.dma_semaphore, #tpu.memory_space<semaphore_mem>>) {add = true}
        %dma_wait3A_504 = arith.constant 0 : i32
        %dma_wait3A_505 = tpu.memref_slice %arg7[%run_scoped3A_475, %add3A_458, %dma_wait3A_504] : memref<2x16x125xi32, #tpu.memory_space<vmem>> -> memref<1x1x125xi32, #tpu.memory_space<vmem>>
        %dma_wait3A_506 = tpu.memref_squeeze %dma_wait3A_505 : memref<1x1x125xi32, #tpu.memory_space<vmem>> -> memref<125xi32, #tpu.memory_space<vmem>>
        %dma_wait3A_507 = arith.constant 0 : i32
        %dma_wait3A_508 = arith.constant 0 : i32
        %dma_wait3A_509 = tpu.memref_slice %arg10[%dma_wait3A_507, %dma_wait3A_508] : memref<10000x128xf32, #tpu.memory_space<vmem_shared>> -> memref<10000x128xf32, #tpu.memory_space<vmem_shared>>
        tpu.wait_indirect_dma semaphore(%run_scoped3A_497 : memref<!tpu.dma_semaphore, #tpu.memory_space<semaphore_mem>>) src(%arg8 : memref<125x128xf32, #tpu.memory_space<vmem>>) dst(%dma_wait3A_509 : memref<10000x128xf32, #tpu.memory_space<vmem_shared>>)
        tpu.yield
      }) : () -> ()
      %add3A_476 = arith.constant 2 : i32
      %add3A_477 = arith.addi %add3A_458, %add3A_476 : i32
      %dma_start3A_478 = arith.constant 0 : i32
      %dma_start3A_479 = arith.constant 0 : i32
      %dma_start3A_480 = tpu.memref_slice %arg6[%dma_start3A_478, %add3A_477, %dma_start3A_479] : memref<2x16x125xi32, #tpu.memory_space<vmem>> -> memref<1x1x125xi32, #tpu.memory_space<vmem>>
      %dma_start3A_481 = tpu.memref_squeeze %dma_start3A_480 : memref<1x1x125xi32, #tpu.memory_space<vmem>> -> memref<125xi32, #tpu.memory_space<vmem>>
      %dma_start3A_482 = arith.constant 0 : i32
      %dma_start3A_483 = arith.constant 0 : i32
      %dma_start3A_484 = tpu.memref_slice %arg4[%dma_start3A_482, %dma_start3A_483] : memref<10000x128xf32, #tpu.memory_space<hbm>> -> memref<10000x128xf32, #tpu.memory_space<hbm>>
      tpu.enqueue_indirect_dma source(%dma_start3A_484 : memref<10000x128xf32, #tpu.memory_space<hbm>>) target(%arg8 : memref<125x128xf32, #tpu.memory_space<vmem>>) offsets(%dma_start3A_481 : memref<125xi32, #tpu.memory_space<vmem>>) semaphore(%arg11 : memref<!tpu.dma_semaphore, #tpu.memory_space<semaphore_mem>>)
      %add3A_485 = arith.constant 1 : i32
      %add3A_486 = arith.addi %add3A_458, %add3A_485 : i32
      %dma_wait3A_487 = arith.constant 0 : i32
      %dma_wait3A_488 = arith.constant 0 : i32
      %dma_wait3A_489 = tpu.memref_slice %arg6[%dma_wait3A_487, %add3A_486, %dma_wait3A_488] : memref<2x16x125xi32, #tpu.memory_space<vmem>> -> memref<1x1x125xi32, #tpu.memory_space<vmem>>
      %dma_wait3A_490 = tpu.memref_squeeze %dma_wait3A_489 : memref<1x1x125xi32, #tpu.memory_space<vmem>> -> memref<125xi32, #tpu.memory_space<vmem>>
      %dma_wait3A_491 = arith.constant 0 : i32
      %dma_wait3A_492 = arith.constant 0 : i32
      %dma_wait3A_493 = tpu.memref_slice %arg4[%dma_wait3A_491, %dma_wait3A_492] : memref<10000x128xf32, #tpu.memory_space<hbm>> -> memref<10000x128xf32, #tpu.memory_space<hbm>>
      tpu.wait_indirect_dma semaphore(%arg12 : memref<!tpu.dma_semaphore, #tpu.memory_space<semaphore_mem>>) src(%dma_wait3A_493 : memref<10000x128xf32, #tpu.memory_space<hbm>>) dst(%arg9 : memref<125x128xf32, #tpu.memory_space<vmem>>)
      %add3A_494 = arith.constant 1 : i32
      %add3A_495 = arith.addi %add3A_458, %add3A_494 : i32
      %run_scoped3A_496 = arith.constant 0 : i32
      "tpu.region"() ({
        %run_scoped3A_497 = tpu.sem_alloc : memref<!tpu.dma_semaphore, #tpu.memory_space<semaphore_mem>>
        %dma_start3A_498 = arith.constant 0 : i32
        %dma_start3A_499 = tpu.memref_slice %arg7[%run_scoped3A_496, %add3A_495, %dma_start3A_498] : memref<2x16x125xi32, #tpu.memory_space<vmem>> -> memref<1x1x125xi32, #tpu.memory_space<vmem>>
        %dma_start3A_500 = tpu.memref_squeeze %dma_start3A_499 : memref<1x1x125xi32, #tpu.memory_space<vmem>> -> memref<125xi32, #tpu.memory_space<vmem>>
        %dma_start3A_501 = arith.constant 0 : i32
        %dma_start3A_502 = arith.constant 0 : i32
        %dma_start3A_503 = tpu.memref_slice %arg10[%dma_start3A_501, %dma_start3A_502] : memref<10000x128xf32, #tpu.memory_space<vmem_shared>> -> memref<10000x128xf32, #tpu.memory_space<vmem_shared>>
        tpu.enqueue_indirect_dma source(%arg9 : memref<125x128xf32, #tpu.memory_space<vmem>>) target(%dma_start3A_503 : memref<10000x128xf32, #tpu.memory_space<vmem_shared>>) offsets(%dma_start3A_500 : memref<125xi32, #tpu.memory_space<vmem>>) semaphore(%run_scoped3A_497 : memref<!tpu.dma_semaphore, #tpu.memory_space<semaphore_mem>>) {add = true}
        %dma_wait3A_504 = arith.constant 0 : i32
        %dma_wait3A_505 = tpu.memref_slice %arg7[%run_scoped3A_496, %add3A_495, %dma_wait3A_504] : memref<2x16x125xi32, #tpu.memory_space<vmem>> -> memref<1x1x125xi32, #tpu.memory_space<vmem>>
        %dma_wait3A_506 = tpu.memref_squeeze %dma_wait3A_505 : memref<1x1x125xi32, #tpu.memory_space<vmem>> -> memref<125xi32, #tpu.memory_space<vmem>>
        %dma_wait3A_507 = arith.constant 0 : i32
        %dma_wait3A_508 = arith.constant 0 : i32
        %dma_wait3A_509 = tpu.memref_slice %arg10[%dma_wait3A_507, %dma_wait3A_508] : memref<10000x128xf32, #tpu.memory_space<vmem_shared>> -> memref<10000x128xf32, #tpu.memory_space<vmem_shared>>
        tpu.wait_indirect_dma semaphore(%run_scoped3A_497 : memref<!tpu.dma_semaphore, #tpu.memory_space<semaphore_mem>>) src(%arg9 : memref<125x128xf32, #tpu.memory_space<vmem>>) dst(%dma_wait3A_509 : memref<10000x128xf32, #tpu.memory_space<vmem_shared>>)
        tpu.yield
      }) : () -> ()
    }
    %scan3A_67 = arith.constant 7 : i32
    %dma_start3A_68 = arith.constant 0 : i32
    %dma_start3A_69 = arith.constant 15 : i32
    %dma_start3A_70 = arith.constant 0 : i32
    %dma_start3A_71 = tpu.memref_slice %arg6[%dma_start3A_68, %dma_start3A_69, %dma_start3A_70] : memref<2x16x125xi32, #tpu.memory_space<vmem>> -> memref<1x1x125xi32, #tpu.memory_space<vmem>>
    %dma_start3A_72 = tpu.memref_squeeze %dma_start3A_71 : memref<1x1x125xi32, #tpu.memory_space<vmem>> -> memref<125xi32, #tpu.memory_space<vmem>>
    %dma_start3A_73 = arith.constant 0 : i32
    %dma_start3A_74 = arith.constant 0 : i32
    %dma_start3A_75 = tpu.memref_slice %arg4[%dma_start3A_73, %dma_start3A_74] : memref<10000x128xf32, #tpu.memory_space<hbm>> -> memref<10000x128xf32, #tpu.memory_space<hbm>>
    tpu.enqueue_indirect_dma source(%dma_start3A_75 : memref<10000x128xf32, #tpu.memory_space<hbm>>) target(%arg9 : memref<125x128xf32, #tpu.memory_space<vmem>>) offsets(%dma_start3A_72 : memref<125xi32, #tpu.memory_space<vmem>>) semaphore(%arg12 : memref<!tpu.dma_semaphore, #tpu.memory_space<semaphore_mem>>)
    %dma_wait3A = arith.constant 0 : i32
    %dma_wait3A_76 = arith.constant 14 : i32
    %dma_wait3A_77 = arith.constant 0 : i32
    %dma_wait3A_78 = tpu.memref_slice %arg6[%dma_wait3A, %dma_wait3A_76, %dma_wait3A_77] : memref<2x16x125xi32, #tpu.memory_space<vmem>> -> memref<1x1x125xi32, #tpu.memory_space<vmem>>
    %dma_wait3A_79 = tpu.memref_squeeze %dma_wait3A_78 : memref<1x1x125xi32, #tpu.memory_space<vmem>> -> memref<125xi32, #tpu.memory_space<vmem>>
    %dma_wait3A_80 = arith.constant 0 : i32
    %dma_wait3A_81 = arith.constant 0 : i32
    %dma_wait3A_82 = tpu.memref_slice %arg4[%dma_wait3A_80, %dma_wait3A_81] : memref<10000x128xf32, #tpu.memory_space<hbm>> -> memref<10000x128xf32, #tpu.memory_space<hbm>>
    tpu.wait_indirect_dma semaphore(%arg11 : memref<!tpu.dma_semaphore, #tpu.memory_space<semaphore_mem>>) src(%dma_wait3A_82 : memref<10000x128xf32, #tpu.memory_space<hbm>>) dst(%arg8 : memref<125x128xf32, #tpu.memory_space<vmem>>)
    %run_scoped3A_83 = arith.constant 0 : i32
    %run_scoped3A_84 = arith.constant 14 : i32
    "tpu.region"() ({
      %run_scoped3A_454 = tpu.sem_alloc : memref<!tpu.dma_semaphore, #tpu.memory_space<semaphore_mem>>
      %dma_start3A_455 = arith.constant 0 : i32
      %dma_start3A_456 = tpu.memref_slice %arg7[%run_scoped3A_83, %run_scoped3A_84, %dma_start3A_455] : memref<2x16x125xi32, #tpu.memory_space<vmem>> -> memref<1x1x125xi32, #tpu.memory_space<vmem>>
      %dma_start3A_457 = tpu.memref_squeeze %dma_start3A_456 : memref<1x1x125xi32, #tpu.memory_space<vmem>> -> memref<125xi32, #tpu.memory_space<vmem>>
      %dma_start3A_458 = arith.constant 0 : i32
      %dma_start3A_459 = arith.constant 0 : i32
      %dma_start3A_460 = tpu.memref_slice %arg10[%dma_start3A_458, %dma_start3A_459] : memref<10000x128xf32, #tpu.memory_space<vmem_shared>> -> memref<10000x128xf32, #tpu.memory_space<vmem_shared>>
      tpu.enqueue_indirect_dma source(%arg8 : memref<125x128xf32, #tpu.memory_space<vmem>>) target(%dma_start3A_460 : memref<10000x128xf32, #tpu.memory_space<vmem_shared>>) offsets(%dma_start3A_457 : memref<125xi32, #tpu.memory_space<vmem>>) semaphore(%run_scoped3A_454 : memref<!tpu.dma_semaphore, #tpu.memory_space<semaphore_mem>>) {add = true}
      %dma_wait3A_461 = arith.constant 0 : i32
      %dma_wait3A_462 = tpu.memref_slice %arg7[%run_scoped3A_83, %run_scoped3A_84, %dma_wait3A_461] : memref<2x16x125xi32, #tpu.memory_space<vmem>> -> memref<1x1x125xi32, #tpu.memory_space<vmem>>
      %dma_wait3A_463 = tpu.memref_squeeze %dma_wait3A_462 : memref<1x1x125xi32, #tpu.memory_space<vmem>> -> memref<125xi32, #tpu.memory_space<vmem>>
      %dma_wait3A_464 = arith.constant 0 : i32
      %dma_wait3A_465 = arith.constant 0 : i32
      %dma_wait3A_466 = tpu.memref_slice %arg10[%dma_wait3A_464, %dma_wait3A_465] : memref<10000x128xf32, #tpu.memory_space<vmem_shared>> -> memref<10000x128xf32, #tpu.memory_space<vmem_shared>>
      tpu.wait_indirect_dma semaphore(%run_scoped3A_454 : memref<!tpu.dma_semaphore, #tpu.memory_space<semaphore_mem>>) src(%arg8 : memref<125x128xf32, #tpu.memory_space<vmem>>) dst(%dma_wait3A_466 : memref<10000x128xf32, #tpu.memory_space<vmem_shared>>)
      tpu.yield
    }) : () -> ()
    %dma_wait3A_85 = arith.constant 1 : i32
    %dma_wait3A_86 = arith.constant 0 : i32
    %dma_wait3A_87 = arith.constant 0 : i32
    %dma_wait3A_88 = tpu.memref_slice %arg6[%dma_wait3A_85, %dma_wait3A_86, %dma_wait3A_87] : memref<2x16x125xi32, #tpu.memory_space<vmem>> -> memref<1x16x125xi32, #tpu.memory_space<vmem>>
    %dma_wait3A_89 = tpu.memref_squeeze %dma_wait3A_88 : memref<1x16x125xi32, #tpu.memory_space<vmem>> -> memref<16x125xi32, #tpu.memory_space<vmem>>
    %dma_wait3A_90 = arith.constant 0 : i32
    %dma_wait3A_91 = tpu.memref_slice %arg2[%add3A_36, %dma_wait3A_90] : memref<2560x125xi32, #tpu.memory_space<hbm>> -> memref<16x125xi32, #tpu.memory_space<hbm>>
    %dma_wait3A_92 = arith.constant 0 : i32
    %dma_wait3A_93 = arith.constant 0 : i32
    %dma_wait3A_94 = tpu.memref_slice %arg6[%dma_wait3A_85, %dma_wait3A_92, %dma_wait3A_93] : memref<2x16x125xi32, #tpu.memory_space<vmem>> -> memref<1x16x125xi32, #tpu.memory_space<vmem>>
    %dma_wait3A_95 = tpu.memref_squeeze %dma_wait3A_94 : memref<1x16x125xi32, #tpu.memory_space<vmem>> -> memref<16x125xi32, #tpu.memory_space<vmem>>
    %dma_wait3A_96 = arith.constant 0 : i32
    %dma_wait3A_97 = tpu.memref_slice %arg2[%add3A_36, %dma_wait3A_96] : memref<2560x125xi32, #tpu.memory_space<hbm>> -> memref<16x125xi32, #tpu.memory_space<hbm>>
    tpu.wait_dma2 semaphore(%arg13 : memref<!tpu.dma_semaphore, #tpu.memory_space<semaphore_mem>>) src(%dma_wait3A_97 : memref<16x125xi32, #tpu.memory_space<hbm>>) dst(%dma_wait3A_95 : memref<16x125xi32, #tpu.memory_space<vmem>>)
    %dma_wait3A_98 = arith.constant 1 : i32
    %dma_wait3A_99 = arith.constant 0 : i32
    %dma_wait3A_100 = arith.constant 0 : i32
    %dma_wait3A_101 = tpu.memref_slice %arg7[%dma_wait3A_98, %dma_wait3A_99, %dma_wait3A_100] : memref<2x16x125xi32, #tpu.memory_space<vmem>> -> memref<1x16x125xi32, #tpu.memory_space<vmem>>
    %dma_wait3A_102 = tpu.memref_squeeze %dma_wait3A_101 : memref<1x16x125xi32, #tpu.memory_space<vmem>> -> memref<16x125xi32, #tpu.memory_space<vmem>>
    %dma_wait3A_103 = arith.constant 0 : i32
    %dma_wait3A_104 = tpu.memref_slice %arg3[%add3A_36, %dma_wait3A_103] : memref<2560x125xi32, #tpu.memory_space<hbm>> -> memref<16x125xi32, #tpu.memory_space<hbm>>
    %dma_wait3A_105 = arith.constant 0 : i32
    %dma_wait3A_106 = arith.constant 0 : i32
    %dma_wait3A_107 = tpu.memref_slice %arg7[%dma_wait3A_98, %dma_wait3A_105, %dma_wait3A_106] : memref<2x16x125xi32, #tpu.memory_space<vmem>> -> memref<1x16x125xi32, #tpu.memory_space<vmem>>
    %dma_wait3A_108 = tpu.memref_squeeze %dma_wait3A_107 : memref<1x16x125xi32, #tpu.memory_space<vmem>> -> memref<16x125xi32, #tpu.memory_space<vmem>>
    %dma_wait3A_109 = arith.constant 0 : i32
    %dma_wait3A_110 = tpu.memref_slice %arg3[%add3A_36, %dma_wait3A_109] : memref<2560x125xi32, #tpu.memory_space<hbm>> -> memref<16x125xi32, #tpu.memory_space<hbm>>
    tpu.wait_dma2 semaphore(%arg14 : memref<!tpu.dma_semaphore, #tpu.memory_space<semaphore_mem>>) src(%dma_wait3A_110 : memref<16x125xi32, #tpu.memory_space<hbm>>) dst(%dma_wait3A_108 : memref<16x125xi32, #tpu.memory_space<vmem>>)
    %dma_start3A_111 = arith.constant 1 : i32
    %dma_start3A_112 = arith.constant 0 : i32
    %dma_start3A_113 = arith.constant 0 : i32
    %dma_start3A_114 = tpu.memref_slice %arg6[%dma_start3A_111, %dma_start3A_112, %dma_start3A_113] : memref<2x16x125xi32, #tpu.memory_space<vmem>> -> memref<1x1x125xi32, #tpu.memory_space<vmem>>
    %dma_start3A_115 = tpu.memref_squeeze %dma_start3A_114 : memref<1x1x125xi32, #tpu.memory_space<vmem>> -> memref<125xi32, #tpu.memory_space<vmem>>
    %dma_start3A_116 = arith.constant 0 : i32
    %dma_start3A_117 = arith.constant 0 : i32
    %dma_start3A_118 = tpu.memref_slice %arg4[%dma_start3A_116, %dma_start3A_117] : memref<10000x128xf32, #tpu.memory_space<hbm>> -> memref<10000x128xf32, #tpu.memory_space<hbm>>
    tpu.enqueue_indirect_dma source(%dma_start3A_118 : memref<10000x128xf32, #tpu.memory_space<hbm>>) target(%arg8 : memref<125x128xf32, #tpu.memory_space<vmem>>) offsets(%dma_start3A_115 : memref<125xi32, #tpu.memory_space<vmem>>) semaphore(%arg11 : memref<!tpu.dma_semaphore, #tpu.memory_space<semaphore_mem>>)
    %dma_wait3A_119 = arith.constant 0 : i32
    %dma_wait3A_120 = arith.constant 15 : i32
    %dma_wait3A_121 = arith.constant 0 : i32
    %dma_wait3A_122 = tpu.memref_slice %arg6[%dma_wait3A_119, %dma_wait3A_120, %dma_wait3A_121] : memref<2x16x125xi32, #tpu.memory_space<vmem>> -> memref<1x1x125xi32, #tpu.memory_space<vmem>>
    %dma_wait3A_123 = tpu.memref_squeeze %dma_wait3A_122 : memref<1x1x125xi32, #tpu.memory_space<vmem>> -> memref<125xi32, #tpu.memory_space<vmem>>
    %dma_wait3A_124 = arith.constant 0 : i32
    %dma_wait3A_125 = arith.constant 0 : i32
    %dma_wait3A_126 = tpu.memref_slice %arg4[%dma_wait3A_124, %dma_wait3A_125] : memref<10000x128xf32, #tpu.memory_space<hbm>> -> memref<10000x128xf32, #tpu.memory_space<hbm>>
    tpu.wait_indirect_dma semaphore(%arg12 : memref<!tpu.dma_semaphore, #tpu.memory_space<semaphore_mem>>) src(%dma_wait3A_126 : memref<10000x128xf32, #tpu.memory_space<hbm>>) dst(%arg9 : memref<125x128xf32, #tpu.memory_space<vmem>>)
    %run_scoped3A_127 = arith.constant 0 : i32
    %run_scoped3A_128 = arith.constant 15 : i32
    "tpu.region"() ({
      %run_scoped3A_454 = tpu.sem_alloc : memref<!tpu.dma_semaphore, #tpu.memory_space<semaphore_mem>>
      %dma_start3A_455 = arith.constant 0 : i32
      %dma_start3A_456 = tpu.memref_slice %arg7[%run_scoped3A_127, %run_scoped3A_128, %dma_start3A_455] : memref<2x16x125xi32, #tpu.memory_space<vmem>> -> memref<1x1x125xi32, #tpu.memory_space<vmem>>
      %dma_start3A_457 = tpu.memref_squeeze %dma_start3A_456 : memref<1x1x125xi32, #tpu.memory_space<vmem>> -> memref<125xi32, #tpu.memory_space<vmem>>
      %dma_start3A_458 = arith.constant 0 : i32
      %dma_start3A_459 = arith.constant 0 : i32
      %dma_start3A_460 = tpu.memref_slice %arg10[%dma_start3A_458, %dma_start3A_459] : memref<10000x128xf32, #tpu.memory_space<vmem_shared>> -> memref<10000x128xf32, #tpu.memory_space<vmem_shared>>
      tpu.enqueue_indirect_dma source(%arg9 : memref<125x128xf32, #tpu.memory_space<vmem>>) target(%dma_start3A_460 : memref<10000x128xf32, #tpu.memory_space<vmem_shared>>) offsets(%dma_start3A_457 : memref<125xi32, #tpu.memory_space<vmem>>) semaphore(%run_scoped3A_454 : memref<!tpu.dma_semaphore, #tpu.memory_space<semaphore_mem>>) {add = true}
      %dma_wait3A_461 = arith.constant 0 : i32
      %dma_wait3A_462 = tpu.memref_slice %arg7[%run_scoped3A_127, %run_scoped3A_128, %dma_wait3A_461] : memref<2x16x125xi32, #tpu.memory_space<vmem>> -> memref<1x1x125xi32, #tpu.memory_space<vmem>>
      %dma_wait3A_463 = tpu.memref_squeeze %dma_wait3A_462 : memref<1x1x125xi32, #tpu.memory_space<vmem>> -> memref<125xi32, #tpu.memory_space<vmem>>
      %dma_wait3A_464 = arith.constant 0 : i32
      %dma_wait3A_465 = arith.constant 0 : i32
      %dma_wait3A_466 = tpu.memref_slice %arg10[%dma_wait3A_464, %dma_wait3A_465] : memref<10000x128xf32, #tpu.memory_space<vmem_shared>> -> memref<10000x128xf32, #tpu.memory_space<vmem_shared>>
      tpu.wait_indirect_dma semaphore(%run_scoped3A_454 : memref<!tpu.dma_semaphore, #tpu.memory_space<semaphore_mem>>) src(%arg9 : memref<125x128xf32, #tpu.memory_space<vmem>>) dst(%dma_wait3A_466 : memref<10000x128xf32, #tpu.memory_space<vmem_shared>>)
      tpu.yield
    }) : () -> ()
    %add3A_129 = arith.constant 32 : i32
    %add3A_130 = arith.addi %mul3A_2, %add3A_129 : i32
    %dma_start3A_131 = arith.constant 0 : i32
    %dma_start3A_132 = arith.constant 0 : i32
    %dma_start3A_133 = arith.constant 0 : i32
    %dma_start3A_134 = tpu.memref_slice %arg6[%dma_start3A_131, %dma_start3A_132, %dma_start3A_133] : memref<2x16x125xi32, #tpu.memory_space<vmem>> -> memref<1x16x125xi32, #tpu.memory_space<vmem>>
    %dma_start3A_135 = tpu.memref_squeeze %dma_start3A_134 : memref<1x16x125xi32, #tpu.memory_space<vmem>> -> memref<16x125xi32, #tpu.memory_space<vmem>>
    %dma_start3A_136 = arith.constant 0 : i32
    %dma_start3A_137 = tpu.memref_slice %arg2[%add3A_130, %dma_start3A_136] : memref<2560x125xi32, #tpu.memory_space<hbm>> -> memref<16x125xi32, #tpu.memory_space<hbm>>
    %dma_start3A_138 = arith.constant 0 : i32
    %dma_start3A_139 = arith.constant 0 : i32
    %dma_start3A_140 = tpu.memref_slice %arg6[%dma_start3A_131, %dma_start3A_138, %dma_start3A_139] : memref<2x16x125xi32, #tpu.memory_space<vmem>> -> memref<1x16x125xi32, #tpu.memory_space<vmem>>
    %dma_start3A_141 = tpu.memref_squeeze %dma_start3A_140 : memref<1x16x125xi32, #tpu.memory_space<vmem>> -> memref<16x125xi32, #tpu.memory_space<vmem>>
    %dma_start3A_142 = arith.constant 0 : i32
    %dma_start3A_143 = tpu.memref_slice %arg2[%add3A_130, %dma_start3A_142] : memref<2560x125xi32, #tpu.memory_space<hbm>> -> memref<16x125xi32, #tpu.memory_space<hbm>>
    tpu.enqueue_dma source(%dma_start3A_143 : memref<16x125xi32, #tpu.memory_space<hbm>>) target(%dma_start3A_141 : memref<16x125xi32, #tpu.memory_space<vmem>>) target_semaphore(%arg13 : memref<!tpu.dma_semaphore, #tpu.memory_space<semaphore_mem>>)
    %dma_start3A_144 = arith.constant 0 : i32
    %dma_start3A_145 = arith.constant 0 : i32
    %dma_start3A_146 = arith.constant 0 : i32
    %dma_start3A_147 = tpu.memref_slice %arg7[%dma_start3A_144, %dma_start3A_145, %dma_start3A_146] : memref<2x16x125xi32, #tpu.memory_space<vmem>> -> memref<1x16x125xi32, #tpu.memory_space<vmem>>
    %dma_start3A_148 = tpu.memref_squeeze %dma_start3A_147 : memref<1x16x125xi32, #tpu.memory_space<vmem>> -> memref<16x125xi32, #tpu.memory_space<vmem>>
    %dma_start3A_149 = arith.constant 0 : i32
    %dma_start3A_150 = tpu.memref_slice %arg3[%add3A_130, %dma_start3A_149] : memref<2560x125xi32, #tpu.memory_space<hbm>> -> memref<16x125xi32, #tpu.memory_space<hbm>>
    %dma_start3A_151 = arith.constant 0 : i32
    %dma_start3A_152 = arith.constant 0 : i32
    %dma_start3A_153 = tpu.memref_slice %arg7[%dma_start3A_144, %dma_start3A_151, %dma_start3A_152] : memref<2x16x125xi32, #tpu.memory_space<vmem>> -> memref<1x16x125xi32, #tpu.memory_space<vmem>>
    %dma_start3A_154 = tpu.memref_squeeze %dma_start3A_153 : memref<1x16x125xi32, #tpu.memory_space<vmem>> -> memref<16x125xi32, #tpu.memory_space<vmem>>
    %dma_start3A_155 = arith.constant 0 : i32
    %dma_start3A_156 = tpu.memref_slice %arg3[%add3A_130, %dma_start3A_155] : memref<2560x125xi32, #tpu.memory_space<hbm>> -> memref<16x125xi32, #tpu.memory_space<hbm>>
    tpu.enqueue_dma source(%dma_start3A_156 : memref<16x125xi32, #tpu.memory_space<hbm>>) target(%dma_start3A_154 : memref<16x125xi32, #tpu.memory_space<vmem>>) target_semaphore(%arg14 : memref<!tpu.dma_semaphore, #tpu.memory_space<semaphore_mem>>)
    %scan3A_157 = arith.constant 0 : i32
    %scan3A_158 = arith.constant 7 : i32
    %scan3A_159 = arith.addi %scan3A_157, %scan3A_158 : i32
    %scan3A_160 = arith.constant 1 : i32
    scf.for %scan3A_454 = %scan3A_157 to %scan3A_159 step %scan3A_160  : i32 {
      %mul3A_455 = arith.constant 2 : i32
      %mul3A_456 = arith.muli %scan3A_454, %mul3A_455 : i32
      %add3A_457 = arith.constant 0 : i32
      %add3A_458 = arith.addi %add3A_457, %mul3A_456 : i32
      %add3A_459 = arith.constant 1 : i32
      %add3A_460 = arith.addi %add3A_458, %add3A_459 : i32
      %dma_start3A_461 = arith.constant 1 : i32
      %dma_start3A_462 = arith.constant 0 : i32
      %dma_start3A_463 = tpu.memref_slice %arg6[%dma_start3A_461, %add3A_460, %dma_start3A_462] : memref<2x16x125xi32, #tpu.memory_space<vmem>> -> memref<1x1x125xi32, #tpu.memory_space<vmem>>
      %dma_start3A_464 = tpu.memref_squeeze %dma_start3A_463 : memref<1x1x125xi32, #tpu.memory_space<vmem>> -> memref<125xi32, #tpu.memory_space<vmem>>
      %dma_start3A_465 = arith.constant 0 : i32
      %dma_start3A_466 = arith.constant 0 : i32
      %dma_start3A_467 = tpu.memref_slice %arg4[%dma_start3A_465, %dma_start3A_466] : memref<10000x128xf32, #tpu.memory_space<hbm>> -> memref<10000x128xf32, #tpu.memory_space<hbm>>
      tpu.enqueue_indirect_dma source(%dma_start3A_467 : memref<10000x128xf32, #tpu.memory_space<hbm>>) target(%arg9 : memref<125x128xf32, #tpu.memory_space<vmem>>) offsets(%dma_start3A_464 : memref<125xi32, #tpu.memory_space<vmem>>) semaphore(%arg12 : memref<!tpu.dma_semaphore, #tpu.memory_space<semaphore_mem>>)
      %dma_wait3A_468 = arith.constant 1 : i32
      %dma_wait3A_469 = arith.constant 0 : i32
      %dma_wait3A_470 = tpu.memref_slice %arg6[%dma_wait3A_468, %add3A_458, %dma_wait3A_469] : memref<2x16x125xi32, #tpu.memory_space<vmem>> -> memref<1x1x125xi32, #tpu.memory_space<vmem>>
      %dma_wait3A_471 = tpu.memref_squeeze %dma_wait3A_470 : memref<1x1x125xi32, #tpu.memory_space<vmem>> -> memref<125xi32, #tpu.memory_space<vmem>>
      %dma_wait3A_472 = arith.constant 0 : i32
      %dma_wait3A_473 = arith.constant 0 : i32
      %dma_wait3A_474 = tpu.memref_slice %arg4[%dma_wait3A_472, %dma_wait3A_473] : memref<10000x128xf32, #tpu.memory_space<hbm>> -> memref<10000x128xf32, #tpu.memory_space<hbm>>
      tpu.wait_indirect_dma semaphore(%arg11 : memref<!tpu.dma_semaphore, #tpu.memory_space<semaphore_mem>>) src(%dma_wait3A_474 : memref<10000x128xf32, #tpu.memory_space<hbm>>) dst(%arg8 : memref<125x128xf32, #tpu.memory_space<vmem>>)
      %run_scoped3A_475 = arith.constant 1 : i32
      "tpu.region"() ({
        %run_scoped3A_497 = tpu.sem_alloc : memref<!tpu.dma_semaphore, #tpu.memory_space<semaphore_mem>>
        %dma_start3A_498 = arith.constant 0 : i32
        %dma_start3A_499 = tpu.memref_slice %arg7[%run_scoped3A_475, %add3A_458, %dma_start3A_498] : memref<2x16x125xi32, #tpu.memory_space<vmem>> -> memref<1x1x125xi32, #tpu.memory_space<vmem>>
        %dma_start3A_500 = tpu.memref_squeeze %dma_start3A_499 : memref<1x1x125xi32, #tpu.memory_space<vmem>> -> memref<125xi32, #tpu.memory_space<vmem>>
        %dma_start3A_501 = arith.constant 0 : i32
        %dma_start3A_502 = arith.constant 0 : i32
        %dma_start3A_503 = tpu.memref_slice %arg10[%dma_start3A_501, %dma_start3A_502] : memref<10000x128xf32, #tpu.memory_space<vmem_shared>> -> memref<10000x128xf32, #tpu.memory_space<vmem_shared>>
        tpu.enqueue_indirect_dma source(%arg8 : memref<125x128xf32, #tpu.memory_space<vmem>>) target(%dma_start3A_503 : memref<10000x128xf32, #tpu.memory_space<vmem_shared>>) offsets(%dma_start3A_500 : memref<125xi32, #tpu.memory_space<vmem>>) semaphore(%run_scoped3A_497 : memref<!tpu.dma_semaphore, #tpu.memory_space<semaphore_mem>>) {add = true}
        %dma_wait3A_504 = arith.constant 0 : i32
        %dma_wait3A_505 = tpu.memref_slice %arg7[%run_scoped3A_475, %add3A_458, %dma_wait3A_504] : memref<2x16x125xi32, #tpu.memory_space<vmem>> -> memref<1x1x125xi32, #tpu.memory_space<vmem>>
        %dma_wait3A_506 = tpu.memref_squeeze %dma_wait3A_505 : memref<1x1x125xi32, #tpu.memory_space<vmem>> -> memref<125xi32, #tpu.memory_space<vmem>>
        %dma_wait3A_507 = arith.constant 0 : i32
        %dma_wait3A_508 = arith.constant 0 : i32
        %dma_wait3A_509 = tpu.memref_slice %arg10[%dma_wait3A_507, %dma_wait3A_508] : memref<10000x128xf32, #tpu.memory_space<vmem_shared>> -> memref<10000x128xf32, #tpu.memory_space<vmem_shared>>
        tpu.wait_indirect_dma semaphore(%run_scoped3A_497 : memref<!tpu.dma_semaphore, #tpu.memory_space<semaphore_mem>>) src(%arg8 : memref<125x128xf32, #tpu.memory_space<vmem>>) dst(%dma_wait3A_509 : memref<10000x128xf32, #tpu.memory_space<vmem_shared>>)
        tpu.yield
      }) : () -> ()
      %add3A_476 = arith.constant 2 : i32
      %add3A_477 = arith.addi %add3A_458, %add3A_476 : i32
      %dma_start3A_478 = arith.constant 1 : i32
      %dma_start3A_479 = arith.constant 0 : i32
      %dma_start3A_480 = tpu.memref_slice %arg6[%dma_start3A_478, %add3A_477, %dma_start3A_479] : memref<2x16x125xi32, #tpu.memory_space<vmem>> -> memref<1x1x125xi32, #tpu.memory_space<vmem>>
      %dma_start3A_481 = tpu.memref_squeeze %dma_start3A_480 : memref<1x1x125xi32, #tpu.memory_space<vmem>> -> memref<125xi32, #tpu.memory_space<vmem>>
      %dma_start3A_482 = arith.constant 0 : i32
      %dma_start3A_483 = arith.constant 0 : i32
      %dma_start3A_484 = tpu.memref_slice %arg4[%dma_start3A_482, %dma_start3A_483] : memref<10000x128xf32, #tpu.memory_space<hbm>> -> memref<10000x128xf32, #tpu.memory_space<hbm>>
      tpu.enqueue_indirect_dma source(%dma_start3A_484 : memref<10000x128xf32, #tpu.memory_space<hbm>>) target(%arg8 : memref<125x128xf32, #tpu.memory_space<vmem>>) offsets(%dma_start3A_481 : memref<125xi32, #tpu.memory_space<vmem>>) semaphore(%arg11 : memref<!tpu.dma_semaphore, #tpu.memory_space<semaphore_mem>>)
      %add3A_485 = arith.constant 1 : i32
      %add3A_486 = arith.addi %add3A_458, %add3A_485 : i32
      %dma_wait3A_487 = arith.constant 1 : i32
      %dma_wait3A_488 = arith.constant 0 : i32
      %dma_wait3A_489 = tpu.memref_slice %arg6[%dma_wait3A_487, %add3A_486, %dma_wait3A_488] : memref<2x16x125xi32, #tpu.memory_space<vmem>> -> memref<1x1x125xi32, #tpu.memory_space<vmem>>
      %dma_wait3A_490 = tpu.memref_squeeze %dma_wait3A_489 : memref<1x1x125xi32, #tpu.memory_space<vmem>> -> memref<125xi32, #tpu.memory_space<vmem>>
      %dma_wait3A_491 = arith.constant 0 : i32
      %dma_wait3A_492 = arith.constant 0 : i32
      %dma_wait3A_493 = tpu.memref_slice %arg4[%dma_wait3A_491, %dma_wait3A_492] : memref<10000x128xf32, #tpu.memory_space<hbm>> -> memref<10000x128xf32, #tpu.memory_space<hbm>>
      tpu.wait_indirect_dma semaphore(%arg12 : memref<!tpu.dma_semaphore, #tpu.memory_space<semaphore_mem>>) src(%dma_wait3A_493 : memref<10000x128xf32, #tpu.memory_space<hbm>>) dst(%arg9 : memref<125x128xf32, #tpu.memory_space<vmem>>)
      %add3A_494 = arith.constant 1 : i32
      %add3A_495 = arith.addi %add3A_458, %add3A_494 : i32
      %run_scoped3A_496 = arith.constant 1 : i32
      "tpu.region"() ({
        %run_scoped3A_497 = tpu.sem_alloc : memref<!tpu.dma_semaphore, #tpu.memory_space<semaphore_mem>>
        %dma_start3A_498 = arith.constant 0 : i32
        %dma_start3A_499 = tpu.memref_slice %arg7[%run_scoped3A_496, %add3A_495, %dma_start3A_498] : memref<2x16x125xi32, #tpu.memory_space<vmem>> -> memref<1x1x125xi32, #tpu.memory_space<vmem>>
        %dma_start3A_500 = tpu.memref_squeeze %dma_start3A_499 : memref<1x1x125xi32, #tpu.memory_space<vmem>> -> memref<125xi32, #tpu.memory_space<vmem>>
        %dma_start3A_501 = arith.constant 0 : i32
        %dma_start3A_502 = arith.constant 0 : i32
        %dma_start3A_503 = tpu.memref_slice %arg10[%dma_start3A_501, %dma_start3A_502] : memref<10000x128xf32, #tpu.memory_space<vmem_shared>> -> memref<10000x128xf32, #tpu.memory_space<vmem_shared>>
        tpu.enqueue_indirect_dma source(%arg9 : memref<125x128xf32, #tpu.memory_space<vmem>>) target(%dma_start3A_503 : memref<10000x128xf32, #tpu.memory_space<vmem_shared>>) offsets(%dma_start3A_500 : memref<125xi32, #tpu.memory_space<vmem>>) semaphore(%run_scoped3A_497 : memref<!tpu.dma_semaphore, #tpu.memory_space<semaphore_mem>>) {add = true}
        %dma_wait3A_504 = arith.constant 0 : i32
        %dma_wait3A_505 = tpu.memref_slice %arg7[%run_scoped3A_496, %add3A_495, %dma_wait3A_504] : memref<2x16x125xi32, #tpu.memory_space<vmem>> -> memref<1x1x125xi32, #tpu.memory_space<vmem>>
        %dma_wait3A_506 = tpu.memref_squeeze %dma_wait3A_505 : memref<1x1x125xi32, #tpu.memory_space<vmem>> -> memref<125xi32, #tpu.memory_space<vmem>>
        %dma_wait3A_507 = arith.constant 0 : i32
        %dma_wait3A_508 = arith.constant 0 : i32
        %dma_wait3A_509 = tpu.memref_slice %arg10[%dma_wait3A_507, %dma_wait3A_508] : memref<10000x128xf32, #tpu.memory_space<vmem_shared>> -> memref<10000x128xf32, #tpu.memory_space<vmem_shared>>
        tpu.wait_indirect_dma semaphore(%run_scoped3A_497 : memref<!tpu.dma_semaphore, #tpu.memory_space<semaphore_mem>>) src(%arg9 : memref<125x128xf32, #tpu.memory_space<vmem>>) dst(%dma_wait3A_509 : memref<10000x128xf32, #tpu.memory_space<vmem_shared>>)
        tpu.yield
      }) : () -> ()
    }
    %scan3A_161 = arith.constant 7 : i32
    %dma_start3A_162 = arith.constant 1 : i32
    %dma_start3A_163 = arith.constant 15 : i32
    %dma_start3A_164 = arith.constant 0 : i32
    %dma_start3A_165 = tpu.memref_slice %arg6[%dma_start3A_162, %dma_start3A_163, %dma_start3A_164] : memref<2x16x125xi32, #tpu.memory_space<vmem>> -> memref<1x1x125xi32, #tpu.memory_space<vmem>>
    %dma_start3A_166 = tpu.memref_squeeze %dma_start3A_165 : memref<1x1x125xi32, #tpu.memory_space<vmem>> -> memref<125xi32, #tpu.memory_space<vmem>>
    %dma_start3A_167 = arith.constant 0 : i32
    %dma_start3A_168 = arith.constant 0 : i32
    %dma_start3A_169 = tpu.memref_slice %arg4[%dma_start3A_167, %dma_start3A_168] : memref<10000x128xf32, #tpu.memory_space<hbm>> -> memref<10000x128xf32, #tpu.memory_space<hbm>>
    tpu.enqueue_indirect_dma source(%dma_start3A_169 : memref<10000x128xf32, #tpu.memory_space<hbm>>) target(%arg9 : memref<125x128xf32, #tpu.memory_space<vmem>>) offsets(%dma_start3A_166 : memref<125xi32, #tpu.memory_space<vmem>>) semaphore(%arg12 : memref<!tpu.dma_semaphore, #tpu.memory_space<semaphore_mem>>)
    %dma_wait3A_170 = arith.constant 1 : i32
    %dma_wait3A_171 = arith.constant 14 : i32
    %dma_wait3A_172 = arith.constant 0 : i32
    %dma_wait3A_173 = tpu.memref_slice %arg6[%dma_wait3A_170, %dma_wait3A_171, %dma_wait3A_172] : memref<2x16x125xi32, #tpu.memory_space<vmem>> -> memref<1x1x125xi32, #tpu.memory_space<vmem>>
    %dma_wait3A_174 = tpu.memref_squeeze %dma_wait3A_173 : memref<1x1x125xi32, #tpu.memory_space<vmem>> -> memref<125xi32, #tpu.memory_space<vmem>>
    %dma_wait3A_175 = arith.constant 0 : i32
    %dma_wait3A_176 = arith.constant 0 : i32
    %dma_wait3A_177 = tpu.memref_slice %arg4[%dma_wait3A_175, %dma_wait3A_176] : memref<10000x128xf32, #tpu.memory_space<hbm>> -> memref<10000x128xf32, #tpu.memory_space<hbm>>
    tpu.wait_indirect_dma semaphore(%arg11 : memref<!tpu.dma_semaphore, #tpu.memory_space<semaphore_mem>>) src(%dma_wait3A_177 : memref<10000x128xf32, #tpu.memory_space<hbm>>) dst(%arg8 : memref<125x128xf32, #tpu.memory_space<vmem>>)
    %run_scoped3A_178 = arith.constant 1 : i32
    %run_scoped3A_179 = arith.constant 14 : i32
    "tpu.region"() ({
      %run_scoped3A_454 = tpu.sem_alloc : memref<!tpu.dma_semaphore, #tpu.memory_space<semaphore_mem>>
      %dma_start3A_455 = arith.constant 0 : i32
      %dma_start3A_456 = tpu.memref_slice %arg7[%run_scoped3A_178, %run_scoped3A_179, %dma_start3A_455] : memref<2x16x125xi32, #tpu.memory_space<vmem>> -> memref<1x1x125xi32, #tpu.memory_space<vmem>>
      %dma_start3A_457 = tpu.memref_squeeze %dma_start3A_456 : memref<1x1x125xi32, #tpu.memory_space<vmem>> -> memref<125xi32, #tpu.memory_space<vmem>>
      %dma_start3A_458 = arith.constant 0 : i32
      %dma_start3A_459 = arith.constant 0 : i32
      %dma_start3A_460 = tpu.memref_slice %arg10[%dma_start3A_458, %dma_start3A_459] : memref<10000x128xf32, #tpu.memory_space<vmem_shared>> -> memref<10000x128xf32, #tpu.memory_space<vmem_shared>>
      tpu.enqueue_indirect_dma source(%arg8 : memref<125x128xf32, #tpu.memory_space<vmem>>) target(%dma_start3A_460 : memref<10000x128xf32, #tpu.memory_space<vmem_shared>>) offsets(%dma_start3A_457 : memref<125xi32, #tpu.memory_space<vmem>>) semaphore(%run_scoped3A_454 : memref<!tpu.dma_semaphore, #tpu.memory_space<semaphore_mem>>) {add = true}
      %dma_wait3A_461 = arith.constant 0 : i32
      %dma_wait3A_462 = tpu.memref_slice %arg7[%run_scoped3A_178, %run_scoped3A_179, %dma_wait3A_461] : memref<2x16x125xi32, #tpu.memory_space<vmem>> -> memref<1x1x125xi32, #tpu.memory_space<vmem>>
      %dma_wait3A_463 = tpu.memref_squeeze %dma_wait3A_462 : memref<1x1x125xi32, #tpu.memory_space<vmem>> -> memref<125xi32, #tpu.memory_space<vmem>>
      %dma_wait3A_464 = arith.constant 0 : i32
      %dma_wait3A_465 = arith.constant 0 : i32
      %dma_wait3A_466 = tpu.memref_slice %arg10[%dma_wait3A_464, %dma_wait3A_465] : memref<10000x128xf32, #tpu.memory_space<vmem_shared>> -> memref<10000x128xf32, #tpu.memory_space<vmem_shared>>
      tpu.wait_indirect_dma semaphore(%run_scoped3A_454 : memref<!tpu.dma_semaphore, #tpu.memory_space<semaphore_mem>>) src(%arg8 : memref<125x128xf32, #tpu.memory_space<vmem>>) dst(%dma_wait3A_466 : memref<10000x128xf32, #tpu.memory_space<vmem_shared>>)
      tpu.yield
    }) : () -> ()
    %dma_wait3A_180 = arith.constant 0 : i32
    %dma_wait3A_181 = arith.constant 0 : i32
    %dma_wait3A_182 = arith.constant 0 : i32
    %dma_wait3A_183 = tpu.memref_slice %arg6[%dma_wait3A_180, %dma_wait3A_181, %dma_wait3A_182] : memref<2x16x125xi32, #tpu.memory_space<vmem>> -> memref<1x16x125xi32, #tpu.memory_space<vmem>>
    %dma_wait3A_184 = tpu.memref_squeeze %dma_wait3A_183 : memref<1x16x125xi32, #tpu.memory_space<vmem>> -> memref<16x125xi32, #tpu.memory_space<vmem>>
    %dma_wait3A_185 = arith.constant 0 : i32
    %dma_wait3A_186 = tpu.memref_slice %arg2[%add3A_130, %dma_wait3A_185] : memref<2560x125xi32, #tpu.memory_space<hbm>> -> memref<16x125xi32, #tpu.memory_space<hbm>>
    %dma_wait3A_187 = arith.constant 0 : i32
    %dma_wait3A_188 = arith.constant 0 : i32
    %dma_wait3A_189 = tpu.memref_slice %arg6[%dma_wait3A_180, %dma_wait3A_187, %dma_wait3A_188] : memref<2x16x125xi32, #tpu.memory_space<vmem>> -> memref<1x16x125xi32, #tpu.memory_space<vmem>>
    %dma_wait3A_190 = tpu.memref_squeeze %dma_wait3A_189 : memref<1x16x125xi32, #tpu.memory_space<vmem>> -> memref<16x125xi32, #tpu.memory_space<vmem>>
    %dma_wait3A_191 = arith.constant 0 : i32
    %dma_wait3A_192 = tpu.memref_slice %arg2[%add3A_130, %dma_wait3A_191] : memref<2560x125xi32, #tpu.memory_space<hbm>> -> memref<16x125xi32, #tpu.memory_space<hbm>>
    tpu.wait_dma2 semaphore(%arg13 : memref<!tpu.dma_semaphore, #tpu.memory_space<semaphore_mem>>) src(%dma_wait3A_192 : memref<16x125xi32, #tpu.memory_space<hbm>>) dst(%dma_wait3A_190 : memref<16x125xi32, #tpu.memory_space<vmem>>)
    %dma_wait3A_193 = arith.constant 0 : i32
    %dma_wait3A_194 = arith.constant 0 : i32
    %dma_wait3A_195 = arith.constant 0 : i32
    %dma_wait3A_196 = tpu.memref_slice %arg7[%dma_wait3A_193, %dma_wait3A_194, %dma_wait3A_195] : memref<2x16x125xi32, #tpu.memory_space<vmem>> -> memref<1x16x125xi32, #tpu.memory_space<vmem>>
    %dma_wait3A_197 = tpu.memref_squeeze %dma_wait3A_196 : memref<1x16x125xi32, #tpu.memory_space<vmem>> -> memref<16x125xi32, #tpu.memory_space<vmem>>
    %dma_wait3A_198 = arith.constant 0 : i32
    %dma_wait3A_199 = tpu.memref_slice %arg3[%add3A_130, %dma_wait3A_198] : memref<2560x125xi32, #tpu.memory_space<hbm>> -> memref<16x125xi32, #tpu.memory_space<hbm>>
    %dma_wait3A_200 = arith.constant 0 : i32
    %dma_wait3A_201 = arith.constant 0 : i32
    %dma_wait3A_202 = tpu.memref_slice %arg7[%dma_wait3A_193, %dma_wait3A_200, %dma_wait3A_201] : memref<2x16x125xi32, #tpu.memory_space<vmem>> -> memref<1x16x125xi32, #tpu.memory_space<vmem>>
    %dma_wait3A_203 = tpu.memref_squeeze %dma_wait3A_202 : memref<1x16x125xi32, #tpu.memory_space<vmem>> -> memref<16x125xi32, #tpu.memory_space<vmem>>
    %dma_wait3A_204 = arith.constant 0 : i32
    %dma_wait3A_205 = tpu.memref_slice %arg3[%add3A_130, %dma_wait3A_204] : memref<2560x125xi32, #tpu.memory_space<hbm>> -> memref<16x125xi32, #tpu.memory_space<hbm>>
    tpu.wait_dma2 semaphore(%arg14 : memref<!tpu.dma_semaphore, #tpu.memory_space<semaphore_mem>>) src(%dma_wait3A_205 : memref<16x125xi32, #tpu.memory_space<hbm>>) dst(%dma_wait3A_203 : memref<16x125xi32, #tpu.memory_space<vmem>>)
    %dma_start3A_206 = arith.constant 0 : i32
    %dma_start3A_207 = arith.constant 0 : i32
    %dma_start3A_208 = arith.constant 0 : i32
    %dma_start3A_209 = tpu.memref_slice %arg6[%dma_start3A_206, %dma_start3A_207, %dma_start3A_208] : memref<2x16x125xi32, #tpu.memory_space<vmem>> -> memref<1x1x125xi32, #tpu.memory_space<vmem>>
    %dma_start3A_210 = tpu.memref_squeeze %dma_start3A_209 : memref<1x1x125xi32, #tpu.memory_space<vmem>> -> memref<125xi32, #tpu.memory_space<vmem>>
    %dma_start3A_211 = arith.constant 0 : i32
    %dma_start3A_212 = arith.constant 0 : i32
    %dma_start3A_213 = tpu.memref_slice %arg4[%dma_start3A_211, %dma_start3A_212] : memref<10000x128xf32, #tpu.memory_space<hbm>> -> memref<10000x128xf32, #tpu.memory_space<hbm>>
    tpu.enqueue_indirect_dma source(%dma_start3A_213 : memref<10000x128xf32, #tpu.memory_space<hbm>>) target(%arg8 : memref<125x128xf32, #tpu.memory_space<vmem>>) offsets(%dma_start3A_210 : memref<125xi32, #tpu.memory_space<vmem>>) semaphore(%arg11 : memref<!tpu.dma_semaphore, #tpu.memory_space<semaphore_mem>>)
    %dma_wait3A_214 = arith.constant 1 : i32
    %dma_wait3A_215 = arith.constant 15 : i32
    %dma_wait3A_216 = arith.constant 0 : i32
    %dma_wait3A_217 = tpu.memref_slice %arg6[%dma_wait3A_214, %dma_wait3A_215, %dma_wait3A_216] : memref<2x16x125xi32, #tpu.memory_space<vmem>> -> memref<1x1x125xi32, #tpu.memory_space<vmem>>
    %dma_wait3A_218 = tpu.memref_squeeze %dma_wait3A_217 : memref<1x1x125xi32, #tpu.memory_space<vmem>> -> memref<125xi32, #tpu.memory_space<vmem>>
    %dma_wait3A_219 = arith.constant 0 : i32
    %dma_wait3A_220 = arith.constant 0 : i32
    %dma_wait3A_221 = tpu.memref_slice %arg4[%dma_wait3A_219, %dma_wait3A_220] : memref<10000x128xf32, #tpu.memory_space<hbm>> -> memref<10000x128xf32, #tpu.memory_space<hbm>>
    tpu.wait_indirect_dma semaphore(%arg12 : memref<!tpu.dma_semaphore, #tpu.memory_space<semaphore_mem>>) src(%dma_wait3A_221 : memref<10000x128xf32, #tpu.memory_space<hbm>>) dst(%arg9 : memref<125x128xf32, #tpu.memory_space<vmem>>)
    %run_scoped3A_222 = arith.constant 1 : i32
    %run_scoped3A_223 = arith.constant 15 : i32
    "tpu.region"() ({
      %run_scoped3A_454 = tpu.sem_alloc : memref<!tpu.dma_semaphore, #tpu.memory_space<semaphore_mem>>
      %dma_start3A_455 = arith.constant 0 : i32
      %dma_start3A_456 = tpu.memref_slice %arg7[%run_scoped3A_222, %run_scoped3A_223, %dma_start3A_455] : memref<2x16x125xi32, #tpu.memory_space<vmem>> -> memref<1x1x125xi32, #tpu.memory_space<vmem>>
      %dma_start3A_457 = tpu.memref_squeeze %dma_start3A_456 : memref<1x1x125xi32, #tpu.memory_space<vmem>> -> memref<125xi32, #tpu.memory_space<vmem>>
      %dma_start3A_458 = arith.constant 0 : i32
      %dma_start3A_459 = arith.constant 0 : i32
      %dma_start3A_460 = tpu.memref_slice %arg10[%dma_start3A_458, %dma_start3A_459] : memref<10000x128xf32, #tpu.memory_space<vmem_shared>> -> memref<10000x128xf32, #tpu.memory_space<vmem_shared>>
      tpu.enqueue_indirect_dma source(%arg9 : memref<125x128xf32, #tpu.memory_space<vmem>>) target(%dma_start3A_460 : memref<10000x128xf32, #tpu.memory_space<vmem_shared>>) offsets(%dma_start3A_457 : memref<125xi32, #tpu.memory_space<vmem>>) semaphore(%run_scoped3A_454 : memref<!tpu.dma_semaphore, #tpu.memory_space<semaphore_mem>>) {add = true}
      %dma_wait3A_461 = arith.constant 0 : i32
      %dma_wait3A_462 = tpu.memref_slice %arg7[%run_scoped3A_222, %run_scoped3A_223, %dma_wait3A_461] : memref<2x16x125xi32, #tpu.memory_space<vmem>> -> memref<1x1x125xi32, #tpu.memory_space<vmem>>
      %dma_wait3A_463 = tpu.memref_squeeze %dma_wait3A_462 : memref<1x1x125xi32, #tpu.memory_space<vmem>> -> memref<125xi32, #tpu.memory_space<vmem>>
      %dma_wait3A_464 = arith.constant 0 : i32
      %dma_wait3A_465 = arith.constant 0 : i32
      %dma_wait3A_466 = tpu.memref_slice %arg10[%dma_wait3A_464, %dma_wait3A_465] : memref<10000x128xf32, #tpu.memory_space<vmem_shared>> -> memref<10000x128xf32, #tpu.memory_space<vmem_shared>>
      tpu.wait_indirect_dma semaphore(%run_scoped3A_454 : memref<!tpu.dma_semaphore, #tpu.memory_space<semaphore_mem>>) src(%arg9 : memref<125x128xf32, #tpu.memory_space<vmem>>) dst(%dma_wait3A_466 : memref<10000x128xf32, #tpu.memory_space<vmem_shared>>)
      tpu.yield
    }) : () -> ()
    %add3A_224 = arith.constant 48 : i32
    %add3A_225 = arith.addi %mul3A_2, %add3A_224 : i32
    %dma_start3A_226 = arith.constant 1 : i32
    %dma_start3A_227 = arith.constant 0 : i32
    %dma_start3A_228 = arith.constant 0 : i32
    %dma_start3A_229 = tpu.memref_slice %arg6[%dma_start3A_226, %dma_start3A_227, %dma_start3A_228] : memref<2x16x125xi32, #tpu.memory_space<vmem>> -> memref<1x16x125xi32, #tpu.memory_space<vmem>>
    %dma_start3A_230 = tpu.memref_squeeze %dma_start3A_229 : memref<1x16x125xi32, #tpu.memory_space<vmem>> -> memref<16x125xi32, #tpu.memory_space<vmem>>
    %dma_start3A_231 = arith.constant 0 : i32
    %dma_start3A_232 = tpu.memref_slice %arg2[%add3A_225, %dma_start3A_231] : memref<2560x125xi32, #tpu.memory_space<hbm>> -> memref<16x125xi32, #tpu.memory_space<hbm>>
    %dma_start3A_233 = arith.constant 0 : i32
    %dma_start3A_234 = arith.constant 0 : i32
    %dma_start3A_235 = tpu.memref_slice %arg6[%dma_start3A_226, %dma_start3A_233, %dma_start3A_234] : memref<2x16x125xi32, #tpu.memory_space<vmem>> -> memref<1x16x125xi32, #tpu.memory_space<vmem>>
    %dma_start3A_236 = tpu.memref_squeeze %dma_start3A_235 : memref<1x16x125xi32, #tpu.memory_space<vmem>> -> memref<16x125xi32, #tpu.memory_space<vmem>>
    %dma_start3A_237 = arith.constant 0 : i32
    %dma_start3A_238 = tpu.memref_slice %arg2[%add3A_225, %dma_start3A_237] : memref<2560x125xi32, #tpu.memory_space<hbm>> -> memref<16x125xi32, #tpu.memory_space<hbm>>
    tpu.enqueue_dma source(%dma_start3A_238 : memref<16x125xi32, #tpu.memory_space<hbm>>) target(%dma_start3A_236 : memref<16x125xi32, #tpu.memory_space<vmem>>) target_semaphore(%arg13 : memref<!tpu.dma_semaphore, #tpu.memory_space<semaphore_mem>>)
    %dma_start3A_239 = arith.constant 1 : i32
    %dma_start3A_240 = arith.constant 0 : i32
    %dma_start3A_241 = arith.constant 0 : i32
    %dma_start3A_242 = tpu.memref_slice %arg7[%dma_start3A_239, %dma_start3A_240, %dma_start3A_241] : memref<2x16x125xi32, #tpu.memory_space<vmem>> -> memref<1x16x125xi32, #tpu.memory_space<vmem>>
    %dma_start3A_243 = tpu.memref_squeeze %dma_start3A_242 : memref<1x16x125xi32, #tpu.memory_space<vmem>> -> memref<16x125xi32, #tpu.memory_space<vmem>>
    %dma_start3A_244 = arith.constant 0 : i32
    %dma_start3A_245 = tpu.memref_slice %arg3[%add3A_225, %dma_start3A_244] : memref<2560x125xi32, #tpu.memory_space<hbm>> -> memref<16x125xi32, #tpu.memory_space<hbm>>
    %dma_start3A_246 = arith.constant 0 : i32
    %dma_start3A_247 = arith.constant 0 : i32
    %dma_start3A_248 = tpu.memref_slice %arg7[%dma_start3A_239, %dma_start3A_246, %dma_start3A_247] : memref<2x16x125xi32, #tpu.memory_space<vmem>> -> memref<1x16x125xi32, #tpu.memory_space<vmem>>
    %dma_start3A_249 = tpu.memref_squeeze %dma_start3A_248 : memref<1x16x125xi32, #tpu.memory_space<vmem>> -> memref<16x125xi32, #tpu.memory_space<vmem>>
    %dma_start3A_250 = arith.constant 0 : i32
    %dma_start3A_251 = tpu.memref_slice %arg3[%add3A_225, %dma_start3A_250] : memref<2560x125xi32, #tpu.memory_space<hbm>> -> memref<16x125xi32, #tpu.memory_space<hbm>>
    tpu.enqueue_dma source(%dma_start3A_251 : memref<16x125xi32, #tpu.memory_space<hbm>>) target(%dma_start3A_249 : memref<16x125xi32, #tpu.memory_space<vmem>>) target_semaphore(%arg14 : memref<!tpu.dma_semaphore, #tpu.memory_space<semaphore_mem>>)
    %scan3A_252 = arith.constant 0 : i32
    %scan3A_253 = arith.constant 7 : i32
    %scan3A_254 = arith.addi %scan3A_252, %scan3A_253 : i32
    %scan3A_255 = arith.constant 1 : i32
    scf.for %scan3A_454 = %scan3A_252 to %scan3A_254 step %scan3A_255  : i32 {
      %mul3A_455 = arith.constant 2 : i32
      %mul3A_456 = arith.muli %scan3A_454, %mul3A_455 : i32
      %add3A_457 = arith.constant 0 : i32
      %add3A_458 = arith.addi %add3A_457, %mul3A_456 : i32
      %add3A_459 = arith.constant 1 : i32
      %add3A_460 = arith.addi %add3A_458, %add3A_459 : i32
      %dma_start3A_461 = arith.constant 0 : i32
      %dma_start3A_462 = arith.constant 0 : i32
      %dma_start3A_463 = tpu.memref_slice %arg6[%dma_start3A_461, %add3A_460, %dma_start3A_462] : memref<2x16x125xi32, #tpu.memory_space<vmem>> -> memref<1x1x125xi32, #tpu.memory_space<vmem>>
      %dma_start3A_464 = tpu.memref_squeeze %dma_start3A_463 : memref<1x1x125xi32, #tpu.memory_space<vmem>> -> memref<125xi32, #tpu.memory_space<vmem>>
      %dma_start3A_465 = arith.constant 0 : i32
      %dma_start3A_466 = arith.constant 0 : i32
      %dma_start3A_467 = tpu.memref_slice %arg4[%dma_start3A_465, %dma_start3A_466] : memref<10000x128xf32, #tpu.memory_space<hbm>> -> memref<10000x128xf32, #tpu.memory_space<hbm>>
      tpu.enqueue_indirect_dma source(%dma_start3A_467 : memref<10000x128xf32, #tpu.memory_space<hbm>>) target(%arg9 : memref<125x128xf32, #tpu.memory_space<vmem>>) offsets(%dma_start3A_464 : memref<125xi32, #tpu.memory_space<vmem>>) semaphore(%arg12 : memref<!tpu.dma_semaphore, #tpu.memory_space<semaphore_mem>>)
      %dma_wait3A_468 = arith.constant 0 : i32
      %dma_wait3A_469 = arith.constant 0 : i32
      %dma_wait3A_470 = tpu.memref_slice %arg6[%dma_wait3A_468, %add3A_458, %dma_wait3A_469] : memref<2x16x125xi32, #tpu.memory_space<vmem>> -> memref<1x1x125xi32, #tpu.memory_space<vmem>>
      %dma_wait3A_471 = tpu.memref_squeeze %dma_wait3A_470 : memref<1x1x125xi32, #tpu.memory_space<vmem>> -> memref<125xi32, #tpu.memory_space<vmem>>
      %dma_wait3A_472 = arith.constant 0 : i32
      %dma_wait3A_473 = arith.constant 0 : i32
      %dma_wait3A_474 = tpu.memref_slice %arg4[%dma_wait3A_472, %dma_wait3A_473] : memref<10000x128xf32, #tpu.memory_space<hbm>> -> memref<10000x128xf32, #tpu.memory_space<hbm>>
      tpu.wait_indirect_dma semaphore(%arg11 : memref<!tpu.dma_semaphore, #tpu.memory_space<semaphore_mem>>) src(%dma_wait3A_474 : memref<10000x128xf32, #tpu.memory_space<hbm>>) dst(%arg8 : memref<125x128xf32, #tpu.memory_space<vmem>>)
      %run_scoped3A_475 = arith.constant 0 : i32
      "tpu.region"() ({
        %run_scoped3A_497 = tpu.sem_alloc : memref<!tpu.dma_semaphore, #tpu.memory_space<semaphore_mem>>
        %dma_start3A_498 = arith.constant 0 : i32
        %dma_start3A_499 = tpu.memref_slice %arg7[%run_scoped3A_475, %add3A_458, %dma_start3A_498] : memref<2x16x125xi32, #tpu.memory_space<vmem>> -> memref<1x1x125xi32, #tpu.memory_space<vmem>>
        %dma_start3A_500 = tpu.memref_squeeze %dma_start3A_499 : memref<1x1x125xi32, #tpu.memory_space<vmem>> -> memref<125xi32, #tpu.memory_space<vmem>>
        %dma_start3A_501 = arith.constant 0 : i32
        %dma_start3A_502 = arith.constant 0 : i32
        %dma_start3A_503 = tpu.memref_slice %arg10[%dma_start3A_501, %dma_start3A_502] : memref<10000x128xf32, #tpu.memory_space<vmem_shared>> -> memref<10000x128xf32, #tpu.memory_space<vmem_shared>>
        tpu.enqueue_indirect_dma source(%arg8 : memref<125x128xf32, #tpu.memory_space<vmem>>) target(%dma_start3A_503 : memref<10000x128xf32, #tpu.memory_space<vmem_shared>>) offsets(%dma_start3A_500 : memref<125xi32, #tpu.memory_space<vmem>>) semaphore(%run_scoped3A_497 : memref<!tpu.dma_semaphore, #tpu.memory_space<semaphore_mem>>) {add = true}
        %dma_wait3A_504 = arith.constant 0 : i32
        %dma_wait3A_505 = tpu.memref_slice %arg7[%run_scoped3A_475, %add3A_458, %dma_wait3A_504] : memref<2x16x125xi32, #tpu.memory_space<vmem>> -> memref<1x1x125xi32, #tpu.memory_space<vmem>>
        %dma_wait3A_506 = tpu.memref_squeeze %dma_wait3A_505 : memref<1x1x125xi32, #tpu.memory_space<vmem>> -> memref<125xi32, #tpu.memory_space<vmem>>
        %dma_wait3A_507 = arith.constant 0 : i32
        %dma_wait3A_508 = arith.constant 0 : i32
        %dma_wait3A_509 = tpu.memref_slice %arg10[%dma_wait3A_507, %dma_wait3A_508] : memref<10000x128xf32, #tpu.memory_space<vmem_shared>> -> memref<10000x128xf32, #tpu.memory_space<vmem_shared>>
        tpu.wait_indirect_dma semaphore(%run_scoped3A_497 : memref<!tpu.dma_semaphore, #tpu.memory_space<semaphore_mem>>) src(%arg8 : memref<125x128xf32, #tpu.memory_space<vmem>>) dst(%dma_wait3A_509 : memref<10000x128xf32, #tpu.memory_space<vmem_shared>>)
        tpu.yield
      }) : () -> ()
      %add3A_476 = arith.constant 2 : i32
      %add3A_477 = arith.addi %add3A_458, %add3A_476 : i32
      %dma_start3A_478 = arith.constant 0 : i32
      %dma_start3A_479 = arith.constant 0 : i32
      %dma_start3A_480 = tpu.memref_slice %arg6[%dma_start3A_478, %add3A_477, %dma_start3A_479] : memref<2x16x125xi32, #tpu.memory_space<vmem>> -> memref<1x1x125xi32, #tpu.memory_space<vmem>>
      %dma_start3A_481 = tpu.memref_squeeze %dma_start3A_480 : memref<1x1x125xi32, #tpu.memory_space<vmem>> -> memref<125xi32, #tpu.memory_space<vmem>>
      %dma_start3A_482 = arith.constant 0 : i32
      %dma_start3A_483 = arith.constant 0 : i32
      %dma_start3A_484 = tpu.memref_slice %arg4[%dma_start3A_482, %dma_start3A_483] : memref<10000x128xf32, #tpu.memory_space<hbm>> -> memref<10000x128xf32, #tpu.memory_space<hbm>>
      tpu.enqueue_indirect_dma source(%dma_start3A_484 : memref<10000x128xf32, #tpu.memory_space<hbm>>) target(%arg8 : memref<125x128xf32, #tpu.memory_space<vmem>>) offsets(%dma_start3A_481 : memref<125xi32, #tpu.memory_space<vmem>>) semaphore(%arg11 : memref<!tpu.dma_semaphore, #tpu.memory_space<semaphore_mem>>)
      %add3A_485 = arith.constant 1 : i32
      %add3A_486 = arith.addi %add3A_458, %add3A_485 : i32
      %dma_wait3A_487 = arith.constant 0 : i32
      %dma_wait3A_488 = arith.constant 0 : i32
      %dma_wait3A_489 = tpu.memref_slice %arg6[%dma_wait3A_487, %add3A_486, %dma_wait3A_488] : memref<2x16x125xi32, #tpu.memory_space<vmem>> -> memref<1x1x125xi32, #tpu.memory_space<vmem>>
      %dma_wait3A_490 = tpu.memref_squeeze %dma_wait3A_489 : memref<1x1x125xi32, #tpu.memory_space<vmem>> -> memref<125xi32, #tpu.memory_space<vmem>>
      %dma_wait3A_491 = arith.constant 0 : i32
      %dma_wait3A_492 = arith.constant 0 : i32
      %dma_wait3A_493 = tpu.memref_slice %arg4[%dma_wait3A_491, %dma_wait3A_492] : memref<10000x128xf32, #tpu.memory_space<hbm>> -> memref<10000x128xf32, #tpu.memory_space<hbm>>
      tpu.wait_indirect_dma semaphore(%arg12 : memref<!tpu.dma_semaphore, #tpu.memory_space<semaphore_mem>>) src(%dma_wait3A_493 : memref<10000x128xf32, #tpu.memory_space<hbm>>) dst(%arg9 : memref<125x128xf32, #tpu.memory_space<vmem>>)
      %add3A_494 = arith.constant 1 : i32
      %add3A_495 = arith.addi %add3A_458, %add3A_494 : i32
      %run_scoped3A_496 = arith.constant 0 : i32
      "tpu.region"() ({
        %run_scoped3A_497 = tpu.sem_alloc : memref<!tpu.dma_semaphore, #tpu.memory_space<semaphore_mem>>
        %dma_start3A_498 = arith.constant 0 : i32
        %dma_start3A_499 = tpu.memref_slice %arg7[%run_scoped3A_496, %add3A_495, %dma_start3A_498] : memref<2x16x125xi32, #tpu.memory_space<vmem>> -> memref<1x1x125xi32, #tpu.memory_space<vmem>>
        %dma_start3A_500 = tpu.memref_squeeze %dma_start3A_499 : memref<1x1x125xi32, #tpu.memory_space<vmem>> -> memref<125xi32, #tpu.memory_space<vmem>>
        %dma_start3A_501 = arith.constant 0 : i32
        %dma_start3A_502 = arith.constant 0 : i32
        %dma_start3A_503 = tpu.memref_slice %arg10[%dma_start3A_501, %dma_start3A_502] : memref<10000x128xf32, #tpu.memory_space<vmem_shared>> -> memref<10000x128xf32, #tpu.memory_space<vmem_shared>>
        tpu.enqueue_indirect_dma source(%arg9 : memref<125x128xf32, #tpu.memory_space<vmem>>) target(%dma_start3A_503 : memref<10000x128xf32, #tpu.memory_space<vmem_shared>>) offsets(%dma_start3A_500 : memref<125xi32, #tpu.memory_space<vmem>>) semaphore(%run_scoped3A_497 : memref<!tpu.dma_semaphore, #tpu.memory_space<semaphore_mem>>) {add = true}
        %dma_wait3A_504 = arith.constant 0 : i32
        %dma_wait3A_505 = tpu.memref_slice %arg7[%run_scoped3A_496, %add3A_495, %dma_wait3A_504] : memref<2x16x125xi32, #tpu.memory_space<vmem>> -> memref<1x1x125xi32, #tpu.memory_space<vmem>>
        %dma_wait3A_506 = tpu.memref_squeeze %dma_wait3A_505 : memref<1x1x125xi32, #tpu.memory_space<vmem>> -> memref<125xi32, #tpu.memory_space<vmem>>
        %dma_wait3A_507 = arith.constant 0 : i32
        %dma_wait3A_508 = arith.constant 0 : i32
        %dma_wait3A_509 = tpu.memref_slice %arg10[%dma_wait3A_507, %dma_wait3A_508] : memref<10000x128xf32, #tpu.memory_space<vmem_shared>> -> memref<10000x128xf32, #tpu.memory_space<vmem_shared>>
        tpu.wait_indirect_dma semaphore(%run_scoped3A_497 : memref<!tpu.dma_semaphore, #tpu.memory_space<semaphore_mem>>) src(%arg9 : memref<125x128xf32, #tpu.memory_space<vmem>>) dst(%dma_wait3A_509 : memref<10000x128xf32, #tpu.memory_space<vmem_shared>>)
        tpu.yield
      }) : () -> ()
    }
    %scan3A_256 = arith.constant 7 : i32
    %dma_start3A_257 = arith.constant 0 : i32
    %dma_start3A_258 = arith.constant 15 : i32
    %dma_start3A_259 = arith.constant 0 : i32
    %dma_start3A_260 = tpu.memref_slice %arg6[%dma_start3A_257, %dma_start3A_258, %dma_start3A_259] : memref<2x16x125xi32, #tpu.memory_space<vmem>> -> memref<1x1x125xi32, #tpu.memory_space<vmem>>
    %dma_start3A_261 = tpu.memref_squeeze %dma_start3A_260 : memref<1x1x125xi32, #tpu.memory_space<vmem>> -> memref<125xi32, #tpu.memory_space<vmem>>
    %dma_start3A_262 = arith.constant 0 : i32
    %dma_start3A_263 = arith.constant 0 : i32
    %dma_start3A_264 = tpu.memref_slice %arg4[%dma_start3A_262, %dma_start3A_263] : memref<10000x128xf32, #tpu.memory_space<hbm>> -> memref<10000x128xf32, #tpu.memory_space<hbm>>
    tpu.enqueue_indirect_dma source(%dma_start3A_264 : memref<10000x128xf32, #tpu.memory_space<hbm>>) target(%arg9 : memref<125x128xf32, #tpu.memory_space<vmem>>) offsets(%dma_start3A_261 : memref<125xi32, #tpu.memory_space<vmem>>) semaphore(%arg12 : memref<!tpu.dma_semaphore, #tpu.memory_space<semaphore_mem>>)
    %dma_wait3A_265 = arith.constant 0 : i32
    %dma_wait3A_266 = arith.constant 14 : i32
    %dma_wait3A_267 = arith.constant 0 : i32
    %dma_wait3A_268 = tpu.memref_slice %arg6[%dma_wait3A_265, %dma_wait3A_266, %dma_wait3A_267] : memref<2x16x125xi32, #tpu.memory_space<vmem>> -> memref<1x1x125xi32, #tpu.memory_space<vmem>>
    %dma_wait3A_269 = tpu.memref_squeeze %dma_wait3A_268 : memref<1x1x125xi32, #tpu.memory_space<vmem>> -> memref<125xi32, #tpu.memory_space<vmem>>
    %dma_wait3A_270 = arith.constant 0 : i32
    %dma_wait3A_271 = arith.constant 0 : i32
    %dma_wait3A_272 = tpu.memref_slice %arg4[%dma_wait3A_270, %dma_wait3A_271] : memref<10000x128xf32, #tpu.memory_space<hbm>> -> memref<10000x128xf32, #tpu.memory_space<hbm>>
    tpu.wait_indirect_dma semaphore(%arg11 : memref<!tpu.dma_semaphore, #tpu.memory_space<semaphore_mem>>) src(%dma_wait3A_272 : memref<10000x128xf32, #tpu.memory_space<hbm>>) dst(%arg8 : memref<125x128xf32, #tpu.memory_space<vmem>>)
    %run_scoped3A_273 = arith.constant 0 : i32
    %run_scoped3A_274 = arith.constant 14 : i32
    "tpu.region"() ({
      %run_scoped3A_454 = tpu.sem_alloc : memref<!tpu.dma_semaphore, #tpu.memory_space<semaphore_mem>>
      %dma_start3A_455 = arith.constant 0 : i32
      %dma_start3A_456 = tpu.memref_slice %arg7[%run_scoped3A_273, %run_scoped3A_274, %dma_start3A_455] : memref<2x16x125xi32, #tpu.memory_space<vmem>> -> memref<1x1x125xi32, #tpu.memory_space<vmem>>
      %dma_start3A_457 = tpu.memref_squeeze %dma_start3A_456 : memref<1x1x125xi32, #tpu.memory_space<vmem>> -> memref<125xi32, #tpu.memory_space<vmem>>
      %dma_start3A_458 = arith.constant 0 : i32
      %dma_start3A_459 = arith.constant 0 : i32
      %dma_start3A_460 = tpu.memref_slice %arg10[%dma_start3A_458, %dma_start3A_459] : memref<10000x128xf32, #tpu.memory_space<vmem_shared>> -> memref<10000x128xf32, #tpu.memory_space<vmem_shared>>
      tpu.enqueue_indirect_dma source(%arg8 : memref<125x128xf32, #tpu.memory_space<vmem>>) target(%dma_start3A_460 : memref<10000x128xf32, #tpu.memory_space<vmem_shared>>) offsets(%dma_start3A_457 : memref<125xi32, #tpu.memory_space<vmem>>) semaphore(%run_scoped3A_454 : memref<!tpu.dma_semaphore, #tpu.memory_space<semaphore_mem>>) {add = true}
      %dma_wait3A_461 = arith.constant 0 : i32
      %dma_wait3A_462 = tpu.memref_slice %arg7[%run_scoped3A_273, %run_scoped3A_274, %dma_wait3A_461] : memref<2x16x125xi32, #tpu.memory_space<vmem>> -> memref<1x1x125xi32, #tpu.memory_space<vmem>>
      %dma_wait3A_463 = tpu.memref_squeeze %dma_wait3A_462 : memref<1x1x125xi32, #tpu.memory_space<vmem>> -> memref<125xi32, #tpu.memory_space<vmem>>
      %dma_wait3A_464 = arith.constant 0 : i32
      %dma_wait3A_465 = arith.constant 0 : i32
      %dma_wait3A_466 = tpu.memref_slice %arg10[%dma_wait3A_464, %dma_wait3A_465] : memref<10000x128xf32, #tpu.memory_space<vmem_shared>> -> memref<10000x128xf32, #tpu.memory_space<vmem_shared>>
      tpu.wait_indirect_dma semaphore(%run_scoped3A_454 : memref<!tpu.dma_semaphore, #tpu.memory_space<semaphore_mem>>) src(%arg8 : memref<125x128xf32, #tpu.memory_space<vmem>>) dst(%dma_wait3A_466 : memref<10000x128xf32, #tpu.memory_space<vmem_shared>>)
      tpu.yield
    }) : () -> ()
    %dma_wait3A_275 = arith.constant 1 : i32
    %dma_wait3A_276 = arith.constant 0 : i32
    %dma_wait3A_277 = arith.constant 0 : i32
    %dma_wait3A_278 = tpu.memref_slice %arg6[%dma_wait3A_275, %dma_wait3A_276, %dma_wait3A_277] : memref<2x16x125xi32, #tpu.memory_space<vmem>> -> memref<1x16x125xi32, #tpu.memory_space<vmem>>
    %dma_wait3A_279 = tpu.memref_squeeze %dma_wait3A_278 : memref<1x16x125xi32, #tpu.memory_space<vmem>> -> memref<16x125xi32, #tpu.memory_space<vmem>>
    %dma_wait3A_280 = arith.constant 0 : i32
    %dma_wait3A_281 = tpu.memref_slice %arg2[%add3A_225, %dma_wait3A_280] : memref<2560x125xi32, #tpu.memory_space<hbm>> -> memref<16x125xi32, #tpu.memory_space<hbm>>
    %dma_wait3A_282 = arith.constant 0 : i32
    %dma_wait3A_283 = arith.constant 0 : i32
    %dma_wait3A_284 = tpu.memref_slice %arg6[%dma_wait3A_275, %dma_wait3A_282, %dma_wait3A_283] : memref<2x16x125xi32, #tpu.memory_space<vmem>> -> memref<1x16x125xi32, #tpu.memory_space<vmem>>
    %dma_wait3A_285 = tpu.memref_squeeze %dma_wait3A_284 : memref<1x16x125xi32, #tpu.memory_space<vmem>> -> memref<16x125xi32, #tpu.memory_space<vmem>>
    %dma_wait3A_286 = arith.constant 0 : i32
    %dma_wait3A_287 = tpu.memref_slice %arg2[%add3A_225, %dma_wait3A_286] : memref<2560x125xi32, #tpu.memory_space<hbm>> -> memref<16x125xi32, #tpu.memory_space<hbm>>
    tpu.wait_dma2 semaphore(%arg13 : memref<!tpu.dma_semaphore, #tpu.memory_space<semaphore_mem>>) src(%dma_wait3A_287 : memref<16x125xi32, #tpu.memory_space<hbm>>) dst(%dma_wait3A_285 : memref<16x125xi32, #tpu.memory_space<vmem>>)
    %dma_wait3A_288 = arith.constant 1 : i32
    %dma_wait3A_289 = arith.constant 0 : i32
    %dma_wait3A_290 = arith.constant 0 : i32
    %dma_wait3A_291 = tpu.memref_slice %arg7[%dma_wait3A_288, %dma_wait3A_289, %dma_wait3A_290] : memref<2x16x125xi32, #tpu.memory_space<vmem>> -> memref<1x16x125xi32, #tpu.memory_space<vmem>>
    %dma_wait3A_292 = tpu.memref_squeeze %dma_wait3A_291 : memref<1x16x125xi32, #tpu.memory_space<vmem>> -> memref<16x125xi32, #tpu.memory_space<vmem>>
    %dma_wait3A_293 = arith.constant 0 : i32
    %dma_wait3A_294 = tpu.memref_slice %arg3[%add3A_225, %dma_wait3A_293] : memref<2560x125xi32, #tpu.memory_space<hbm>> -> memref<16x125xi32, #tpu.memory_space<hbm>>
    %dma_wait3A_295 = arith.constant 0 : i32
    %dma_wait3A_296 = arith.constant 0 : i32
    %dma_wait3A_297 = tpu.memref_slice %arg7[%dma_wait3A_288, %dma_wait3A_295, %dma_wait3A_296] : memref<2x16x125xi32, #tpu.memory_space<vmem>> -> memref<1x16x125xi32, #tpu.memory_space<vmem>>
    %dma_wait3A_298 = tpu.memref_squeeze %dma_wait3A_297 : memref<1x16x125xi32, #tpu.memory_space<vmem>> -> memref<16x125xi32, #tpu.memory_space<vmem>>
    %dma_wait3A_299 = arith.constant 0 : i32
    %dma_wait3A_300 = tpu.memref_slice %arg3[%add3A_225, %dma_wait3A_299] : memref<2560x125xi32, #tpu.memory_space<hbm>> -> memref<16x125xi32, #tpu.memory_space<hbm>>
    tpu.wait_dma2 semaphore(%arg14 : memref<!tpu.dma_semaphore, #tpu.memory_space<semaphore_mem>>) src(%dma_wait3A_300 : memref<16x125xi32, #tpu.memory_space<hbm>>) dst(%dma_wait3A_298 : memref<16x125xi32, #tpu.memory_space<vmem>>)
    %dma_start3A_301 = arith.constant 1 : i32
    %dma_start3A_302 = arith.constant 0 : i32
    %dma_start3A_303 = arith.constant 0 : i32
    %dma_start3A_304 = tpu.memref_slice %arg6[%dma_start3A_301, %dma_start3A_302, %dma_start3A_303] : memref<2x16x125xi32, #tpu.memory_space<vmem>> -> memref<1x1x125xi32, #tpu.memory_space<vmem>>
    %dma_start3A_305 = tpu.memref_squeeze %dma_start3A_304 : memref<1x1x125xi32, #tpu.memory_space<vmem>> -> memref<125xi32, #tpu.memory_space<vmem>>
    %dma_start3A_306 = arith.constant 0 : i32
    %dma_start3A_307 = arith.constant 0 : i32
    %dma_start3A_308 = tpu.memref_slice %arg4[%dma_start3A_306, %dma_start3A_307] : memref<10000x128xf32, #tpu.memory_space<hbm>> -> memref<10000x128xf32, #tpu.memory_space<hbm>>
    tpu.enqueue_indirect_dma source(%dma_start3A_308 : memref<10000x128xf32, #tpu.memory_space<hbm>>) target(%arg8 : memref<125x128xf32, #tpu.memory_space<vmem>>) offsets(%dma_start3A_305 : memref<125xi32, #tpu.memory_space<vmem>>) semaphore(%arg11 : memref<!tpu.dma_semaphore, #tpu.memory_space<semaphore_mem>>)
    %dma_wait3A_309 = arith.constant 0 : i32
    %dma_wait3A_310 = arith.constant 15 : i32
    %dma_wait3A_311 = arith.constant 0 : i32
    %dma_wait3A_312 = tpu.memref_slice %arg6[%dma_wait3A_309, %dma_wait3A_310, %dma_wait3A_311] : memref<2x16x125xi32, #tpu.memory_space<vmem>> -> memref<1x1x125xi32, #tpu.memory_space<vmem>>
    %dma_wait3A_313 = tpu.memref_squeeze %dma_wait3A_312 : memref<1x1x125xi32, #tpu.memory_space<vmem>> -> memref<125xi32, #tpu.memory_space<vmem>>
    %dma_wait3A_314 = arith.constant 0 : i32
    %dma_wait3A_315 = arith.constant 0 : i32
    %dma_wait3A_316 = tpu.memref_slice %arg4[%dma_wait3A_314, %dma_wait3A_315] : memref<10000x128xf32, #tpu.memory_space<hbm>> -> memref<10000x128xf32, #tpu.memory_space<hbm>>
    tpu.wait_indirect_dma semaphore(%arg12 : memref<!tpu.dma_semaphore, #tpu.memory_space<semaphore_mem>>) src(%dma_wait3A_316 : memref<10000x128xf32, #tpu.memory_space<hbm>>) dst(%arg9 : memref<125x128xf32, #tpu.memory_space<vmem>>)
    %run_scoped3A_317 = arith.constant 0 : i32
    %run_scoped3A_318 = arith.constant 15 : i32
    "tpu.region"() ({
      %run_scoped3A_454 = tpu.sem_alloc : memref<!tpu.dma_semaphore, #tpu.memory_space<semaphore_mem>>
      %dma_start3A_455 = arith.constant 0 : i32
      %dma_start3A_456 = tpu.memref_slice %arg7[%run_scoped3A_317, %run_scoped3A_318, %dma_start3A_455] : memref<2x16x125xi32, #tpu.memory_space<vmem>> -> memref<1x1x125xi32, #tpu.memory_space<vmem>>
      %dma_start3A_457 = tpu.memref_squeeze %dma_start3A_456 : memref<1x1x125xi32, #tpu.memory_space<vmem>> -> memref<125xi32, #tpu.memory_space<vmem>>
      %dma_start3A_458 = arith.constant 0 : i32
      %dma_start3A_459 = arith.constant 0 : i32
      %dma_start3A_460 = tpu.memref_slice %arg10[%dma_start3A_458, %dma_start3A_459] : memref<10000x128xf32, #tpu.memory_space<vmem_shared>> -> memref<10000x128xf32, #tpu.memory_space<vmem_shared>>
      tpu.enqueue_indirect_dma source(%arg9 : memref<125x128xf32, #tpu.memory_space<vmem>>) target(%dma_start3A_460 : memref<10000x128xf32, #tpu.memory_space<vmem_shared>>) offsets(%dma_start3A_457 : memref<125xi32, #tpu.memory_space<vmem>>) semaphore(%run_scoped3A_454 : memref<!tpu.dma_semaphore, #tpu.memory_space<semaphore_mem>>) {add = true}
      %dma_wait3A_461 = arith.constant 0 : i32
      %dma_wait3A_462 = tpu.memref_slice %arg7[%run_scoped3A_317, %run_scoped3A_318, %dma_wait3A_461] : memref<2x16x125xi32, #tpu.memory_space<vmem>> -> memref<1x1x125xi32, #tpu.memory_space<vmem>>
      %dma_wait3A_463 = tpu.memref_squeeze %dma_wait3A_462 : memref<1x1x125xi32, #tpu.memory_space<vmem>> -> memref<125xi32, #tpu.memory_space<vmem>>
      %dma_wait3A_464 = arith.constant 0 : i32
      %dma_wait3A_465 = arith.constant 0 : i32
      %dma_wait3A_466 = tpu.memref_slice %arg10[%dma_wait3A_464, %dma_wait3A_465] : memref<10000x128xf32, #tpu.memory_space<vmem_shared>> -> memref<10000x128xf32, #tpu.memory_space<vmem_shared>>
      tpu.wait_indirect_dma semaphore(%run_scoped3A_454 : memref<!tpu.dma_semaphore, #tpu.memory_space<semaphore_mem>>) src(%arg9 : memref<125x128xf32, #tpu.memory_space<vmem>>) dst(%dma_wait3A_466 : memref<10000x128xf32, #tpu.memory_space<vmem_shared>>)
      tpu.yield
    }) : () -> ()
    %add3A_319 = arith.constant 64 : i32
    %add3A_320 = arith.addi %mul3A_2, %add3A_319 : i32
    %dma_start3A_321 = arith.constant 0 : i32
    %dma_start3A_322 = arith.constant 0 : i32
    %dma_start3A_323 = arith.constant 0 : i32
    %dma_start3A_324 = tpu.memref_slice %arg6[%dma_start3A_321, %dma_start3A_322, %dma_start3A_323] : memref<2x16x125xi32, #tpu.memory_space<vmem>> -> memref<1x16x125xi32, #tpu.memory_space<vmem>>
    %dma_start3A_325 = tpu.memref_squeeze %dma_start3A_324 : memref<1x16x125xi32, #tpu.memory_space<vmem>> -> memref<16x125xi32, #tpu.memory_space<vmem>>
    %dma_start3A_326 = arith.constant 0 : i32
    %dma_start3A_327 = tpu.memref_slice %arg2[%add3A_320, %dma_start3A_326] : memref<2560x125xi32, #tpu.memory_space<hbm>> -> memref<16x125xi32, #tpu.memory_space<hbm>>
    %dma_start3A_328 = arith.constant 0 : i32
    %dma_start3A_329 = arith.constant 0 : i32
    %dma_start3A_330 = tpu.memref_slice %arg6[%dma_start3A_321, %dma_start3A_328, %dma_start3A_329] : memref<2x16x125xi32, #tpu.memory_space<vmem>> -> memref<1x16x125xi32, #tpu.memory_space<vmem>>
    %dma_start3A_331 = tpu.memref_squeeze %dma_start3A_330 : memref<1x16x125xi32, #tpu.memory_space<vmem>> -> memref<16x125xi32, #tpu.memory_space<vmem>>
    %dma_start3A_332 = arith.constant 0 : i32
    %dma_start3A_333 = tpu.memref_slice %arg2[%add3A_320, %dma_start3A_332] : memref<2560x125xi32, #tpu.memory_space<hbm>> -> memref<16x125xi32, #tpu.memory_space<hbm>>
    tpu.enqueue_dma source(%dma_start3A_333 : memref<16x125xi32, #tpu.memory_space<hbm>>) target(%dma_start3A_331 : memref<16x125xi32, #tpu.memory_space<vmem>>) target_semaphore(%arg13 : memref<!tpu.dma_semaphore, #tpu.memory_space<semaphore_mem>>)
    %dma_start3A_334 = arith.constant 0 : i32
    %dma_start3A_335 = arith.constant 0 : i32
    %dma_start3A_336 = arith.constant 0 : i32
    %dma_start3A_337 = tpu.memref_slice %arg7[%dma_start3A_334, %dma_start3A_335, %dma_start3A_336] : memref<2x16x125xi32, #tpu.memory_space<vmem>> -> memref<1x16x125xi32, #tpu.memory_space<vmem>>
    %dma_start3A_338 = tpu.memref_squeeze %dma_start3A_337 : memref<1x16x125xi32, #tpu.memory_space<vmem>> -> memref<16x125xi32, #tpu.memory_space<vmem>>
    %dma_start3A_339 = arith.constant 0 : i32
    %dma_start3A_340 = tpu.memref_slice %arg3[%add3A_320, %dma_start3A_339] : memref<2560x125xi32, #tpu.memory_space<hbm>> -> memref<16x125xi32, #tpu.memory_space<hbm>>
    %dma_start3A_341 = arith.constant 0 : i32
    %dma_start3A_342 = arith.constant 0 : i32
    %dma_start3A_343 = tpu.memref_slice %arg7[%dma_start3A_334, %dma_start3A_341, %dma_start3A_342] : memref<2x16x125xi32, #tpu.memory_space<vmem>> -> memref<1x16x125xi32, #tpu.memory_space<vmem>>
    %dma_start3A_344 = tpu.memref_squeeze %dma_start3A_343 : memref<1x16x125xi32, #tpu.memory_space<vmem>> -> memref<16x125xi32, #tpu.memory_space<vmem>>
    %dma_start3A_345 = arith.constant 0 : i32
    %dma_start3A_346 = tpu.memref_slice %arg3[%add3A_320, %dma_start3A_345] : memref<2560x125xi32, #tpu.memory_space<hbm>> -> memref<16x125xi32, #tpu.memory_space<hbm>>
    tpu.enqueue_dma source(%dma_start3A_346 : memref<16x125xi32, #tpu.memory_space<hbm>>) target(%dma_start3A_344 : memref<16x125xi32, #tpu.memory_space<vmem>>) target_semaphore(%arg14 : memref<!tpu.dma_semaphore, #tpu.memory_space<semaphore_mem>>)
    %scan3A_347 = arith.constant 0 : i32
    %scan3A_348 = arith.constant 7 : i32
    %scan3A_349 = arith.addi %scan3A_347, %scan3A_348 : i32
    %scan3A_350 = arith.constant 1 : i32
    scf.for %scan3A_454 = %scan3A_347 to %scan3A_349 step %scan3A_350  : i32 {
      %mul3A_455 = arith.constant 2 : i32
      %mul3A_456 = arith.muli %scan3A_454, %mul3A_455 : i32
      %add3A_457 = arith.constant 0 : i32
      %add3A_458 = arith.addi %add3A_457, %mul3A_456 : i32
      %add3A_459 = arith.constant 1 : i32
      %add3A_460 = arith.addi %add3A_458, %add3A_459 : i32
      %dma_start3A_461 = arith.constant 1 : i32
      %dma_start3A_462 = arith.constant 0 : i32
      %dma_start3A_463 = tpu.memref_slice %arg6[%dma_start3A_461, %add3A_460, %dma_start3A_462] : memref<2x16x125xi32, #tpu.memory_space<vmem>> -> memref<1x1x125xi32, #tpu.memory_space<vmem>>
      %dma_start3A_464 = tpu.memref_squeeze %dma_start3A_463 : memref<1x1x125xi32, #tpu.memory_space<vmem>> -> memref<125xi32, #tpu.memory_space<vmem>>
      %dma_start3A_465 = arith.constant 0 : i32
      %dma_start3A_466 = arith.constant 0 : i32
      %dma_start3A_467 = tpu.memref_slice %arg4[%dma_start3A_465, %dma_start3A_466] : memref<10000x128xf32, #tpu.memory_space<hbm>> -> memref<10000x128xf32, #tpu.memory_space<hbm>>
      tpu.enqueue_indirect_dma source(%dma_start3A_467 : memref<10000x128xf32, #tpu.memory_space<hbm>>) target(%arg9 : memref<125x128xf32, #tpu.memory_space<vmem>>) offsets(%dma_start3A_464 : memref<125xi32, #tpu.memory_space<vmem>>) semaphore(%arg12 : memref<!tpu.dma_semaphore, #tpu.memory_space<semaphore_mem>>)
      %dma_wait3A_468 = arith.constant 1 : i32
      %dma_wait3A_469 = arith.constant 0 : i32
      %dma_wait3A_470 = tpu.memref_slice %arg6[%dma_wait3A_468, %add3A_458, %dma_wait3A_469] : memref<2x16x125xi32, #tpu.memory_space<vmem>> -> memref<1x1x125xi32, #tpu.memory_space<vmem>>
      %dma_wait3A_471 = tpu.memref_squeeze %dma_wait3A_470 : memref<1x1x125xi32, #tpu.memory_space<vmem>> -> memref<125xi32, #tpu.memory_space<vmem>>
      %dma_wait3A_472 = arith.constant 0 : i32
      %dma_wait3A_473 = arith.constant 0 : i32
      %dma_wait3A_474 = tpu.memref_slice %arg4[%dma_wait3A_472, %dma_wait3A_473] : memref<10000x128xf32, #tpu.memory_space<hbm>> -> memref<10000x128xf32, #tpu.memory_space<hbm>>
      tpu.wait_indirect_dma semaphore(%arg11 : memref<!tpu.dma_semaphore, #tpu.memory_space<semaphore_mem>>) src(%dma_wait3A_474 : memref<10000x128xf32, #tpu.memory_space<hbm>>) dst(%arg8 : memref<125x128xf32, #tpu.memory_space<vmem>>)
      %run_scoped3A_475 = arith.constant 1 : i32
      "tpu.region"() ({
        %run_scoped3A_497 = tpu.sem_alloc : memref<!tpu.dma_semaphore, #tpu.memory_space<semaphore_mem>>
        %dma_start3A_498 = arith.constant 0 : i32
        %dma_start3A_499 = tpu.memref_slice %arg7[%run_scoped3A_475, %add3A_458, %dma_start3A_498] : memref<2x16x125xi32, #tpu.memory_space<vmem>> -> memref<1x1x125xi32, #tpu.memory_space<vmem>>
        %dma_start3A_500 = tpu.memref_squeeze %dma_start3A_499 : memref<1x1x125xi32, #tpu.memory_space<vmem>> -> memref<125xi32, #tpu.memory_space<vmem>>
        %dma_start3A_501 = arith.constant 0 : i32
        %dma_start3A_502 = arith.constant 0 : i32
        %dma_start3A_503 = tpu.memref_slice %arg10[%dma_start3A_501, %dma_start3A_502] : memref<10000x128xf32, #tpu.memory_space<vmem_shared>> -> memref<10000x128xf32, #tpu.memory_space<vmem_shared>>
        tpu.enqueue_indirect_dma source(%arg8 : memref<125x128xf32, #tpu.memory_space<vmem>>) target(%dma_start3A_503 : memref<10000x128xf32, #tpu.memory_space<vmem_shared>>) offsets(%dma_start3A_500 : memref<125xi32, #tpu.memory_space<vmem>>) semaphore(%run_scoped3A_497 : memref<!tpu.dma_semaphore, #tpu.memory_space<semaphore_mem>>) {add = true}
        %dma_wait3A_504 = arith.constant 0 : i32
        %dma_wait3A_505 = tpu.memref_slice %arg7[%run_scoped3A_475, %add3A_458, %dma_wait3A_504] : memref<2x16x125xi32, #tpu.memory_space<vmem>> -> memref<1x1x125xi32, #tpu.memory_space<vmem>>
        %dma_wait3A_506 = tpu.memref_squeeze %dma_wait3A_505 : memref<1x1x125xi32, #tpu.memory_space<vmem>> -> memref<125xi32, #tpu.memory_space<vmem>>
        %dma_wait3A_507 = arith.constant 0 : i32
        %dma_wait3A_508 = arith.constant 0 : i32
        %dma_wait3A_509 = tpu.memref_slice %arg10[%dma_wait3A_507, %dma_wait3A_508] : memref<10000x128xf32, #tpu.memory_space<vmem_shared>> -> memref<10000x128xf32, #tpu.memory_space<vmem_shared>>
        tpu.wait_indirect_dma semaphore(%run_scoped3A_497 : memref<!tpu.dma_semaphore, #tpu.memory_space<semaphore_mem>>) src(%arg8 : memref<125x128xf32, #tpu.memory_space<vmem>>) dst(%dma_wait3A_509 : memref<10000x128xf32, #tpu.memory_space<vmem_shared>>)
        tpu.yield
      }) : () -> ()
      %add3A_476 = arith.constant 2 : i32
      %add3A_477 = arith.addi %add3A_458, %add3A_476 : i32
      %dma_start3A_478 = arith.constant 1 : i32
      %dma_start3A_479 = arith.constant 0 : i32
      %dma_start3A_480 = tpu.memref_slice %arg6[%dma_start3A_478, %add3A_477, %dma_start3A_479] : memref<2x16x125xi32, #tpu.memory_space<vmem>> -> memref<1x1x125xi32, #tpu.memory_space<vmem>>
      %dma_start3A_481 = tpu.memref_squeeze %dma_start3A_480 : memref<1x1x125xi32, #tpu.memory_space<vmem>> -> memref<125xi32, #tpu.memory_space<vmem>>
      %dma_start3A_482 = arith.constant 0 : i32
      %dma_start3A_483 = arith.constant 0 : i32
      %dma_start3A_484 = tpu.memref_slice %arg4[%dma_start3A_482, %dma_start3A_483] : memref<10000x128xf32, #tpu.memory_space<hbm>> -> memref<10000x128xf32, #tpu.memory_space<hbm>>
      tpu.enqueue_indirect_dma source(%dma_start3A_484 : memref<10000x128xf32, #tpu.memory_space<hbm>>) target(%arg8 : memref<125x128xf32, #tpu.memory_space<vmem>>) offsets(%dma_start3A_481 : memref<125xi32, #tpu.memory_space<vmem>>) semaphore(%arg11 : memref<!tpu.dma_semaphore, #tpu.memory_space<semaphore_mem>>)
      %add3A_485 = arith.constant 1 : i32
      %add3A_486 = arith.addi %add3A_458, %add3A_485 : i32
      %dma_wait3A_487 = arith.constant 1 : i32
      %dma_wait3A_488 = arith.constant 0 : i32
      %dma_wait3A_489 = tpu.memref_slice %arg6[%dma_wait3A_487, %add3A_486, %dma_wait3A_488] : memref<2x16x125xi32, #tpu.memory_space<vmem>> -> memref<1x1x125xi32, #tpu.memory_space<vmem>>
      %dma_wait3A_490 = tpu.memref_squeeze %dma_wait3A_489 : memref<1x1x125xi32, #tpu.memory_space<vmem>> -> memref<125xi32, #tpu.memory_space<vmem>>
      %dma_wait3A_491 = arith.constant 0 : i32
      %dma_wait3A_492 = arith.constant 0 : i32
      %dma_wait3A_493 = tpu.memref_slice %arg4[%dma_wait3A_491, %dma_wait3A_492] : memref<10000x128xf32, #tpu.memory_space<hbm>> -> memref<10000x128xf32, #tpu.memory_space<hbm>>
      tpu.wait_indirect_dma semaphore(%arg12 : memref<!tpu.dma_semaphore, #tpu.memory_space<semaphore_mem>>) src(%dma_wait3A_493 : memref<10000x128xf32, #tpu.memory_space<hbm>>) dst(%arg9 : memref<125x128xf32, #tpu.memory_space<vmem>>)
      %add3A_494 = arith.constant 1 : i32
      %add3A_495 = arith.addi %add3A_458, %add3A_494 : i32
      %run_scoped3A_496 = arith.constant 1 : i32
      "tpu.region"() ({
        %run_scoped3A_497 = tpu.sem_alloc : memref<!tpu.dma_semaphore, #tpu.memory_space<semaphore_mem>>
        %dma_start3A_498 = arith.constant 0 : i32
        %dma_start3A_499 = tpu.memref_slice %arg7[%run_scoped3A_496, %add3A_495, %dma_start3A_498] : memref<2x16x125xi32, #tpu.memory_space<vmem>> -> memref<1x1x125xi32, #tpu.memory_space<vmem>>
        %dma_start3A_500 = tpu.memref_squeeze %dma_start3A_499 : memref<1x1x125xi32, #tpu.memory_space<vmem>> -> memref<125xi32, #tpu.memory_space<vmem>>
        %dma_start3A_501 = arith.constant 0 : i32
        %dma_start3A_502 = arith.constant 0 : i32
        %dma_start3A_503 = tpu.memref_slice %arg10[%dma_start3A_501, %dma_start3A_502] : memref<10000x128xf32, #tpu.memory_space<vmem_shared>> -> memref<10000x128xf32, #tpu.memory_space<vmem_shared>>
        tpu.enqueue_indirect_dma source(%arg9 : memref<125x128xf32, #tpu.memory_space<vmem>>) target(%dma_start3A_503 : memref<10000x128xf32, #tpu.memory_space<vmem_shared>>) offsets(%dma_start3A_500 : memref<125xi32, #tpu.memory_space<vmem>>) semaphore(%run_scoped3A_497 : memref<!tpu.dma_semaphore, #tpu.memory_space<semaphore_mem>>) {add = true}
        %dma_wait3A_504 = arith.constant 0 : i32
        %dma_wait3A_505 = tpu.memref_slice %arg7[%run_scoped3A_496, %add3A_495, %dma_wait3A_504] : memref<2x16x125xi32, #tpu.memory_space<vmem>> -> memref<1x1x125xi32, #tpu.memory_space<vmem>>
        %dma_wait3A_506 = tpu.memref_squeeze %dma_wait3A_505 : memref<1x1x125xi32, #tpu.memory_space<vmem>> -> memref<125xi32, #tpu.memory_space<vmem>>
        %dma_wait3A_507 = arith.constant 0 : i32
        %dma_wait3A_508 = arith.constant 0 : i32
        %dma_wait3A_509 = tpu.memref_slice %arg10[%dma_wait3A_507, %dma_wait3A_508] : memref<10000x128xf32, #tpu.memory_space<vmem_shared>> -> memref<10000x128xf32, #tpu.memory_space<vmem_shared>>
        tpu.wait_indirect_dma semaphore(%run_scoped3A_497 : memref<!tpu.dma_semaphore, #tpu.memory_space<semaphore_mem>>) src(%arg9 : memref<125x128xf32, #tpu.memory_space<vmem>>) dst(%dma_wait3A_509 : memref<10000x128xf32, #tpu.memory_space<vmem_shared>>)
        tpu.yield
      }) : () -> ()
    }
    %scan3A_351 = arith.constant 7 : i32
    %dma_start3A_352 = arith.constant 1 : i32
    %dma_start3A_353 = arith.constant 15 : i32
    %dma_start3A_354 = arith.constant 0 : i32
    %dma_start3A_355 = tpu.memref_slice %arg6[%dma_start3A_352, %dma_start3A_353, %dma_start3A_354] : memref<2x16x125xi32, #tpu.memory_space<vmem>> -> memref<1x1x125xi32, #tpu.memory_space<vmem>>
    %dma_start3A_356 = tpu.memref_squeeze %dma_start3A_355 : memref<1x1x125xi32, #tpu.memory_space<vmem>> -> memref<125xi32, #tpu.memory_space<vmem>>
    %dma_start3A_357 = arith.constant 0 : i32
    %dma_start3A_358 = arith.constant 0 : i32
    %dma_start3A_359 = tpu.memref_slice %arg4[%dma_start3A_357, %dma_start3A_358] : memref<10000x128xf32, #tpu.memory_space<hbm>> -> memref<10000x128xf32, #tpu.memory_space<hbm>>
    tpu.enqueue_indirect_dma source(%dma_start3A_359 : memref<10000x128xf32, #tpu.memory_space<hbm>>) target(%arg9 : memref<125x128xf32, #tpu.memory_space<vmem>>) offsets(%dma_start3A_356 : memref<125xi32, #tpu.memory_space<vmem>>) semaphore(%arg12 : memref<!tpu.dma_semaphore, #tpu.memory_space<semaphore_mem>>)
    %dma_wait3A_360 = arith.constant 1 : i32
    %dma_wait3A_361 = arith.constant 14 : i32
    %dma_wait3A_362 = arith.constant 0 : i32
    %dma_wait3A_363 = tpu.memref_slice %arg6[%dma_wait3A_360, %dma_wait3A_361, %dma_wait3A_362] : memref<2x16x125xi32, #tpu.memory_space<vmem>> -> memref<1x1x125xi32, #tpu.memory_space<vmem>>
    %dma_wait3A_364 = tpu.memref_squeeze %dma_wait3A_363 : memref<1x1x125xi32, #tpu.memory_space<vmem>> -> memref<125xi32, #tpu.memory_space<vmem>>
    %dma_wait3A_365 = arith.constant 0 : i32
    %dma_wait3A_366 = arith.constant 0 : i32
    %dma_wait3A_367 = tpu.memref_slice %arg4[%dma_wait3A_365, %dma_wait3A_366] : memref<10000x128xf32, #tpu.memory_space<hbm>> -> memref<10000x128xf32, #tpu.memory_space<hbm>>
    tpu.wait_indirect_dma semaphore(%arg11 : memref<!tpu.dma_semaphore, #tpu.memory_space<semaphore_mem>>) src(%dma_wait3A_367 : memref<10000x128xf32, #tpu.memory_space<hbm>>) dst(%arg8 : memref<125x128xf32, #tpu.memory_space<vmem>>)
    %run_scoped3A_368 = arith.constant 1 : i32
    %run_scoped3A_369 = arith.constant 14 : i32
    "tpu.region"() ({
      %run_scoped3A_454 = tpu.sem_alloc : memref<!tpu.dma_semaphore, #tpu.memory_space<semaphore_mem>>
      %dma_start3A_455 = arith.constant 0 : i32
      %dma_start3A_456 = tpu.memref_slice %arg7[%run_scoped3A_368, %run_scoped3A_369, %dma_start3A_455] : memref<2x16x125xi32, #tpu.memory_space<vmem>> -> memref<1x1x125xi32, #tpu.memory_space<vmem>>
      %dma_start3A_457 = tpu.memref_squeeze %dma_start3A_456 : memref<1x1x125xi32, #tpu.memory_space<vmem>> -> memref<125xi32, #tpu.memory_space<vmem>>
      %dma_start3A_458 = arith.constant 0 : i32
      %dma_start3A_459 = arith.constant 0 : i32
      %dma_start3A_460 = tpu.memref_slice %arg10[%dma_start3A_458, %dma_start3A_459] : memref<10000x128xf32, #tpu.memory_space<vmem_shared>> -> memref<10000x128xf32, #tpu.memory_space<vmem_shared>>
      tpu.enqueue_indirect_dma source(%arg8 : memref<125x128xf32, #tpu.memory_space<vmem>>) target(%dma_start3A_460 : memref<10000x128xf32, #tpu.memory_space<vmem_shared>>) offsets(%dma_start3A_457 : memref<125xi32, #tpu.memory_space<vmem>>) semaphore(%run_scoped3A_454 : memref<!tpu.dma_semaphore, #tpu.memory_space<semaphore_mem>>) {add = true}
      %dma_wait3A_461 = arith.constant 0 : i32
      %dma_wait3A_462 = tpu.memref_slice %arg7[%run_scoped3A_368, %run_scoped3A_369, %dma_wait3A_461] : memref<2x16x125xi32, #tpu.memory_space<vmem>> -> memref<1x1x125xi32, #tpu.memory_space<vmem>>
      %dma_wait3A_463 = tpu.memref_squeeze %dma_wait3A_462 : memref<1x1x125xi32, #tpu.memory_space<vmem>> -> memref<125xi32, #tpu.memory_space<vmem>>
      %dma_wait3A_464 = arith.constant 0 : i32
      %dma_wait3A_465 = arith.constant 0 : i32
      %dma_wait3A_466 = tpu.memref_slice %arg10[%dma_wait3A_464, %dma_wait3A_465] : memref<10000x128xf32, #tpu.memory_space<vmem_shared>> -> memref<10000x128xf32, #tpu.memory_space<vmem_shared>>
      tpu.wait_indirect_dma semaphore(%run_scoped3A_454 : memref<!tpu.dma_semaphore, #tpu.memory_space<semaphore_mem>>) src(%arg8 : memref<125x128xf32, #tpu.memory_space<vmem>>) dst(%dma_wait3A_466 : memref<10000x128xf32, #tpu.memory_space<vmem_shared>>)
      tpu.yield
    }) : () -> ()
    %dma_wait3A_370 = arith.constant 0 : i32
    %dma_wait3A_371 = arith.constant 0 : i32
    %dma_wait3A_372 = arith.constant 0 : i32
    %dma_wait3A_373 = tpu.memref_slice %arg6[%dma_wait3A_370, %dma_wait3A_371, %dma_wait3A_372] : memref<2x16x125xi32, #tpu.memory_space<vmem>> -> memref<1x16x125xi32, #tpu.memory_space<vmem>>
    %dma_wait3A_374 = tpu.memref_squeeze %dma_wait3A_373 : memref<1x16x125xi32, #tpu.memory_space<vmem>> -> memref<16x125xi32, #tpu.memory_space<vmem>>
    %dma_wait3A_375 = arith.constant 0 : i32
    %dma_wait3A_376 = tpu.memref_slice %arg2[%add3A_320, %dma_wait3A_375] : memref<2560x125xi32, #tpu.memory_space<hbm>> -> memref<16x125xi32, #tpu.memory_space<hbm>>
    %dma_wait3A_377 = arith.constant 0 : i32
    %dma_wait3A_378 = arith.constant 0 : i32
    %dma_wait3A_379 = tpu.memref_slice %arg6[%dma_wait3A_370, %dma_wait3A_377, %dma_wait3A_378] : memref<2x16x125xi32, #tpu.memory_space<vmem>> -> memref<1x16x125xi32, #tpu.memory_space<vmem>>
    %dma_wait3A_380 = tpu.memref_squeeze %dma_wait3A_379 : memref<1x16x125xi32, #tpu.memory_space<vmem>> -> memref<16x125xi32, #tpu.memory_space<vmem>>
    %dma_wait3A_381 = arith.constant 0 : i32
    %dma_wait3A_382 = tpu.memref_slice %arg2[%add3A_320, %dma_wait3A_381] : memref<2560x125xi32, #tpu.memory_space<hbm>> -> memref<16x125xi32, #tpu.memory_space<hbm>>
    tpu.wait_dma2 semaphore(%arg13 : memref<!tpu.dma_semaphore, #tpu.memory_space<semaphore_mem>>) src(%dma_wait3A_382 : memref<16x125xi32, #tpu.memory_space<hbm>>) dst(%dma_wait3A_380 : memref<16x125xi32, #tpu.memory_space<vmem>>)
    %dma_wait3A_383 = arith.constant 0 : i32
    %dma_wait3A_384 = arith.constant 0 : i32
    %dma_wait3A_385 = arith.constant 0 : i32
    %dma_wait3A_386 = tpu.memref_slice %arg7[%dma_wait3A_383, %dma_wait3A_384, %dma_wait3A_385] : memref<2x16x125xi32, #tpu.memory_space<vmem>> -> memref<1x16x125xi32, #tpu.memory_space<vmem>>
    %dma_wait3A_387 = tpu.memref_squeeze %dma_wait3A_386 : memref<1x16x125xi32, #tpu.memory_space<vmem>> -> memref<16x125xi32, #tpu.memory_space<vmem>>
    %dma_wait3A_388 = arith.constant 0 : i32
    %dma_wait3A_389 = tpu.memref_slice %arg3[%add3A_320, %dma_wait3A_388] : memref<2560x125xi32, #tpu.memory_space<hbm>> -> memref<16x125xi32, #tpu.memory_space<hbm>>
    %dma_wait3A_390 = arith.constant 0 : i32
    %dma_wait3A_391 = arith.constant 0 : i32
    %dma_wait3A_392 = tpu.memref_slice %arg7[%dma_wait3A_383, %dma_wait3A_390, %dma_wait3A_391] : memref<2x16x125xi32, #tpu.memory_space<vmem>> -> memref<1x16x125xi32, #tpu.memory_space<vmem>>
    %dma_wait3A_393 = tpu.memref_squeeze %dma_wait3A_392 : memref<1x16x125xi32, #tpu.memory_space<vmem>> -> memref<16x125xi32, #tpu.memory_space<vmem>>
    %dma_wait3A_394 = arith.constant 0 : i32
    %dma_wait3A_395 = tpu.memref_slice %arg3[%add3A_320, %dma_wait3A_394] : memref<2560x125xi32, #tpu.memory_space<hbm>> -> memref<16x125xi32, #tpu.memory_space<hbm>>
    tpu.wait_dma2 semaphore(%arg14 : memref<!tpu.dma_semaphore, #tpu.memory_space<semaphore_mem>>) src(%dma_wait3A_395 : memref<16x125xi32, #tpu.memory_space<hbm>>) dst(%dma_wait3A_393 : memref<16x125xi32, #tpu.memory_space<vmem>>)
    %dma_start3A_396 = arith.constant 0 : i32
    %dma_start3A_397 = arith.constant 0 : i32
    %dma_start3A_398 = arith.constant 0 : i32
    %dma_start3A_399 = tpu.memref_slice %arg6[%dma_start3A_396, %dma_start3A_397, %dma_start3A_398] : memref<2x16x125xi32, #tpu.memory_space<vmem>> -> memref<1x1x125xi32, #tpu.memory_space<vmem>>
    %dma_start3A_400 = tpu.memref_squeeze %dma_start3A_399 : memref<1x1x125xi32, #tpu.memory_space<vmem>> -> memref<125xi32, #tpu.memory_space<vmem>>
    %dma_start3A_401 = arith.constant 0 : i32
    %dma_start3A_402 = arith.constant 0 : i32
    %dma_start3A_403 = tpu.memref_slice %arg4[%dma_start3A_401, %dma_start3A_402] : memref<10000x128xf32, #tpu.memory_space<hbm>> -> memref<10000x128xf32, #tpu.memory_space<hbm>>
    tpu.enqueue_indirect_dma source(%dma_start3A_403 : memref<10000x128xf32, #tpu.memory_space<hbm>>) target(%arg8 : memref<125x128xf32, #tpu.memory_space<vmem>>) offsets(%dma_start3A_400 : memref<125xi32, #tpu.memory_space<vmem>>) semaphore(%arg11 : memref<!tpu.dma_semaphore, #tpu.memory_space<semaphore_mem>>)
    %dma_wait3A_404 = arith.constant 1 : i32
    %dma_wait3A_405 = arith.constant 15 : i32
    %dma_wait3A_406 = arith.constant 0 : i32
    %dma_wait3A_407 = tpu.memref_slice %arg6[%dma_wait3A_404, %dma_wait3A_405, %dma_wait3A_406] : memref<2x16x125xi32, #tpu.memory_space<vmem>> -> memref<1x1x125xi32, #tpu.memory_space<vmem>>
    %dma_wait3A_408 = tpu.memref_squeeze %dma_wait3A_407 : memref<1x1x125xi32, #tpu.memory_space<vmem>> -> memref<125xi32, #tpu.memory_space<vmem>>
    %dma_wait3A_409 = arith.constant 0 : i32
    %dma_wait3A_410 = arith.constant 0 : i32
    %dma_wait3A_411 = tpu.memref_slice %arg4[%dma_wait3A_409, %dma_wait3A_410] : memref<10000x128xf32, #tpu.memory_space<hbm>> -> memref<10000x128xf32, #tpu.memory_space<hbm>>
    tpu.wait_indirect_dma semaphore(%arg12 : memref<!tpu.dma_semaphore, #tpu.memory_space<semaphore_mem>>) src(%dma_wait3A_411 : memref<10000x128xf32, #tpu.memory_space<hbm>>) dst(%arg9 : memref<125x128xf32, #tpu.memory_space<vmem>>)
    %run_scoped3A_412 = arith.constant 1 : i32
    %run_scoped3A_413 = arith.constant 15 : i32
    "tpu.region"() ({
      %run_scoped3A_454 = tpu.sem_alloc : memref<!tpu.dma_semaphore, #tpu.memory_space<semaphore_mem>>
      %dma_start3A_455 = arith.constant 0 : i32
      %dma_start3A_456 = tpu.memref_slice %arg7[%run_scoped3A_412, %run_scoped3A_413, %dma_start3A_455] : memref<2x16x125xi32, #tpu.memory_space<vmem>> -> memref<1x1x125xi32, #tpu.memory_space<vmem>>
      %dma_start3A_457 = tpu.memref_squeeze %dma_start3A_456 : memref<1x1x125xi32, #tpu.memory_space<vmem>> -> memref<125xi32, #tpu.memory_space<vmem>>
      %dma_start3A_458 = arith.constant 0 : i32
      %dma_start3A_459 = arith.constant 0 : i32
      %dma_start3A_460 = tpu.memref_slice %arg10[%dma_start3A_458, %dma_start3A_459] : memref<10000x128xf32, #tpu.memory_space<vmem_shared>> -> memref<10000x128xf32, #tpu.memory_space<vmem_shared>>
      tpu.enqueue_indirect_dma source(%arg9 : memref<125x128xf32, #tpu.memory_space<vmem>>) target(%dma_start3A_460 : memref<10000x128xf32, #tpu.memory_space<vmem_shared>>) offsets(%dma_start3A_457 : memref<125xi32, #tpu.memory_space<vmem>>) semaphore(%run_scoped3A_454 : memref<!tpu.dma_semaphore, #tpu.memory_space<semaphore_mem>>) {add = true}
      %dma_wait3A_461 = arith.constant 0 : i32
      %dma_wait3A_462 = tpu.memref_slice %arg7[%run_scoped3A_412, %run_scoped3A_413, %dma_wait3A_461] : memref<2x16x125xi32, #tpu.memory_space<vmem>> -> memref<1x1x125xi32, #tpu.memory_space<vmem>>
      %dma_wait3A_463 = tpu.memref_squeeze %dma_wait3A_462 : memref<1x1x125xi32, #tpu.memory_space<vmem>> -> memref<125xi32, #tpu.memory_space<vmem>>
      %dma_wait3A_464 = arith.constant 0 : i32
      %dma_wait3A_465 = arith.constant 0 : i32
      %dma_wait3A_466 = tpu.memref_slice %arg10[%dma_wait3A_464, %dma_wait3A_465] : memref<10000x128xf32, #tpu.memory_space<vmem_shared>> -> memref<10000x128xf32, #tpu.memory_space<vmem_shared>>
      tpu.wait_indirect_dma semaphore(%run_scoped3A_454 : memref<!tpu.dma_semaphore, #tpu.memory_space<semaphore_mem>>) src(%arg9 : memref<125x128xf32, #tpu.memory_space<vmem>>) dst(%dma_wait3A_466 : memref<10000x128xf32, #tpu.memory_space<vmem_shared>>)
      tpu.yield
    }) : () -> ()
    %add3A_414 = arith.constant 80 : i32
    %add3A_415 = arith.addi %mul3A_2, %add3A_414 : i32
    %scan3A_416 = arith.constant 0 : i32
    %scan3A_417 = arith.constant 7 : i32
    %scan3A_418 = arith.addi %scan3A_416, %scan3A_417 : i32
    %scan3A_419 = arith.constant 1 : i32
    scf.for %scan3A_454 = %scan3A_416 to %scan3A_418 step %scan3A_419  : i32 {
      %mul3A_455 = arith.constant 2 : i32
      %mul3A_456 = arith.muli %scan3A_454, %mul3A_455 : i32
      %add3A_457 = arith.constant 0 : i32
      %add3A_458 = arith.addi %add3A_457, %mul3A_456 : i32
      %add3A_459 = arith.constant 1 : i32
      %add3A_460 = arith.addi %add3A_458, %add3A_459 : i32
      %dma_start3A_461 = arith.constant 0 : i32
      %dma_start3A_462 = arith.constant 0 : i32
      %dma_start3A_463 = tpu.memref_slice %arg6[%dma_start3A_461, %add3A_460, %dma_start3A_462] : memref<2x16x125xi32, #tpu.memory_space<vmem>> -> memref<1x1x125xi32, #tpu.memory_space<vmem>>
      %dma_start3A_464 = tpu.memref_squeeze %dma_start3A_463 : memref<1x1x125xi32, #tpu.memory_space<vmem>> -> memref<125xi32, #tpu.memory_space<vmem>>
      %dma_start3A_465 = arith.constant 0 : i32
      %dma_start3A_466 = arith.constant 0 : i32
      %dma_start3A_467 = tpu.memref_slice %arg4[%dma_start3A_465, %dma_start3A_466] : memref<10000x128xf32, #tpu.memory_space<hbm>> -> memref<10000x128xf32, #tpu.memory_space<hbm>>
      tpu.enqueue_indirect_dma source(%dma_start3A_467 : memref<10000x128xf32, #tpu.memory_space<hbm>>) target(%arg9 : memref<125x128xf32, #tpu.memory_space<vmem>>) offsets(%dma_start3A_464 : memref<125xi32, #tpu.memory_space<vmem>>) semaphore(%arg12 : memref<!tpu.dma_semaphore, #tpu.memory_space<semaphore_mem>>)
      %dma_wait3A_468 = arith.constant 0 : i32
      %dma_wait3A_469 = arith.constant 0 : i32
      %dma_wait3A_470 = tpu.memref_slice %arg6[%dma_wait3A_468, %add3A_458, %dma_wait3A_469] : memref<2x16x125xi32, #tpu.memory_space<vmem>> -> memref<1x1x125xi32, #tpu.memory_space<vmem>>
      %dma_wait3A_471 = tpu.memref_squeeze %dma_wait3A_470 : memref<1x1x125xi32, #tpu.memory_space<vmem>> -> memref<125xi32, #tpu.memory_space<vmem>>
      %dma_wait3A_472 = arith.constant 0 : i32
      %dma_wait3A_473 = arith.constant 0 : i32
      %dma_wait3A_474 = tpu.memref_slice %arg4[%dma_wait3A_472, %dma_wait3A_473] : memref<10000x128xf32, #tpu.memory_space<hbm>> -> memref<10000x128xf32, #tpu.memory_space<hbm>>
      tpu.wait_indirect_dma semaphore(%arg11 : memref<!tpu.dma_semaphore, #tpu.memory_space<semaphore_mem>>) src(%dma_wait3A_474 : memref<10000x128xf32, #tpu.memory_space<hbm>>) dst(%arg8 : memref<125x128xf32, #tpu.memory_space<vmem>>)
      %run_scoped3A_475 = arith.constant 0 : i32
      "tpu.region"() ({
        %run_scoped3A_497 = tpu.sem_alloc : memref<!tpu.dma_semaphore, #tpu.memory_space<semaphore_mem>>
        %dma_start3A_498 = arith.constant 0 : i32
        %dma_start3A_499 = tpu.memref_slice %arg7[%run_scoped3A_475, %add3A_458, %dma_start3A_498] : memref<2x16x125xi32, #tpu.memory_space<vmem>> -> memref<1x1x125xi32, #tpu.memory_space<vmem>>
        %dma_start3A_500 = tpu.memref_squeeze %dma_start3A_499 : memref<1x1x125xi32, #tpu.memory_space<vmem>> -> memref<125xi32, #tpu.memory_space<vmem>>
        %dma_start3A_501 = arith.constant 0 : i32
        %dma_start3A_502 = arith.constant 0 : i32
        %dma_start3A_503 = tpu.memref_slice %arg10[%dma_start3A_501, %dma_start3A_502] : memref<10000x128xf32, #tpu.memory_space<vmem_shared>> -> memref<10000x128xf32, #tpu.memory_space<vmem_shared>>
        tpu.enqueue_indirect_dma source(%arg8 : memref<125x128xf32, #tpu.memory_space<vmem>>) target(%dma_start3A_503 : memref<10000x128xf32, #tpu.memory_space<vmem_shared>>) offsets(%dma_start3A_500 : memref<125xi32, #tpu.memory_space<vmem>>) semaphore(%run_scoped3A_497 : memref<!tpu.dma_semaphore, #tpu.memory_space<semaphore_mem>>) {add = true}
        %dma_wait3A_504 = arith.constant 0 : i32
        %dma_wait3A_505 = tpu.memref_slice %arg7[%run_scoped3A_475, %add3A_458, %dma_wait3A_504] : memref<2x16x125xi32, #tpu.memory_space<vmem>> -> memref<1x1x125xi32, #tpu.memory_space<vmem>>
        %dma_wait3A_506 = tpu.memref_squeeze %dma_wait3A_505 : memref<1x1x125xi32, #tpu.memory_space<vmem>> -> memref<125xi32, #tpu.memory_space<vmem>>
        %dma_wait3A_507 = arith.constant 0 : i32
        %dma_wait3A_508 = arith.constant 0 : i32
        %dma_wait3A_509 = tpu.memref_slice %arg10[%dma_wait3A_507, %dma_wait3A_508] : memref<10000x128xf32, #tpu.memory_space<vmem_shared>> -> memref<10000x128xf32, #tpu.memory_space<vmem_shared>>
        tpu.wait_indirect_dma semaphore(%run_scoped3A_497 : memref<!tpu.dma_semaphore, #tpu.memory_space<semaphore_mem>>) src(%arg8 : memref<125x128xf32, #tpu.memory_space<vmem>>) dst(%dma_wait3A_509 : memref<10000x128xf32, #tpu.memory_space<vmem_shared>>)
        tpu.yield
      }) : () -> ()
      %add3A_476 = arith.constant 2 : i32
      %add3A_477 = arith.addi %add3A_458, %add3A_476 : i32
      %dma_start3A_478 = arith.constant 0 : i32
      %dma_start3A_479 = arith.constant 0 : i32
      %dma_start3A_480 = tpu.memref_slice %arg6[%dma_start3A_478, %add3A_477, %dma_start3A_479] : memref<2x16x125xi32, #tpu.memory_space<vmem>> -> memref<1x1x125xi32, #tpu.memory_space<vmem>>
      %dma_start3A_481 = tpu.memref_squeeze %dma_start3A_480 : memref<1x1x125xi32, #tpu.memory_space<vmem>> -> memref<125xi32, #tpu.memory_space<vmem>>
      %dma_start3A_482 = arith.constant 0 : i32
      %dma_start3A_483 = arith.constant 0 : i32
      %dma_start3A_484 = tpu.memref_slice %arg4[%dma_start3A_482, %dma_start3A_483] : memref<10000x128xf32, #tpu.memory_space<hbm>> -> memref<10000x128xf32, #tpu.memory_space<hbm>>
      tpu.enqueue_indirect_dma source(%dma_start3A_484 : memref<10000x128xf32, #tpu.memory_space<hbm>>) target(%arg8 : memref<125x128xf32, #tpu.memory_space<vmem>>) offsets(%dma_start3A_481 : memref<125xi32, #tpu.memory_space<vmem>>) semaphore(%arg11 : memref<!tpu.dma_semaphore, #tpu.memory_space<semaphore_mem>>)
      %add3A_485 = arith.constant 1 : i32
      %add3A_486 = arith.addi %add3A_458, %add3A_485 : i32
      %dma_wait3A_487 = arith.constant 0 : i32
      %dma_wait3A_488 = arith.constant 0 : i32
      %dma_wait3A_489 = tpu.memref_slice %arg6[%dma_wait3A_487, %add3A_486, %dma_wait3A_488] : memref<2x16x125xi32, #tpu.memory_space<vmem>> -> memref<1x1x125xi32, #tpu.memory_space<vmem>>
      %dma_wait3A_490 = tpu.memref_squeeze %dma_wait3A_489 : memref<1x1x125xi32, #tpu.memory_space<vmem>> -> memref<125xi32, #tpu.memory_space<vmem>>
      %dma_wait3A_491 = arith.constant 0 : i32
      %dma_wait3A_492 = arith.constant 0 : i32
      %dma_wait3A_493 = tpu.memref_slice %arg4[%dma_wait3A_491, %dma_wait3A_492] : memref<10000x128xf32, #tpu.memory_space<hbm>> -> memref<10000x128xf32, #tpu.memory_space<hbm>>
      tpu.wait_indirect_dma semaphore(%arg12 : memref<!tpu.dma_semaphore, #tpu.memory_space<semaphore_mem>>) src(%dma_wait3A_493 : memref<10000x128xf32, #tpu.memory_space<hbm>>) dst(%arg9 : memref<125x128xf32, #tpu.memory_space<vmem>>)
      %add3A_494 = arith.constant 1 : i32
      %add3A_495 = arith.addi %add3A_458, %add3A_494 : i32
      %run_scoped3A_496 = arith.constant 0 : i32
      "tpu.region"() ({
        %run_scoped3A_497 = tpu.sem_alloc : memref<!tpu.dma_semaphore, #tpu.memory_space<semaphore_mem>>
        %dma_start3A_498 = arith.constant 0 : i32
        %dma_start3A_499 = tpu.memref_slice %arg7[%run_scoped3A_496, %add3A_495, %dma_start3A_498] : memref<2x16x125xi32, #tpu.memory_space<vmem>> -> memref<1x1x125xi32, #tpu.memory_space<vmem>>
        %dma_start3A_500 = tpu.memref_squeeze %dma_start3A_499 : memref<1x1x125xi32, #tpu.memory_space<vmem>> -> memref<125xi32, #tpu.memory_space<vmem>>
        %dma_start3A_501 = arith.constant 0 : i32
        %dma_start3A_502 = arith.constant 0 : i32
        %dma_start3A_503 = tpu.memref_slice %arg10[%dma_start3A_501, %dma_start3A_502] : memref<10000x128xf32, #tpu.memory_space<vmem_shared>> -> memref<10000x128xf32, #tpu.memory_space<vmem_shared>>
        tpu.enqueue_indirect_dma source(%arg9 : memref<125x128xf32, #tpu.memory_space<vmem>>) target(%dma_start3A_503 : memref<10000x128xf32, #tpu.memory_space<vmem_shared>>) offsets(%dma_start3A_500 : memref<125xi32, #tpu.memory_space<vmem>>) semaphore(%run_scoped3A_497 : memref<!tpu.dma_semaphore, #tpu.memory_space<semaphore_mem>>) {add = true}
        %dma_wait3A_504 = arith.constant 0 : i32
        %dma_wait3A_505 = tpu.memref_slice %arg7[%run_scoped3A_496, %add3A_495, %dma_wait3A_504] : memref<2x16x125xi32, #tpu.memory_space<vmem>> -> memref<1x1x125xi32, #tpu.memory_space<vmem>>
        %dma_wait3A_506 = tpu.memref_squeeze %dma_wait3A_505 : memref<1x1x125xi32, #tpu.memory_space<vmem>> -> memref<125xi32, #tpu.memory_space<vmem>>
        %dma_wait3A_507 = arith.constant 0 : i32
        %dma_wait3A_508 = arith.constant 0 : i32
        %dma_wait3A_509 = tpu.memref_slice %arg10[%dma_wait3A_507, %dma_wait3A_508] : memref<10000x128xf32, #tpu.memory_space<vmem_shared>> -> memref<10000x128xf32, #tpu.memory_space<vmem_shared>>
        tpu.wait_indirect_dma semaphore(%run_scoped3A_497 : memref<!tpu.dma_semaphore, #tpu.memory_space<semaphore_mem>>) src(%arg9 : memref<125x128xf32, #tpu.memory_space<vmem>>) dst(%dma_wait3A_509 : memref<10000x128xf32, #tpu.memory_space<vmem_shared>>)
        tpu.yield
      }) : () -> ()
    }
    %scan3A_420 = arith.constant 7 : i32
    %dma_start3A_421 = arith.constant 0 : i32
    %dma_start3A_422 = arith.constant 15 : i32
    %dma_start3A_423 = arith.constant 0 : i32
    %dma_start3A_424 = tpu.memref_slice %arg6[%dma_start3A_421, %dma_start3A_422, %dma_start3A_423] : memref<2x16x125xi32, #tpu.memory_space<vmem>> -> memref<1x1x125xi32, #tpu.memory_space<vmem>>
    %dma_start3A_425 = tpu.memref_squeeze %dma_start3A_424 : memref<1x1x125xi32, #tpu.memory_space<vmem>> -> memref<125xi32, #tpu.memory_space<vmem>>
    %dma_start3A_426 = arith.constant 0 : i32
    %dma_start3A_427 = arith.constant 0 : i32
    %dma_start3A_428 = tpu.memref_slice %arg4[%dma_start3A_426, %dma_start3A_427] : memref<10000x128xf32, #tpu.memory_space<hbm>> -> memref<10000x128xf32, #tpu.memory_space<hbm>>
    tpu.enqueue_indirect_dma source(%dma_start3A_428 : memref<10000x128xf32, #tpu.memory_space<hbm>>) target(%arg9 : memref<125x128xf32, #tpu.memory_space<vmem>>) offsets(%dma_start3A_425 : memref<125xi32, #tpu.memory_space<vmem>>) semaphore(%arg12 : memref<!tpu.dma_semaphore, #tpu.memory_space<semaphore_mem>>)
    %dma_wait3A_429 = arith.constant 0 : i32
    %dma_wait3A_430 = arith.constant 14 : i32
    %dma_wait3A_431 = arith.constant 0 : i32
    %dma_wait3A_432 = tpu.memref_slice %arg6[%dma_wait3A_429, %dma_wait3A_430, %dma_wait3A_431] : memref<2x16x125xi32, #tpu.memory_space<vmem>> -> memref<1x1x125xi32, #tpu.memory_space<vmem>>
    %dma_wait3A_433 = tpu.memref_squeeze %dma_wait3A_432 : memref<1x1x125xi32, #tpu.memory_space<vmem>> -> memref<125xi32, #tpu.memory_space<vmem>>
    %dma_wait3A_434 = arith.constant 0 : i32
    %dma_wait3A_435 = arith.constant 0 : i32
    %dma_wait3A_436 = tpu.memref_slice %arg4[%dma_wait3A_434, %dma_wait3A_435] : memref<10000x128xf32, #tpu.memory_space<hbm>> -> memref<10000x128xf32, #tpu.memory_space<hbm>>
    tpu.wait_indirect_dma semaphore(%arg11 : memref<!tpu.dma_semaphore, #tpu.memory_space<semaphore_mem>>) src(%dma_wait3A_436 : memref<10000x128xf32, #tpu.memory_space<hbm>>) dst(%arg8 : memref<125x128xf32, #tpu.memory_space<vmem>>)
    %run_scoped3A_437 = arith.constant 0 : i32
    %run_scoped3A_438 = arith.constant 14 : i32
    "tpu.region"() ({
      %run_scoped3A_454 = tpu.sem_alloc : memref<!tpu.dma_semaphore, #tpu.memory_space<semaphore_mem>>
      %dma_start3A_455 = arith.constant 0 : i32
      %dma_start3A_456 = tpu.memref_slice %arg7[%run_scoped3A_437, %run_scoped3A_438, %dma_start3A_455] : memref<2x16x125xi32, #tpu.memory_space<vmem>> -> memref<1x1x125xi32, #tpu.memory_space<vmem>>
      %dma_start3A_457 = tpu.memref_squeeze %dma_start3A_456 : memref<1x1x125xi32, #tpu.memory_space<vmem>> -> memref<125xi32, #tpu.memory_space<vmem>>
      %dma_start3A_458 = arith.constant 0 : i32
      %dma_start3A_459 = arith.constant 0 : i32
      %dma_start3A_460 = tpu.memref_slice %arg10[%dma_start3A_458, %dma_start3A_459] : memref<10000x128xf32, #tpu.memory_space<vmem_shared>> -> memref<10000x128xf32, #tpu.memory_space<vmem_shared>>
      tpu.enqueue_indirect_dma source(%arg8 : memref<125x128xf32, #tpu.memory_space<vmem>>) target(%dma_start3A_460 : memref<10000x128xf32, #tpu.memory_space<vmem_shared>>) offsets(%dma_start3A_457 : memref<125xi32, #tpu.memory_space<vmem>>) semaphore(%run_scoped3A_454 : memref<!tpu.dma_semaphore, #tpu.memory_space<semaphore_mem>>) {add = true}
      %dma_wait3A_461 = arith.constant 0 : i32
      %dma_wait3A_462 = tpu.memref_slice %arg7[%run_scoped3A_437, %run_scoped3A_438, %dma_wait3A_461] : memref<2x16x125xi32, #tpu.memory_space<vmem>> -> memref<1x1x125xi32, #tpu.memory_space<vmem>>
      %dma_wait3A_463 = tpu.memref_squeeze %dma_wait3A_462 : memref<1x1x125xi32, #tpu.memory_space<vmem>> -> memref<125xi32, #tpu.memory_space<vmem>>
      %dma_wait3A_464 = arith.constant 0 : i32
      %dma_wait3A_465 = arith.constant 0 : i32
      %dma_wait3A_466 = tpu.memref_slice %arg10[%dma_wait3A_464, %dma_wait3A_465] : memref<10000x128xf32, #tpu.memory_space<vmem_shared>> -> memref<10000x128xf32, #tpu.memory_space<vmem_shared>>
      tpu.wait_indirect_dma semaphore(%run_scoped3A_454 : memref<!tpu.dma_semaphore, #tpu.memory_space<semaphore_mem>>) src(%arg8 : memref<125x128xf32, #tpu.memory_space<vmem>>) dst(%dma_wait3A_466 : memref<10000x128xf32, #tpu.memory_space<vmem_shared>>)
      tpu.yield
    }) : () -> ()
    %dma_wait3A_439 = arith.constant 0 : i32
    %dma_wait3A_440 = arith.constant 15 : i32
    %dma_wait3A_441 = arith.constant 0 : i32
    %dma_wait3A_442 = tpu.memref_slice %arg6[%dma_wait3A_439, %dma_wait3A_440, %dma_wait3A_441] : memref<2x16x125xi32, #tpu.memory_space<vmem>> -> memref<1x1x125xi32, #tpu.memory_space<vmem>>
    %dma_wait3A_443 = tpu.memref_squeeze %dma_wait3A_442 : memref<1x1x125xi32, #tpu.memory_space<vmem>> -> memref<125xi32, #tpu.memory_space<vmem>>
    %dma_wait3A_444 = arith.constant 0 : i32
    %dma_wait3A_445 = arith.constant 0 : i32
    %dma_wait3A_446 = tpu.memref_slice %arg4[%dma_wait3A_444, %dma_wait3A_445] : memref<10000x128xf32, #tpu.memory_space<hbm>> -> memref<10000x128xf32, #tpu.memory_space<hbm>>
    tpu.wait_indirect_dma semaphore(%arg12 : memref<!tpu.dma_semaphore, #tpu.memory_space<semaphore_mem>>) src(%dma_wait3A_446 : memref<10000x128xf32, #tpu.memory_space<hbm>>) dst(%arg9 : memref<125x128xf32, #tpu.memory_space<vmem>>)
    %run_scoped3A_447 = arith.constant 0 : i32
    %run_scoped3A_448 = arith.constant 15 : i32
    "tpu.region"() ({
      %run_scoped3A_454 = tpu.sem_alloc : memref<!tpu.dma_semaphore, #tpu.memory_space<semaphore_mem>>
      %dma_start3A_455 = arith.constant 0 : i32
      %dma_start3A_456 = tpu.memref_slice %arg7[%run_scoped3A_447, %run_scoped3A_448, %dma_start3A_455] : memref<2x16x125xi32, #tpu.memory_space<vmem>> -> memref<1x1x125xi32, #tpu.memory_space<vmem>>
      %dma_start3A_457 = tpu.memref_squeeze %dma_start3A_456 : memref<1x1x125xi32, #tpu.memory_space<vmem>> -> memref<125xi32, #tpu.memory_space<vmem>>
      %dma_start3A_458 = arith.constant 0 : i32
      %dma_start3A_459 = arith.constant 0 : i32
      %dma_start3A_460 = tpu.memref_slice %arg10[%dma_start3A_458, %dma_start3A_459] : memref<10000x128xf32, #tpu.memory_space<vmem_shared>> -> memref<10000x128xf32, #tpu.memory_space<vmem_shared>>
      tpu.enqueue_indirect_dma source(%arg9 : memref<125x128xf32, #tpu.memory_space<vmem>>) target(%dma_start3A_460 : memref<10000x128xf32, #tpu.memory_space<vmem_shared>>) offsets(%dma_start3A_457 : memref<125xi32, #tpu.memory_space<vmem>>) semaphore(%run_scoped3A_454 : memref<!tpu.dma_semaphore, #tpu.memory_space<semaphore_mem>>) {add = true}
      %dma_wait3A_461 = arith.constant 0 : i32
      %dma_wait3A_462 = tpu.memref_slice %arg7[%run_scoped3A_447, %run_scoped3A_448, %dma_wait3A_461] : memref<2x16x125xi32, #tpu.memory_space<vmem>> -> memref<1x1x125xi32, #tpu.memory_space<vmem>>
      %dma_wait3A_463 = tpu.memref_squeeze %dma_wait3A_462 : memref<1x1x125xi32, #tpu.memory_space<vmem>> -> memref<125xi32, #tpu.memory_space<vmem>>
      %dma_wait3A_464 = arith.constant 0 : i32
      %dma_wait3A_465 = arith.constant 0 : i32
      %dma_wait3A_466 = tpu.memref_slice %arg10[%dma_wait3A_464, %dma_wait3A_465] : memref<10000x128xf32, #tpu.memory_space<vmem_shared>> -> memref<10000x128xf32, #tpu.memory_space<vmem_shared>>
      tpu.wait_indirect_dma semaphore(%run_scoped3A_454 : memref<!tpu.dma_semaphore, #tpu.memory_space<semaphore_mem>>) src(%arg9 : memref<125x128xf32, #tpu.memory_space<vmem>>) dst(%dma_wait3A_466 : memref<10000x128xf32, #tpu.memory_space<vmem_shared>>)
      tpu.yield
    }) : () -> ()
    %barrier3A_449 = arith.constant 0 : index
    tpu.barrier barrier_id(%barrier3A_449)
    %mul3A_450 = arith.constant 625 : i32
    %mul3A_451 = arith.muli %arg1, %mul3A_450 : i32
    %mul3A_452 = arith.constant 625 : i32
    %mul3A_453 = arith.muli %arg1, %mul3A_452 : i32
    "tpu.region"() ({
      %run_scoped3A_454 = tpu.sem_alloc : memref<!tpu.dma_semaphore, #tpu.memory_space<semaphore_mem>>
      %dma_start3A_455 = arith.constant 0 : i32
      %dma_start3A_456 = tpu.memref_slice %arg5[%arg0, %mul3A_453, %dma_start3A_455] : memref<2x10000x128xf32, #tpu.memory_space<hbm>> -> memref<1x625x128xf32, #tpu.memory_space<hbm>>
      %dma_start3A_457 = tpu.memref_squeeze %dma_start3A_456 : memref<1x625x128xf32, #tpu.memory_space<hbm>> -> memref<625x128xf32, #tpu.memory_space<hbm>>
      %dma_start3A_458 = arith.constant 0 : i32
      %dma_start3A_459 = tpu.memref_slice %arg10[%mul3A_451, %dma_start3A_458] : memref<10000x128xf32, #tpu.memory_space<vmem_shared>> -> memref<625x128xf32, #tpu.memory_space<vmem_shared>>
      tpu.enqueue_dma source(%dma_start3A_459 : memref<625x128xf32, #tpu.memory_space<vmem_shared>>) target(%dma_start3A_457 : memref<625x128xf32, #tpu.memory_space<hbm>>) target_semaphore(%run_scoped3A_454 : memref<!tpu.dma_semaphore, #tpu.memory_space<semaphore_mem>>)
      %dma_wait3A_460 = arith.constant 0 : i32
      %dma_wait3A_461 = tpu.memref_slice %arg5[%arg0, %mul3A_453, %dma_wait3A_460] : memref<2x10000x128xf32, #tpu.memory_space<hbm>> -> memref<1x625x128xf32, #tpu.memory_space<hbm>>
      %dma_wait3A_462 = tpu.memref_squeeze %dma_wait3A_461 : memref<1x625x128xf32, #tpu.memory_space<hbm>> -> memref<625x128xf32, #tpu.memory_space<hbm>>
      %dma_wait3A_463 = arith.constant 0 : i32
      %dma_wait3A_464 = tpu.memref_slice %arg10[%mul3A_451, %dma_wait3A_463] : memref<10000x128xf32, #tpu.memory_space<vmem_shared>> -> memref<625x128xf32, #tpu.memory_space<vmem_shared>>
      tpu.wait_dma2 semaphore(%run_scoped3A_454 : memref<!tpu.dma_semaphore, #tpu.memory_space<semaphore_mem>>) src(%dma_wait3A_464 : memref<625x128xf32, #tpu.memory_space<vmem_shared>>) dst(%dma_wait3A_462 : memref<625x128xf32, #tpu.memory_space<hbm>>)
      tpu.yield
    }) : () -> ()
    return
  }
}

#map = affine_map<(d0, d1) -> (0, 0)>
#map1 = affine_map<(d0, d1) -> (0, 0, 0)>
module attributes {stable_mosaic.version = 14 : i64} {
  func.func @_sc_scatter_l2f(%arg0: i32, %arg1: i32, %arg2: memref<640x500xi32, #tpu.memory_space<hbm>>, %arg3: memref<640x500xi32, #tpu.memory_space<hbm>>, %arg4: memref<2x10000x32xf32, #tpu.memory_space<hbm>>, %arg5: memref<10000x16xf32, #tpu.memory_space<hbm>>, %arg6: memref<1x64xf32, #tpu.memory_space<hbm>>, %arg7: memref<10000x64xf32, #tpu.memory_space<hbm>>, %arg8: memref<40x500xi32, #tpu.memory_space<vmem>>, %arg9: memref<40x500xi32, #tpu.memory_space<vmem>>, %arg10: memref<500x32xf32, #tpu.memory_space<vmem>>, %arg11: memref<500x32xf32, #tpu.memory_space<vmem>>, %arg12: memref<500x16xf32, #tpu.memory_space<vmem>>, %arg13: memref<32xf32, #tpu.memory_space<vmem>>, %arg14: memref<10000x32xf32, #tpu.memory_space<vmem_shared>>, %arg15: memref<!tpu.dma_semaphore, #tpu.memory_space<semaphore_mem>>, %arg16: memref<!tpu.dma_semaphore, #tpu.memory_space<semaphore_mem>>) attributes {dimension_semantics = [#tpu.dimension_semantics<core_parallel>, #tpu.dimension_semantics<subcore_parallel>], iteration_bounds = array<i64: 2, 16>, scalar_prefetch = 0 : i64, scratch_operands = 9 : i64, tpu.core_type = #tpu.core_type<sc_vector_subcore>, window_params = [{transform_indices = #map}, {transform_indices = #map}, {transform_indices = #map1}, {transform_indices = #map}, {transform_indices = #map}, {transform_indices = #map}]} {
    %mul3A = arith.constant 40 : i32
    %mul3A_0 = arith.muli %arg1, %mul3A : i32
    "tpu.region"() ({
      %run_scoped3A_84 = tpu.sem_alloc : memref<!tpu.dma_semaphore, #tpu.memory_space<semaphore_mem>>
      %dma_start3A_85 = arith.constant 0 : i32
      %dma_start3A_86 = tpu.memref_slice %arg2[%mul3A_0, %dma_start3A_85] : memref<640x500xi32, #tpu.memory_space<hbm>> -> memref<40x500xi32, #tpu.memory_space<hbm>>
      %dma_start3A_87 = arith.constant 0 : i32
      %dma_start3A_88 = tpu.memref_slice %arg2[%mul3A_0, %dma_start3A_87] : memref<640x500xi32, #tpu.memory_space<hbm>> -> memref<40x500xi32, #tpu.memory_space<hbm>>
      tpu.enqueue_dma source(%dma_start3A_88 : memref<40x500xi32, #tpu.memory_space<hbm>>) target(%arg8 : memref<40x500xi32, #tpu.memory_space<vmem>>) target_semaphore(%run_scoped3A_84 : memref<!tpu.dma_semaphore, #tpu.memory_space<semaphore_mem>>)
      %dma_wait3A_89 = arith.constant 0 : i32
      %dma_wait3A_90 = tpu.memref_slice %arg2[%mul3A_0, %dma_wait3A_89] : memref<640x500xi32, #tpu.memory_space<hbm>> -> memref<40x500xi32, #tpu.memory_space<hbm>>
      %dma_wait3A_91 = arith.constant 0 : i32
      %dma_wait3A_92 = tpu.memref_slice %arg2[%mul3A_0, %dma_wait3A_91] : memref<640x500xi32, #tpu.memory_space<hbm>> -> memref<40x500xi32, #tpu.memory_space<hbm>>
      tpu.wait_dma2 semaphore(%run_scoped3A_84 : memref<!tpu.dma_semaphore, #tpu.memory_space<semaphore_mem>>) src(%dma_wait3A_92 : memref<40x500xi32, #tpu.memory_space<hbm>>) dst(%arg8 : memref<40x500xi32, #tpu.memory_space<vmem>>)
      tpu.yield
    }) : () -> ()
    "tpu.region"() ({
      %run_scoped3A_84 = tpu.sem_alloc : memref<!tpu.dma_semaphore, #tpu.memory_space<semaphore_mem>>
      %dma_start3A_85 = arith.constant 0 : i32
      %dma_start3A_86 = tpu.memref_slice %arg3[%mul3A_0, %dma_start3A_85] : memref<640x500xi32, #tpu.memory_space<hbm>> -> memref<40x500xi32, #tpu.memory_space<hbm>>
      %dma_start3A_87 = arith.constant 0 : i32
      %dma_start3A_88 = tpu.memref_slice %arg3[%mul3A_0, %dma_start3A_87] : memref<640x500xi32, #tpu.memory_space<hbm>> -> memref<40x500xi32, #tpu.memory_space<hbm>>
      tpu.enqueue_dma source(%dma_start3A_88 : memref<40x500xi32, #tpu.memory_space<hbm>>) target(%arg9 : memref<40x500xi32, #tpu.memory_space<vmem>>) target_semaphore(%run_scoped3A_84 : memref<!tpu.dma_semaphore, #tpu.memory_space<semaphore_mem>>)
      %dma_wait3A_89 = arith.constant 0 : i32
      %dma_wait3A_90 = tpu.memref_slice %arg3[%mul3A_0, %dma_wait3A_89] : memref<640x500xi32, #tpu.memory_space<hbm>> -> memref<40x500xi32, #tpu.memory_space<hbm>>
      %dma_wait3A_91 = arith.constant 0 : i32
      %dma_wait3A_92 = tpu.memref_slice %arg3[%mul3A_0, %dma_wait3A_91] : memref<640x500xi32, #tpu.memory_space<hbm>> -> memref<40x500xi32, #tpu.memory_space<hbm>>
      tpu.wait_dma2 semaphore(%run_scoped3A_84 : memref<!tpu.dma_semaphore, #tpu.memory_space<semaphore_mem>>) src(%dma_wait3A_92 : memref<40x500xi32, #tpu.memory_space<hbm>>) dst(%arg9 : memref<40x500xi32, #tpu.memory_space<vmem>>)
      tpu.yield
    }) : () -> ()
    %mul3A_1 = arith.constant 32 : i32
    %mul3A_2 = arith.muli %arg0, %mul3A_1 : i32
    %run_scoped3A = arith.constant 0 : i32
    "tpu.region"() ({
      %run_scoped3A_84 = tpu.sem_alloc : memref<!tpu.dma_semaphore, #tpu.memory_space<semaphore_mem>>
      %dma_start3A_85 = tpu.memref_slice %arg6[%run_scoped3A, %mul3A_2] : memref<1x64xf32, #tpu.memory_space<hbm>> -> memref<1x32xf32, #tpu.memory_space<hbm>>
      %dma_start3A_86 = tpu.memref_squeeze %dma_start3A_85 : memref<1x32xf32, #tpu.memory_space<hbm>> -> memref<32xf32, #tpu.memory_space<hbm>>
      %dma_start3A_87 = tpu.memref_slice %arg6[%run_scoped3A, %mul3A_2] : memref<1x64xf32, #tpu.memory_space<hbm>> -> memref<1x32xf32, #tpu.memory_space<hbm>>
      %dma_start3A_88 = tpu.memref_squeeze %dma_start3A_87 : memref<1x32xf32, #tpu.memory_space<hbm>> -> memref<32xf32, #tpu.memory_space<hbm>>
      tpu.enqueue_dma source(%dma_start3A_88 : memref<32xf32, #tpu.memory_space<hbm>>) target(%arg13 : memref<32xf32, #tpu.memory_space<vmem>>) target_semaphore(%run_scoped3A_84 : memref<!tpu.dma_semaphore, #tpu.memory_space<semaphore_mem>>)
      %dma_wait3A_89 = tpu.memref_slice %arg6[%run_scoped3A, %mul3A_2] : memref<1x64xf32, #tpu.memory_space<hbm>> -> memref<1x32xf32, #tpu.memory_space<hbm>>
      %dma_wait3A_90 = tpu.memref_squeeze %dma_wait3A_89 : memref<1x32xf32, #tpu.memory_space<hbm>> -> memref<32xf32, #tpu.memory_space<hbm>>
      %dma_wait3A_91 = tpu.memref_slice %arg6[%run_scoped3A, %mul3A_2] : memref<1x64xf32, #tpu.memory_space<hbm>> -> memref<1x32xf32, #tpu.memory_space<hbm>>
      %dma_wait3A_92 = tpu.memref_squeeze %dma_wait3A_91 : memref<1x32xf32, #tpu.memory_space<hbm>> -> memref<32xf32, #tpu.memory_space<hbm>>
      tpu.wait_dma2 semaphore(%run_scoped3A_84 : memref<!tpu.dma_semaphore, #tpu.memory_space<semaphore_mem>>) src(%dma_wait3A_92 : memref<32xf32, #tpu.memory_space<hbm>>) dst(%arg13 : memref<32xf32, #tpu.memory_space<vmem>>)
      tpu.yield
    }) : () -> ()
    %scan3A = arith.constant 0 : i32
    %scan3A_3 = arith.constant 500 : i32
    %scan3A_4 = arith.addi %scan3A, %scan3A_3 : i32
    %scan3A_5 = arith.constant 1 : i32
    scf.for %scan3A_84 = %scan3A to %scan3A_4 step %scan3A_5  : i32 {
      %mul3A_85 = arith.constant 1 : i32
      %mul3A_86 = arith.muli %scan3A_84, %mul3A_85 : i32
      %add3A_87 = arith.constant 0 : i32
      %add3A_88 = arith.addi %add3A_87, %mul3A_86 : i32
      %broadcast_in_dim3A = arith.constant 0.000000e+00 : f32
      %broadcast_in_dim3A_89 = vector.broadcast %broadcast_in_dim3A : f32 to vector<16xf32>
      %swap3A = arith.index_cast %add3A_88 : i32 to index
      %swap3A_90 = arith.constant 0 : index
      %swap3A_91 = tpu.vector_load %arg10[%swap3A, %swap3A_90] {strides = array<i32>} : memref<500x32xf32, #tpu.memory_space<vmem>>, vector<16xf32>,
      tpu.vector_store %arg10[%swap3A, %swap3A_90], %broadcast_in_dim3A_89 {strides = array<i32>} : memref<500x32xf32, #tpu.memory_space<vmem>>, vector<16xf32>,
      %broadcast_in_dim3A_92 = arith.constant 0.000000e+00 : f32
      %broadcast_in_dim3A_93 = vector.broadcast %broadcast_in_dim3A_92 : f32 to vector<16xf32>
      %swap3A_94 = arith.index_cast %add3A_88 : i32 to index
      %swap3A_95 = arith.constant 16 : index
      %swap3A_96 = tpu.vector_load %arg10[%swap3A_94, %swap3A_95] {strides = array<i32>} : memref<500x32xf32, #tpu.memory_space<vmem>>, vector<16xf32>,
      tpu.vector_store %arg10[%swap3A_94, %swap3A_95], %broadcast_in_dim3A_93 {strides = array<i32>} : memref<500x32xf32, #tpu.memory_space<vmem>>, vector<16xf32>,
    }
    %scan3A_6 = arith.constant 500 : i32
    %mul3A_7 = arith.constant 625 : i32
    %mul3A_8 = arith.muli %arg1, %mul3A_7 : i32
    "tpu.region"() ({
      %run_scoped3A_84 = tpu.sem_alloc : memref<!tpu.dma_semaphore, #tpu.memory_space<semaphore_mem>>
      %dma_start3A_85 = arith.constant 0 : i32
      %dma_start3A_86 = tpu.memref_slice %arg14[%mul3A_8, %dma_start3A_85] : memref<10000x32xf32, #tpu.memory_space<vmem_shared>> -> memref<500x32xf32, #tpu.memory_space<vmem_shared>>
      %dma_start3A_87 = arith.constant 0 : i32
      %dma_start3A_88 = tpu.memref_slice %arg14[%mul3A_8, %dma_start3A_87] : memref<10000x32xf32, #tpu.memory_space<vmem_shared>> -> memref<500x32xf32, #tpu.memory_space<vmem_shared>>
      tpu.enqueue_dma source(%arg10 : memref<500x32xf32, #tpu.memory_space<vmem>>) target(%dma_start3A_88 : memref<500x32xf32, #tpu.memory_space<vmem_shared>>) target_semaphore(%run_scoped3A_84 : memref<!tpu.dma_semaphore, #tpu.memory_space<semaphore_mem>>)
      %dma_wait3A_89 = arith.constant 0 : i32
      %dma_wait3A_90 = tpu.memref_slice %arg14[%mul3A_8, %dma_wait3A_89] : memref<10000x32xf32, #tpu.memory_space<vmem_shared>> -> memref<500x32xf32, #tpu.memory_space<vmem_shared>>
      %dma_wait3A_91 = arith.constant 0 : i32
      %dma_wait3A_92 = tpu.memref_slice %arg14[%mul3A_8, %dma_wait3A_91] : memref<10000x32xf32, #tpu.memory_space<vmem_shared>> -> memref<500x32xf32, #tpu.memory_space<vmem_shared>>
      tpu.wait_dma2 semaphore(%run_scoped3A_84 : memref<!tpu.dma_semaphore, #tpu.memory_space<semaphore_mem>>) src(%arg10 : memref<500x32xf32, #tpu.memory_space<vmem>>) dst(%dma_wait3A_92 : memref<500x32xf32, #tpu.memory_space<vmem_shared>>)
      tpu.yield
    }) : () -> ()
    %mul3A_9 = arith.constant 625 : i32
    %mul3A_10 = arith.muli %arg1, %mul3A_9 : i32
    %add3A = arith.constant 500 : i32
    %add3A_11 = arith.addi %mul3A_10, %add3A : i32
    "tpu.region"() ({
      %run_scoped3A_84 = tpu.sem_alloc : memref<!tpu.dma_semaphore, #tpu.memory_space<semaphore_mem>>
      %dma_start3A_85 = arith.constant 0 : i32
      %dma_start3A_86 = arith.constant 0 : i32
      %dma_start3A_87 = tpu.memref_slice %arg10[%dma_start3A_85, %dma_start3A_86] : memref<500x32xf32, #tpu.memory_space<vmem>> -> memref<125x32xf32, #tpu.memory_space<vmem>>
      %dma_start3A_88 = arith.constant 0 : i32
      %dma_start3A_89 = tpu.memref_slice %arg14[%add3A_11, %dma_start3A_88] : memref<10000x32xf32, #tpu.memory_space<vmem_shared>> -> memref<125x32xf32, #tpu.memory_space<vmem_shared>>
      %dma_start3A_90 = arith.constant 0 : i32
      %dma_start3A_91 = tpu.memref_slice %arg14[%add3A_11, %dma_start3A_90] : memref<10000x32xf32, #tpu.memory_space<vmem_shared>> -> memref<125x32xf32, #tpu.memory_space<vmem_shared>>
      %dma_start3A_92 = arith.constant 0 : i32
      %dma_start3A_93 = arith.constant 0 : i32
      %dma_start3A_94 = tpu.memref_slice %arg10[%dma_start3A_92, %dma_start3A_93] : memref<500x32xf32, #tpu.memory_space<vmem>> -> memref<125x32xf32, #tpu.memory_space<vmem>>
      tpu.enqueue_dma source(%dma_start3A_94 : memref<125x32xf32, #tpu.memory_space<vmem>>) target(%dma_start3A_91 : memref<125x32xf32, #tpu.memory_space<vmem_shared>>) target_semaphore(%run_scoped3A_84 : memref<!tpu.dma_semaphore, #tpu.memory_space<semaphore_mem>>)
      %dma_wait3A_95 = arith.constant 0 : i32
      %dma_wait3A_96 = arith.constant 0 : i32
      %dma_wait3A_97 = tpu.memref_slice %arg10[%dma_wait3A_95, %dma_wait3A_96] : memref<500x32xf32, #tpu.memory_space<vmem>> -> memref<125x32xf32, #tpu.memory_space<vmem>>
      %dma_wait3A_98 = arith.constant 0 : i32
      %dma_wait3A_99 = tpu.memref_slice %arg14[%add3A_11, %dma_wait3A_98] : memref<10000x32xf32, #tpu.memory_space<vmem_shared>> -> memref<125x32xf32, #tpu.memory_space<vmem_shared>>
      %dma_wait3A_100 = arith.constant 0 : i32
      %dma_wait3A_101 = tpu.memref_slice %arg14[%add3A_11, %dma_wait3A_100] : memref<10000x32xf32, #tpu.memory_space<vmem_shared>> -> memref<125x32xf32, #tpu.memory_space<vmem_shared>>
      %dma_wait3A_102 = arith.constant 0 : i32
      %dma_wait3A_103 = arith.constant 0 : i32
      %dma_wait3A_104 = tpu.memref_slice %arg10[%dma_wait3A_102, %dma_wait3A_103] : memref<500x32xf32, #tpu.memory_space<vmem>> -> memref<125x32xf32, #tpu.memory_space<vmem>>
      tpu.wait_dma2 semaphore(%run_scoped3A_84 : memref<!tpu.dma_semaphore, #tpu.memory_space<semaphore_mem>>) src(%dma_wait3A_104 : memref<125x32xf32, #tpu.memory_space<vmem>>) dst(%dma_wait3A_101 : memref<125x32xf32, #tpu.memory_space<vmem_shared>>)
      tpu.yield
    }) : () -> ()
    %barrier3A = arith.constant 0 : index
    tpu.barrier barrier_id(%barrier3A)
    %dma_start3A = arith.constant 0 : i32
    %dma_start3A_12 = arith.constant 0 : i32
    %dma_start3A_13 = tpu.memref_slice %arg8[%dma_start3A, %dma_start3A_12] : memref<40x500xi32, #tpu.memory_space<vmem>> -> memref<1x500xi32, #tpu.memory_space<vmem>>
    %dma_start3A_14 = tpu.memref_squeeze %dma_start3A_13 : memref<1x500xi32, #tpu.memory_space<vmem>> -> memref<500xi32, #tpu.memory_space<vmem>>
    %dma_start3A_15 = arith.constant 0 : i32
    %dma_start3A_16 = arith.constant 0 : i32
    %dma_start3A_17 = tpu.memref_slice %arg4[%arg0, %dma_start3A_15, %dma_start3A_16] : memref<2x10000x32xf32, #tpu.memory_space<hbm>> -> memref<1x10000x32xf32, #tpu.memory_space<hbm>>
    %dma_start3A_18 = tpu.memref_squeeze %dma_start3A_17 : memref<1x10000x32xf32, #tpu.memory_space<hbm>> -> memref<10000x32xf32, #tpu.memory_space<hbm>>
    %dma_start3A_19 = arith.constant 0 : i32
    %dma_start3A_20 = arith.constant 0 : i32
    %dma_start3A_21 = tpu.memref_slice %dma_start3A_18[%dma_start3A_19, %dma_start3A_20] : memref<10000x32xf32, #tpu.memory_space<hbm>> -> memref<10000x32xf32, #tpu.memory_space<hbm>>
    tpu.enqueue_indirect_dma source(%dma_start3A_21 : memref<10000x32xf32, #tpu.memory_space<hbm>>) target(%arg10 : memref<500x32xf32, #tpu.memory_space<vmem>>) offsets(%dma_start3A_14 : memref<500xi32, #tpu.memory_space<vmem>>) semaphore(%arg15 : memref<!tpu.dma_semaphore, #tpu.memory_space<semaphore_mem>>)
    %scan3A_22 = arith.constant 0 : i32
    %scan3A_23 = arith.constant 19 : i32
    %scan3A_24 = arith.addi %scan3A_22, %scan3A_23 : i32
    %scan3A_25 = arith.constant 1 : i32
    scf.for %scan3A_84 = %scan3A_22 to %scan3A_24 step %scan3A_25  : i32 {
      %mul3A_85 = arith.constant 2 : i32
      %mul3A_86 = arith.muli %scan3A_84, %mul3A_85 : i32
      %add3A_87 = arith.constant 0 : i32
      %add3A_88 = arith.addi %add3A_87, %mul3A_86 : i32
      %add3A_89 = arith.constant 1 : i32
      %add3A_90 = arith.addi %add3A_88, %add3A_89 : i32
      %dma_start3A_91 = arith.constant 0 : i32
      %dma_start3A_92 = tpu.memref_slice %arg8[%add3A_90, %dma_start3A_91] : memref<40x500xi32, #tpu.memory_space<vmem>> -> memref<1x500xi32, #tpu.memory_space<vmem>>
      %dma_start3A_93 = tpu.memref_squeeze %dma_start3A_92 : memref<1x500xi32, #tpu.memory_space<vmem>> -> memref<500xi32, #tpu.memory_space<vmem>>
      %dma_start3A_94 = arith.constant 0 : i32
      %dma_start3A_95 = arith.constant 0 : i32
      %dma_start3A_96 = tpu.memref_slice %arg4[%arg0, %dma_start3A_94, %dma_start3A_95] : memref<2x10000x32xf32, #tpu.memory_space<hbm>> -> memref<1x10000x32xf32, #tpu.memory_space<hbm>>
      %dma_start3A_97 = tpu.memref_squeeze %dma_start3A_96 : memref<1x10000x32xf32, #tpu.memory_space<hbm>> -> memref<10000x32xf32, #tpu.memory_space<hbm>>
      %dma_start3A_98 = arith.constant 0 : i32
      %dma_start3A_99 = arith.constant 0 : i32
      %dma_start3A_100 = tpu.memref_slice %dma_start3A_97[%dma_start3A_98, %dma_start3A_99] : memref<10000x32xf32, #tpu.memory_space<hbm>> -> memref<10000x32xf32, #tpu.memory_space<hbm>>
      tpu.enqueue_indirect_dma source(%dma_start3A_100 : memref<10000x32xf32, #tpu.memory_space<hbm>>) target(%arg11 : memref<500x32xf32, #tpu.memory_space<vmem>>) offsets(%dma_start3A_93 : memref<500xi32, #tpu.memory_space<vmem>>) semaphore(%arg16 : memref<!tpu.dma_semaphore, #tpu.memory_space<semaphore_mem>>)
      %dma_wait3A_101 = arith.constant 0 : i32
      %dma_wait3A_102 = tpu.memref_slice %arg8[%add3A_88, %dma_wait3A_101] : memref<40x500xi32, #tpu.memory_space<vmem>> -> memref<1x500xi32, #tpu.memory_space<vmem>>
      %dma_wait3A_103 = tpu.memref_squeeze %dma_wait3A_102 : memref<1x500xi32, #tpu.memory_space<vmem>> -> memref<500xi32, #tpu.memory_space<vmem>>
      %dma_wait3A_104 = arith.constant 0 : i32
      %dma_wait3A_105 = arith.constant 0 : i32
      %dma_wait3A_106 = tpu.memref_slice %arg4[%arg0, %dma_wait3A_104, %dma_wait3A_105] : memref<2x10000x32xf32, #tpu.memory_space<hbm>> -> memref<1x10000x32xf32, #tpu.memory_space<hbm>>
      %dma_wait3A_107 = tpu.memref_squeeze %dma_wait3A_106 : memref<1x10000x32xf32, #tpu.memory_space<hbm>> -> memref<10000x32xf32, #tpu.memory_space<hbm>>
      %dma_wait3A_108 = arith.constant 0 : i32
      %dma_wait3A_109 = arith.constant 0 : i32
      %dma_wait3A_110 = tpu.memref_slice %dma_wait3A_107[%dma_wait3A_108, %dma_wait3A_109] : memref<10000x32xf32, #tpu.memory_space<hbm>> -> memref<10000x32xf32, #tpu.memory_space<hbm>>
      tpu.wait_indirect_dma semaphore(%arg15 : memref<!tpu.dma_semaphore, #tpu.memory_space<semaphore_mem>>) src(%dma_wait3A_110 : memref<10000x32xf32, #tpu.memory_space<hbm>>) dst(%arg10 : memref<500x32xf32, #tpu.memory_space<vmem>>)
      "tpu.region"() ({
        %run_scoped3A_137 = tpu.sem_alloc : memref<!tpu.dma_semaphore, #tpu.memory_space<semaphore_mem>>
        %dma_start3A_138 = arith.constant 0 : i32
        %dma_start3A_139 = tpu.memref_slice %arg9[%add3A_88, %dma_start3A_138] : memref<40x500xi32, #tpu.memory_space<vmem>> -> memref<1x500xi32, #tpu.memory_space<vmem>>
        %dma_start3A_140 = tpu.memref_squeeze %dma_start3A_139 : memref<1x500xi32, #tpu.memory_space<vmem>> -> memref<500xi32, #tpu.memory_space<vmem>>
        %dma_start3A_141 = arith.constant 0 : i32
        %dma_start3A_142 = arith.constant 0 : i32
        %dma_start3A_143 = tpu.memref_slice %arg14[%dma_start3A_141, %dma_start3A_142] : memref<10000x32xf32, #tpu.memory_space<vmem_shared>> -> memref<10000x32xf32, #tpu.memory_space<vmem_shared>>
        tpu.enqueue_indirect_dma source(%arg10 : memref<500x32xf32, #tpu.memory_space<vmem>>) target(%dma_start3A_143 : memref<10000x32xf32, #tpu.memory_space<vmem_shared>>) offsets(%dma_start3A_140 : memref<500xi32, #tpu.memory_space<vmem>>) semaphore(%run_scoped3A_137 : memref<!tpu.dma_semaphore, #tpu.memory_space<semaphore_mem>>) {add = true}
        %dma_wait3A_144 = arith.constant 0 : i32
        %dma_wait3A_145 = tpu.memref_slice %arg9[%add3A_88, %dma_wait3A_144] : memref<40x500xi32, #tpu.memory_space<vmem>> -> memref<1x500xi32, #tpu.memory_space<vmem>>
        %dma_wait3A_146 = tpu.memref_squeeze %dma_wait3A_145 : memref<1x500xi32, #tpu.memory_space<vmem>> -> memref<500xi32, #tpu.memory_space<vmem>>
        %dma_wait3A_147 = arith.constant 0 : i32
        %dma_wait3A_148 = arith.constant 0 : i32
        %dma_wait3A_149 = tpu.memref_slice %arg14[%dma_wait3A_147, %dma_wait3A_148] : memref<10000x32xf32, #tpu.memory_space<vmem_shared>> -> memref<10000x32xf32, #tpu.memory_space<vmem_shared>>
        tpu.wait_indirect_dma semaphore(%run_scoped3A_137 : memref<!tpu.dma_semaphore, #tpu.memory_space<semaphore_mem>>) src(%arg10 : memref<500x32xf32, #tpu.memory_space<vmem>>) dst(%dma_wait3A_149 : memref<10000x32xf32, #tpu.memory_space<vmem_shared>>)
        tpu.yield
      }) : () -> ()
      %add3A_111 = arith.constant 2 : i32
      %add3A_112 = arith.addi %add3A_88, %add3A_111 : i32
      %dma_start3A_113 = arith.constant 0 : i32
      %dma_start3A_114 = tpu.memref_slice %arg8[%add3A_112, %dma_start3A_113] : memref<40x500xi32, #tpu.memory_space<vmem>> -> memref<1x500xi32, #tpu.memory_space<vmem>>
      %dma_start3A_115 = tpu.memref_squeeze %dma_start3A_114 : memref<1x500xi32, #tpu.memory_space<vmem>> -> memref<500xi32, #tpu.memory_space<vmem>>
      %dma_start3A_116 = arith.constant 0 : i32
      %dma_start3A_117 = arith.constant 0 : i32
      %dma_start3A_118 = tpu.memref_slice %arg4[%arg0, %dma_start3A_116, %dma_start3A_117] : memref<2x10000x32xf32, #tpu.memory_space<hbm>> -> memref<1x10000x32xf32, #tpu.memory_space<hbm>>
      %dma_start3A_119 = tpu.memref_squeeze %dma_start3A_118 : memref<1x10000x32xf32, #tpu.memory_space<hbm>> -> memref<10000x32xf32, #tpu.memory_space<hbm>>
      %dma_start3A_120 = arith.constant 0 : i32
      %dma_start3A_121 = arith.constant 0 : i32
      %dma_start3A_122 = tpu.memref_slice %dma_start3A_119[%dma_start3A_120, %dma_start3A_121] : memref<10000x32xf32, #tpu.memory_space<hbm>> -> memref<10000x32xf32, #tpu.memory_space<hbm>>
      tpu.enqueue_indirect_dma source(%dma_start3A_122 : memref<10000x32xf32, #tpu.memory_space<hbm>>) target(%arg10 : memref<500x32xf32, #tpu.memory_space<vmem>>) offsets(%dma_start3A_115 : memref<500xi32, #tpu.memory_space<vmem>>) semaphore(%arg15 : memref<!tpu.dma_semaphore, #tpu.memory_space<semaphore_mem>>)
      %add3A_123 = arith.constant 1 : i32
      %add3A_124 = arith.addi %add3A_88, %add3A_123 : i32
      %dma_wait3A_125 = arith.constant 0 : i32
      %dma_wait3A_126 = tpu.memref_slice %arg8[%add3A_124, %dma_wait3A_125] : memref<40x500xi32, #tpu.memory_space<vmem>> -> memref<1x500xi32, #tpu.memory_space<vmem>>
      %dma_wait3A_127 = tpu.memref_squeeze %dma_wait3A_126 : memref<1x500xi32, #tpu.memory_space<vmem>> -> memref<500xi32, #tpu.memory_space<vmem>>
      %dma_wait3A_128 = arith.constant 0 : i32
      %dma_wait3A_129 = arith.constant 0 : i32
      %dma_wait3A_130 = tpu.memref_slice %arg4[%arg0, %dma_wait3A_128, %dma_wait3A_129] : memref<2x10000x32xf32, #tpu.memory_space<hbm>> -> memref<1x10000x32xf32, #tpu.memory_space<hbm>>
      %dma_wait3A_131 = tpu.memref_squeeze %dma_wait3A_130 : memref<1x10000x32xf32, #tpu.memory_space<hbm>> -> memref<10000x32xf32, #tpu.memory_space<hbm>>
      %dma_wait3A_132 = arith.constant 0 : i32
      %dma_wait3A_133 = arith.constant 0 : i32
      %dma_wait3A_134 = tpu.memref_slice %dma_wait3A_131[%dma_wait3A_132, %dma_wait3A_133] : memref<10000x32xf32, #tpu.memory_space<hbm>> -> memref<10000x32xf32, #tpu.memory_space<hbm>>
      tpu.wait_indirect_dma semaphore(%arg16 : memref<!tpu.dma_semaphore, #tpu.memory_space<semaphore_mem>>) src(%dma_wait3A_134 : memref<10000x32xf32, #tpu.memory_space<hbm>>) dst(%arg11 : memref<500x32xf32, #tpu.memory_space<vmem>>)
      %add3A_135 = arith.constant 1 : i32
      %add3A_136 = arith.addi %add3A_88, %add3A_135 : i32
      "tpu.region"() ({
        %run_scoped3A_137 = tpu.sem_alloc : memref<!tpu.dma_semaphore, #tpu.memory_space<semaphore_mem>>
        %dma_start3A_138 = arith.constant 0 : i32
        %dma_start3A_139 = tpu.memref_slice %arg9[%add3A_136, %dma_start3A_138] : memref<40x500xi32, #tpu.memory_space<vmem>> -> memref<1x500xi32, #tpu.memory_space<vmem>>
        %dma_start3A_140 = tpu.memref_squeeze %dma_start3A_139 : memref<1x500xi32, #tpu.memory_space<vmem>> -> memref<500xi32, #tpu.memory_space<vmem>>
        %dma_start3A_141 = arith.constant 0 : i32
        %dma_start3A_142 = arith.constant 0 : i32
        %dma_start3A_143 = tpu.memref_slice %arg14[%dma_start3A_141, %dma_start3A_142] : memref<10000x32xf32, #tpu.memory_space<vmem_shared>> -> memref<10000x32xf32, #tpu.memory_space<vmem_shared>>
        tpu.enqueue_indirect_dma source(%arg11 : memref<500x32xf32, #tpu.memory_space<vmem>>) target(%dma_start3A_143 : memref<10000x32xf32, #tpu.memory_space<vmem_shared>>) offsets(%dma_start3A_140 : memref<500xi32, #tpu.memory_space<vmem>>) semaphore(%run_scoped3A_137 : memref<!tpu.dma_semaphore, #tpu.memory_space<semaphore_mem>>) {add = true}
        %dma_wait3A_144 = arith.constant 0 : i32
        %dma_wait3A_145 = tpu.memref_slice %arg9[%add3A_136, %dma_wait3A_144] : memref<40x500xi32, #tpu.memory_space<vmem>> -> memref<1x500xi32, #tpu.memory_space<vmem>>
        %dma_wait3A_146 = tpu.memref_squeeze %dma_wait3A_145 : memref<1x500xi32, #tpu.memory_space<vmem>> -> memref<500xi32, #tpu.memory_space<vmem>>
        %dma_wait3A_147 = arith.constant 0 : i32
        %dma_wait3A_148 = arith.constant 0 : i32
        %dma_wait3A_149 = tpu.memref_slice %arg14[%dma_wait3A_147, %dma_wait3A_148] : memref<10000x32xf32, #tpu.memory_space<vmem_shared>> -> memref<10000x32xf32, #tpu.memory_space<vmem_shared>>
        tpu.wait_indirect_dma semaphore(%run_scoped3A_137 : memref<!tpu.dma_semaphore, #tpu.memory_space<semaphore_mem>>) src(%arg11 : memref<500x32xf32, #tpu.memory_space<vmem>>) dst(%dma_wait3A_149 : memref<10000x32xf32, #tpu.memory_space<vmem_shared>>)
        tpu.yield
      }) : () -> ()
    }
    %scan3A_26 = arith.constant 19 : i32
    %dma_start3A_27 = arith.constant 39 : i32
    %dma_start3A_28 = arith.constant 0 : i32
    %dma_start3A_29 = tpu.memref_slice %arg8[%dma_start3A_27, %dma_start3A_28] : memref<40x500xi32, #tpu.memory_space<vmem>> -> memref<1x500xi32, #tpu.memory_space<vmem>>
    %dma_start3A_30 = tpu.memref_squeeze %dma_start3A_29 : memref<1x500xi32, #tpu.memory_space<vmem>> -> memref<500xi32, #tpu.memory_space<vmem>>
    %dma_start3A_31 = arith.constant 0 : i32
    %dma_start3A_32 = arith.constant 0 : i32
    %dma_start3A_33 = tpu.memref_slice %arg4[%arg0, %dma_start3A_31, %dma_start3A_32] : memref<2x10000x32xf32, #tpu.memory_space<hbm>> -> memref<1x10000x32xf32, #tpu.memory_space<hbm>>
    %dma_start3A_34 = tpu.memref_squeeze %dma_start3A_33 : memref<1x10000x32xf32, #tpu.memory_space<hbm>> -> memref<10000x32xf32, #tpu.memory_space<hbm>>
    %dma_start3A_35 = arith.constant 0 : i32
    %dma_start3A_36 = arith.constant 0 : i32
    %dma_start3A_37 = tpu.memref_slice %dma_start3A_34[%dma_start3A_35, %dma_start3A_36] : memref<10000x32xf32, #tpu.memory_space<hbm>> -> memref<10000x32xf32, #tpu.memory_space<hbm>>
    tpu.enqueue_indirect_dma source(%dma_start3A_37 : memref<10000x32xf32, #tpu.memory_space<hbm>>) target(%arg11 : memref<500x32xf32, #tpu.memory_space<vmem>>) offsets(%dma_start3A_30 : memref<500xi32, #tpu.memory_space<vmem>>) semaphore(%arg16 : memref<!tpu.dma_semaphore, #tpu.memory_space<semaphore_mem>>)
    %dma_wait3A = arith.constant 38 : i32
    %dma_wait3A_38 = arith.constant 0 : i32
    %dma_wait3A_39 = tpu.memref_slice %arg8[%dma_wait3A, %dma_wait3A_38] : memref<40x500xi32, #tpu.memory_space<vmem>> -> memref<1x500xi32, #tpu.memory_space<vmem>>
    %dma_wait3A_40 = tpu.memref_squeeze %dma_wait3A_39 : memref<1x500xi32, #tpu.memory_space<vmem>> -> memref<500xi32, #tpu.memory_space<vmem>>
    %dma_wait3A_41 = arith.constant 0 : i32
    %dma_wait3A_42 = arith.constant 0 : i32
    %dma_wait3A_43 = tpu.memref_slice %arg4[%arg0, %dma_wait3A_41, %dma_wait3A_42] : memref<2x10000x32xf32, #tpu.memory_space<hbm>> -> memref<1x10000x32xf32, #tpu.memory_space<hbm>>
    %dma_wait3A_44 = tpu.memref_squeeze %dma_wait3A_43 : memref<1x10000x32xf32, #tpu.memory_space<hbm>> -> memref<10000x32xf32, #tpu.memory_space<hbm>>
    %dma_wait3A_45 = arith.constant 0 : i32
    %dma_wait3A_46 = arith.constant 0 : i32
    %dma_wait3A_47 = tpu.memref_slice %dma_wait3A_44[%dma_wait3A_45, %dma_wait3A_46] : memref<10000x32xf32, #tpu.memory_space<hbm>> -> memref<10000x32xf32, #tpu.memory_space<hbm>>
    tpu.wait_indirect_dma semaphore(%arg15 : memref<!tpu.dma_semaphore, #tpu.memory_space<semaphore_mem>>) src(%dma_wait3A_47 : memref<10000x32xf32, #tpu.memory_space<hbm>>) dst(%arg10 : memref<500x32xf32, #tpu.memory_space<vmem>>)
    %run_scoped3A_48 = arith.constant 38 : i32
    "tpu.region"() ({
      %run_scoped3A_84 = tpu.sem_alloc : memref<!tpu.dma_semaphore, #tpu.memory_space<semaphore_mem>>
      %dma_start3A_85 = arith.constant 0 : i32
      %dma_start3A_86 = tpu.memref_slice %arg9[%run_scoped3A_48, %dma_start3A_85] : memref<40x500xi32, #tpu.memory_space<vmem>> -> memref<1x500xi32, #tpu.memory_space<vmem>>
      %dma_start3A_87 = tpu.memref_squeeze %dma_start3A_86 : memref<1x500xi32, #tpu.memory_space<vmem>> -> memref<500xi32, #tpu.memory_space<vmem>>
      %dma_start3A_88 = arith.constant 0 : i32
      %dma_start3A_89 = arith.constant 0 : i32
      %dma_start3A_90 = tpu.memref_slice %arg14[%dma_start3A_88, %dma_start3A_89] : memref<10000x32xf32, #tpu.memory_space<vmem_shared>> -> memref<10000x32xf32, #tpu.memory_space<vmem_shared>>
      tpu.enqueue_indirect_dma source(%arg10 : memref<500x32xf32, #tpu.memory_space<vmem>>) target(%dma_start3A_90 : memref<10000x32xf32, #tpu.memory_space<vmem_shared>>) offsets(%dma_start3A_87 : memref<500xi32, #tpu.memory_space<vmem>>) semaphore(%run_scoped3A_84 : memref<!tpu.dma_semaphore, #tpu.memory_space<semaphore_mem>>) {add = true}
      %dma_wait3A_91 = arith.constant 0 : i32
      %dma_wait3A_92 = tpu.memref_slice %arg9[%run_scoped3A_48, %dma_wait3A_91] : memref<40x500xi32, #tpu.memory_space<vmem>> -> memref<1x500xi32, #tpu.memory_space<vmem>>
      %dma_wait3A_93 = tpu.memref_squeeze %dma_wait3A_92 : memref<1x500xi32, #tpu.memory_space<vmem>> -> memref<500xi32, #tpu.memory_space<vmem>>
      %dma_wait3A_94 = arith.constant 0 : i32
      %dma_wait3A_95 = arith.constant 0 : i32
      %dma_wait3A_96 = tpu.memref_slice %arg14[%dma_wait3A_94, %dma_wait3A_95] : memref<10000x32xf32, #tpu.memory_space<vmem_shared>> -> memref<10000x32xf32, #tpu.memory_space<vmem_shared>>
      tpu.wait_indirect_dma semaphore(%run_scoped3A_84 : memref<!tpu.dma_semaphore, #tpu.memory_space<semaphore_mem>>) src(%arg10 : memref<500x32xf32, #tpu.memory_space<vmem>>) dst(%dma_wait3A_96 : memref<10000x32xf32, #tpu.memory_space<vmem_shared>>)
      tpu.yield
    }) : () -> ()
    %dma_wait3A_49 = arith.constant 39 : i32
    %dma_wait3A_50 = arith.constant 0 : i32
    %dma_wait3A_51 = tpu.memref_slice %arg8[%dma_wait3A_49, %dma_wait3A_50] : memref<40x500xi32, #tpu.memory_space<vmem>> -> memref<1x500xi32, #tpu.memory_space<vmem>>
    %dma_wait3A_52 = tpu.memref_squeeze %dma_wait3A_51 : memref<1x500xi32, #tpu.memory_space<vmem>> -> memref<500xi32, #tpu.memory_space<vmem>>
    %dma_wait3A_53 = arith.constant 0 : i32
    %dma_wait3A_54 = arith.constant 0 : i32
    %dma_wait3A_55 = tpu.memref_slice %arg4[%arg0, %dma_wait3A_53, %dma_wait3A_54] : memref<2x10000x32xf32, #tpu.memory_space<hbm>> -> memref<1x10000x32xf32, #tpu.memory_space<hbm>>
    %dma_wait3A_56 = tpu.memref_squeeze %dma_wait3A_55 : memref<1x10000x32xf32, #tpu.memory_space<hbm>> -> memref<10000x32xf32, #tpu.memory_space<hbm>>
    %dma_wait3A_57 = arith.constant 0 : i32
    %dma_wait3A_58 = arith.constant 0 : i32
    %dma_wait3A_59 = tpu.memref_slice %dma_wait3A_56[%dma_wait3A_57, %dma_wait3A_58] : memref<10000x32xf32, #tpu.memory_space<hbm>> -> memref<10000x32xf32, #tpu.memory_space<hbm>>
    tpu.wait_indirect_dma semaphore(%arg16 : memref<!tpu.dma_semaphore, #tpu.memory_space<semaphore_mem>>) src(%dma_wait3A_59 : memref<10000x32xf32, #tpu.memory_space<hbm>>) dst(%arg11 : memref<500x32xf32, #tpu.memory_space<vmem>>)
    %run_scoped3A_60 = arith.constant 39 : i32
    "tpu.region"() ({
      %run_scoped3A_84 = tpu.sem_alloc : memref<!tpu.dma_semaphore, #tpu.memory_space<semaphore_mem>>
      %dma_start3A_85 = arith.constant 0 : i32
      %dma_start3A_86 = tpu.memref_slice %arg9[%run_scoped3A_60, %dma_start3A_85] : memref<40x500xi32, #tpu.memory_space<vmem>> -> memref<1x500xi32, #tpu.memory_space<vmem>>
      %dma_start3A_87 = tpu.memref_squeeze %dma_start3A_86 : memref<1x500xi32, #tpu.memory_space<vmem>> -> memref<500xi32, #tpu.memory_space<vmem>>
      %dma_start3A_88 = arith.constant 0 : i32
      %dma_start3A_89 = arith.constant 0 : i32
      %dma_start3A_90 = tpu.memref_slice %arg14[%dma_start3A_88, %dma_start3A_89] : memref<10000x32xf32, #tpu.memory_space<vmem_shared>> -> memref<10000x32xf32, #tpu.memory_space<vmem_shared>>
      tpu.enqueue_indirect_dma source(%arg11 : memref<500x32xf32, #tpu.memory_space<vmem>>) target(%dma_start3A_90 : memref<10000x32xf32, #tpu.memory_space<vmem_shared>>) offsets(%dma_start3A_87 : memref<500xi32, #tpu.memory_space<vmem>>) semaphore(%run_scoped3A_84 : memref<!tpu.dma_semaphore, #tpu.memory_space<semaphore_mem>>) {add = true}
      %dma_wait3A_91 = arith.constant 0 : i32
      %dma_wait3A_92 = tpu.memref_slice %arg9[%run_scoped3A_60, %dma_wait3A_91] : memref<40x500xi32, #tpu.memory_space<vmem>> -> memref<1x500xi32, #tpu.memory_space<vmem>>
      %dma_wait3A_93 = tpu.memref_squeeze %dma_wait3A_92 : memref<1x500xi32, #tpu.memory_space<vmem>> -> memref<500xi32, #tpu.memory_space<vmem>>
      %dma_wait3A_94 = arith.constant 0 : i32
      %dma_wait3A_95 = arith.constant 0 : i32
      %dma_wait3A_96 = tpu.memref_slice %arg14[%dma_wait3A_94, %dma_wait3A_95] : memref<10000x32xf32, #tpu.memory_space<vmem_shared>> -> memref<10000x32xf32, #tpu.memory_space<vmem_shared>>
      tpu.wait_indirect_dma semaphore(%run_scoped3A_84 : memref<!tpu.dma_semaphore, #tpu.memory_space<semaphore_mem>>) src(%arg11 : memref<500x32xf32, #tpu.memory_space<vmem>>) dst(%dma_wait3A_96 : memref<10000x32xf32, #tpu.memory_space<vmem_shared>>)
      tpu.yield
    }) : () -> ()
    %barrier3A_61 = arith.constant 0 : index
    tpu.barrier barrier_id(%barrier3A_61)
    %mul3A_62 = arith.constant 625 : i32
    %mul3A_63 = arith.muli %arg1, %mul3A_62 : i32
    %add3A_64 = arith.constant 0 : i32
    %add3A_65 = arith.addi %mul3A_63, %add3A_64 : i32
    "tpu.region"() ({
      %run_scoped3A_84 = tpu.sem_alloc : memref<!tpu.dma_semaphore, #tpu.memory_space<semaphore_mem>>
      %dma_start3A_85 = arith.constant 0 : i32
      %dma_start3A_86 = arith.constant 0 : i32
      %dma_start3A_87 = tpu.memref_slice %arg10[%dma_start3A_85, %dma_start3A_86] : memref<500x32xf32, #tpu.memory_space<vmem>> -> memref<500x32xf32, #tpu.memory_space<vmem>>
      %dma_start3A_88 = arith.constant 0 : i32
      %dma_start3A_89 = tpu.memref_slice %arg14[%add3A_65, %dma_start3A_88] : memref<10000x32xf32, #tpu.memory_space<vmem_shared>> -> memref<500x32xf32, #tpu.memory_space<vmem_shared>>
      %dma_start3A_90 = arith.constant 0 : i32
      %dma_start3A_91 = arith.constant 0 : i32
      %dma_start3A_92 = tpu.memref_slice %arg10[%dma_start3A_90, %dma_start3A_91] : memref<500x32xf32, #tpu.memory_space<vmem>> -> memref<500x32xf32, #tpu.memory_space<vmem>>
      %dma_start3A_93 = arith.constant 0 : i32
      %dma_start3A_94 = tpu.memref_slice %arg14[%add3A_65, %dma_start3A_93] : memref<10000x32xf32, #tpu.memory_space<vmem_shared>> -> memref<500x32xf32, #tpu.memory_space<vmem_shared>>
      tpu.enqueue_dma source(%dma_start3A_94 : memref<500x32xf32, #tpu.memory_space<vmem_shared>>) target(%dma_start3A_92 : memref<500x32xf32, #tpu.memory_space<vmem>>) target_semaphore(%run_scoped3A_84 : memref<!tpu.dma_semaphore, #tpu.memory_space<semaphore_mem>>)
      %dma_wait3A_95 = arith.constant 0 : i32
      %dma_wait3A_96 = arith.constant 0 : i32
      %dma_wait3A_97 = tpu.memref_slice %arg10[%dma_wait3A_95, %dma_wait3A_96] : memref<500x32xf32, #tpu.memory_space<vmem>> -> memref<500x32xf32, #tpu.memory_space<vmem>>
      %dma_wait3A_98 = arith.constant 0 : i32
      %dma_wait3A_99 = tpu.memref_slice %arg14[%add3A_65, %dma_wait3A_98] : memref<10000x32xf32, #tpu.memory_space<vmem_shared>> -> memref<500x32xf32, #tpu.memory_space<vmem_shared>>
      %dma_wait3A_100 = arith.constant 0 : i32
      %dma_wait3A_101 = arith.constant 0 : i32
      %dma_wait3A_102 = tpu.memref_slice %arg10[%dma_wait3A_100, %dma_wait3A_101] : memref<500x32xf32, #tpu.memory_space<vmem>> -> memref<500x32xf32, #tpu.memory_space<vmem>>
      %dma_wait3A_103 = arith.constant 0 : i32
      %dma_wait3A_104 = tpu.memref_slice %arg14[%add3A_65, %dma_wait3A_103] : memref<10000x32xf32, #tpu.memory_space<vmem_shared>> -> memref<500x32xf32, #tpu.memory_space<vmem_shared>>
      tpu.wait_dma2 semaphore(%run_scoped3A_84 : memref<!tpu.dma_semaphore, #tpu.memory_space<semaphore_mem>>) src(%dma_wait3A_104 : memref<500x32xf32, #tpu.memory_space<vmem_shared>>) dst(%dma_wait3A_102 : memref<500x32xf32, #tpu.memory_space<vmem>>)
      tpu.yield
    }) : () -> ()
    "tpu.region"() ({
      %run_scoped3A_84 = tpu.sem_alloc : memref<!tpu.dma_semaphore, #tpu.memory_space<semaphore_mem>>
      %dma_start3A_85 = arith.constant 0 : i32
      %dma_start3A_86 = arith.constant 0 : i32
      %dma_start3A_87 = tpu.memref_slice %arg11[%dma_start3A_85, %dma_start3A_86] : memref<500x32xf32, #tpu.memory_space<vmem>> -> memref<500x32xf32, #tpu.memory_space<vmem>>
      %dma_start3A_88 = arith.constant 0 : i32
      %dma_start3A_89 = tpu.memref_slice %arg4[%arg0, %add3A_65, %dma_start3A_88] : memref<2x10000x32xf32, #tpu.memory_space<hbm>> -> memref<1x500x32xf32, #tpu.memory_space<hbm>>
      %dma_start3A_90 = tpu.memref_squeeze %dma_start3A_89 : memref<1x500x32xf32, #tpu.memory_space<hbm>> -> memref<500x32xf32, #tpu.memory_space<hbm>>
      %dma_start3A_91 = arith.constant 0 : i32
      %dma_start3A_92 = arith.constant 0 : i32
      %dma_start3A_93 = tpu.memref_slice %arg11[%dma_start3A_91, %dma_start3A_92] : memref<500x32xf32, #tpu.memory_space<vmem>> -> memref<500x32xf32, #tpu.memory_space<vmem>>
      %dma_start3A_94 = arith.constant 0 : i32
      %dma_start3A_95 = tpu.memref_slice %arg4[%arg0, %add3A_65, %dma_start3A_94] : memref<2x10000x32xf32, #tpu.memory_space<hbm>> -> memref<1x500x32xf32, #tpu.memory_space<hbm>>
      %dma_start3A_96 = tpu.memref_squeeze %dma_start3A_95 : memref<1x500x32xf32, #tpu.memory_space<hbm>> -> memref<500x32xf32, #tpu.memory_space<hbm>>
      tpu.enqueue_dma source(%dma_start3A_96 : memref<500x32xf32, #tpu.memory_space<hbm>>) target(%dma_start3A_93 : memref<500x32xf32, #tpu.memory_space<vmem>>) target_semaphore(%run_scoped3A_84 : memref<!tpu.dma_semaphore, #tpu.memory_space<semaphore_mem>>)
      %dma_wait3A_97 = arith.constant 0 : i32
      %dma_wait3A_98 = arith.constant 0 : i32
      %dma_wait3A_99 = tpu.memref_slice %arg11[%dma_wait3A_97, %dma_wait3A_98] : memref<500x32xf32, #tpu.memory_space<vmem>> -> memref<500x32xf32, #tpu.memory_space<vmem>>
      %dma_wait3A_100 = arith.constant 0 : i32
      %dma_wait3A_101 = tpu.memref_slice %arg4[%arg0, %add3A_65, %dma_wait3A_100] : memref<2x10000x32xf32, #tpu.memory_space<hbm>> -> memref<1x500x32xf32, #tpu.memory_space<hbm>>
      %dma_wait3A_102 = tpu.memref_squeeze %dma_wait3A_101 : memref<1x500x32xf32, #tpu.memory_space<hbm>> -> memref<500x32xf32, #tpu.memory_space<hbm>>
      %dma_wait3A_103 = arith.constant 0 : i32
      %dma_wait3A_104 = arith.constant 0 : i32
      %dma_wait3A_105 = tpu.memref_slice %arg11[%dma_wait3A_103, %dma_wait3A_104] : memref<500x32xf32, #tpu.memory_space<vmem>> -> memref<500x32xf32, #tpu.memory_space<vmem>>
      %dma_wait3A_106 = arith.constant 0 : i32
      %dma_wait3A_107 = tpu.memref_slice %arg4[%arg0, %add3A_65, %dma_wait3A_106] : memref<2x10000x32xf32, #tpu.memory_space<hbm>> -> memref<1x500x32xf32, #tpu.memory_space<hbm>>
      %dma_wait3A_108 = tpu.memref_squeeze %dma_wait3A_107 : memref<1x500x32xf32, #tpu.memory_space<hbm>> -> memref<500x32xf32, #tpu.memory_space<hbm>>
      tpu.wait_dma2 semaphore(%run_scoped3A_84 : memref<!tpu.dma_semaphore, #tpu.memory_space<semaphore_mem>>) src(%dma_wait3A_108 : memref<500x32xf32, #tpu.memory_space<hbm>>) dst(%dma_wait3A_105 : memref<500x32xf32, #tpu.memory_space<vmem>>)
      tpu.yield
    }) : () -> ()
    "tpu.region"() ({
      %run_scoped3A_84 = tpu.sem_alloc : memref<!tpu.dma_semaphore, #tpu.memory_space<semaphore_mem>>
      %dma_start3A_85 = arith.constant 0 : i32
      %dma_start3A_86 = arith.constant 0 : i32
      %dma_start3A_87 = tpu.memref_slice %arg12[%dma_start3A_85, %dma_start3A_86] : memref<500x16xf32, #tpu.memory_space<vmem>> -> memref<500x16xf32, #tpu.memory_space<vmem>>
      %dma_start3A_88 = arith.constant 0 : i32
      %dma_start3A_89 = tpu.memref_slice %arg5[%add3A_65, %dma_start3A_88] : memref<10000x16xf32, #tpu.memory_space<hbm>> -> memref<500x16xf32, #tpu.memory_space<hbm>>
      %dma_start3A_90 = arith.constant 0 : i32
      %dma_start3A_91 = arith.constant 0 : i32
      %dma_start3A_92 = tpu.memref_slice %arg12[%dma_start3A_90, %dma_start3A_91] : memref<500x16xf32, #tpu.memory_space<vmem>> -> memref<500x16xf32, #tpu.memory_space<vmem>>
      %dma_start3A_93 = arith.constant 0 : i32
      %dma_start3A_94 = tpu.memref_slice %arg5[%add3A_65, %dma_start3A_93] : memref<10000x16xf32, #tpu.memory_space<hbm>> -> memref<500x16xf32, #tpu.memory_space<hbm>>
      tpu.enqueue_dma source(%dma_start3A_94 : memref<500x16xf32, #tpu.memory_space<hbm>>) target(%dma_start3A_92 : memref<500x16xf32, #tpu.memory_space<vmem>>) target_semaphore(%run_scoped3A_84 : memref<!tpu.dma_semaphore, #tpu.memory_space<semaphore_mem>>)
      %dma_wait3A_95 = arith.constant 0 : i32
      %dma_wait3A_96 = arith.constant 0 : i32
      %dma_wait3A_97 = tpu.memref_slice %arg12[%dma_wait3A_95, %dma_wait3A_96] : memref<500x16xf32, #tpu.memory_space<vmem>> -> memref<500x16xf32, #tpu.memory_space<vmem>>
      %dma_wait3A_98 = arith.constant 0 : i32
      %dma_wait3A_99 = tpu.memref_slice %arg5[%add3A_65, %dma_wait3A_98] : memref<10000x16xf32, #tpu.memory_space<hbm>> -> memref<500x16xf32, #tpu.memory_space<hbm>>
      %dma_wait3A_100 = arith.constant 0 : i32
      %dma_wait3A_101 = arith.constant 0 : i32
      %dma_wait3A_102 = tpu.memref_slice %arg12[%dma_wait3A_100, %dma_wait3A_101] : memref<500x16xf32, #tpu.memory_space<vmem>> -> memref<500x16xf32, #tpu.memory_space<vmem>>
      %dma_wait3A_103 = arith.constant 0 : i32
      %dma_wait3A_104 = tpu.memref_slice %arg5[%add3A_65, %dma_wait3A_103] : memref<10000x16xf32, #tpu.memory_space<hbm>> -> memref<500x16xf32, #tpu.memory_space<hbm>>
      tpu.wait_dma2 semaphore(%run_scoped3A_84 : memref<!tpu.dma_semaphore, #tpu.memory_space<semaphore_mem>>) src(%dma_wait3A_104 : memref<500x16xf32, #tpu.memory_space<hbm>>) dst(%dma_wait3A_102 : memref<500x16xf32, #tpu.memory_space<vmem>>)
      tpu.yield
    }) : () -> ()
    %scan3A_66 = arith.constant 0 : i32
    %scan3A_67 = arith.constant 500 : i32
    %scan3A_68 = arith.addi %scan3A_66, %scan3A_67 : i32
    %scan3A_69 = arith.constant 1 : i32
    scf.for %scan3A_84 = %scan3A_66 to %scan3A_68 step %scan3A_69  : i32 {
      %mul3A_85 = arith.constant 1 : i32
      %mul3A_86 = arith.muli %scan3A_84, %mul3A_85 : i32
      %add3A_87 = arith.constant 0 : i32
      %add3A_88 = arith.addi %add3A_87, %mul3A_86 : i32
      %get3A = arith.index_cast %add3A_88 : i32 to index
      %get3A_89 = arith.constant 0 : index
      %get3A_90 = tpu.vector_load %arg12[%get3A, %get3A_89] {strides = array<i32>} : memref<500x16xf32, #tpu.memory_space<vmem>>, vector<16xf32>,
      %get3A_91 = arith.index_cast %add3A_88 : i32 to index
      %get3A_92 = arith.constant 0 : index
      %get3A_93 = tpu.vector_load %arg10[%get3A_91, %get3A_92] {strides = array<i32>} : memref<500x32xf32, #tpu.memory_space<vmem>>, vector<16xf32>,
      %get3A_94 = arith.index_cast %add3A_88 : i32 to index
      %get3A_95 = arith.constant 0 : index
      %get3A_96 = tpu.vector_load %arg11[%get3A_94, %get3A_95] {strides = array<i32>} : memref<500x32xf32, #tpu.memory_space<vmem>>, vector<16xf32>,
      %add3A_97 = arith.addf %get3A_93, %get3A_96 : vector<16xf32>
      %mul3A_98 = arith.mulf %get3A_90, %add3A_97 : vector<16xf32>
      %get3A_99 = arith.constant 0 : index
      %get3A_100 = tpu.vector_load %arg13[%get3A_99] {strides = array<i32>} : memref<32xf32, #tpu.memory_space<vmem>>, vector<16xf32>,
      %add3A_101 = arith.addf %mul3A_98, %get3A_100 : vector<16xf32>
      %swap3A = arith.index_cast %add3A_88 : i32 to index
      %swap3A_102 = arith.constant 0 : index
      %swap3A_103 = tpu.vector_load %arg10[%swap3A, %swap3A_102] {strides = array<i32>} : memref<500x32xf32, #tpu.memory_space<vmem>>, vector<16xf32>,
      tpu.vector_store %arg10[%swap3A, %swap3A_102], %add3A_101 {strides = array<i32>} : memref<500x32xf32, #tpu.memory_space<vmem>>, vector<16xf32>,
      %get3A_104 = arith.index_cast %add3A_88 : i32 to index
      %get3A_105 = arith.constant 16 : index
      %get3A_106 = tpu.vector_load %arg10[%get3A_104, %get3A_105] {strides = array<i32>} : memref<500x32xf32, #tpu.memory_space<vmem>>, vector<16xf32>,
      %get3A_107 = arith.index_cast %add3A_88 : i32 to index
      %get3A_108 = arith.constant 16 : index
      %get3A_109 = tpu.vector_load %arg11[%get3A_107, %get3A_108] {strides = array<i32>} : memref<500x32xf32, #tpu.memory_space<vmem>>, vector<16xf32>,
      %add3A_110 = arith.addf %get3A_106, %get3A_109 : vector<16xf32>
      %mul3A_111 = arith.mulf %get3A_90, %add3A_110 : vector<16xf32>
      %get3A_112 = arith.constant 16 : index
      %get3A_113 = tpu.vector_load %arg13[%get3A_112] {strides = array<i32>} : memref<32xf32, #tpu.memory_space<vmem>>, vector<16xf32>,
      %add3A_114 = arith.addf %mul3A_111, %get3A_113 : vector<16xf32>
      %swap3A_115 = arith.index_cast %add3A_88 : i32 to index
      %swap3A_116 = arith.constant 16 : index
      %swap3A_117 = tpu.vector_load %arg10[%swap3A_115, %swap3A_116] {strides = array<i32>} : memref<500x32xf32, #tpu.memory_space<vmem>>, vector<16xf32>,
      tpu.vector_store %arg10[%swap3A_115, %swap3A_116], %add3A_114 {strides = array<i32>} : memref<500x32xf32, #tpu.memory_space<vmem>>, vector<16xf32>,
    }
    %scan3A_70 = arith.constant 500 : i32
    %mul3A_71 = arith.constant 32 : i32
    %mul3A_72 = arith.muli %arg0, %mul3A_71 : i32
    "tpu.region"() ({
      %run_scoped3A_84 = tpu.sem_alloc : memref<!tpu.dma_semaphore, #tpu.memory_space<semaphore_mem>>
      %dma_start3A_85 = arith.constant 0 : i32
      %dma_start3A_86 = arith.constant 0 : i32
      %dma_start3A_87 = tpu.memref_slice %arg10[%dma_start3A_85, %dma_start3A_86] : memref<500x32xf32, #tpu.memory_space<vmem>> -> memref<500x32xf32, #tpu.memory_space<vmem>>
      %dma_start3A_88 = tpu.memref_slice %arg7[%add3A_65, %mul3A_72] : memref<10000x64xf32, #tpu.memory_space<hbm>> -> memref<500x32xf32, #tpu.memory_space<hbm>>
      %dma_start3A_89 = tpu.memref_slice %arg7[%add3A_65, %mul3A_72] : memref<10000x64xf32, #tpu.memory_space<hbm>> -> memref<500x32xf32, #tpu.memory_space<hbm>>
      %dma_start3A_90 = arith.constant 0 : i32
      %dma_start3A_91 = arith.constant 0 : i32
      %dma_start3A_92 = tpu.memref_slice %arg10[%dma_start3A_90, %dma_start3A_91] : memref<500x32xf32, #tpu.memory_space<vmem>> -> memref<500x32xf32, #tpu.memory_space<vmem>>
      tpu.enqueue_dma source(%dma_start3A_92 : memref<500x32xf32, #tpu.memory_space<vmem>>) target(%dma_start3A_89 : memref<500x32xf32, #tpu.memory_space<hbm>>) target_semaphore(%run_scoped3A_84 : memref<!tpu.dma_semaphore, #tpu.memory_space<semaphore_mem>>)
      %dma_wait3A_93 = arith.constant 0 : i32
      %dma_wait3A_94 = arith.constant 0 : i32
      %dma_wait3A_95 = tpu.memref_slice %arg10[%dma_wait3A_93, %dma_wait3A_94] : memref<500x32xf32, #tpu.memory_space<vmem>> -> memref<500x32xf32, #tpu.memory_space<vmem>>
      %dma_wait3A_96 = tpu.memref_slice %arg7[%add3A_65, %mul3A_72] : memref<10000x64xf32, #tpu.memory_space<hbm>> -> memref<500x32xf32, #tpu.memory_space<hbm>>
      %dma_wait3A_97 = tpu.memref_slice %arg7[%add3A_65, %mul3A_72] : memref<10000x64xf32, #tpu.memory_space<hbm>> -> memref<500x32xf32, #tpu.memory_space<hbm>>
      %dma_wait3A_98 = arith.constant 0 : i32
      %dma_wait3A_99 = arith.constant 0 : i32
      %dma_wait3A_100 = tpu.memref_slice %arg10[%dma_wait3A_98, %dma_wait3A_99] : memref<500x32xf32, #tpu.memory_space<vmem>> -> memref<500x32xf32, #tpu.memory_space<vmem>>
      tpu.wait_dma2 semaphore(%run_scoped3A_84 : memref<!tpu.dma_semaphore, #tpu.memory_space<semaphore_mem>>) src(%dma_wait3A_100 : memref<500x32xf32, #tpu.memory_space<vmem>>) dst(%dma_wait3A_97 : memref<500x32xf32, #tpu.memory_space<hbm>>)
      tpu.yield
    }) : () -> ()
    %mul3A_73 = arith.constant 625 : i32
    %mul3A_74 = arith.muli %arg1, %mul3A_73 : i32
    %add3A_75 = arith.constant 500 : i32
    %add3A_76 = arith.addi %mul3A_74, %add3A_75 : i32
    "tpu.region"() ({
      %run_scoped3A_84 = tpu.sem_alloc : memref<!tpu.dma_semaphore, #tpu.memory_space<semaphore_mem>>
      %dma_start3A_85 = arith.constant 0 : i32
      %dma_start3A_86 = arith.constant 0 : i32
      %dma_start3A_87 = tpu.memref_slice %arg10[%dma_start3A_85, %dma_start3A_86] : memref<500x32xf32, #tpu.memory_space<vmem>> -> memref<125x32xf32, #tpu.memory_space<vmem>>
      %dma_start3A_88 = arith.constant 0 : i32
      %dma_start3A_89 = tpu.memref_slice %arg14[%add3A_76, %dma_start3A_88] : memref<10000x32xf32, #tpu.memory_space<vmem_shared>> -> memref<125x32xf32, #tpu.memory_space<vmem_shared>>
      %dma_start3A_90 = arith.constant 0 : i32
      %dma_start3A_91 = arith.constant 0 : i32
      %dma_start3A_92 = tpu.memref_slice %arg10[%dma_start3A_90, %dma_start3A_91] : memref<500x32xf32, #tpu.memory_space<vmem>> -> memref<125x32xf32, #tpu.memory_space<vmem>>
      %dma_start3A_93 = arith.constant 0 : i32
      %dma_start3A_94 = tpu.memref_slice %arg14[%add3A_76, %dma_start3A_93] : memref<10000x32xf32, #tpu.memory_space<vmem_shared>> -> memref<125x32xf32, #tpu.memory_space<vmem_shared>>
      tpu.enqueue_dma source(%dma_start3A_94 : memref<125x32xf32, #tpu.memory_space<vmem_shared>>) target(%dma_start3A_92 : memref<125x32xf32, #tpu.memory_space<vmem>>) target_semaphore(%run_scoped3A_84 : memref<!tpu.dma_semaphore, #tpu.memory_space<semaphore_mem>>)
      %dma_wait3A_95 = arith.constant 0 : i32
      %dma_wait3A_96 = arith.constant 0 : i32
      %dma_wait3A_97 = tpu.memref_slice %arg10[%dma_wait3A_95, %dma_wait3A_96] : memref<500x32xf32, #tpu.memory_space<vmem>> -> memref<125x32xf32, #tpu.memory_space<vmem>>
      %dma_wait3A_98 = arith.constant 0 : i32
      %dma_wait3A_99 = tpu.memref_slice %arg14[%add3A_76, %dma_wait3A_98] : memref<10000x32xf32, #tpu.memory_space<vmem_shared>> -> memref<125x32xf32, #tpu.memory_space<vmem_shared>>
      %dma_wait3A_100 = arith.constant 0 : i32
      %dma_wait3A_101 = arith.constant 0 : i32
      %dma_wait3A_102 = tpu.memref_slice %arg10[%dma_wait3A_100, %dma_wait3A_101] : memref<500x32xf32, #tpu.memory_space<vmem>> -> memref<125x32xf32, #tpu.memory_space<vmem>>
      %dma_wait3A_103 = arith.constant 0 : i32
      %dma_wait3A_104 = tpu.memref_slice %arg14[%add3A_76, %dma_wait3A_103] : memref<10000x32xf32, #tpu.memory_space<vmem_shared>> -> memref<125x32xf32, #tpu.memory_space<vmem_shared>>
      tpu.wait_dma2 semaphore(%run_scoped3A_84 : memref<!tpu.dma_semaphore, #tpu.memory_space<semaphore_mem>>) src(%dma_wait3A_104 : memref<125x32xf32, #tpu.memory_space<vmem_shared>>) dst(%dma_wait3A_102 : memref<125x32xf32, #tpu.memory_space<vmem>>)
      tpu.yield
    }) : () -> ()
    "tpu.region"() ({
      %run_scoped3A_84 = tpu.sem_alloc : memref<!tpu.dma_semaphore, #tpu.memory_space<semaphore_mem>>
      %dma_start3A_85 = arith.constant 0 : i32
      %dma_start3A_86 = arith.constant 0 : i32
      %dma_start3A_87 = tpu.memref_slice %arg11[%dma_start3A_85, %dma_start3A_86] : memref<500x32xf32, #tpu.memory_space<vmem>> -> memref<125x32xf32, #tpu.memory_space<vmem>>
      %dma_start3A_88 = arith.constant 0 : i32
      %dma_start3A_89 = tpu.memref_slice %arg4[%arg0, %add3A_76, %dma_start3A_88] : memref<2x10000x32xf32, #tpu.memory_space<hbm>> -> memref<1x125x32xf32, #tpu.memory_space<hbm>>
      %dma_start3A_90 = tpu.memref_squeeze %dma_start3A_89 : memref<1x125x32xf32, #tpu.memory_space<hbm>> -> memref<125x32xf32, #tpu.memory_space<hbm>>
      %dma_start3A_91 = arith.constant 0 : i32
      %dma_start3A_92 = arith.constant 0 : i32
      %dma_start3A_93 = tpu.memref_slice %arg11[%dma_start3A_91, %dma_start3A_92] : memref<500x32xf32, #tpu.memory_space<vmem>> -> memref<125x32xf32, #tpu.memory_space<vmem>>
      %dma_start3A_94 = arith.constant 0 : i32
      %dma_start3A_95 = tpu.memref_slice %arg4[%arg0, %add3A_76, %dma_start3A_94] : memref<2x10000x32xf32, #tpu.memory_space<hbm>> -> memref<1x125x32xf32, #tpu.memory_space<hbm>>
      %dma_start3A_96 = tpu.memref_squeeze %dma_start3A_95 : memref<1x125x32xf32, #tpu.memory_space<hbm>> -> memref<125x32xf32, #tpu.memory_space<hbm>>
      tpu.enqueue_dma source(%dma_start3A_96 : memref<125x32xf32, #tpu.memory_space<hbm>>) target(%dma_start3A_93 : memref<125x32xf32, #tpu.memory_space<vmem>>) target_semaphore(%run_scoped3A_84 : memref<!tpu.dma_semaphore, #tpu.memory_space<semaphore_mem>>)
      %dma_wait3A_97 = arith.constant 0 : i32
      %dma_wait3A_98 = arith.constant 0 : i32
      %dma_wait3A_99 = tpu.memref_slice %arg11[%dma_wait3A_97, %dma_wait3A_98] : memref<500x32xf32, #tpu.memory_space<vmem>> -> memref<125x32xf32, #tpu.memory_space<vmem>>
      %dma_wait3A_100 = arith.constant 0 : i32
      %dma_wait3A_101 = tpu.memref_slice %arg4[%arg0, %add3A_76, %dma_wait3A_100] : memref<2x10000x32xf32, #tpu.memory_space<hbm>> -> memref<1x125x32xf32, #tpu.memory_space<hbm>>
      %dma_wait3A_102 = tpu.memref_squeeze %dma_wait3A_101 : memref<1x125x32xf32, #tpu.memory_space<hbm>> -> memref<125x32xf32, #tpu.memory_space<hbm>>
      %dma_wait3A_103 = arith.constant 0 : i32
      %dma_wait3A_104 = arith.constant 0 : i32
      %dma_wait3A_105 = tpu.memref_slice %arg11[%dma_wait3A_103, %dma_wait3A_104] : memref<500x32xf32, #tpu.memory_space<vmem>> -> memref<125x32xf32, #tpu.memory_space<vmem>>
      %dma_wait3A_106 = arith.constant 0 : i32
      %dma_wait3A_107 = tpu.memref_slice %arg4[%arg0, %add3A_76, %dma_wait3A_106] : memref<2x10000x32xf32, #tpu.memory_space<hbm>> -> memref<1x125x32xf32, #tpu.memory_space<hbm>>
      %dma_wait3A_108 = tpu.memref_squeeze %dma_wait3A_107 : memref<1x125x32xf32, #tpu.memory_space<hbm>> -> memref<125x32xf32, #tpu.memory_space<hbm>>
      tpu.wait_dma2 semaphore(%run_scoped3A_84 : memref<!tpu.dma_semaphore, #tpu.memory_space<semaphore_mem>>) src(%dma_wait3A_108 : memref<125x32xf32, #tpu.memory_space<hbm>>) dst(%dma_wait3A_105 : memref<125x32xf32, #tpu.memory_space<vmem>>)
      tpu.yield
    }) : () -> ()
    "tpu.region"() ({
      %run_scoped3A_84 = tpu.sem_alloc : memref<!tpu.dma_semaphore, #tpu.memory_space<semaphore_mem>>
      %dma_start3A_85 = arith.constant 0 : i32
      %dma_start3A_86 = arith.constant 0 : i32
      %dma_start3A_87 = tpu.memref_slice %arg12[%dma_start3A_85, %dma_start3A_86] : memref<500x16xf32, #tpu.memory_space<vmem>> -> memref<125x16xf32, #tpu.memory_space<vmem>>
      %dma_start3A_88 = arith.constant 0 : i32
      %dma_start3A_89 = tpu.memref_slice %arg5[%add3A_76, %dma_start3A_88] : memref<10000x16xf32, #tpu.memory_space<hbm>> -> memref<125x16xf32, #tpu.memory_space<hbm>>
      %dma_start3A_90 = arith.constant 0 : i32
      %dma_start3A_91 = arith.constant 0 : i32
      %dma_start3A_92 = tpu.memref_slice %arg12[%dma_start3A_90, %dma_start3A_91] : memref<500x16xf32, #tpu.memory_space<vmem>> -> memref<125x16xf32, #tpu.memory_space<vmem>>
      %dma_start3A_93 = arith.constant 0 : i32
      %dma_start3A_94 = tpu.memref_slice %arg5[%add3A_76, %dma_start3A_93] : memref<10000x16xf32, #tpu.memory_space<hbm>> -> memref<125x16xf32, #tpu.memory_space<hbm>>
      tpu.enqueue_dma source(%dma_start3A_94 : memref<125x16xf32, #tpu.memory_space<hbm>>) target(%dma_start3A_92 : memref<125x16xf32, #tpu.memory_space<vmem>>) target_semaphore(%run_scoped3A_84 : memref<!tpu.dma_semaphore, #tpu.memory_space<semaphore_mem>>)
      %dma_wait3A_95 = arith.constant 0 : i32
      %dma_wait3A_96 = arith.constant 0 : i32
      %dma_wait3A_97 = tpu.memref_slice %arg12[%dma_wait3A_95, %dma_wait3A_96] : memref<500x16xf32, #tpu.memory_space<vmem>> -> memref<125x16xf32, #tpu.memory_space<vmem>>
      %dma_wait3A_98 = arith.constant 0 : i32
      %dma_wait3A_99 = tpu.memref_slice %arg5[%add3A_76, %dma_wait3A_98] : memref<10000x16xf32, #tpu.memory_space<hbm>> -> memref<125x16xf32, #tpu.memory_space<hbm>>
      %dma_wait3A_100 = arith.constant 0 : i32
      %dma_wait3A_101 = arith.constant 0 : i32
      %dma_wait3A_102 = tpu.memref_slice %arg12[%dma_wait3A_100, %dma_wait3A_101] : memref<500x16xf32, #tpu.memory_space<vmem>> -> memref<125x16xf32, #tpu.memory_space<vmem>>
      %dma_wait3A_103 = arith.constant 0 : i32
      %dma_wait3A_104 = tpu.memref_slice %arg5[%add3A_76, %dma_wait3A_103] : memref<10000x16xf32, #tpu.memory_space<hbm>> -> memref<125x16xf32, #tpu.memory_space<hbm>>
      tpu.wait_dma2 semaphore(%run_scoped3A_84 : memref<!tpu.dma_semaphore, #tpu.memory_space<semaphore_mem>>) src(%dma_wait3A_104 : memref<125x16xf32, #tpu.memory_space<hbm>>) dst(%dma_wait3A_102 : memref<125x16xf32, #tpu.memory_space<vmem>>)
      tpu.yield
    }) : () -> ()
    %scan3A_77 = arith.constant 0 : i32
    %scan3A_78 = arith.constant 125 : i32
    %scan3A_79 = arith.addi %scan3A_77, %scan3A_78 : i32
    %scan3A_80 = arith.constant 1 : i32
    scf.for %scan3A_84 = %scan3A_77 to %scan3A_79 step %scan3A_80  : i32 {
      %mul3A_85 = arith.constant 1 : i32
      %mul3A_86 = arith.muli %scan3A_84, %mul3A_85 : i32
      %add3A_87 = arith.constant 0 : i32
      %add3A_88 = arith.addi %add3A_87, %mul3A_86 : i32
      %get3A = arith.index_cast %add3A_88 : i32 to index
      %get3A_89 = arith.constant 0 : index
      %get3A_90 = tpu.vector_load %arg12[%get3A, %get3A_89] {strides = array<i32>} : memref<500x16xf32, #tpu.memory_space<vmem>>, vector<16xf32>,
      %get3A_91 = arith.index_cast %add3A_88 : i32 to index
      %get3A_92 = arith.constant 0 : index
      %get3A_93 = tpu.vector_load %arg10[%get3A_91, %get3A_92] {strides = array<i32>} : memref<500x32xf32, #tpu.memory_space<vmem>>, vector<16xf32>,
      %get3A_94 = arith.index_cast %add3A_88 : i32 to index
      %get3A_95 = arith.constant 0 : index
      %get3A_96 = tpu.vector_load %arg11[%get3A_94, %get3A_95] {strides = array<i32>} : memref<500x32xf32, #tpu.memory_space<vmem>>, vector<16xf32>,
      %add3A_97 = arith.addf %get3A_93, %get3A_96 : vector<16xf32>
      %mul3A_98 = arith.mulf %get3A_90, %add3A_97 : vector<16xf32>
      %get3A_99 = arith.constant 0 : index
      %get3A_100 = tpu.vector_load %arg13[%get3A_99] {strides = array<i32>} : memref<32xf32, #tpu.memory_space<vmem>>, vector<16xf32>,
      %add3A_101 = arith.addf %mul3A_98, %get3A_100 : vector<16xf32>
      %swap3A = arith.index_cast %add3A_88 : i32 to index
      %swap3A_102 = arith.constant 0 : index
      %swap3A_103 = tpu.vector_load %arg10[%swap3A, %swap3A_102] {strides = array<i32>} : memref<500x32xf32, #tpu.memory_space<vmem>>, vector<16xf32>,
      tpu.vector_store %arg10[%swap3A, %swap3A_102], %add3A_101 {strides = array<i32>} : memref<500x32xf32, #tpu.memory_space<vmem>>, vector<16xf32>,
      %get3A_104 = arith.index_cast %add3A_88 : i32 to index
      %get3A_105 = arith.constant 16 : index
      %get3A_106 = tpu.vector_load %arg10[%get3A_104, %get3A_105] {strides = array<i32>} : memref<500x32xf32, #tpu.memory_space<vmem>>, vector<16xf32>,
      %get3A_107 = arith.index_cast %add3A_88 : i32 to index
      %get3A_108 = arith.constant 16 : index
      %get3A_109 = tpu.vector_load %arg11[%get3A_107, %get3A_108] {strides = array<i32>} : memref<500x32xf32, #tpu.memory_space<vmem>>, vector<16xf32>,
      %add3A_110 = arith.addf %get3A_106, %get3A_109 : vector<16xf32>
      %mul3A_111 = arith.mulf %get3A_90, %add3A_110 : vector<16xf32>
      %get3A_112 = arith.constant 16 : index
      %get3A_113 = tpu.vector_load %arg13[%get3A_112] {strides = array<i32>} : memref<32xf32, #tpu.memory_space<vmem>>, vector<16xf32>,
      %add3A_114 = arith.addf %mul3A_111, %get3A_113 : vector<16xf32>
      %swap3A_115 = arith.index_cast %add3A_88 : i32 to index
      %swap3A_116 = arith.constant 16 : index
      %swap3A_117 = tpu.vector_load %arg10[%swap3A_115, %swap3A_116] {strides = array<i32>} : memref<500x32xf32, #tpu.memory_space<vmem>>, vector<16xf32>,
      tpu.vector_store %arg10[%swap3A_115, %swap3A_116], %add3A_114 {strides = array<i32>} : memref<500x32xf32, #tpu.memory_space<vmem>>, vector<16xf32>,
    }
    %scan3A_81 = arith.constant 125 : i32
    %mul3A_82 = arith.constant 32 : i32
    %mul3A_83 = arith.muli %arg0, %mul3A_82 : i32
    "tpu.region"() ({
      %run_scoped3A_84 = tpu.sem_alloc : memref<!tpu.dma_semaphore, #tpu.memory_space<semaphore_mem>>
      %dma_start3A_85 = arith.constant 0 : i32
      %dma_start3A_86 = arith.constant 0 : i32
      %dma_start3A_87 = tpu.memref_slice %arg10[%dma_start3A_85, %dma_start3A_86] : memref<500x32xf32, #tpu.memory_space<vmem>> -> memref<125x32xf32, #tpu.memory_space<vmem>>
      %dma_start3A_88 = tpu.memref_slice %arg7[%add3A_76, %mul3A_83] : memref<10000x64xf32, #tpu.memory_space<hbm>> -> memref<125x32xf32, #tpu.memory_space<hbm>>
      %dma_start3A_89 = tpu.memref_slice %arg7[%add3A_76, %mul3A_83] : memref<10000x64xf32, #tpu.memory_space<hbm>> -> memref<125x32xf32, #tpu.memory_space<hbm>>
      %dma_start3A_90 = arith.constant 0 : i32
      %dma_start3A_91 = arith.constant 0 : i32
      %dma_start3A_92 = tpu.memref_slice %arg10[%dma_start3A_90, %dma_start3A_91] : memref<500x32xf32, #tpu.memory_space<vmem>> -> memref<125x32xf32, #tpu.memory_space<vmem>>
      tpu.enqueue_dma source(%dma_start3A_92 : memref<125x32xf32, #tpu.memory_space<vmem>>) target(%dma_start3A_89 : memref<125x32xf32, #tpu.memory_space<hbm>>) target_semaphore(%run_scoped3A_84 : memref<!tpu.dma_semaphore, #tpu.memory_space<semaphore_mem>>)
      %dma_wait3A_93 = arith.constant 0 : i32
      %dma_wait3A_94 = arith.constant 0 : i32
      %dma_wait3A_95 = tpu.memref_slice %arg10[%dma_wait3A_93, %dma_wait3A_94] : memref<500x32xf32, #tpu.memory_space<vmem>> -> memref<125x32xf32, #tpu.memory_space<vmem>>
      %dma_wait3A_96 = tpu.memref_slice %arg7[%add3A_76, %mul3A_83] : memref<10000x64xf32, #tpu.memory_space<hbm>> -> memref<125x32xf32, #tpu.memory_space<hbm>>
      %dma_wait3A_97 = tpu.memref_slice %arg7[%add3A_76, %mul3A_83] : memref<10000x64xf32, #tpu.memory_space<hbm>> -> memref<125x32xf32, #tpu.memory_space<hbm>>
      %dma_wait3A_98 = arith.constant 0 : i32
      %dma_wait3A_99 = arith.constant 0 : i32
      %dma_wait3A_100 = tpu.memref_slice %arg10[%dma_wait3A_98, %dma_wait3A_99] : memref<500x32xf32, #tpu.memory_space<vmem>> -> memref<125x32xf32, #tpu.memory_space<vmem>>
      tpu.wait_dma2 semaphore(%run_scoped3A_84 : memref<!tpu.dma_semaphore, #tpu.memory_space<semaphore_mem>>) src(%dma_wait3A_100 : memref<125x32xf32, #tpu.memory_space<vmem>>) dst(%dma_wait3A_97 : memref<125x32xf32, #tpu.memory_space<hbm>>)
      tpu.yield
    }) : () -> ()
    return
  }
}

module attributes {stable_mosaic.version = 14 : i64} {
  func.func @_tc0_body(%arg0: i32, %arg1: memref<2000x128xf32, #tpu.memory_space<vmem>>, %arg2: memref<128x128xf32, #tpu.memory_space<vmem>>, %arg3: memref<2000x128xf32, #tpu.memory_space<vmem>>) attributes {dimension_semantics = [#tpu.dimension_semantics<arbitrary>], iteration_bounds = array<i64: 5>, scalar_prefetch = 0 : i64, scratch_operands = 0 : i64, tpu.core_type = #tpu.core_type<tc>, window_params = [{transform_indices = @transform_0, window_bounds = array<i64: 2000, 128>}, {pipeline_mode = #tpu.pipeline_mode<synchronous>, transform_indices = @transform_1, window_bounds = array<i64: 128, 128>}, {transform_indices = @transform_2, window_bounds = array<i64: 2000, 128>}]} {
    %get3A = arith.constant 0 : index
    %get3A_0 = arith.constant 0 : index
    %get3A_1 = vector.load %arg1[%get3A, %get3A_0] : memref<2000x128xf32, #tpu.memory_space<vmem>>, vector<2000x128xf32>
    %get3A_2 = arith.constant 0 : index
    %get3A_3 = arith.constant 0 : index
    %get3A_4 = vector.load %arg2[%get3A_2, %get3A_3] : memref<128x128xf32, #tpu.memory_space<vmem>>, vector<128x128xf32>
    %dot_general3A = arith.constant dense<0.000000e+00> : vector<2000x128xf32>
    %dot_general3A_5 = tpu.matmul %get3A_1, %get3A_4, %dot_general3A {dimension_numbers = #tpu.dot_dimension_numbers<[1], [0], [0], [1], [0, 0, 1, 1], [], []>, transpose_lhs_hint = false} : vector<2000x128xf32>, vector<128x128xf32>, vector<2000x128xf32> -> vector<2000x128xf32>
    %swap3A = arith.constant 0 : index
    %swap3A_6 = arith.constant 0 : index
    %swap3A_7 = vector.load %arg3[%swap3A, %swap3A_6] : memref<2000x128xf32, #tpu.memory_space<vmem>>, vector<2000x128xf32>
    tpu.vector_store %arg3[%swap3A, %swap3A_6], %dot_general3A_5 {strides = array<i32>} : memref<2000x128xf32, #tpu.memory_space<vmem>>, vector<2000x128xf32>,
    return
  }
  func.func @transform_0(%arg0: i32) -> (i32, i32) {
    %c0_i32 = arith.constant 0 : i32
    %c0_i32_0 = arith.constant 0 : i32
    return %arg0, %c0_i32 : i32, i32
  }
  func.func @transform_1(%arg0: i32) -> (i32, i32) {
    %c0_i32 = arith.constant 0 : i32
    %c0_i32_0 = arith.constant 0 : i32
    %c0_i32_1 = arith.constant 0 : i32
    return %c0_i32, %c0_i32_0 : i32, i32
  }
  func.func @transform_2(%arg0: i32) -> (i32, i32) {
    %c0_i32 = arith.constant 0 : i32
    %c0_i32_0 = arith.constant 0 : i32
    return %arg0, %c0_i32 : i32, i32
  }
}

module attributes {stable_mosaic.version = 14 : i64} {
  func.func @_tc1_body(%arg0: i32, %arg1: memref<2000x128xf32, #tpu.memory_space<vmem>>, %arg2: memref<2x2000x16xf32, #tpu.memory_space<vmem>>, %arg3: memref<2000x128xf32, #tpu.memory_space<vmem>>, %arg4: memref<2000x16xf32, #tpu.memory_space<vmem>>) attributes {dimension_semantics = [#tpu.dimension_semantics<arbitrary>], iteration_bounds = array<i64: 5>, scalar_prefetch = 0 : i64, scratch_operands = 0 : i64, tpu.core_type = #tpu.core_type<tc>, window_params = [{transform_indices = @transform_0, window_bounds = array<i64: 2000, 128>}, {transform_indices = @transform_1, window_bounds = array<i64: 2, 2000, 16>}, {transform_indices = @transform_2, window_bounds = array<i64: 2000, 128>}, {transform_indices = @transform_3, window_bounds = array<i64: 2000, 16>}]} {
    %get3A = arith.constant 0 : index
    %get3A_0 = arith.constant 0 : index
    %get3A_1 = arith.constant 0 : index
    %get3A_2 = vector.load %arg2[%get3A, %get3A_0, %get3A_1] : memref<2x2000x16xf32, #tpu.memory_space<vmem>>, vector<1x2000x1xf32>
    %get3A_3 = vector.shape_cast %get3A_2 : vector<1x2000x1xf32> to vector<2000x1xf32>
    %get3A_4 = arith.constant 1 : index
    %get3A_5 = arith.constant 0 : index
    %get3A_6 = arith.constant 0 : index
    %get3A_7 = vector.load %arg2[%get3A_4, %get3A_5, %get3A_6] : memref<2x2000x16xf32, #tpu.memory_space<vmem>>, vector<1x2000x1xf32>
    %get3A_8 = vector.shape_cast %get3A_7 : vector<1x2000x1xf32> to vector<2000x1xf32>
    %add3A = arith.addf %get3A_3, %get3A_8 : vector<2000x1xf32>
    %add3A_9 = arith.constant 1.000000e+00 : f32
    %add3A_10 = vector.broadcast %add3A_9 : f32 to vector<2000x1xf32>
    %add3A_11 = arith.addf %add3A, %add3A_10 : vector<2000x1xf32>
    %rsqrt3A = math.rsqrt %add3A_11 : vector<2000x1xf32>
    %get3A_12 = arith.constant 0 : index
    %get3A_13 = arith.constant 0 : index
    %get3A_14 = vector.load %arg1[%get3A_12, %get3A_13] : memref<2000x128xf32, #tpu.memory_space<vmem>>, vector<2000x128xf32>
    %mul3A = vector.broadcast %rsqrt3A : vector<2000x1xf32> to vector<2000x128xf32>
    %mul3A_15 = arith.mulf %get3A_14, %mul3A : vector<2000x128xf32>
    %swap3A = arith.constant 0 : index
    %swap3A_16 = arith.constant 0 : index
    %swap3A_17 = vector.load %arg3[%swap3A, %swap3A_16] : memref<2000x128xf32, #tpu.memory_space<vmem>>, vector<2000x128xf32>
    tpu.vector_store %arg3[%swap3A, %swap3A_16], %mul3A_15 {strides = array<i32>} : memref<2000x128xf32, #tpu.memory_space<vmem>>, vector<2000x128xf32>,
    %broadcast_in_dim3A = vector.shape_cast %rsqrt3A : vector<2000x1xf32> to vector<2000x1xf32>
    %broadcast_in_dim3A_18 = vector.broadcast %broadcast_in_dim3A : vector<2000x1xf32> to vector<2000x16xf32>
    %swap3A_19 = arith.constant 0 : index
    %swap3A_20 = arith.constant 0 : index
    %swap3A_21 = vector.load %arg4[%swap3A_19, %swap3A_20] : memref<2000x16xf32, #tpu.memory_space<vmem>>, vector<2000x16xf32>
    tpu.vector_store %arg4[%swap3A_19, %swap3A_20], %broadcast_in_dim3A_18 {strides = array<i32>} : memref<2000x16xf32, #tpu.memory_space<vmem>>, vector<2000x16xf32>,
    return
  }
  func.func @transform_0(%arg0: i32) -> (i32, i32) {
    %c0_i32 = arith.constant 0 : i32
    %c0_i32_0 = arith.constant 0 : i32
    return %arg0, %c0_i32 : i32, i32
  }
  func.func @transform_1(%arg0: i32) -> (i32, i32, i32) {
    %c0_i32 = arith.constant 0 : i32
    %c0_i32_0 = arith.constant 0 : i32
    %c0_i32_1 = arith.constant 0 : i32
    return %c0_i32, %arg0, %c0_i32_0 : i32, i32, i32
  }
  func.func @transform_2(%arg0: i32) -> (i32, i32) {
    %c0_i32 = arith.constant 0 : i32
    %c0_i32_0 = arith.constant 0 : i32
    return %arg0, %c0_i32 : i32, i32
  }
  func.func @transform_3(%arg0: i32) -> (i32, i32) {
    %c0_i32 = arith.constant 0 : i32
    %c0_i32_0 = arith.constant 0 : i32
    return %arg0, %c0_i32 : i32, i32
  }
}

module attributes {stable_mosaic.version = 14 : i64} {
  func.func @_tc2_body(%arg0: i32, %arg1: memref<2x2000x128xf32, #tpu.memory_space<vmem>>, %arg2: memref<2000x128xf32, #tpu.memory_space<vmem>>, %arg3: memref<2x2000x16xf32, #tpu.memory_space<vmem>>, %arg4: memref<1x128xf32, #tpu.memory_space<vmem>>, %arg5: memref<128x64xf32, #tpu.memory_space<vmem>>, %arg6: memref<2x2000x32xf32, #tpu.memory_space<vmem>>) attributes {dimension_semantics = [#tpu.dimension_semantics<arbitrary>], iteration_bounds = array<i64: 5>, scalar_prefetch = 0 : i64, scratch_operands = 0 : i64, tpu.core_type = #tpu.core_type<tc>, window_params = [{transform_indices = @transform_0, window_bounds = array<i64: 2, 2000, 128>}, {transform_indices = @transform_1, window_bounds = array<i64: 2000, 128>}, {transform_indices = @transform_2, window_bounds = array<i64: 2, 2000, 16>}, {pipeline_mode = #tpu.pipeline_mode<synchronous>, transform_indices = @transform_3, window_bounds = array<i64: 1, 128>}, {pipeline_mode = #tpu.pipeline_mode<synchronous>, transform_indices = @transform_4, window_bounds = array<i64: 128, 64>}, {transform_indices = @transform_5, window_bounds = array<i64: 2, 2000, 32>}]} {
    %get3A = arith.constant 0 : index
    %get3A_0 = arith.constant 0 : index
    %get3A_1 = arith.constant 0 : index
    %get3A_2 = vector.load %arg3[%get3A, %get3A_0, %get3A_1] : memref<2x2000x16xf32, #tpu.memory_space<vmem>>, vector<1x2000x1xf32>
    %get3A_3 = vector.shape_cast %get3A_2 : vector<1x2000x1xf32> to vector<2000x1xf32>
    %get3A_4 = arith.constant 1 : index
    %get3A_5 = arith.constant 0 : index
    %get3A_6 = arith.constant 0 : index
    %get3A_7 = vector.load %arg3[%get3A_4, %get3A_5, %get3A_6] : memref<2x2000x16xf32, #tpu.memory_space<vmem>>, vector<1x2000x1xf32>
    %get3A_8 = vector.shape_cast %get3A_7 : vector<1x2000x1xf32> to vector<2000x1xf32>
    %add3A = arith.addf %get3A_3, %get3A_8 : vector<2000x1xf32>
    %add3A_9 = arith.constant 1.000000e+00 : f32
    %add3A_10 = vector.broadcast %add3A_9 : f32 to vector<2000x1xf32>
    %add3A_11 = arith.addf %add3A, %add3A_10 : vector<2000x1xf32>
    %rsqrt3A = math.rsqrt %add3A_11 : vector<2000x1xf32>
    %get3A_12 = arith.constant 0 : index
    %get3A_13 = arith.constant 0 : index
    %get3A_14 = arith.constant 0 : index
    %get3A_15 = vector.load %arg1[%get3A_12, %get3A_13, %get3A_14] : memref<2x2000x128xf32, #tpu.memory_space<vmem>>, vector<1x2000x128xf32>
    %get3A_16 = vector.shape_cast %get3A_15 : vector<1x2000x128xf32> to vector<2000x128xf32>
    %get3A_17 = arith.constant 1 : index
    %get3A_18 = arith.constant 0 : index
    %get3A_19 = arith.constant 0 : index
    %get3A_20 = vector.load %arg1[%get3A_17, %get3A_18, %get3A_19] : memref<2x2000x128xf32, #tpu.memory_space<vmem>>, vector<1x2000x128xf32>
    %get3A_21 = vector.shape_cast %get3A_20 : vector<1x2000x128xf32> to vector<2000x128xf32>
    %add3A_22 = arith.addf %get3A_16, %get3A_21 : vector<2000x128xf32>
    %get3A_23 = arith.constant 0 : index
    %get3A_24 = arith.constant 0 : index
    %get3A_25 = vector.load %arg2[%get3A_23, %get3A_24] : memref<2000x128xf32, #tpu.memory_space<vmem>>, vector<2000x128xf32>
    %add3A_26 = arith.addf %add3A_22, %get3A_25 : vector<2000x128xf32>
    %mul3A = vector.broadcast %rsqrt3A : vector<2000x1xf32> to vector<2000x128xf32>
    %mul3A_27 = arith.mulf %add3A_26, %mul3A : vector<2000x128xf32>
    %get3A_28 = arith.constant 0 : index
    %get3A_29 = arith.constant 0 : index
    %get3A_30 = vector.load %arg4[%get3A_28, %get3A_29] : memref<1x128xf32, #tpu.memory_space<vmem>>, vector<1x128xf32>
    %add3A_31 = vector.broadcast %get3A_30 : vector<1x128xf32> to vector<2000x128xf32>
    %add3A_32 = arith.addf %mul3A_27, %add3A_31 : vector<2000x128xf32>
    %max3A = arith.constant 0.000000e+00 : f32
    %max3A_33 = vector.broadcast %max3A : f32 to vector<2000x128xf32>
    %max3A_34 = arith.maximumf %add3A_32, %max3A_33 : vector<2000x128xf32>
    %get3A_35 = arith.constant 0 : index
    %get3A_36 = arith.constant 0 : index
    %get3A_37 = vector.load %arg5[%get3A_35, %get3A_36] : memref<128x64xf32, #tpu.memory_space<vmem>>, vector<128x64xf32>
    %dot_general3A = arith.constant dense<0.000000e+00> : vector<2000x64xf32>
    %dot_general3A_38 = tpu.matmul %max3A_34, %get3A_37, %dot_general3A {dimension_numbers = #tpu.dot_dimension_numbers<[1], [0], [0], [1], [0, 0, 1, 1], [], []>, transpose_lhs_hint = false} : vector<2000x128xf32>, vector<128x64xf32>, vector<2000x64xf32> -> vector<2000x64xf32>
    %mul3A_39 = vector.broadcast %rsqrt3A : vector<2000x1xf32> to vector<2000x64xf32>
    %mul3A_40 = arith.mulf %dot_general3A_38, %mul3A_39 : vector<2000x64xf32>
    %slice3A = vector.extract_strided_slice %mul3A_40 {offsets = [0, 0], sizes = [2000, 32], strides = [1, 1]} : vector<2000x64xf32> to vector<2000x32xf32>
    %swap3A = arith.constant 0 : index
    %swap3A_41 = arith.constant 0 : index
    %swap3A_42 = arith.constant 0 : index
    %swap3A_43 = vector.load %arg6[%swap3A, %swap3A_41, %swap3A_42] : memref<2x2000x32xf32, #tpu.memory_space<vmem>>, vector<1x2000x32xf32>
    %swap3A_44 = vector.shape_cast %swap3A_43 : vector<1x2000x32xf32> to vector<2000x32xf32>
    %swap3A_45 = vector.shape_cast %slice3A : vector<2000x32xf32> to vector<1x2000x32xf32>
    tpu.vector_store %arg6[%swap3A, %swap3A_41, %swap3A_42], %swap3A_45 {strides = array<i32>} : memref<2x2000x32xf32, #tpu.memory_space<vmem>>, vector<1x2000x32xf32>,
    %slice3A_46 = vector.extract_strided_slice %mul3A_40 {offsets = [0, 32], sizes = [2000, 32], strides = [1, 1]} : vector<2000x64xf32> to vector<2000x32xf32>
    %swap3A_47 = arith.constant 1 : index
    %swap3A_48 = arith.constant 0 : index
    %swap3A_49 = arith.constant 0 : index
    %swap3A_50 = vector.load %arg6[%swap3A_47, %swap3A_48, %swap3A_49] : memref<2x2000x32xf32, #tpu.memory_space<vmem>>, vector<1x2000x32xf32>
    %swap3A_51 = vector.shape_cast %swap3A_50 : vector<1x2000x32xf32> to vector<2000x32xf32>
    %swap3A_52 = vector.shape_cast %slice3A_46 : vector<2000x32xf32> to vector<1x2000x32xf32>
    tpu.vector_store %arg6[%swap3A_47, %swap3A_48, %swap3A_49], %swap3A_52 {strides = array<i32>} : memref<2x2000x32xf32, #tpu.memory_space<vmem>>, vector<1x2000x32xf32>,
    return
  }
  func.func @transform_0(%arg0: i32) -> (i32, i32, i32) {
    %c0_i32 = arith.constant 0 : i32
    %c0_i32_0 = arith.constant 0 : i32
    %c0_i32_1 = arith.constant 0 : i32
    return %c0_i32, %arg0, %c0_i32_0 : i32, i32, i32
  }
  func.func @transform_1(%arg0: i32) -> (i32, i32) {
    %c0_i32 = arith.constant 0 : i32
    %c0_i32_0 = arith.constant 0 : i32
    return %arg0, %c0_i32 : i32, i32
  }
  func.func @transform_2(%arg0: i32) -> (i32, i32, i32) {
    %c0_i32 = arith.constant 0 : i32
    %c0_i32_0 = arith.constant 0 : i32
    %c0_i32_1 = arith.constant 0 : i32
    return %c0_i32, %arg0, %c0_i32_0 : i32, i32, i32
  }
  func.func @transform_3(%arg0: i32) -> (i32, i32) {
    %c0_i32 = arith.constant 0 : i32
    %c0_i32_0 = arith.constant 0 : i32
    %c0_i32_1 = arith.constant 0 : i32
    return %c0_i32, %c0_i32_0 : i32, i32
  }
  func.func @transform_4(%arg0: i32) -> (i32, i32) {
    %c0_i32 = arith.constant 0 : i32
    %c0_i32_0 = arith.constant 0 : i32
    %c0_i32_1 = arith.constant 0 : i32
    return %c0_i32, %c0_i32_0 : i32, i32
  }
  func.func @transform_5(%arg0: i32) -> (i32, i32, i32) {
    %c0_i32 = arith.constant 0 : i32
    %c0_i32_0 = arith.constant 0 : i32
    %c0_i32_1 = arith.constant 0 : i32
    return %c0_i32, %arg0, %c0_i32_0 : i32, i32, i32
  }
}

</mosaic_0001>

<sc_bundles>
// kernel: kernel.11.cloned.1.call-start
scs
__scs_entry_jumppad:
0x0: {  	(pc) =	sbr.rel $0x88, $3  }
0x1: {  	(tag) =	ssettag $0x0;
	lr =	simm.s32 $0x1  }
0x2: {  	[smem:$0x3F9B] =	sst lr;
	_ =	strace $0xD0000000  }
0x3: {  	_ = 	snop  }
0x4: {  	_ = 	snop  }
0x5: {  	_ = 	snop  }
0x6: {  	_ = 	snop  }
0x7: {  	_ = 	snop  }
__scs_overlays_trampoline_lowered:
0x8: {  	[smem:$0x3FAA] =	sst s0  }
0x9: {  	[smem:$0x3FAB] =	sst s1  }
0xa: {  	[smem:$0x3FAC] =	sst s2  }
0xb: {  	[smem:$0x3FAD] =	sst s3  }
0xc: {  	[smem:$0x3FAE] =	sst s4  }
0xd: {  	[smem:$0x3FAF] =	sst s5  }
0xe: {  	[smem:$0x3FB0] =	sst s6  }
0xf: {  	[smem:$0x3FB1] =	sst s7  }
0x10: {  	[smem:$0x3FB2] =	sst s8  }
0x11: {  	[smem:$0x3FB3] =	sst s9;
	s0 =	simm.s32 @!p0 $0x0  }
0x12: {  	s1 =	sld [smem:$0x3F99];
	s0 =	simm.s32 @p0 $0x1  }
0x13: {  	[smem:$0x3FB4] =	sst s0;
	s0 =	simm.s32 @!p1 $0x0  }
0x14: {  	s2 =	sld [smem:$0x3F98];
	s0 =	simm.s32 @p1 $0x1  }
0x15: {  	[smem:$0x3FB5] =	sst s0;
	s0 =	simm.s32 @!p2 $0x0  }
0x16: {  	s3 =	sld [smem:$0x3FDB];
	s0 =	simm.s32 @p2 $0x1  }
0x17: {  	s4 =	simm.s32 $0x1BF5;
	[smem:$0x3FB7] =	sst s0  }
0x18: {  	s0 =	sld [smem:$0x3F9A];
	_ =	swait.ge [sflag:s4], $0x0  }
0x19: {  	s7 =	sld [smem:$0x3F9B]  }
0x1a: {  	s8 =	sadd.s32 $0xFFFFE003, lr  }
0x1b: {  	s9 =	sadd.s32 $0xFFFFFEF7, lr;
	s5 =	simm.s32 $0xFFFFFFFF;
	p2 =	slt.u32 s8, $0xFFFFF086  }
0x1c: {  	p1 =	slt.u32 s9, $0xF7A;
	s5 =	simm.s32 @!p2 $0x0  }
0x1d: {  	s5 =	simm.s32 @p1 $0x1;
	p0 =	seq.s32 s7, s2  }
0x1e: {  	s7 =	smul.u32 @!p0 $0xF7A, s2;
	p2 =	seq.s32 @!p0 s5, $0x0  }
0x1f: {  	s9 =	smul.u32 $0xF7A, s1;
	s8 =	simm.s32 @!p0 $0x1BF5;
	p2 =	por !p2, p0  }
0x20: {  	[sflag:s8] =	ssyncset.s32 @!p0 $0xFFFFF086;
	s6 =	sadd.s32 @!p0 s3, s7;
	s7 =	simm.s32 @!p0 $0x108  }
0x21: {  	s3 =	sadd.s32 s3, s9;
	s6 =	sadd.s32 @!p0 $0x88, s6;
	s7 =	simm.s32 @p2 $0x1082  }
0x22: {  	[simem:s7], [sflag:s8] =	dma.local @!p0 [hbm:s6], $0xF7A  }
0x23: {  	s9 =	sor.u32 $0xD0000000, s2;
	s6 =	simm.s32 $0x108;
	_ =	swait.ge @!p0 [sflag:s8], $0x0  }
0x24: {  	s3 =	sadd.s32 $0x88, s3;
	s6 =	simm.s32 @!p1 $0x1082;
	[sflag:s4] =	ssyncset.s32 $0xFFFFF086  }
0x25: {  	[simem:s6], [sflag:s4] =	dma.local [hbm:s3], $0xF7A  }
0x26: {  	[smem:$0x3F9B] =	sst s1;
	(tag) =	ssettag s2;
	_ =	strace s9  }
0x27: {  	s1 =	sld [smem:$0x3FAB]  }
0x28: {  	s2 =	sld [smem:$0x3FAC]  }
0x29: {  	s4 =	sld [smem:$0x3FAE]  }
0x2a: {  	p0 =	seq.s32 s5, $0x0;
	s5 =	sld [smem:$0x3FAF]  }
0x2b: {  	s6 =	sld [smem:$0x3FB0]  }
0x2c: {  	s7 =	sld [smem:$0x3FB1]  }
0x2d: {  	s3 =	simm.s32 $0x108;
	s8 =	sld [smem:$0x3FB2]  }
0x2e: {  	s3 =	simm.s32 @!p0 $0x1082;
	s9 =	sld [smem:$0x3FB3]  }
0x2f: {  	lr =	sadd.s32 s0, s3;
	s0 =	sld [smem:$0x3FAA]  }
0x30: {  	s3 =	sld [smem:$0x3FAD]  }
0x31: {  	[smem:$0x3FB6] =	sst s10  }
0x32: {  	s10 =	sld [smem:$0x3FB4];
	_ =	sdelay $0x3  }
0x33: {  	p0 =	seq.s32 s10, $0x1;
	s10 =	sld [smem:$0x3FB6];
	_ =	sdelay $0x3  }
0x34: {  	[smem:$0x3FB6] =	sst s10  }
0x35: {  	s10 =	sld [smem:$0x3FB5];
	_ =	sdelay $0x3  }
0x36: {  	p1 =	seq.s32 s10, $0x1;
	s10 =	sld [smem:$0x3FB6];
	_ =	sdelay $0x3  }
0x37: {  	[smem:$0x3FB6] =	sst s10  }
0x38: {  	s10 =	sld [smem:$0x3FB7]  }
0x39: {  	_ = 	snop;
	(pc) =	sbr.ind lr, $3  }
0x3a: {  	_ = 	snop  }
0x3b: {  	_ = 	snop  }
0x3c: {  	p2 =	seq.s32 s10, $0x1;
	s10 =	sld [smem:$0x3FB6]  }
0x3d: {  	_ =	shalt  }
0x3e: {  	_ =	shalt  }
0x3f: {  	_ =	shalt  }
0x40: {  	_ =	shalt  }
0x41: {  	_ =	shalt  }
0x42: {  	_ =	shalt  }
0x43: {  	_ =	shalt  }
0x44: {  	_ =	shalt  }
0x45: {  	_ =	shalt  }
0x46: {  	_ =	shalt  }
0x47: {  	_ =	shalt  }
0x48: {  	_ =	shalt  }
0x49: {  	_ =	shalt  }
0x4a: {  	_ =	shalt  }
0x4b: {  	_ =	shalt  }
0x4c: {  	_ =	shalt  }
0x4d: {  	_ =	shalt  }
0x4e: {  	_ =	shalt  }
0x4f: {  	_ =	shalt  }
0x50: {  	_ =	shalt  }
0x51: {  	_ =	shalt  }
0x52: {  	_ =	shalt  }
0x53: {  	_ =	shalt  }
0x54: {  	_ =	shalt  }
0x55: {  	_ =	shalt  }
0x56: {  	_ =	shalt  }
0x57: {  	_ =	shalt  }
0x58: {  	_ =	shalt  }
0x59: {  	_ =	shalt  }
0x5a: {  	_ =	shalt  }
0x5b: {  	_ =	shalt  }
0x5c: {  	_ =	shalt  }
0x5d: {  	_ =	shalt  }
0x5e: {  	_ =	shalt  }
0x5f: {  	_ =	shalt  }
0x60: {  	_ =	shalt  }
0x61: {  	_ =	shalt  }
0x62: {  	_ =	shalt  }
0x63: {  	_ =	shalt  }
0x64: {  	_ =	shalt  }
0x65: {  	_ =	shalt  }
0x66: {  	_ =	shalt  }
0x67: {  	_ =	shalt  }
0x68: {  	_ =	shalt  }
0x69: {  	_ =	shalt  }
0x6a: {  	_ =	shalt  }
0x6b: {  	_ =	shalt  }
0x6c: {  	_ =	shalt  }
0x6d: {  	_ =	shalt  }
0x6e: {  	_ =	shalt  }
0x6f: {  	_ =	shalt  }
0x70: {  	_ =	shalt  }
0x71: {  	_ =	shalt  }
0x72: {  	_ =	shalt  }
0x73: {  	_ =	shalt  }
0x74: {  	_ =	shalt  }
0x75: {  	_ =	shalt  }
0x76: {  	_ =	shalt  }
0x77: {  	_ =	shalt  }
0x78: {  	_ =	shalt  }
0x79: {  	_ =	shalt  }
0x7a: {  	_ =	shalt  }
0x7b: {  	_ =	shalt  }
0x7c: {  	_ =	shalt  }
0x7d: {  	_ =	shalt  }
0x7e: {  	_ =	shalt  }
0x7f: {  	_ =	shalt  }
0x80: {  	_ =	shalt  }
0x81: {  	_ =	shalt  }
0x82: {  	_ =	shalt  }
0x83: {  	_ =	shalt  }
0x84: {  	_ =	shalt  }
0x85: {  	_ =	shalt  }
0x86: {  	_ =	shalt  }
0x87: {  	_ =	shalt  }
.Lfunc_end0:
.L_simem_size_0:
called_computation.1_lowered:
.L_overlay_start_0:
0x88: {  	s2 =	sld [smem:$0x3FD9]  }
0x89: {  	s3 =	sld [smem:$0x3FFE];
	_ =	sdelay $0x1  }
0x8a: {  	s1 =	srdreg.scid  }
0x8b: {  	s0 =	sand.u32 $0x1, s1  }
0x8c: {  	s17 =	sshll.u32 s0, $0xA;
	s2 =	sadd.s32 s3, s2  }
0x8d: {  	s2 =	sadd.s32 s2, s17  }
0x8e: {  	[smem:$0x3FC2] =	sst s2  }
0x8f: {  	_ = 	snop  }
0x90: {  	s2 =	sld [smem:$0x3FD0];
	(tm) =	ssettm $0x1  }
0x91: {  	s18 =	sld [smem:$0x3FFB];
	_ =	sdelay $0x3  }
0x92: {  	_ =	strace s18  }
0x93: {  	s3 =	sld [smem:$0x3FFC];
	_ =	sdelay $0x3  }
0x94: {  	_ =	strace s3  }
0x95: {  	s3 =	sld [smem:$0x3FFD];
	_ =	sdelay $0x3  }
0x96: {  	_ =	strace s3  }
0x97: {  	_ =	strace $0x8FFFFFFF  }
0x98: {  	s19 =	sld [smem:$0x3FDB];
	_ =	sdelay $0x1  }
0x99: {  	s4 =	simm.s32 $_scs_section_size  }
0x9a: {  	s5 =	simm.s32 $_size__tile_overlayer_lowered;
	s6 =	simm.s32 $_tile_overlayer_lowered  }
0x9b: {  	s22 =	simm.s32 $0x1BFF;
	s21 =	sshll.u32 s6, $0x1;
	s3 =	sadd.s32 s4, s19  }
0x9c: {  	s7 =	simm.s32 $0x0;
	s20 =	sshll.u32 s5, $0x1;
	s5 =	sadd.s32 s21, s3  }
0x9d: {  	[timem:s7], [sflag:s22] =	dma.local [hbm:s5], s20  }
0x9e: {  	_ =	swait.ge [sflag:s22], s20  }
0x9f: {  	s4 =	ssub.s32 $0x0, s20;
	[sflag:s22] =	ssyncset.done $0x0  }
0xa0: {  	[sflag:s22] =	ssyncadd.s32 s4;
	_ =	sdelay $0x1  }
0xa1: {  	s23 =	simm.s32 $0x1B8B  }
0xa2: {  	_ =	swait.ge [sflag:s23], $0x1  }
0xa3: {  	[sflag:s23] =	ssyncset.done $0x0  }
0xa4: {  	s25 =	simm.s32 $0x1B8E;
	s24 =	sld [smem:$0x3FFE];
	[sflag:s23] =	ssyncadd.s32 $0xFFFFFFFF  }
0xa5: {  	s26 =	simm.s32 $execute0_lowered;
	[smem:$0x3FD2] =	sst s25  }
0xa6: {  	s5 =	sshll.u32 s26, $0x1;
	_ =	strace $0x80000049;
	[dreg:$0x1] =	wrdreg $0xFFFFFFFF  }
0xa7: {  	s28 =	simm.s32 $_size_execute0_lowered;
	s3 =	sadd.s32 s3, s5;
	[dreg:$0x0] =	wrdreg $0x0  }
0xa8: {  	s5 =	sshll.u32 s28, $0x1;
	[dreg:$0x2] =	wrdreg s3  }
0xa9: {  	[dreg:$0x3] =	wrdreg s5  }
0xaa: {  	[dreg:$0x4] =	wrdreg $0xC0  }
0xab: {  	_ =	task [dreg:s7], $0x5FFFF  }
0xac: {  	[dreg:$0x1] =	wrdreg $0xFFFFFFFF  }
0xad: {  	[dreg:$0x0] =	wrdreg $0x60  }
0xae: {  	[dreg:$0x2] =	wrdreg s2  }
0xaf: {  	[dreg:$0x3] =	wrdreg s24  }
0xb0: {  	[dreg:$0x4] =	wrdreg $0x9D000  }
0xb1: {  	[dreg:$0x5] =	wrdreg $0x9  }
0xb2: {  	_ =	task.clear_ibuf [dreg:s7], $0x6FFFF;
	_ =	strace $0x90000049  }
0xb3: {  	s29 =	simm.s32 $0x9;
	_ =	strace $0x8000004B  }
0xb4: {  	_ =	swait.ge [sflag:s29], $0x1  }
0xb5: {  	[sflag:s29] =	ssyncadd.s32 $0xFFFFFFFF  }
0xb6: {  	_ =	strace $0x9000004B  }
0xb7: {  	_ =	sfence  }
0xb8: {  	s30 =	sld [smem:$0x0];
	_ =	sdelay $0x2  }
0xb9: {  	s31 =	sshll.u32 s1, $0xD;
	s1 =	sshrl.u32 s1, $0x2  }
0xba: {  	s3 =	sand.u32 $0x4000, s31;
	s1 =	sadd.s32 s1, s30  }
0xbb: {  	s0 =	sor.u32 s3, s0;
	s1 =	sshll.u32 s1, $0x11  }
0xbc: {  	s0 =	sor.u32 s1, s0  }
0xbd: {  	s0 =	sadd.s32 $0x8F2B, s0  }
0xbe: {  	[sflag:s0] =	ssyncadd.remote.s32 $0x1  }
0xbf: {  	_ =	sfence.sel $0xFFFF  }
0xc0: {  	[dreg:$0x0] =	wrdreg $0xFFFFFFFF;
	(pc) =	sbr.abs _section_cstart, $3  }
0xc1: {  	[dreg:$0x1] =	wrdreg $0xFFFFFFFF  }
0xc2: {  	_ =	task.clear_ibuf [dreg:s7], $0x2FFFF;
	_ =	strace $0x9FFFFFFF  }
0xc3: {  	(tm) =	ssettm $0x7FFFFFFF  }
tec
execute0_lowered:
.L_overlay_start_1:
0x0: {  	(tag) =	ssettag $0x1  }
0x1: {  	s0 =	rddreg [dreg:$0x0]  }
0x2: {  	s1 =	rddreg [dreg:$0x1]  }
0x3: {  	s2 =	rddreg [dreg:$0x2]  }
0x4: {  	s4 =	srdreg.scid;
	s10 =	stileid.u32;
	s3 =	simm.s32 $0x0  }
0x5: {  	s30 =	simm.s32 $0x5E80;
	s31 =	simm.s32 $0x1;
	s29 =	simm.s32 $0x1B80  }
0x6: {  	s5 =	sand.u32 $0x1, s4;
	s6 =	smul.u32 $0x13880, s10;
	[smem:$0x7FF] =	sst s3  }
0x7: {  	s8 =	sadd.s32 $0x15A00, s1;
	s4 =	sadd.s32 $0x6DC00, s1;
	s7 =	smul.u32 $0x138800, s5  }
0x8: {  	_ =	strace $0x8000004A;
	s9 =	sshll.u32 s5, $0x4;
	s5 =	ssub.s32 $0x2, s5  }
0x9: {  	s9 =	sor.u32 s10, s9;
	s10 =	smul.u32 $0x4E200, s10;
	s11 =	sshrl.u32 s5, $0x1  }
0xa: {  	s7 =	sadd.s32 s6, s7;
	s12 =	smul.u32 $0x500, s9;
	s5 =	ssub.s32 s5, s11  }
0xb: {  	s9 =	smul.u32 $0x2800, s9;
	s6 =	sadd.s32 s6, s2;
	s7 =	sshrl.u32 s7, $0x3  }
0xc: {  	s26 =	sshrl.u32 s10, $0x2;
	[dreg:$0x14] =	wrdreg s6;
	s10 =	simm.s32 $0xA00  }
0xd: {  	s1 =	sadd.s32 s7, s1;
	s28 =	sadd.s32 s0, s12;
	s11 =	sadd.s32 s26, s2  }
0xe: {  	s12 =	sadd.s32 s8, s12;
	s16 =	sshrl.u32 s9, $0x3;
	[dreg:$0x4] =	wrdreg s28  }
0xf: {  	s7 =	simm.s32 $0x1880;
	[dreg:$0x5] =	wrdreg s12;
	s13 =	sadd.s32 $0x3E80, s11  }
0x10: {  	s14 =	sadd.s32 $0x7D00, s11;
	s15 =	sadd.s32 $0xBB80, s11;
	s17 =	sadd.s32 $0xFA00, s11  }
0x11: {  	s18 =	sadd.s32 $0x100, s16;
	s19 =	sadd.s32 $0x200, s16;
	[dreg:$0x6] =	wrdreg s13  }
0x12: {  	s23 =	sadd.s32 $0x300, s16;
	s6 =	sadd.s32 $0x400, s16;
	[dreg:$0x7] =	wrdreg s14  }
0x13: {  	s26 =	sadd.s32 $0x94E00, s1;
	s28 =	smax.u32 s5, $0x1;
	[dreg:$0x8] =	wrdreg s15  }
0x14: {  	s5 =	simm.s32 $0x1000;
	s1 =	simm.s32 $0x2;
	[dreg:$0x9] =	wrdreg s17  }
0x15: {  	s16 =	simm.s32 $0x4;
	s11 =	simm.s32 $0x1980;
	[dreg:$0x12] =	wrdreg s26  }
0x16: {  	s12 =	simm.s32 $0xA80;
	s20 =	sadd.s32 s0, s18;
	[dreg:$0x13] =	wrdreg s28  }
0x17: {  	s9 =	sadd.s32 s8, s18;
	s21 =	sadd.s32 s0, s19;
	[dreg:$0xa] =	wrdreg s20  }
0x18: {  	s22 =	sadd.s32 s8, s19;
	s24 =	sadd.s32 s0, s23;
	[dreg:$0xb] =	wrdreg s9  }
0x19: {  	s0 =	sadd.s32 s0, s6;
	s25 =	sadd.s32 s8, s6;
	[dreg:$0xc] =	wrdreg s21  }
0x1a: {  	s15 =	simm.s32 $0x3;
	s18 =	simm.s32 $0x0;
	[dreg:$0xd] =	wrdreg s22  }
0x1b: {  	s26 =	simm.s32 $0x880;
	s13 =	simm.s32 $0x1A00;
	[dreg:$0xe] =	wrdreg s24  }
0x1c: {  	s14 =	simm.s32 $0xB00;
	s17 =	simm.s32 $0x1A80;
	[dreg:$0x10] =	wrdreg s0  }
0x1d: {  	s9 =	sadd.s32 s8, s23;
	[dreg:$0x11] =	wrdreg s25;
	s22 =	simm.s32 $0x5  }
0x1e: {  	s24 =	simm.s32 $0x2000;
	s25 =	simm.s32 $0x7D;
	s8 =	simm.s32 $0x980  }
0x1f: {  	v0 =	vimm.f32 $0.0e+00;
	s23 =	simm.s32 $0xC00;
	[dreg:$0xf] =	wrdreg s9;
	s9 =	simm.s32 $0x1900  }
.LBB2_1:
0x20: {  	s19 =	rddreg [dreg:$0x4]  }
0x21: {  	[tilespmem:s3], [sflag:$0x5] =	stream.linear.gather [hbm4b:s19+s3], $0x800, $0x38;
	[tilespmem:$0x1D580] =	vst v63  }
0x22: {  	_ =	swait.ge [sflag:s22], $0x800  }
0x23: {  	[sflag:s22] =	ssyncset.done $0x0  }
0x24: {  	s28 =	rddreg [dreg:$0x5];
	[sflag:s22] =	ssyncadd.s32 $0xFFFFF800  }
0x25: {  	[tilespmem:s5], [sflag:$0x5] =	stream.linear.gather [hbm4b:s28+s3], $0x800, $0x38;
	[tilespmem:$0x1D580] =	vst v63  }
0x26: {  	_ =	swait.ge [sflag:s22], $0x800  }
0x27: {  	[sflag:s22] =	ssyncset.done $0x0  }
0x28: {  	s20 =	simm.s32 $0x200;
	s19 =	simm.s32 $0x0;
	[sflag:s22] =	ssyncadd.s32 $0xFFFFF800  }
.LBB2_2:
0x29: {  	p0 =	sne.s32 s20, $0xF800;
	[tilespmem:s19+$0x2070] =	vst v0  }
0x2a: {  	[tilespmem:s19+$0x2000] =	vst v0  }
0x2b: {  	[tilespmem:s19+$0x2010] =	vst v0  }
.Ltmp0:
0x2c: {  	[tilespmem:s19+$0x2020] =	vst v0;
	(pc) =	sbr.rel @p0 .LBB2_2-.Ltmp0, $4  }
0x2d: {  	[tilespmem:s19+$0x2030] =	vst v0  }
0x2e: {  	[tilespmem:s19+$0x2040] =	vst v0  }
0x2f: {  	[tilespmem:s19+$0x2050] =	vst v0  }
0x30: {  	[tilespmem:s19+$0x2060] =	vst v0;
	s19 =	sshra.s32 s20, $0x2;
	s20 =	sadd.s32 $0x200, s20  }
0x31: {  	[tilespmem:s19+$0x2070] =	vst v0  }
0x32: {  	[tilespmem:s19+$0x2000] =	vst v0  }
0x33: {  	[tilespmem:s19+$0x2010] =	vst v0  }
0x34: {  	[tilespmem:s19+$0x2020] =	vst v0  }
0x35: {  	[tilespmem:s19+$0x2030] =	vst v0  }
0x36: {  	[tilespmem:s19+$0x2040] =	vst v0  }
0x37: {  	[tilespmem:s19+$0x2050] =	vst v0  }
0x38: {  	[tilespmem:s19+$0x2060] =	vst v0;
	s0 =	rddreg [dreg:$0x14]  }
0x39: {  	[spmem:s0] =	stream.linear.scatter [tilespmem:s24], [sflag:$0x5], $0x3E80, $0x38;
	[tilespmem:$0x1D580] =	vst v63  }
0x3a: {  	_ =	swait.ge [sflag:s22], $0x3E80  }
0x3b: {  	[sflag:s22] =	ssyncset.done $0x0  }
0x3c: {  	s20 =	rddreg [dreg:$0x6];
	[sflag:s22] =	ssyncadd.s32 $0xFFFFC180  }
0x3d: {  	[spmem:s20] =	stream.linear.scatter [tilespmem:s24], [sflag:$0x5], $0x3E80, $0x38;
	[tilespmem:$0x1D580] =	vst v63  }
0x3e: {  	_ =	swait.ge [sflag:s22], $0x3E80  }
0x3f: {  	[sflag:s22] =	ssyncset.done $0x0  }
0x40: {  	s21 =	rddreg [dreg:$0x7];
	[sflag:s22] =	ssyncadd.s32 $0xFFFFC180  }
0x41: {  	[spmem:s21] =	stream.linear.scatter [tilespmem:s24], [sflag:$0x5], $0x3E80, $0x38;
	[tilespmem:$0x1D580] =	vst v63  }
0x42: {  	_ =	swait.ge [sflag:s22], $0x3E80  }
0x43: {  	[sflag:s22] =	ssyncset.done $0x0  }
0x44: {  	s28 =	rddreg [dreg:$0x8];
	[sflag:s22] =	ssyncadd.s32 $0xFFFFC180  }
0x45: {  	[spmem:s28] =	stream.linear.scatter [tilespmem:s24], [sflag:$0x5], $0x3E80, $0x38;
	[tilespmem:$0x1D580] =	vst v63  }
0x46: {  	_ =	swait.ge [sflag:s22], $0x3E80  }
0x47: {  	[sflag:s22] =	ssyncset.done $0x0  }
0x48: {  	s0 =	rddreg [dreg:$0x9];
	[sflag:s22] =	ssyncadd.s32 $0xFFFFC180  }
0x49: {  	[spmem:s0] =	stream.linear.scatter [tilespmem:s24], [sflag:$0x5], $0x3E80, $0x38;
	[tilespmem:$0x1D580] =	vst v63  }
0x4a: {  	_ =	swait.ge [sflag:s22], $0x3E80  }
0x4b: {  	[sflag:s22] =	ssyncset.done $0x0  }
0x4c: {  	[sflag:s22] =	ssyncadd.s32 $0xFFFFC180  }
0x4d: {  	[bflag:$0x0] =	sbarrier.arrive $0xFFFF  }
0x4e: {  	[tilespmem:s24], [sflag:$0x1] =	stream.indirect.gather [hbm4b:s4+s25], $0x80, s3, s25, $0xb8;
	[tilespmem:$0x1D580] =	vst v63  }
0x4f: {  	s28 =	simm.s32 $0x800;
	s6 =	rddreg [dreg:$0xa]  }
0x50: {  	[tilespmem:s28], [sflag:$0x3] =	stream.linear.gather [hbm4b:s6+s3], $0x800, $0x38;
	[tilespmem:$0x1D580] =	vst v63  }
0x51: {  	s0 =	simm.s32 $0x1800;
	s20 =	rddreg [dreg:$0xb]  }
0x52: {  	[tilespmem:s0], [sflag:$0x4] =	stream.linear.gather [hbm4b:s20+s3], $0x800, $0x38;
	[tilespmem:$0x1D580] =	vst v63  }
0x53: {  	s6 =	simm.s32 $0x80  }
0x54: {  	[tilespmem:s30], [sflag:$0x2] =	stream.indirect.gather [hbm4b:s4+s25], $0x80, s6, s25, $0xb8;
	[tilespmem:$0x1D580] =	vst v63  }
0x55: {  	_ =	swait.ge [sflag:s31], $0x3E80  }
0x56: {  	[sflag:s31] =	ssyncset.done $0x0  }
0x57: {  	[sflag:s31] =	ssyncadd.s32 $0xFFFFC180  }
0x58: {  	[spmem:s2] =	stream.indirect.scatter.add.f32 [tilespmem:s24], [sflag:$0x5], $0x80, s5, s25, $0xb8;
	[tilespmem:$0x1D580] =	vst v63  }
0x59: {  	_ =	swait.ge [sflag:s22], $0x3E80  }
0x5a: {  	[sflag:s22] =	ssyncset.done $0x0  }
0x5b: {  	s21 =	simm.s32 $0x100;
	[sflag:s22] =	ssyncadd.s32 $0xFFFFC180  }
0x5c: {  	[tilespmem:s24], [sflag:$0x1] =	stream.indirect.gather [hbm4b:s4+s25], $0x80, s21, s25, $0xb8;
	[tilespmem:$0x1D580] =	vst v63  }
0x5d: {  	_ =	swait.ge [sflag:s1], $0x3E80  }
0x5e: {  	[sflag:s1] =	ssyncset.done $0x0  }
0x5f: {  	s19 =	simm.s32 $0x1080;
	[sflag:s1] =	ssyncadd.s32 $0xFFFFC180  }
0x60: {  	[spmem:s2] =	stream.indirect.scatter.add.f32 [tilespmem:s30], [sflag:$0x5], $0x80, s19, s25, $0xb8;
	[tilespmem:$0x1D580] =	vst v63  }
0x61: {  	_ =	swait.ge [sflag:s22], $0x3E80  }
0x62: {  	[sflag:s22] =	ssyncset.done $0x0  }
0x63: {  	s20 =	simm.s32 $0x180;
	[sflag:s22] =	ssyncadd.s32 $0xFFFFC180  }
0x64: {  	[tilespmem:s30], [sflag:$0x2] =	stream.indirect.gather [hbm4b:s4+s25], $0x80, s20, s25, $0xb8;
	[tilespmem:$0x1D580] =	vst v63  }
0x65: {  	_ =	swait.ge [sflag:s31], $0x3E80  }
0x66: {  	[sflag:s31] =	ssyncset.done $0x0  }
0x67: {  	s21 =	simm.s32 $0x1100;
	[sflag:s31] =	ssyncadd.s32 $0xFFFFC180  }
0x68: {  	[spmem:s2] =	stream.indirect.scatter.add.f32 [tilespmem:s24], [sflag:$0x5], $0x80, s21, s25, $0xb8;
	[tilespmem:$0x1D580] =	vst v63  }
0x69: {  	_ =	swait.ge [sflag:s22], $0x3E80  }
0x6a: {  	[sflag:s22] =	ssyncset.done $0x0  }
0x6b: {  	s19 =	simm.s32 $0x200;
	[sflag:s22] =	ssyncadd.s32 $0xFFFFC180  }
0x6c: {  	[tilespmem:s24], [sflag:$0x1] =	stream.indirect.gather [hbm4b:s4+s25], $0x80, s19, s25, $0xb8;
	[tilespmem:$0x1D580] =	vst v63  }
0x6d: {  	_ =	swait.ge [sflag:s1], $0x3E80  }
0x6e: {  	[sflag:s1] =	ssyncset.done $0x0  }
0x6f: {  	s20 =	simm.s32 $0x1180;
	[sflag:s1] =	ssyncadd.s32 $0xFFFFC180  }
0x70: {  	[spmem:s2] =	stream.indirect.scatter.add.f32 [tilespmem:s30], [sflag:$0x5], $0x80, s20, s25, $0xb8;
	[tilespmem:$0x1D580] =	vst v63  }
0x71: {  	_ =	swait.ge [sflag:s22], $0x3E80  }
0x72: {  	[sflag:s22] =	ssyncset.done $0x0  }
0x73: {  	s21 =	simm.s32 $0x280;
	[sflag:s22] =	ssyncadd.s32 $0xFFFFC180  }
0x74: {  	[tilespmem:s30], [sflag:$0x2] =	stream.indirect.gather [hbm4b:s4+s25], $0x80, s21, s25, $0xb8;
	[tilespmem:$0x1D580] =	vst v63  }
0x75: {  	_ =	swait.ge [sflag:s31], $0x3E80  }
0x76: {  	[sflag:s31] =	ssyncset.done $0x0  }
0x77: {  	s19 =	simm.s32 $0x1200;
	[sflag:s31] =	ssyncadd.s32 $0xFFFFC180  }
0x78: {  	[spmem:s2] =	stream.indirect.scatter.add.f32 [tilespmem:s24], [sflag:$0x5], $0x80, s19, s25, $0xb8;
	[tilespmem:$0x1D580] =	vst v63  }
0x79: {  	_ =	swait.ge [sflag:s22], $0x3E80  }
0x7a: {  	[sflag:s22] =	ssyncset.done $0x0  }
0x7b: {  	s20 =	simm.s32 $0x300;
	[sflag:s22] =	ssyncadd.s32 $0xFFFFC180  }
0x7c: {  	[tilespmem:s24], [sflag:$0x1] =	stream.indirect.gather [hbm4b:s4+s25], $0x80, s20, s25, $0xb8;
	[tilespmem:$0x1D580] =	vst v63  }
0x7d: {  	_ =	swait.ge [sflag:s1], $0x3E80  }
0x7e: {  	[sflag:s1] =	ssyncset.done $0x0  }
0x7f: {  	s21 =	simm.s32 $0x1280;
	[sflag:s1] =	ssyncadd.s32 $0xFFFFC180  }
0x80: {  	[spmem:s2] =	stream.indirect.scatter.add.f32 [tilespmem:s30], [sflag:$0x5], $0x80, s21, s25, $0xb8;
	[tilespmem:$0x1D580] =	vst v63  }
0x81: {  	_ =	swait.ge [sflag:s22], $0x3E80  }
0x82: {  	[sflag:s22] =	ssyncset.done $0x0  }
0x83: {  	s19 =	simm.s32 $0x380;
	[sflag:s22] =	ssyncadd.s32 $0xFFFFC180  }
0x84: {  	[tilespmem:s30], [sflag:$0x2] =	stream.indirect.gather [hbm4b:s4+s25], $0x80, s19, s25, $0xb8;
	[tilespmem:$0x1D580] =	vst v63  }
0x85: {  	_ =	swait.ge [sflag:s31], $0x3E80  }
0x86: {  	[sflag:s31] =	ssyncset.done $0x0  }
0x87: {  	s20 =	simm.s32 $0x1300;
	[sflag:s31] =	ssyncadd.s32 $0xFFFFC180  }
0x88: {  	[spmem:s2] =	stream.indirect.scatter.add.f32 [tilespmem:s24], [sflag:$0x5], $0x80, s20, s25, $0xb8;
	[tilespmem:$0x1D580] =	vst v63  }
0x89: {  	_ =	swait.ge [sflag:s22], $0x3E80  }
0x8a: {  	[sflag:s22] =	ssyncset.done $0x0  }
0x8b: {  	s21 =	simm.s32 $0x400;
	[sflag:s22] =	ssyncadd.s32 $0xFFFFC180  }
0x8c: {  	[tilespmem:s24], [sflag:$0x1] =	stream.indirect.gather [hbm4b:s4+s25], $0x80, s21, s25, $0xb8;
	[tilespmem:$0x1D580] =	vst v63  }
0x8d: {  	_ =	swait.ge [sflag:s1], $0x3E80  }
0x8e: {  	[sflag:s1] =	ssyncset.done $0x0  }
0x8f: {  	s19 =	simm.s32 $0x1380;
	[sflag:s1] =	ssyncadd.s32 $0xFFFFC180  }
0x90: {  	[spmem:s2] =	stream.indirect.scatter.add.f32 [tilespmem:s30], [sflag:$0x5], $0x80, s19, s25, $0xb8;
	[tilespmem:$0x1D580] =	vst v63  }
0x91: {  	_ =	swait.ge [sflag:s22], $0x3E80  }
0x92: {  	[sflag:s22] =	ssyncset.done $0x0  }
0x93: {  	s20 =	simm.s32 $0x480;
	[sflag:s22] =	ssyncadd.s32 $0xFFFFC180  }
0x94: {  	[tilespmem:s30], [sflag:$0x2] =	stream.indirect.gather [hbm4b:s4+s25], $0x80, s20, s25, $0xb8;
	[tilespmem:$0x1D580] =	vst v63  }
0x95: {  	_ =	swait.ge [sflag:s31], $0x3E80  }
0x96: {  	[sflag:s31] =	ssyncset.done $0x0  }
0x97: {  	s21 =	simm.s32 $0x1400;
	[sflag:s31] =	ssyncadd.s32 $0xFFFFC180  }
0x98: {  	[spmem:s2] =	stream.indirect.scatter.add.f32 [tilespmem:s24], [sflag:$0x5], $0x80, s21, s25, $0xb8;
	[tilespmem:$0x1D580] =	vst v63  }
0x99: {  	_ =	swait.ge [sflag:s22], $0x3E80  }
0x9a: {  	[sflag:s22] =	ssyncset.done $0x0  }
0x9b: {  	s19 =	simm.s32 $0x500;
	[sflag:s22] =	ssyncadd.s32 $0xFFFFC180  }
0x9c: {  	[tilespmem:s24], [sflag:$0x1] =	stream.indirect.gather [hbm4b:s4+s25], $0x80, s19, s25, $0xb8;
	[tilespmem:$0x1D580] =	vst v63  }
0x9d: {  	_ =	swait.ge [sflag:s1], $0x3E80  }
0x9e: {  	[sflag:s1] =	ssyncset.done $0x0  }
0x9f: {  	s20 =	simm.s32 $0x1480;
	[sflag:s1] =	ssyncadd.s32 $0xFFFFC180  }
0xa0: {  	[spmem:s2] =	stream.indirect.scatter.add.f32 [tilespmem:s30], [sflag:$0x5], $0x80, s20, s25, $0xb8;
	[tilespmem:$0x1D580] =	vst v63  }
0xa1: {  	_ =	swait.ge [sflag:s22], $0x3E80  }
0xa2: {  	[sflag:s22] =	ssyncset.done $0x0  }
0xa3: {  	s21 =	simm.s32 $0x580;
	[sflag:s22] =	ssyncadd.s32 $0xFFFFC180  }
0xa4: {  	[tilespmem:s30], [sflag:$0x2] =	stream.indirect.gather [hbm4b:s4+s25], $0x80, s21, s25, $0xb8;
	[tilespmem:$0x1D580] =	vst v63  }
0xa5: {  	_ =	swait.ge [sflag:s31], $0x3E80  }
0xa6: {  	[sflag:s31] =	ssyncset.done $0x0  }
0xa7: {  	s19 =	simm.s32 $0x1500;
	[sflag:s31] =	ssyncadd.s32 $0xFFFFC180  }
0xa8: {  	[spmem:s2] =	stream.indirect.scatter.add.f32 [tilespmem:s24], [sflag:$0x5], $0x80, s19, s25, $0xb8;
	[tilespmem:$0x1D580] =	vst v63  }
0xa9: {  	_ =	swait.ge [sflag:s22], $0x3E80  }
0xaa: {  	[sflag:s22] =	ssyncset.done $0x0  }
0xab: {  	s20 =	simm.s32 $0x600;
	[sflag:s22] =	ssyncadd.s32 $0xFFFFC180  }
0xac: {  	[tilespmem:s24], [sflag:$0x1] =	stream.indirect.gather [hbm4b:s4+s25], $0x80, s20, s25, $0xb8;
	[tilespmem:$0x1D580] =	vst v63  }
0xad: {  	_ =	swait.ge [sflag:s1], $0x3E80  }
0xae: {  	[sflag:s1] =	ssyncset.done $0x0  }
0xaf: {  	s21 =	simm.s32 $0x1580;
	[sflag:s1] =	ssyncadd.s32 $0xFFFFC180  }
0xb0: {  	[spmem:s2] =	stream.indirect.scatter.add.f32 [tilespmem:s30], [sflag:$0x5], $0x80, s21, s25, $0xb8;
	[tilespmem:$0x1D580] =	vst v63  }
0xb1: {  	_ =	swait.ge [sflag:s22], $0x3E80  }
0xb2: {  	[sflag:s22] =	ssyncset.done $0x0  }
0xb3: {  	s19 =	simm.s32 $0x680;
	[sflag:s22] =	ssyncadd.s32 $0xFFFFC180  }
0xb4: {  	[tilespmem:s30], [sflag:$0x2] =	stream.indirect.gather [hbm4b:s4+s25], $0x80, s19, s25, $0xb8;
	[tilespmem:$0x1D580] =	vst v63  }
0xb5: {  	_ =	swait.ge [sflag:s31], $0x3E80  }
0xb6: {  	[sflag:s31] =	ssyncset.done $0x0  }
0xb7: {  	s20 =	simm.s32 $0x1600;
	[sflag:s31] =	ssyncadd.s32 $0xFFFFC180  }
0xb8: {  	[spmem:s2] =	stream.indirect.scatter.add.f32 [tilespmem:s24], [sflag:$0x5], $0x80, s20, s25, $0xb8;
	[tilespmem:$0x1D580] =	vst v63  }
0xb9: {  	_ =	swait.ge [sflag:s22], $0x3E80  }
0xba: {  	[sflag:s22] =	ssyncset.done $0x0  }
0xbb: {  	s21 =	simm.s32 $0x700;
	[sflag:s22] =	ssyncadd.s32 $0xFFFFC180  }
0xbc: {  	[tilespmem:s24], [sflag:$0x1] =	stream.indirect.gather [hbm4b:s4+s25], $0x80, s21, s25, $0xb8;
	[tilespmem:$0x1D580] =	vst v63  }
0xbd: {  	_ =	swait.ge [sflag:s1], $0x3E80  }
0xbe: {  	[sflag:s1] =	ssyncset.done $0x0  }
0xbf: {  	s19 =	simm.s32 $0x1680;
	[sflag:s1] =	ssyncadd.s32 $0xFFFFC180  }
0xc0: {  	[spmem:s2] =	stream.indirect.scatter.add.f32 [tilespmem:s30], [sflag:$0x5], $0x80, s19, s25, $0xb8;
	[tilespmem:$0x1D580] =	vst v63  }
0xc1: {  	_ =	swait.ge [sflag:s22], $0x3E80  }
0xc2: {  	[sflag:s22] =	ssyncset.done $0x0  }
0xc3: {  	s20 =	simm.s32 $0x780;
	[sflag:s22] =	ssyncadd.s32 $0xFFFFC180  }
0xc4: {  	[tilespmem:s30], [sflag:$0x2] =	stream.indirect.gather [hbm4b:s4+s25], $0x80, s20, s25, $0xb8;
	[tilespmem:$0x1D580] =	vst v63  }
0xc5: {  	_ =	swait.ge [sflag:s31], $0x3E80  }
0xc6: {  	[sflag:s31] =	ssyncset.done $0x0  }
0xc7: {  	s21 =	simm.s32 $0x1700;
	[sflag:s31] =	ssyncadd.s32 $0xFFFFC180  }
0xc8: {  	[spmem:s2] =	stream.indirect.scatter.add.f32 [tilespmem:s24], [sflag:$0x5], $0x80, s21, s25, $0xb8;
	[tilespmem:$0x1D580] =	vst v63  }
0xc9: {  	_ =	swait.ge [sflag:s22], $0x3E80  }
0xca: {  	[sflag:s22] =	ssyncset.done $0x0  }
0xcb: {  	[sflag:s22] =	ssyncadd.s32 $0xFFFFC180  }
0xcc: {  	_ =	swait.ge [sflag:s15], $0x800  }
0xcd: {  	[sflag:s15] =	ssyncset.done $0x0  }
0xce: {  	[sflag:s15] =	ssyncadd.s32 $0xFFFFF800  }
0xcf: {  	_ =	swait.ge [sflag:s16], $0x800  }
0xd0: {  	[sflag:s16] =	ssyncset.done $0x0  }
0xd1: {  	[sflag:s16] =	ssyncadd.s32 $0xFFFFF800  }
0xd2: {  	[tilespmem:s24], [sflag:$0x1] =	stream.indirect.gather [hbm4b:s4+s25], $0x80, s28, s25, $0xb8;
	[tilespmem:$0x1D580] =	vst v63  }
0xd3: {  	_ =	swait.ge [sflag:s1], $0x3E80  }
0xd4: {  	[sflag:s1] =	ssyncset.done $0x0  }
0xd5: {  	s19 =	simm.s32 $0x1780;
	[sflag:s1] =	ssyncadd.s32 $0xFFFFC180  }
0xd6: {  	[spmem:s2] =	stream.indirect.scatter.add.f32 [tilespmem:s30], [sflag:$0x5], $0x80, s19, s25, $0xb8;
	[tilespmem:$0x1D580] =	vst v63  }
0xd7: {  	_ =	swait.ge [sflag:s22], $0x3E80  }
0xd8: {  	[sflag:s22] =	ssyncset.done $0x0  }
0xd9: {  	s20 =	rddreg [dreg:$0xc];
	[sflag:s22] =	ssyncadd.s32 $0xFFFFC180  }
0xda: {  	[tilespmem:s3], [sflag:$0x3] =	stream.linear.gather [hbm4b:s20+s3], $0x800, $0x38;
	[tilespmem:$0x1D580] =	vst v63  }
0xdb: {  	s21 =	rddreg [dreg:$0xd]  }
0xdc: {  	[tilespmem:s5], [sflag:$0x4] =	stream.linear.gather [hbm4b:s21+s3], $0x800, $0x38;
	[tilespmem:$0x1D580] =	vst v63  }
0xdd: {  	_ = 	snop  }
0xde: {  	[tilespmem:s30], [sflag:$0x2] =	stream.indirect.gather [hbm4b:s4+s25], $0x80, s26, s25, $0xb8;
	[tilespmem:$0x1D580] =	vst v63  }
0xdf: {  	_ =	swait.ge [sflag:s31], $0x3E80  }
0xe0: {  	[sflag:s31] =	ssyncset.done $0x0  }
0xe1: {  	[sflag:s31] =	ssyncadd.s32 $0xFFFFC180  }
0xe2: {  	[spmem:s2] =	stream.indirect.scatter.add.f32 [tilespmem:s24], [sflag:$0x5], $0x80, s0, s25, $0xb8;
	[tilespmem:$0x1D580] =	vst v63  }
0xe3: {  	_ =	swait.ge [sflag:s22], $0x3E80  }
0xe4: {  	[sflag:s22] =	ssyncset.done $0x0  }
0xe5: {  	s6 =	simm.s32 $0x900;
	[sflag:s22] =	ssyncadd.s32 $0xFFFFC180  }
0xe6: {  	[tilespmem:s24], [sflag:$0x1] =	stream.indirect.gather [hbm4b:s4+s25], $0x80, s6, s25, $0xb8;
	[tilespmem:$0x1D580] =	vst v63  }
0xe7: {  	_ =	swait.ge [sflag:s1], $0x3E80  }
0xe8: {  	[sflag:s1] =	ssyncset.done $0x0  }
0xe9: {  	[sflag:s1] =	ssyncadd.s32 $0xFFFFC180  }
0xea: {  	[spmem:s2] =	stream.indirect.scatter.add.f32 [tilespmem:s30], [sflag:$0x5], $0x80, s7, s25, $0xb8;
	[tilespmem:$0x1D580] =	vst v63  }
0xeb: {  	_ =	swait.ge [sflag:s22], $0x3E80  }
0xec: {  	[sflag:s22] =	ssyncset.done $0x0  }
0xed: {  	[sflag:s22] =	ssyncadd.s32 $0xFFFFC180  }
0xee: {  	[tilespmem:s30], [sflag:$0x2] =	stream.indirect.gather [hbm4b:s4+s25], $0x80, s8, s25, $0xb8;
	[tilespmem:$0x1D580] =	vst v63  }
0xef: {  	_ =	swait.ge [sflag:s31], $0x3E80  }
0xf0: {  	[sflag:s31] =	ssyncset.done $0x0  }
0xf1: {  	[sflag:s31] =	ssyncadd.s32 $0xFFFFC180  }
0xf2: {  	[spmem:s2] =	stream.indirect.scatter.add.f32 [tilespmem:s24], [sflag:$0x5], $0x80, s9, s25, $0xb8;
	[tilespmem:$0x1D580] =	vst v63  }
0xf3: {  	_ =	swait.ge [sflag:s22], $0x3E80  }
0xf4: {  	[sflag:s22] =	ssyncset.done $0x0  }
0xf5: {  	[sflag:s22] =	ssyncadd.s32 $0xFFFFC180  }
0xf6: {  	[tilespmem:s24], [sflag:$0x1] =	stream.indirect.gather [hbm4b:s4+s25], $0x80, s10, s25, $0xb8;
	[tilespmem:$0x1D580] =	vst v63  }
0xf7: {  	_ =	swait.ge [sflag:s1], $0x3E80  }
0xf8: {  	[sflag:s1] =	ssyncset.done $0x0  }
0xf9: {  	[sflag:s1] =	ssyncadd.s32 $0xFFFFC180  }
0xfa: {  	[spmem:s2] =	stream.indirect.scatter.add.f32 [tilespmem:s30], [sflag:$0x5], $0x80, s11, s25, $0xb8;
	[tilespmem:$0x1D580] =	vst v63  }
0xfb: {  	_ =	swait.ge [sflag:s22], $0x3E80  }
0xfc: {  	[sflag:s22] =	ssyncset.done $0x0  }
0xfd: {  	[sflag:s22] =	ssyncadd.s32 $0xFFFFC180  }
0xfe: {  	[tilespmem:s30], [sflag:$0x2] =	stream.indirect.gather [hbm4b:s4+s25], $0x80, s12, s25, $0xb8;
	[tilespmem:$0x1D580] =	vst v63  }
0xff: {  	_ =	swait.ge [sflag:s31], $0x3E80  }
0x100: {  	[sflag:s31] =	ssyncset.done $0x0  }
0x101: {  	[sflag:s31] =	ssyncadd.s32 $0xFFFFC180  }
0x102: {  	[spmem:s2] =	stream.indirect.scatter.add.f32 [tilespmem:s24], [sflag:$0x5], $0x80, s13, s25, $0xb8;
	[tilespmem:$0x1D580] =	vst v63  }
0x103: {  	_ =	swait.ge [sflag:s22], $0x3E80  }
0x104: {  	[sflag:s22] =	ssyncset.done $0x0  }
0x105: {  	[sflag:s22] =	ssyncadd.s32 $0xFFFFC180  }
0x106: {  	[tilespmem:s24], [sflag:$0x1] =	stream.indirect.gather [hbm4b:s4+s25], $0x80, s14, s25, $0xb8;
	[tilespmem:$0x1D580] =	vst v63  }
0x107: {  	_ =	swait.ge [sflag:s1], $0x3E80  }
0x108: {  	[sflag:s1] =	ssyncset.done $0x0  }
0x109: {  	[sflag:s1] =	ssyncadd.s32 $0xFFFFC180  }
0x10a: {  	[spmem:s2] =	stream.indirect.scatter.add.f32 [tilespmem:s30], [sflag:$0x5], $0x80, s17, s25, $0xb8;
	[tilespmem:$0x1D580] =	vst v63  }
0x10b: {  	_ =	swait.ge [sflag:s22], $0x3E80  }
0x10c: {  	[sflag:s22] =	ssyncset.done $0x0  }
0x10d: {  	s20 =	simm.s32 $0xB80;
	[sflag:s22] =	ssyncadd.s32 $0xFFFFC180  }
0x10e: {  	[tilespmem:s30], [sflag:$0x2] =	stream.indirect.gather [hbm4b:s4+s25], $0x80, s20, s25, $0xb8;
	[tilespmem:$0x1D580] =	vst v63  }
0x10f: {  	_ =	swait.ge [sflag:s31], $0x3E80  }
0x110: {  	[sflag:s31] =	ssyncset.done $0x0  }
0x111: {  	s21 =	simm.s32 $0x1B00;
	[sflag:s31] =	ssyncadd.s32 $0xFFFFC180  }
0x112: {  	[spmem:s2] =	stream.indirect.scatter.add.f32 [tilespmem:s24], [sflag:$0x5], $0x80, s21, s25, $0xb8;
	[tilespmem:$0x1D580] =	vst v63  }
0x113: {  	_ =	swait.ge [sflag:s22], $0x3E80  }
0x114: {  	[sflag:s22] =	ssyncset.done $0x0  }
0x115: {  	[sflag:s22] =	ssyncadd.s32 $0xFFFFC180  }
0x116: {  	[tilespmem:s24], [sflag:$0x1] =	stream.indirect.gather [hbm4b:s4+s25], $0x80, s23, s25, $0xb8;
	[tilespmem:$0x1D580] =	vst v63  }
0x117: {  	_ =	swait.ge [sflag:s1], $0x3E80  }
0x118: {  	[sflag:s1] =	ssyncset.done $0x0  }
0x119: {  	[sflag:s1] =	ssyncadd.s32 $0xFFFFC180  }
0x11a: {  	[spmem:s2] =	stream.indirect.scatter.add.f32 [tilespmem:s30], [sflag:$0x5], $0x80, s29, s25, $0xb8;
	[tilespmem:$0x1D580] =	vst v63  }
0x11b: {  	_ =	swait.ge [sflag:s22], $0x3E80  }
0x11c: {  	[sflag:s22] =	ssyncset.done $0x0  }
0x11d: {  	s19 =	simm.s32 $0xC80;
	[sflag:s22] =	ssyncadd.s32 $0xFFFFC180  }
0x11e: {  	[tilespmem:s30], [sflag:$0x2] =	stream.indirect.gather [hbm4b:s4+s25], $0x80, s19, s25, $0xb8;
	[tilespmem:$0x1D580] =	vst v63  }
0x11f: {  	_ =	swait.ge [sflag:s31], $0x3E80  }
0x120: {  	[sflag:s31] =	ssyncset.done $0x0  }
0x121: {  	s19 =	simm.s32 $0x1C00;
	[sflag:s31] =	ssyncadd.s32 $0xFFFFC180  }
0x122: {  	[spmem:s2] =	stream.indirect.scatter.add.f32 [tilespmem:s24], [sflag:$0x5], $0x80, s19, s25, $0xb8;
	[tilespmem:$0x1D580] =	vst v63  }
0x123: {  	_ =	swait.ge [sflag:s22], $0x3E80  }
0x124: {  	[sflag:s22] =	ssyncset.done $0x0  }
0x125: {  	s19 =	simm.s32 $0xD00;
	[sflag:s22] =	ssyncadd.s32 $0xFFFFC180  }
0x126: {  	[tilespmem:s24], [sflag:$0x1] =	stream.indirect.gather [hbm4b:s4+s25], $0x80, s19, s25, $0xb8;
	[tilespmem:$0x1D580] =	vst v63  }
0x127: {  	_ =	swait.ge [sflag:s1], $0x3E80  }
0x128: {  	[sflag:s1] =	ssyncset.done $0x0  }
0x129: {  	s19 =	simm.s32 $0x1C80;
	[sflag:s1] =	ssyncadd.s32 $0xFFFFC180  }
0x12a: {  	[spmem:s2] =	stream.indirect.scatter.add.f32 [tilespmem:s30], [sflag:$0x5], $0x80, s19, s25, $0xb8;
	[tilespmem:$0x1D580] =	vst v63  }
0x12b: {  	_ =	swait.ge [sflag:s22], $0x3E80  }
0x12c: {  	[sflag:s22] =	ssyncset.done $0x0  }
0x12d: {  	s19 =	simm.s32 $0xD80;
	[sflag:s22] =	ssyncadd.s32 $0xFFFFC180  }
0x12e: {  	[tilespmem:s30], [sflag:$0x2] =	stream.indirect.gather [hbm4b:s4+s25], $0x80, s19, s25, $0xb8;
	[tilespmem:$0x1D580] =	vst v63  }
0x12f: {  	_ =	swait.ge [sflag:s31], $0x3E80  }
0x130: {  	[sflag:s31] =	ssyncset.done $0x0  }
0x131: {  	s19 =	simm.s32 $0x1D00;
	[sflag:s31] =	ssyncadd.s32 $0xFFFFC180  }
0x132: {  	[spmem:s2] =	stream.indirect.scatter.add.f32 [tilespmem:s24], [sflag:$0x5], $0x80, s19, s25, $0xb8;
	[tilespmem:$0x1D580] =	vst v63  }
0x133: {  	_ =	swait.ge [sflag:s22], $0x3E80  }
0x134: {  	[sflag:s22] =	ssyncset.done $0x0  }
0x135: {  	s19 =	simm.s32 $0xE00;
	[sflag:s22] =	ssyncadd.s32 $0xFFFFC180  }
0x136: {  	[tilespmem:s24], [sflag:$0x1] =	stream.indirect.gather [hbm4b:s4+s25], $0x80, s19, s25, $0xb8;
	[tilespmem:$0x1D580] =	vst v63  }
0x137: {  	_ =	swait.ge [sflag:s1], $0x3E80  }
0x138: {  	[sflag:s1] =	ssyncset.done $0x0  }
0x139: {  	s19 =	simm.s32 $0x1D80;
	[sflag:s1] =	ssyncadd.s32 $0xFFFFC180  }
0x13a: {  	[spmem:s2] =	stream.indirect.scatter.add.f32 [tilespmem:s30], [sflag:$0x5], $0x80, s19, s25, $0xb8;
	[tilespmem:$0x1D580] =	vst v63  }
0x13b: {  	_ =	swait.ge [sflag:s22], $0x3E80  }
0x13c: {  	[sflag:s22] =	ssyncset.done $0x0  }
0x13d: {  	s19 =	simm.s32 $0xE80;
	[sflag:s22] =	ssyncadd.s32 $0xFFFFC180  }
0x13e: {  	[tilespmem:s30], [sflag:$0x2] =	stream.indirect.gather [hbm4b:s4+s25], $0x80, s19, s25, $0xb8;
	[tilespmem:$0x1D580] =	vst v63  }
0x13f: {  	_ =	swait.ge [sflag:s31], $0x3E80  }
0x140: {  	[sflag:s31] =	ssyncset.done $0x0  }
0x141: {  	s19 =	simm.s32 $0x1E00;
	[sflag:s31] =	ssyncadd.s32 $0xFFFFC180  }
0x142: {  	[spmem:s2] =	stream.indirect.scatter.add.f32 [tilespmem:s24], [sflag:$0x5], $0x80, s19, s25, $0xb8;
	[tilespmem:$0x1D580] =	vst v63  }
0x143: {  	_ =	swait.ge [sflag:s22], $0x3E80  }
0x144: {  	[sflag:s22] =	ssyncset.done $0x0  }
0x145: {  	s19 =	simm.s32 $0xF00;
	[sflag:s22] =	ssyncadd.s32 $0xFFFFC180  }
0x146: {  	[tilespmem:s24], [sflag:$0x1] =	stream.indirect.gather [hbm4b:s4+s25], $0x80, s19, s25, $0xb8;
	[tilespmem:$0x1D580] =	vst v63  }
0x147: {  	_ =	swait.ge [sflag:s1], $0x3E80  }
0x148: {  	[sflag:s1] =	ssyncset.done $0x0  }
0x149: {  	s19 =	simm.s32 $0x1E80;
	[sflag:s1] =	ssyncadd.s32 $0xFFFFC180  }
0x14a: {  	[spmem:s2] =	stream.indirect.scatter.add.f32 [tilespmem:s30], [sflag:$0x5], $0x80, s19, s25, $0xb8;
	[tilespmem:$0x1D580] =	vst v63  }
0x14b: {  	_ =	swait.ge [sflag:s22], $0x3E80  }
0x14c: {  	[sflag:s22] =	ssyncset.done $0x0  }
0x14d: {  	s19 =	simm.s32 $0xF80;
	[sflag:s22] =	ssyncadd.s32 $0xFFFFC180  }
0x14e: {  	[tilespmem:s30], [sflag:$0x2] =	stream.indirect.gather [hbm4b:s4+s25], $0x80, s19, s25, $0xb8;
	[tilespmem:$0x1D580] =	vst v63  }
0x14f: {  	_ =	swait.ge [sflag:s31], $0x3E80  }
0x150: {  	[sflag:s31] =	ssyncset.done $0x0  }
0x151: {  	s19 =	simm.s32 $0x1F00;
	[sflag:s31] =	ssyncadd.s32 $0xFFFFC180  }
0x152: {  	[spmem:s2] =	stream.indirect.scatter.add.f32 [tilespmem:s24], [sflag:$0x5], $0x80, s19, s25, $0xb8;
	[tilespmem:$0x1D580] =	vst v63  }
0x153: {  	_ =	swait.ge [sflag:s22], $0x3E80  }
0x154: {  	[sflag:s22] =	ssyncset.done $0x0  }
0x155: {  	[sflag:s22] =	ssyncadd.s32 $0xFFFFC180  }
0x156: {  	_ =	swait.ge [sflag:s15], $0x800  }
0x157: {  	[sflag:s15] =	ssyncset.done $0x0  }
0x158: {  	[sflag:s15] =	ssyncadd.s32 $0xFFFFF800  }
0x159: {  	_ =	swait.ge [sflag:s16], $0x800  }
0x15a: {  	[sflag:s16] =	ssyncset.done $0x0  }
0x15b: {  	[sflag:s16] =	ssyncadd.s32 $0xFFFFF800  }
0x15c: {  	[tilespmem:s24], [sflag:$0x1] =	stream.indirect.gather [hbm4b:s4+s25], $0x80, s3, s25, $0xb8;
	[tilespmem:$0x1D580] =	vst v63  }
0x15d: {  	_ =	swait.ge [sflag:s1], $0x3E80  }
0x15e: {  	[sflag:s1] =	ssyncset.done $0x0  }
0x15f: {  	s19 =	simm.s32 $0x1F80;
	[sflag:s1] =	ssyncadd.s32 $0xFFFFC180  }
0x160: {  	[spmem:s2] =	stream.indirect.scatter.add.f32 [tilespmem:s30], [sflag:$0x5], $0x80, s19, s25, $0xb8;
	[tilespmem:$0x1D580] =	vst v63  }
0x161: {  	_ =	swait.ge [sflag:s22], $0x3E80  }
0x162: {  	[sflag:s22] =	ssyncset.done $0x0  }
0x163: {  	s19 =	rddreg [dreg:$0xe];
	[sflag:s22] =	ssyncadd.s32 $0xFFFFC180  }
0x164: {  	[tilespmem:s28], [sflag:$0x3] =	stream.linear.gather [hbm4b:s19+s3], $0x800, $0x38;
	[tilespmem:$0x1D580] =	vst v63  }
0x165: {  	s19 =	rddreg [dreg:$0xf]  }
0x166: {  	[tilespmem:s0], [sflag:$0x4] =	stream.linear.gather [hbm4b:s19+s3], $0x800, $0x38;
	[tilespmem:$0x1D580] =	vst v63  }
0x167: {  	s19 =	simm.s32 $0x80  }
0x168: {  	[tilespmem:s30], [sflag:$0x2] =	stream.indirect.gather [hbm4b:s4+s25], $0x80, s19, s25, $0xb8;
	[tilespmem:$0x1D580] =	vst v63  }
0x169: {  	_ =	swait.ge [sflag:s31], $0x3E80  }
0x16a: {  	[sflag:s31] =	ssyncset.done $0x0  }
0x16b: {  	s5 =	simm.s32 $0x1000;
	[sflag:s31] =	ssyncadd.s32 $0xFFFFC180  }
0x16c: {  	[spmem:s2] =	stream.indirect.scatter.add.f32 [tilespmem:s24], [sflag:$0x5], $0x80, s5, s25, $0xb8;
	[tilespmem:$0x1D580] =	vst v63  }
0x16d: {  	_ =	swait.ge [sflag:s22], $0x3E80  }
0x16e: {  	[sflag:s22] =	ssyncset.done $0x0  }
0x16f: {  	s19 =	simm.s32 $0x100;
	[sflag:s22] =	ssyncadd.s32 $0xFFFFC180  }
0x170: {  	[tilespmem:s24], [sflag:$0x1] =	stream.indirect.gather [hbm4b:s4+s25], $0x80, s19, s25, $0xb8;
	[tilespmem:$0x1D580] =	vst v63  }
0x171: {  	_ =	swait.ge [sflag:s1], $0x3E80  }
0x172: {  	[sflag:s1] =	ssyncset.done $0x0  }
0x173: {  	s19 =	simm.s32 $0x1080;
	[sflag:s1] =	ssyncadd.s32 $0xFFFFC180  }
0x174: {  	[spmem:s2] =	stream.indirect.scatter.add.f32 [tilespmem:s30], [sflag:$0x5], $0x80, s19, s25, $0xb8;
	[tilespmem:$0x1D580] =	vst v63  }
0x175: {  	_ =	swait.ge [sflag:s22], $0x3E80  }
0x176: {  	[sflag:s22] =	ssyncset.done $0x0  }
0x177: {  	s19 =	simm.s32 $0x180;
	[sflag:s22] =	ssyncadd.s32 $0xFFFFC180  }
0x178: {  	[tilespmem:s30], [sflag:$0x2] =	stream.indirect.gather [hbm4b:s4+s25], $0x80, s19, s25, $0xb8;
	[tilespmem:$0x1D580] =	vst v63  }
0x179: {  	_ =	swait.ge [sflag:s31], $0x3E80  }
0x17a: {  	[sflag:s31] =	ssyncset.done $0x0  }
0x17b: {  	s19 =	simm.s32 $0x1100;
	[sflag:s31] =	ssyncadd.s32 $0xFFFFC180  }
0x17c: {  	[spmem:s2] =	stream.indirect.scatter.add.f32 [tilespmem:s24], [sflag:$0x5], $0x80, s19, s25, $0xb8;
	[tilespmem:$0x1D580] =	vst v63  }
0x17d: {  	_ =	swait.ge [sflag:s22], $0x3E80  }
0x17e: {  	[sflag:s22] =	ssyncset.done $0x0  }
0x17f: {  	s19 =	simm.s32 $0x200;
	[sflag:s22] =	ssyncadd.s32 $0xFFFFC180  }
0x180: {  	[tilespmem:s24], [sflag:$0x1] =	stream.indirect.gather [hbm4b:s4+s25], $0x80, s19, s25, $0xb8;
	[tilespmem:$0x1D580] =	vst v63  }
0x181: {  	_ =	swait.ge [sflag:s1], $0x3E80  }
0x182: {  	[sflag:s1] =	ssyncset.done $0x0  }
0x183: {  	s19 =	simm.s32 $0x1180;
	[sflag:s1] =	ssyncadd.s32 $0xFFFFC180  }
0x184: {  	[spmem:s2] =	stream.indirect.scatter.add.f32 [tilespmem:s30], [sflag:$0x5], $0x80, s19, s25, $0xb8;
	[tilespmem:$0x1D580] =	vst v63  }
0x185: {  	_ =	swait.ge [sflag:s22], $0x3E80  }
0x186: {  	[sflag:s22] =	ssyncset.done $0x0  }
0x187: {  	s19 =	simm.s32 $0x280;
	[sflag:s22] =	ssyncadd.s32 $0xFFFFC180  }
0x188: {  	[tilespmem:s30], [sflag:$0x2] =	stream.indirect.gather [hbm4b:s4+s25], $0x80, s19, s25, $0xb8;
	[tilespmem:$0x1D580] =	vst v63  }
0x189: {  	_ =	swait.ge [sflag:s31], $0x3E80  }
0x18a: {  	[sflag:s31] =	ssyncset.done $0x0  }
0x18b: {  	s19 =	simm.s32 $0x1200;
	[sflag:s31] =	ssyncadd.s32 $0xFFFFC180  }
0x18c: {  	[spmem:s2] =	stream.indirect.scatter.add.f32 [tilespmem:s24], [sflag:$0x5], $0x80, s19, s25, $0xb8;
	[tilespmem:$0x1D580] =	vst v63  }
0x18d: {  	_ =	swait.ge [sflag:s22], $0x3E80  }
0x18e: {  	[sflag:s22] =	ssyncset.done $0x0  }
0x18f: {  	s19 =	simm.s32 $0x300;
	[sflag:s22] =	ssyncadd.s32 $0xFFFFC180  }
0x190: {  	[tilespmem:s24], [sflag:$0x1] =	stream.indirect.gather [hbm4b:s4+s25], $0x80, s19, s25, $0xb8;
	[tilespmem:$0x1D580] =	vst v63  }
0x191: {  	_ =	swait.ge [sflag:s1], $0x3E80  }
0x192: {  	[sflag:s1] =	ssyncset.done $0x0  }
0x193: {  	s19 =	simm.s32 $0x1280;
	[sflag:s1] =	ssyncadd.s32 $0xFFFFC180  }
0x194: {  	[spmem:s2] =	stream.indirect.scatter.add.f32 [tilespmem:s30], [sflag:$0x5], $0x80, s19, s25, $0xb8;
	[tilespmem:$0x1D580] =	vst v63  }
0x195: {  	_ =	swait.ge [sflag:s22], $0x3E80  }
0x196: {  	[sflag:s22] =	ssyncset.done $0x0  }
0x197: {  	s19 =	simm.s32 $0x380;
	[sflag:s22] =	ssyncadd.s32 $0xFFFFC180  }
0x198: {  	[tilespmem:s30], [sflag:$0x2] =	stream.indirect.gather [hbm4b:s4+s25], $0x80, s19, s25, $0xb8;
	[tilespmem:$0x1D580] =	vst v63  }
0x199: {  	_ =	swait.ge [sflag:s31], $0x3E80  }
0x19a: {  	[sflag:s31] =	ssyncset.done $0x0  }
0x19b: {  	s19 =	simm.s32 $0x1300;
	[sflag:s31] =	ssyncadd.s32 $0xFFFFC180  }
0x19c: {  	[spmem:s2] =	stream.indirect.scatter.add.f32 [tilespmem:s24], [sflag:$0x5], $0x80, s19, s25, $0xb8;
	[tilespmem:$0x1D580] =	vst v63  }
0x19d: {  	_ =	swait.ge [sflag:s22], $0x3E80  }
0x19e: {  	[sflag:s22] =	ssyncset.done $0x0  }
0x19f: {  	s19 =	simm.s32 $0x400;
	[sflag:s22] =	ssyncadd.s32 $0xFFFFC180  }
0x1a0: {  	[tilespmem:s24], [sflag:$0x1] =	stream.indirect.gather [hbm4b:s4+s25], $0x80, s19, s25, $0xb8;
	[tilespmem:$0x1D580] =	vst v63  }
0x1a1: {  	_ =	swait.ge [sflag:s1], $0x3E80  }
0x1a2: {  	[sflag:s1] =	ssyncset.done $0x0  }
0x1a3: {  	s19 =	simm.s32 $0x1380;
	[sflag:s1] =	ssyncadd.s32 $0xFFFFC180  }
0x1a4: {  	[spmem:s2] =	stream.indirect.scatter.add.f32 [tilespmem:s30], [sflag:$0x5], $0x80, s19, s25, $0xb8;
	[tilespmem:$0x1D580] =	vst v63  }
0x1a5: {  	_ =	swait.ge [sflag:s22], $0x3E80  }
0x1a6: {  	[sflag:s22] =	ssyncset.done $0x0  }
0x1a7: {  	s19 =	simm.s32 $0x480;
	[sflag:s22] =	ssyncadd.s32 $0xFFFFC180  }
0x1a8: {  	[tilespmem:s30], [sflag:$0x2] =	stream.indirect.gather [hbm4b:s4+s25], $0x80, s19, s25, $0xb8;
	[tilespmem:$0x1D580] =	vst v63  }
0x1a9: {  	_ =	swait.ge [sflag:s31], $0x3E80  }
0x1aa: {  	[sflag:s31] =	ssyncset.done $0x0  }
0x1ab: {  	s19 =	simm.s32 $0x1400;
	[sflag:s31] =	ssyncadd.s32 $0xFFFFC180  }
0x1ac: {  	[spmem:s2] =	stream.indirect.scatter.add.f32 [tilespmem:s24], [sflag:$0x5], $0x80, s19, s25, $0xb8;
	[tilespmem:$0x1D580] =	vst v63  }
0x1ad: {  	_ =	swait.ge [sflag:s22], $0x3E80  }
0x1ae: {  	[sflag:s22] =	ssyncset.done $0x0  }
0x1af: {  	s19 =	simm.s32 $0x500;
	[sflag:s22] =	ssyncadd.s32 $0xFFFFC180  }
0x1b0: {  	[tilespmem:s24], [sflag:$0x1] =	stream.indirect.gather [hbm4b:s4+s25], $0x80, s19, s25, $0xb8;
	[tilespmem:$0x1D580] =	vst v63  }
0x1b1: {  	_ =	swait.ge [sflag:s1], $0x3E80  }
0x1b2: {  	[sflag:s1] =	ssyncset.done $0x0  }
0x1b3: {  	s19 =	simm.s32 $0x1480;
	[sflag:s1] =	ssyncadd.s32 $0xFFFFC180  }
0x1b4: {  	[spmem:s2] =	stream.indirect.scatter.add.f32 [tilespmem:s30], [sflag:$0x5], $0x80, s19, s25, $0xb8;
	[tilespmem:$0x1D580] =	vst v63  }
0x1b5: {  	_ =	swait.ge [sflag:s22], $0x3E80  }
0x1b6: {  	[sflag:s22] =	ssyncset.done $0x0  }
0x1b7: {  	s19 =	simm.s32 $0x580;
	[sflag:s22] =	ssyncadd.s32 $0xFFFFC180  }
0x1b8: {  	[tilespmem:s30], [sflag:$0x2] =	stream.indirect.gather [hbm4b:s4+s25], $0x80, s19, s25, $0xb8;
	[tilespmem:$0x1D580] =	vst v63  }
0x1b9: {  	_ =	swait.ge [sflag:s31], $0x3E80  }
0x1ba: {  	[sflag:s31] =	ssyncset.done $0x0  }
0x1bb: {  	s19 =	simm.s32 $0x1500;
	[sflag:s31] =	ssyncadd.s32 $0xFFFFC180  }
0x1bc: {  	[spmem:s2] =	stream.indirect.scatter.add.f32 [tilespmem:s24], [sflag:$0x5], $0x80, s19, s25, $0xb8;
	[tilespmem:$0x1D580] =	vst v63  }
0x1bd: {  	_ =	swait.ge [sflag:s22], $0x3E80  }
0x1be: {  	[sflag:s22] =	ssyncset.done $0x0  }
0x1bf: {  	s19 =	simm.s32 $0x600;
	[sflag:s22] =	ssyncadd.s32 $0xFFFFC180  }
0x1c0: {  	[tilespmem:s24], [sflag:$0x1] =	stream.indirect.gather [hbm4b:s4+s25], $0x80, s19, s25, $0xb8;
	[tilespmem:$0x1D580] =	vst v63  }
0x1c1: {  	_ =	swait.ge [sflag:s1], $0x3E80  }
0x1c2: {  	[sflag:s1] =	ssyncset.done $0x0  }
0x1c3: {  	s19 =	simm.s32 $0x1580;
	[sflag:s1] =	ssyncadd.s32 $0xFFFFC180  }
0x1c4: {  	[spmem:s2] =	stream.indirect.scatter.add.f32 [tilespmem:s30], [sflag:$0x5], $0x80, s19, s25, $0xb8;
	[tilespmem:$0x1D580] =	vst v63  }
0x1c5: {  	_ =	swait.ge [sflag:s22], $0x3E80  }
0x1c6: {  	[sflag:s22] =	ssyncset.done $0x0  }
0x1c7: {  	s19 =	simm.s32 $0x680;
	[sflag:s22] =	ssyncadd.s32 $0xFFFFC180  }
0x1c8: {  	[tilespmem:s30], [sflag:$0x2] =	stream.indirect.gather [hbm4b:s4+s25], $0x80, s19, s25, $0xb8;
	[tilespmem:$0x1D580] =	vst v63  }
0x1c9: {  	_ =	swait.ge [sflag:s31], $0x3E80  }
0x1ca: {  	[sflag:s31] =	ssyncset.done $0x0  }
0x1cb: {  	s19 =	simm.s32 $0x1600;
	[sflag:s31] =	ssyncadd.s32 $0xFFFFC180  }
0x1cc: {  	[spmem:s2] =	stream.indirect.scatter.add.f32 [tilespmem:s24], [sflag:$0x5], $0x80, s19, s25, $0xb8;
	[tilespmem:$0x1D580] =	vst v63  }
0x1cd: {  	_ =	swait.ge [sflag:s22], $0x3E80  }
0x1ce: {  	[sflag:s22] =	ssyncset.done $0x0  }
0x1cf: {  	s19 =	simm.s32 $0x700;
	[sflag:s22] =	ssyncadd.s32 $0xFFFFC180  }
0x1d0: {  	[tilespmem:s24], [sflag:$0x1] =	stream.indirect.gather [hbm4b:s4+s25], $0x80, s19, s25, $0xb8;
	[tilespmem:$0x1D580] =	vst v63  }
0x1d1: {  	_ =	swait.ge [sflag:s1], $0x3E80  }
0x1d2: {  	[sflag:s1] =	ssyncset.done $0x0  }
0x1d3: {  	s19 =	simm.s32 $0x1680;
	[sflag:s1] =	ssyncadd.s32 $0xFFFFC180  }
0x1d4: {  	[spmem:s2] =	stream.indirect.scatter.add.f32 [tilespmem:s30], [sflag:$0x5], $0x80, s19, s25, $0xb8;
	[tilespmem:$0x1D580] =	vst v63  }
0x1d5: {  	_ =	swait.ge [sflag:s22], $0x3E80  }
0x1d6: {  	[sflag:s22] =	ssyncset.done $0x0  }
0x1d7: {  	s19 =	simm.s32 $0x780;
	[sflag:s22] =	ssyncadd.s32 $0xFFFFC180  }
0x1d8: {  	[tilespmem:s30], [sflag:$0x2] =	stream.indirect.gather [hbm4b:s4+s25], $0x80, s19, s25, $0xb8;
	[tilespmem:$0x1D580] =	vst v63  }
0x1d9: {  	_ =	swait.ge [sflag:s31], $0x3E80  }
0x1da: {  	[sflag:s31] =	ssyncset.done $0x0  }
0x1db: {  	s19 =	simm.s32 $0x1700;
	[sflag:s31] =	ssyncadd.s32 $0xFFFFC180  }
0x1dc: {  	[spmem:s2] =	stream.indirect.scatter.add.f32 [tilespmem:s24], [sflag:$0x5], $0x80, s19, s25, $0xb8;
	[tilespmem:$0x1D580] =	vst v63  }
0x1dd: {  	_ =	swait.ge [sflag:s22], $0x3E80  }
0x1de: {  	[sflag:s22] =	ssyncset.done $0x0  }
0x1df: {  	[sflag:s22] =	ssyncadd.s32 $0xFFFFC180  }
0x1e0: {  	_ =	swait.ge [sflag:s15], $0x800  }
0x1e1: {  	[sflag:s15] =	ssyncset.done $0x0  }
0x1e2: {  	[sflag:s15] =	ssyncadd.s32 $0xFFFFF800  }
0x1e3: {  	_ =	swait.ge [sflag:s16], $0x800  }
0x1e4: {  	[sflag:s16] =	ssyncset.done $0x0  }
0x1e5: {  	[sflag:s16] =	ssyncadd.s32 $0xFFFFF800  }
0x1e6: {  	[tilespmem:s24], [sflag:$0x1] =	stream.indirect.gather [hbm4b:s4+s25], $0x80, s28, s25, $0xb8;
	[tilespmem:$0x1D580] =	vst v63  }
0x1e7: {  	_ =	swait.ge [sflag:s1], $0x3E80  }
0x1e8: {  	[sflag:s1] =	ssyncset.done $0x0  }
0x1e9: {  	s28 =	simm.s32 $0x1780;
	[sflag:s1] =	ssyncadd.s32 $0xFFFFC180  }
0x1ea: {  	[spmem:s2] =	stream.indirect.scatter.add.f32 [tilespmem:s30], [sflag:$0x5], $0x80, s28, s25, $0xb8;
	[tilespmem:$0x1D580] =	vst v63  }
0x1eb: {  	_ =	swait.ge [sflag:s22], $0x3E80  }
0x1ec: {  	[sflag:s22] =	ssyncset.done $0x0  }
0x1ed: {  	s19 =	rddreg [dreg:$0x10];
	[sflag:s22] =	ssyncadd.s32 $0xFFFFC180  }
0x1ee: {  	[tilespmem:s3], [sflag:$0x3] =	stream.linear.gather [hbm4b:s19+s3], $0x800, $0x38;
	[tilespmem:$0x1D580] =	vst v63  }
0x1ef: {  	s19 =	rddreg [dreg:$0x11]  }
0x1f0: {  	[tilespmem:s5], [sflag:$0x4] =	stream.linear.gather [hbm4b:s19+s3], $0x800, $0x38;
	[tilespmem:$0x1D580] =	vst v63  }
0x1f1: {  	_ = 	snop  }
0x1f2: {  	[tilespmem:s30], [sflag:$0x2] =	stream.indirect.gather [hbm4b:s4+s25], $0x80, s26, s25, $0xb8;
	[tilespmem:$0x1D580] =	vst v63  }
0x1f3: {  	_ =	swait.ge [sflag:s31], $0x3E80  }
0x1f4: {  	[sflag:s31] =	ssyncset.done $0x0  }
0x1f5: {  	[sflag:s31] =	ssyncadd.s32 $0xFFFFC180  }
0x1f6: {  	[spmem:s2] =	stream.indirect.scatter.add.f32 [tilespmem:s24], [sflag:$0x5], $0x80, s0, s25, $0xb8;
	[tilespmem:$0x1D580] =	vst v63  }
0x1f7: {  	_ =	swait.ge [sflag:s22], $0x3E80  }
0x1f8: {  	[sflag:s22] =	ssyncset.done $0x0  }
0x1f9: {  	[sflag:s22] =	ssyncadd.s32 $0xFFFFC180  }
0x1fa: {  	[tilespmem:s24], [sflag:$0x1] =	stream.indirect.gather [hbm4b:s4+s25], $0x80, s6, s25, $0xb8;
	[tilespmem:$0x1D580] =	vst v63  }
0x1fb: {  	_ =	swait.ge [sflag:s1], $0x3E80  }
0x1fc: {  	[sflag:s1] =	ssyncset.done $0x0  }
0x1fd: {  	[sflag:s1] =	ssyncadd.s32 $0xFFFFC180  }
0x1fe: {  	[spmem:s2] =	stream.indirect.scatter.add.f32 [tilespmem:s30], [sflag:$0x5], $0x80, s7, s25, $0xb8;
	[tilespmem:$0x1D580] =	vst v63  }
0x1ff: {  	_ =	swait.ge [sflag:s22], $0x3E80  }
0x200: {  	[sflag:s22] =	ssyncset.done $0x0  }
0x201: {  	[sflag:s22] =	ssyncadd.s32 $0xFFFFC180  }
0x202: {  	[tilespmem:s30], [sflag:$0x2] =	stream.indirect.gather [hbm4b:s4+s25], $0x80, s8, s25, $0xb8;
	[tilespmem:$0x1D580] =	vst v63  }
0x203: {  	_ =	swait.ge [sflag:s31], $0x3E80  }
0x204: {  	[sflag:s31] =	ssyncset.done $0x0  }
0x205: {  	[sflag:s31] =	ssyncadd.s32 $0xFFFFC180  }
0x206: {  	[spmem:s2] =	stream.indirect.scatter.add.f32 [tilespmem:s24], [sflag:$0x5], $0x80, s9, s25, $0xb8;
	[tilespmem:$0x1D580] =	vst v63  }
0x207: {  	_ =	swait.ge [sflag:s22], $0x3E80  }
0x208: {  	[sflag:s22] =	ssyncset.done $0x0  }
0x209: {  	[sflag:s22] =	ssyncadd.s32 $0xFFFFC180  }
0x20a: {  	[tilespmem:s24], [sflag:$0x1] =	stream.indirect.gather [hbm4b:s4+s25], $0x80, s10, s25, $0xb8;
	[tilespmem:$0x1D580] =	vst v63  }
0x20b: {  	_ =	swait.ge [sflag:s1], $0x3E80  }
0x20c: {  	[sflag:s1] =	ssyncset.done $0x0  }
0x20d: {  	[sflag:s1] =	ssyncadd.s32 $0xFFFFC180  }
0x20e: {  	[spmem:s2] =	stream.indirect.scatter.add.f32 [tilespmem:s30], [sflag:$0x5], $0x80, s11, s25, $0xb8;
	[tilespmem:$0x1D580] =	vst v63  }
0x20f: {  	_ =	swait.ge [sflag:s22], $0x3E80  }
0x210: {  	[sflag:s22] =	ssyncset.done $0x0  }
0x211: {  	[sflag:s22] =	ssyncadd.s32 $0xFFFFC180  }
0x212: {  	[tilespmem:s30], [sflag:$0x2] =	stream.indirect.gather [hbm4b:s4+s25], $0x80, s12, s25, $0xb8;
	[tilespmem:$0x1D580] =	vst v63  }
0x213: {  	_ =	swait.ge [sflag:s31], $0x3E80  }
0x214: {  	[sflag:s31] =	ssyncset.done $0x0  }
0x215: {  	[sflag:s31] =	ssyncadd.s32 $0xFFFFC180  }
0x216: {  	[spmem:s2] =	stream.indirect.scatter.add.f32 [tilespmem:s24], [sflag:$0x5], $0x80, s13, s25, $0xb8;
	[tilespmem:$0x1D580] =	vst v63  }
0x217: {  	_ =	swait.ge [sflag:s22], $0x3E80  }
0x218: {  	[sflag:s22] =	ssyncset.done $0x0  }
0x219: {  	[sflag:s22] =	ssyncadd.s32 $0xFFFFC180  }
0x21a: {  	[tilespmem:s24], [sflag:$0x1] =	stream.indirect.gather [hbm4b:s4+s25], $0x80, s14, s25, $0xb8;
	[tilespmem:$0x1D580] =	vst v63  }
0x21b: {  	_ =	swait.ge [sflag:s1], $0x3E80  }
0x21c: {  	[sflag:s1] =	ssyncset.done $0x0  }
0x21d: {  	[sflag:s1] =	ssyncadd.s32 $0xFFFFC180  }
0x21e: {  	[spmem:s2] =	stream.indirect.scatter.add.f32 [tilespmem:s30], [sflag:$0x5], $0x80, s17, s25, $0xb8;
	[tilespmem:$0x1D580] =	vst v63  }
0x21f: {  	_ =	swait.ge [sflag:s22], $0x3E80  }
0x220: {  	[sflag:s22] =	ssyncset.done $0x0  }
0x221: {  	[sflag:s22] =	ssyncadd.s32 $0xFFFFC180  }
0x222: {  	[tilespmem:s30], [sflag:$0x2] =	stream.indirect.gather [hbm4b:s4+s25], $0x80, s20, s25, $0xb8;
	[tilespmem:$0x1D580] =	vst v63  }
0x223: {  	_ =	swait.ge [sflag:s31], $0x3E80  }
0x224: {  	[sflag:s31] =	ssyncset.done $0x0  }
0x225: {  	[sflag:s31] =	ssyncadd.s32 $0xFFFFC180  }
0x226: {  	[spmem:s2] =	stream.indirect.scatter.add.f32 [tilespmem:s24], [sflag:$0x5], $0x80, s21, s25, $0xb8;
	[tilespmem:$0x1D580] =	vst v63  }
0x227: {  	_ =	swait.ge [sflag:s22], $0x3E80  }
0x228: {  	[sflag:s22] =	ssyncset.done $0x0  }
0x229: {  	[sflag:s22] =	ssyncadd.s32 $0xFFFFC180  }
0x22a: {  	[tilespmem:s24], [sflag:$0x1] =	stream.indirect.gather [hbm4b:s4+s25], $0x80, s23, s25, $0xb8;
	[tilespmem:$0x1D580] =	vst v63  }
0x22b: {  	_ =	swait.ge [sflag:s1], $0x3E80  }
0x22c: {  	[sflag:s1] =	ssyncset.done $0x0  }
0x22d: {  	[sflag:s1] =	ssyncadd.s32 $0xFFFFC180  }
0x22e: {  	[spmem:s2] =	stream.indirect.scatter.add.f32 [tilespmem:s30], [sflag:$0x5], $0x80, s29, s25, $0xb8;
	[tilespmem:$0x1D580] =	vst v63  }
0x22f: {  	_ =	swait.ge [sflag:s22], $0x3E80  }
0x230: {  	[sflag:s22] =	ssyncset.done $0x0  }
0x231: {  	s21 =	simm.s32 $0xC80;
	[sflag:s22] =	ssyncadd.s32 $0xFFFFC180  }
0x232: {  	[tilespmem:s30], [sflag:$0x2] =	stream.indirect.gather [hbm4b:s4+s25], $0x80, s21, s25, $0xb8;
	[tilespmem:$0x1D580] =	vst v63  }
0x233: {  	_ =	swait.ge [sflag:s31], $0x3E80  }
0x234: {  	[sflag:s31] =	ssyncset.done $0x0  }
0x235: {  	s6 =	simm.s32 $0x1C00;
	[sflag:s31] =	ssyncadd.s32 $0xFFFFC180  }
0x236: {  	[spmem:s2] =	stream.indirect.scatter.add.f32 [tilespmem:s24], [sflag:$0x5], $0x80, s6, s25, $0xb8;
	[tilespmem:$0x1D580] =	vst v63  }
0x237: {  	_ =	swait.ge [sflag:s22], $0x3E80  }
0x238: {  	[sflag:s22] =	ssyncset.done $0x0  }
0x239: {  	s19 =	simm.s32 $0xD00;
	[sflag:s22] =	ssyncadd.s32 $0xFFFFC180  }
0x23a: {  	[tilespmem:s24], [sflag:$0x1] =	stream.indirect.gather [hbm4b:s4+s25], $0x80, s19, s25, $0xb8;
	[tilespmem:$0x1D580] =	vst v63  }
0x23b: {  	_ =	swait.ge [sflag:s1], $0x3E80  }
0x23c: {  	[sflag:s1] =	ssyncset.done $0x0  }
0x23d: {  	s20 =	simm.s32 $0x1C80;
	[sflag:s1] =	ssyncadd.s32 $0xFFFFC180  }
0x23e: {  	[spmem:s2] =	stream.indirect.scatter.add.f32 [tilespmem:s30], [sflag:$0x5], $0x80, s20, s25, $0xb8;
	[tilespmem:$0x1D580] =	vst v63  }
0x23f: {  	_ =	swait.ge [sflag:s22], $0x3E80  }
0x240: {  	[sflag:s22] =	ssyncset.done $0x0  }
0x241: {  	s21 =	simm.s32 $0xD80;
	[sflag:s22] =	ssyncadd.s32 $0xFFFFC180  }
0x242: {  	[tilespmem:s30], [sflag:$0x2] =	stream.indirect.gather [hbm4b:s4+s25], $0x80, s21, s25, $0xb8;
	[tilespmem:$0x1D580] =	vst v63  }
0x243: {  	_ =	swait.ge [sflag:s31], $0x3E80  }
0x244: {  	[sflag:s31] =	ssyncset.done $0x0  }
0x245: {  	s6 =	simm.s32 $0x1D00;
	[sflag:s31] =	ssyncadd.s32 $0xFFFFC180  }
0x246: {  	[spmem:s2] =	stream.indirect.scatter.add.f32 [tilespmem:s24], [sflag:$0x5], $0x80, s6, s25, $0xb8;
	[tilespmem:$0x1D580] =	vst v63  }
0x247: {  	_ =	swait.ge [sflag:s22], $0x3E80  }
0x248: {  	[sflag:s22] =	ssyncset.done $0x0  }
0x249: {  	s19 =	simm.s32 $0xE00;
	[sflag:s22] =	ssyncadd.s32 $0xFFFFC180  }
0x24a: {  	[tilespmem:s24], [sflag:$0x1] =	stream.indirect.gather [hbm4b:s4+s25], $0x80, s19, s25, $0xb8;
	[tilespmem:$0x1D580] =	vst v63  }
0x24b: {  	_ =	swait.ge [sflag:s1], $0x3E80  }
0x24c: {  	[sflag:s1] =	ssyncset.done $0x0  }
0x24d: {  	s20 =	simm.s32 $0x1D80;
	[sflag:s1] =	ssyncadd.s32 $0xFFFFC180  }
0x24e: {  	[spmem:s2] =	stream.indirect.scatter.add.f32 [tilespmem:s30], [sflag:$0x5], $0x80, s20, s25, $0xb8;
	[tilespmem:$0x1D580] =	vst v63  }
0x24f: {  	_ =	swait.ge [sflag:s22], $0x3E80  }
0x250: {  	[sflag:s22] =	ssyncset.done $0x0  }
0x251: {  	s21 =	simm.s32 $0xE80;
	[sflag:s22] =	ssyncadd.s32 $0xFFFFC180  }
0x252: {  	[tilespmem:s30], [sflag:$0x2] =	stream.indirect.gather [hbm4b:s4+s25], $0x80, s21, s25, $0xb8;
	[tilespmem:$0x1D580] =	vst v63  }
0x253: {  	_ =	swait.ge [sflag:s31], $0x3E80  }
0x254: {  	[sflag:s31] =	ssyncset.done $0x0  }
0x255: {  	s6 =	simm.s32 $0x1E00;
	[sflag:s31] =	ssyncadd.s32 $0xFFFFC180  }
0x256: {  	[spmem:s2] =	stream.indirect.scatter.add.f32 [tilespmem:s24], [sflag:$0x5], $0x80, s6, s25, $0xb8;
	[tilespmem:$0x1D580] =	vst v63  }
0x257: {  	_ =	swait.ge [sflag:s22], $0x3E80  }
0x258: {  	[sflag:s22] =	ssyncset.done $0x0  }
0x259: {  	s19 =	simm.s32 $0xF00;
	[sflag:s22] =	ssyncadd.s32 $0xFFFFC180  }
0x25a: {  	[tilespmem:s24], [sflag:$0x1] =	stream.indirect.gather [hbm4b:s4+s25], $0x80, s19, s25, $0xb8;
	[tilespmem:$0x1D580] =	vst v63  }
0x25b: {  	_ =	swait.ge [sflag:s1], $0x3E80  }
0x25c: {  	[sflag:s1] =	ssyncset.done $0x0  }
0x25d: {  	s20 =	simm.s32 $0x1E80;
	[sflag:s1] =	ssyncadd.s32 $0xFFFFC180  }
0x25e: {  	[spmem:s2] =	stream.indirect.scatter.add.f32 [tilespmem:s30], [sflag:$0x5], $0x80, s20, s25, $0xb8;
	[tilespmem:$0x1D580] =	vst v63  }
0x25f: {  	_ =	swait.ge [sflag:s22], $0x3E80  }
0x260: {  	[sflag:s22] =	ssyncset.done $0x0  }
0x261: {  	s21 =	simm.s32 $0xF80;
	[sflag:s22] =	ssyncadd.s32 $0xFFFFC180  }
0x262: {  	[tilespmem:s30], [sflag:$0x2] =	stream.indirect.gather [hbm4b:s4+s25], $0x80, s21, s25, $0xb8;
	[tilespmem:$0x1D580] =	vst v63  }
0x263: {  	_ =	swait.ge [sflag:s31], $0x3E80  }
0x264: {  	[sflag:s31] =	ssyncset.done $0x0  }
0x265: {  	s6 =	simm.s32 $0x1F00;
	[sflag:s31] =	ssyncadd.s32 $0xFFFFC180  }
0x266: {  	[spmem:s2] =	stream.indirect.scatter.add.f32 [tilespmem:s24], [sflag:$0x5], $0x80, s6, s25, $0xb8;
	[tilespmem:$0x1D580] =	vst v63  }
0x267: {  	_ =	swait.ge [sflag:s22], $0x3E80  }
0x268: {  	[sflag:s22] =	ssyncset.done $0x0  }
0x269: {  	[sflag:s22] =	ssyncadd.s32 $0xFFFFC180  }
0x26a: {  	_ =	swait.ge [sflag:s15], $0x800  }
0x26b: {  	[sflag:s15] =	ssyncset.done $0x0  }
0x26c: {  	[sflag:s15] =	ssyncadd.s32 $0xFFFFF800  }
0x26d: {  	_ =	swait.ge [sflag:s16], $0x800  }
0x26e: {  	[sflag:s16] =	ssyncset.done $0x0  }
0x26f: {  	[sflag:s16] =	ssyncadd.s32 $0xFFFFF800  }
0x270: {  	[tilespmem:s24], [sflag:$0x1] =	stream.indirect.gather [hbm4b:s4+s25], $0x80, s3, s25, $0xb8;
	[tilespmem:$0x1D580] =	vst v63  }
0x271: {  	_ =	swait.ge [sflag:s1], $0x3E80  }
0x272: {  	[sflag:s1] =	ssyncset.done $0x0  }
0x273: {  	s19 =	simm.s32 $0x1F80;
	[sflag:s1] =	ssyncadd.s32 $0xFFFFC180  }
0x274: {  	[spmem:s2] =	stream.indirect.scatter.add.f32 [tilespmem:s30], [sflag:$0x5], $0x80, s19, s25, $0xb8;
	[tilespmem:$0x1D580] =	vst v63  }
0x275: {  	_ =	swait.ge [sflag:s22], $0x3E80  }
0x276: {  	[sflag:s22] =	ssyncset.done $0x0  }
0x277: {  	s20 =	simm.s32 $0x80;
	[sflag:s22] =	ssyncadd.s32 $0xFFFFC180  }
0x278: {  	[tilespmem:s30], [sflag:$0x2] =	stream.indirect.gather [hbm4b:s4+s25], $0x80, s20, s25, $0xb8;
	[tilespmem:$0x1D580] =	vst v63  }
0x279: {  	_ =	swait.ge [sflag:s31], $0x3E80  }
0x27a: {  	[sflag:s31] =	ssyncset.done $0x0  }
0x27b: {  	s5 =	simm.s32 $0x1000;
	[sflag:s31] =	ssyncadd.s32 $0xFFFFC180  }
0x27c: {  	[spmem:s2] =	stream.indirect.scatter.add.f32 [tilespmem:s24], [sflag:$0x5], $0x80, s5, s25, $0xb8;
	[tilespmem:$0x1D580] =	vst v63  }
0x27d: {  	_ =	swait.ge [sflag:s22], $0x3E80  }
0x27e: {  	[sflag:s22] =	ssyncset.done $0x0  }
0x27f: {  	s21 =	simm.s32 $0x100;
	[sflag:s22] =	ssyncadd.s32 $0xFFFFC180  }
0x280: {  	[tilespmem:s24], [sflag:$0x1] =	stream.indirect.gather [hbm4b:s4+s25], $0x80, s21, s25, $0xb8;
	[tilespmem:$0x1D580] =	vst v63  }
0x281: {  	_ =	swait.ge [sflag:s1], $0x3E80  }
0x282: {  	[sflag:s1] =	ssyncset.done $0x0  }
0x283: {  	s6 =	simm.s32 $0x1080;
	[sflag:s1] =	ssyncadd.s32 $0xFFFFC180  }
0x284: {  	[spmem:s2] =	stream.indirect.scatter.add.f32 [tilespmem:s30], [sflag:$0x5], $0x80, s6, s25, $0xb8;
	[tilespmem:$0x1D580] =	vst v63  }
0x285: {  	_ =	swait.ge [sflag:s22], $0x3E80  }
0x286: {  	[sflag:s22] =	ssyncset.done $0x0  }
0x287: {  	s19 =	simm.s32 $0x180;
	[sflag:s22] =	ssyncadd.s32 $0xFFFFC180  }
0x288: {  	[tilespmem:s30], [sflag:$0x2] =	stream.indirect.gather [hbm4b:s4+s25], $0x80, s19, s25, $0xb8;
	[tilespmem:$0x1D580] =	vst v63  }
0x289: {  	_ =	swait.ge [sflag:s31], $0x3E80  }
0x28a: {  	[sflag:s31] =	ssyncset.done $0x0  }
0x28b: {  	s20 =	simm.s32 $0x1100;
	[sflag:s31] =	ssyncadd.s32 $0xFFFFC180  }
0x28c: {  	[spmem:s2] =	stream.indirect.scatter.add.f32 [tilespmem:s24], [sflag:$0x5], $0x80, s20, s25, $0xb8;
	[tilespmem:$0x1D580] =	vst v63  }
0x28d: {  	_ =	swait.ge [sflag:s22], $0x3E80  }
0x28e: {  	[sflag:s22] =	ssyncset.done $0x0  }
0x28f: {  	s21 =	simm.s32 $0x200;
	[sflag:s22] =	ssyncadd.s32 $0xFFFFC180  }
0x290: {  	[tilespmem:s24], [sflag:$0x1] =	stream.indirect.gather [hbm4b:s4+s25], $0x80, s21, s25, $0xb8;
	[tilespmem:$0x1D580] =	vst v63  }
0x291: {  	_ =	swait.ge [sflag:s1], $0x3E80  }
0x292: {  	[sflag:s1] =	ssyncset.done $0x0  }
0x293: {  	s6 =	simm.s32 $0x1180;
	[sflag:s1] =	ssyncadd.s32 $0xFFFFC180  }
0x294: {  	[spmem:s2] =	stream.indirect.scatter.add.f32 [tilespmem:s30], [sflag:$0x5], $0x80, s6, s25, $0xb8;
	[tilespmem:$0x1D580] =	vst v63  }
0x295: {  	_ =	swait.ge [sflag:s22], $0x3E80  }
0x296: {  	[sflag:s22] =	ssyncset.done $0x0  }
0x297: {  	s19 =	simm.s32 $0x280;
	[sflag:s22] =	ssyncadd.s32 $0xFFFFC180  }
0x298: {  	[tilespmem:s30], [sflag:$0x2] =	stream.indirect.gather [hbm4b:s4+s25], $0x80, s19, s25, $0xb8;
	[tilespmem:$0x1D580] =	vst v63  }
0x299: {  	_ =	swait.ge [sflag:s31], $0x3E80  }
0x29a: {  	[sflag:s31] =	ssyncset.done $0x0  }
0x29b: {  	s20 =	simm.s32 $0x1200;
	[sflag:s31] =	ssyncadd.s32 $0xFFFFC180  }
0x29c: {  	[spmem:s2] =	stream.indirect.scatter.add.f32 [tilespmem:s24], [sflag:$0x5], $0x80, s20, s25, $0xb8;
	[tilespmem:$0x1D580] =	vst v63  }
0x29d: {  	_ =	swait.ge [sflag:s22], $0x3E80  }
0x29e: {  	[sflag:s22] =	ssyncset.done $0x0  }
0x29f: {  	s21 =	simm.s32 $0x300;
	[sflag:s22] =	ssyncadd.s32 $0xFFFFC180  }
0x2a0: {  	[tilespmem:s24], [sflag:$0x1] =	stream.indirect.gather [hbm4b:s4+s25], $0x80, s21, s25, $0xb8;
	[tilespmem:$0x1D580] =	vst v63  }
0x2a1: {  	_ =	swait.ge [sflag:s1], $0x3E80  }
0x2a2: {  	[sflag:s1] =	ssyncset.done $0x0  }
0x2a3: {  	s6 =	simm.s32 $0x1280;
	[sflag:s1] =	ssyncadd.s32 $0xFFFFC180  }
0x2a4: {  	[spmem:s2] =	stream.indirect.scatter.add.f32 [tilespmem:s30], [sflag:$0x5], $0x80, s6, s25, $0xb8;
	[tilespmem:$0x1D580] =	vst v63  }
0x2a5: {  	_ =	swait.ge [sflag:s22], $0x3E80  }
0x2a6: {  	[sflag:s22] =	ssyncset.done $0x0  }
0x2a7: {  	s19 =	simm.s32 $0x380;
	[sflag:s22] =	ssyncadd.s32 $0xFFFFC180  }
0x2a8: {  	[tilespmem:s30], [sflag:$0x2] =	stream.indirect.gather [hbm4b:s4+s25], $0x80, s19, s25, $0xb8;
	[tilespmem:$0x1D580] =	vst v63  }
0x2a9: {  	_ =	swait.ge [sflag:s31], $0x3E80  }
0x2aa: {  	[sflag:s31] =	ssyncset.done $0x0  }
0x2ab: {  	s20 =	simm.s32 $0x1300;
	[sflag:s31] =	ssyncadd.s32 $0xFFFFC180  }
0x2ac: {  	[spmem:s2] =	stream.indirect.scatter.add.f32 [tilespmem:s24], [sflag:$0x5], $0x80, s20, s25, $0xb8;
	[tilespmem:$0x1D580] =	vst v63  }
0x2ad: {  	_ =	swait.ge [sflag:s22], $0x3E80  }
0x2ae: {  	[sflag:s22] =	ssyncset.done $0x0  }
0x2af: {  	s21 =	simm.s32 $0x400;
	[sflag:s22] =	ssyncadd.s32 $0xFFFFC180  }
0x2b0: {  	[tilespmem:s24], [sflag:$0x1] =	stream.indirect.gather [hbm4b:s4+s25], $0x80, s21, s25, $0xb8;
	[tilespmem:$0x1D580] =	vst v63  }
0x2b1: {  	_ =	swait.ge [sflag:s1], $0x3E80  }
0x2b2: {  	[sflag:s1] =	ssyncset.done $0x0  }
0x2b3: {  	s6 =	simm.s32 $0x1380;
	[sflag:s1] =	ssyncadd.s32 $0xFFFFC180  }
0x2b4: {  	[spmem:s2] =	stream.indirect.scatter.add.f32 [tilespmem:s30], [sflag:$0x5], $0x80, s6, s25, $0xb8;
	[tilespmem:$0x1D580] =	vst v63  }
0x2b5: {  	_ =	swait.ge [sflag:s22], $0x3E80  }
0x2b6: {  	[sflag:s22] =	ssyncset.done $0x0  }
0x2b7: {  	s19 =	simm.s32 $0x480;
	[sflag:s22] =	ssyncadd.s32 $0xFFFFC180  }
0x2b8: {  	[tilespmem:s30], [sflag:$0x2] =	stream.indirect.gather [hbm4b:s4+s25], $0x80, s19, s25, $0xb8;
	[tilespmem:$0x1D580] =	vst v63  }
0x2b9: {  	_ =	swait.ge [sflag:s31], $0x3E80  }
0x2ba: {  	[sflag:s31] =	ssyncset.done $0x0  }
0x2bb: {  	s20 =	simm.s32 $0x1400;
	[sflag:s31] =	ssyncadd.s32 $0xFFFFC180  }
0x2bc: {  	[spmem:s2] =	stream.indirect.scatter.add.f32 [tilespmem:s24], [sflag:$0x5], $0x80, s20, s25, $0xb8;
	[tilespmem:$0x1D580] =	vst v63  }
0x2bd: {  	_ =	swait.ge [sflag:s22], $0x3E80  }
0x2be: {  	[sflag:s22] =	ssyncset.done $0x0  }
0x2bf: {  	s21 =	simm.s32 $0x500;
	[sflag:s22] =	ssyncadd.s32 $0xFFFFC180  }
0x2c0: {  	[tilespmem:s24], [sflag:$0x1] =	stream.indirect.gather [hbm4b:s4+s25], $0x80, s21, s25, $0xb8;
	[tilespmem:$0x1D580] =	vst v63  }
0x2c1: {  	_ =	swait.ge [sflag:s1], $0x3E80  }
0x2c2: {  	[sflag:s1] =	ssyncset.done $0x0  }
0x2c3: {  	s6 =	simm.s32 $0x1480;
	[sflag:s1] =	ssyncadd.s32 $0xFFFFC180  }
0x2c4: {  	[spmem:s2] =	stream.indirect.scatter.add.f32 [tilespmem:s30], [sflag:$0x5], $0x80, s6, s25, $0xb8;
	[tilespmem:$0x1D580] =	vst v63  }
0x2c5: {  	_ =	swait.ge [sflag:s22], $0x3E80  }
0x2c6: {  	[sflag:s22] =	ssyncset.done $0x0  }
0x2c7: {  	s19 =	simm.s32 $0x580;
	[sflag:s22] =	ssyncadd.s32 $0xFFFFC180  }
0x2c8: {  	[tilespmem:s30], [sflag:$0x2] =	stream.indirect.gather [hbm4b:s4+s25], $0x80, s19, s25, $0xb8;
	[tilespmem:$0x1D580] =	vst v63  }
0x2c9: {  	_ =	swait.ge [sflag:s31], $0x3E80  }
0x2ca: {  	[sflag:s31] =	ssyncset.done $0x0  }
0x2cb: {  	s20 =	simm.s32 $0x1500;
	[sflag:s31] =	ssyncadd.s32 $0xFFFFC180  }
0x2cc: {  	[spmem:s2] =	stream.indirect.scatter.add.f32 [tilespmem:s24], [sflag:$0x5], $0x80, s20, s25, $0xb8;
	[tilespmem:$0x1D580] =	vst v63  }
0x2cd: {  	_ =	swait.ge [sflag:s22], $0x3E80  }
0x2ce: {  	[sflag:s22] =	ssyncset.done $0x0  }
0x2cf: {  	s21 =	simm.s32 $0x600;
	[sflag:s22] =	ssyncadd.s32 $0xFFFFC180  }
0x2d0: {  	[tilespmem:s24], [sflag:$0x1] =	stream.indirect.gather [hbm4b:s4+s25], $0x80, s21, s25, $0xb8;
	[tilespmem:$0x1D580] =	vst v63  }
0x2d1: {  	_ =	swait.ge [sflag:s1], $0x3E80  }
0x2d2: {  	[sflag:s1] =	ssyncset.done $0x0  }
0x2d3: {  	s6 =	simm.s32 $0x1580;
	[sflag:s1] =	ssyncadd.s32 $0xFFFFC180  }
0x2d4: {  	[spmem:s2] =	stream.indirect.scatter.add.f32 [tilespmem:s30], [sflag:$0x5], $0x80, s6, s25, $0xb8;
	[tilespmem:$0x1D580] =	vst v63  }
0x2d5: {  	_ =	swait.ge [sflag:s22], $0x3E80  }
0x2d6: {  	[sflag:s22] =	ssyncset.done $0x0  }
0x2d7: {  	s19 =	simm.s32 $0x680;
	[sflag:s22] =	ssyncadd.s32 $0xFFFFC180  }
0x2d8: {  	[tilespmem:s30], [sflag:$0x2] =	stream.indirect.gather [hbm4b:s4+s25], $0x80, s19, s25, $0xb8;
	[tilespmem:$0x1D580] =	vst v63  }
0x2d9: {  	_ =	swait.ge [sflag:s31], $0x3E80  }
0x2da: {  	[sflag:s31] =	ssyncset.done $0x0  }
0x2db: {  	s20 =	simm.s32 $0x1600;
	[sflag:s31] =	ssyncadd.s32 $0xFFFFC180  }
0x2dc: {  	[spmem:s2] =	stream.indirect.scatter.add.f32 [tilespmem:s24], [sflag:$0x5], $0x80, s20, s25, $0xb8;
	[tilespmem:$0x1D580] =	vst v63  }
0x2dd: {  	_ =	swait.ge [sflag:s22], $0x3E80  }
0x2de: {  	[sflag:s22] =	ssyncset.done $0x0  }
0x2df: {  	s21 =	simm.s32 $0x700;
	[sflag:s22] =	ssyncadd.s32 $0xFFFFC180  }
0x2e0: {  	[tilespmem:s24], [sflag:$0x1] =	stream.indirect.gather [hbm4b:s4+s25], $0x80, s21, s25, $0xb8;
	[tilespmem:$0x1D580] =	vst v63  }
0x2e1: {  	_ =	swait.ge [sflag:s1], $0x3E80  }
0x2e2: {  	[sflag:s1] =	ssyncset.done $0x0  }
0x2e3: {  	s6 =	simm.s32 $0x1680;
	[sflag:s1] =	ssyncadd.s32 $0xFFFFC180  }
0x2e4: {  	[spmem:s2] =	stream.indirect.scatter.add.f32 [tilespmem:s30], [sflag:$0x5], $0x80, s6, s25, $0xb8;
	[tilespmem:$0x1D580] =	vst v63  }
0x2e5: {  	_ =	swait.ge [sflag:s22], $0x3E80  }
0x2e6: {  	[sflag:s22] =	ssyncset.done $0x0  }
0x2e7: {  	s19 =	simm.s32 $0x780;
	[sflag:s22] =	ssyncadd.s32 $0xFFFFC180  }
0x2e8: {  	[tilespmem:s30], [sflag:$0x2] =	stream.indirect.gather [hbm4b:s4+s25], $0x80, s19, s25, $0xb8;
	[tilespmem:$0x1D580] =	vst v63  }
0x2e9: {  	_ =	swait.ge [sflag:s31], $0x3E80  }
0x2ea: {  	[sflag:s31] =	ssyncset.done $0x0  }
0x2eb: {  	s20 =	simm.s32 $0x1700;
	[sflag:s31] =	ssyncadd.s32 $0xFFFFC180  }
0x2ec: {  	[spmem:s2] =	stream.indirect.scatter.add.f32 [tilespmem:s24], [sflag:$0x5], $0x80, s20, s25, $0xb8;
	[tilespmem:$0x1D580] =	vst v63  }
0x2ed: {  	_ =	swait.ge [sflag:s22], $0x3E80  }
0x2ee: {  	[sflag:s22] =	ssyncset.done $0x0  }
0x2ef: {  	[sflag:s22] =	ssyncadd.s32 $0xFFFFC180  }
0x2f0: {  	_ =	swait.ge [sflag:s1], $0x3E80  }
0x2f1: {  	[sflag:s1] =	ssyncset.done $0x0  }
0x2f2: {  	s28 =	simm.s32 $0x1780;
	[sflag:s1] =	ssyncadd.s32 $0xFFFFC180  }
0x2f3: {  	[spmem:s2] =	stream.indirect.scatter.add.f32 [tilespmem:s30], [sflag:$0x5], $0x80, s28, s25, $0xb8;
	[tilespmem:$0x1D580] =	vst v63  }
0x2f4: {  	_ =	swait.ge [sflag:s22], $0x3E80  }
0x2f5: {  	[sflag:s22] =	ssyncset.done $0x0  }
0x2f6: {  	[sflag:s22] =	ssyncadd.s32 $0xFFFFC180  }
0x2f7: {  	s21 =	stileid.u32;
	[bflag:$0x0] =	sbarrier.arrive $0xFFFF  }
0x2f8: {  	s19 =	sshll.u32 s21, $0x6;
	s28 =	rddreg [dreg:$0x14]  }
0x2f9: {  	s19 =	sor.u32 $0x1C05, s19;
	s6 =	rddreg [dreg:$0x12];
	s0 =	sshrl.u32 s28, $0x3  }
0x2fa: {  	[hbm:s6], [sflag:s19] =	dma.local [spmem:s0], $0x2710  }
0x2fb: {  	_ =	swait.ge [sflag:s22], $0x2710  }
0x2fc: {  	s18 =	sadd.s32 $0x1, s18;
	s28 =	rddreg [dreg:$0x13]  }
0x2fd: {  	p0 =	sne.s32 s18, s28  }
.Ltmp1:
0x2fe: {  	_ = 	snop;
	(pc) =	sbr.rel @p0 .LBB2_1-.Ltmp1, $3  }
0x2ff: {  	_ =	sdelay $0x1  }
0x300: {  	[sflag:s22] =	ssyncset.done $0x0  }
0x301: {  	[sflag:s22] =	ssyncadd.s32 $0xFFFFD8F0  }
0x302: {  	_ =	sfence.sel $0x180000  }
0x303: {  	[bflag:$0x0] =	sbarrier.arrive $0xFFFF  }
0x304: {  	_ =	strace $0x9000004A  }
0x305: {  	s0 =	stileid.u32;
	[bflag:$0x2] =	sbarrier.arrive $0xFFFF  }
0x306: {  	p0 =	sne.s32 s0, $0x0;
	s0 =	rddreg [dreg:$0x3]  }
0x307: {  	s0 =	sadd.s32 @!p0 $0x100000, s0  }
0x308: {  	[sflag:s0] =	ssyncadd.tile.s32 @!p0 $0x1;
	_ =	shalt  }
.Lfunc_end2:
_tile_overlayer_lowered:
.L_overlay_start_2:
0x309: {  	(tag) =	ssettag $0x2  }
0x30a: {  	s0 =	rddreg [dreg:$0x0];
	s2 =	stileid.u32  }
0x30b: {  	s1 =	rddreg [dreg:$0x1];
	p0 =	sne.s32 s2, $0x0  }
0x30c: {  	s3 =	rddreg [dreg:$0x2];
	[bflag:$0x3] =	sbarrier.arrive $0xFFFF;
	s2 =	simm.s32 @!p0 $0x1C05  }
0x30d: {  	[timem:s3], [sflag:s2] =	dma.local @!p0 [hbm:s0], s1  }
0x30e: {  	s0 =	simm.s32 @!p0 $0x5  }
0x30f: {  	_ =	swait.ge @!p0 [sflag:s0], s1  }
0x310: {  	s1 =	ssub.s32 @!p0 $0x0, s1;
	[sflag:s0] =	ssyncset.done @!p0 $0x0  }
0x311: {  	[sflag:s0] =	ssyncadd.s32 @!p0 s1  }
0x312: {  	[bflag:$0x3] =	sbarrier.arrive $0xFFFF  }
0x313: {  	_ =	shalt  }

// kernel: kernel.14.cloned.1.call-start
scs
__scs_entry_jumppad:
0x0: {  	(pc) =	sbr.rel $0x88, $3  }
0x1: {  	(tag) =	ssettag $0x0;
	lr =	simm.s32 $0x1  }
0x2: {  	[smem:$0x3F9B] =	sst lr;
	_ =	strace $0xD0000000  }
0x3: {  	_ = 	snop  }
0x4: {  	_ = 	snop  }
0x5: {  	_ = 	snop  }
0x6: {  	_ = 	snop  }
0x7: {  	_ = 	snop  }
__scs_overlays_trampoline_lowered:
0x8: {  	[smem:$0x3FAA] =	sst s0  }
0x9: {  	[smem:$0x3FAB] =	sst s1  }
0xa: {  	[smem:$0x3FAC] =	sst s2  }
0xb: {  	[smem:$0x3FAD] =	sst s3  }
0xc: {  	[smem:$0x3FAE] =	sst s4  }
0xd: {  	[smem:$0x3FAF] =	sst s5  }
0xe: {  	[smem:$0x3FB0] =	sst s6  }
0xf: {  	[smem:$0x3FB1] =	sst s7  }
0x10: {  	[smem:$0x3FB2] =	sst s8  }
0x11: {  	[smem:$0x3FB3] =	sst s9;
	s0 =	simm.s32 @!p0 $0x0  }
0x12: {  	s1 =	sld [smem:$0x3F99];
	s0 =	simm.s32 @p0 $0x1  }
0x13: {  	[smem:$0x3FB4] =	sst s0;
	s0 =	simm.s32 @!p1 $0x0  }
0x14: {  	s2 =	sld [smem:$0x3F98];
	s0 =	simm.s32 @p1 $0x1  }
0x15: {  	[smem:$0x3FB5] =	sst s0;
	s0 =	simm.s32 @!p2 $0x0  }
0x16: {  	s3 =	sld [smem:$0x3FDB];
	s0 =	simm.s32 @p2 $0x1  }
0x17: {  	s4 =	simm.s32 $0x1BF5;
	[smem:$0x3FB7] =	sst s0  }
0x18: {  	s0 =	sld [smem:$0x3F9A];
	_ =	swait.ge [sflag:s4], $0x0  }
0x19: {  	s7 =	sld [smem:$0x3F9B]  }
0x1a: {  	s8 =	sadd.s32 $0xFFFFE003, lr  }
0x1b: {  	s9 =	sadd.s32 $0xFFFFFEF7, lr;
	s5 =	simm.s32 $0xFFFFFFFF;
	p2 =	slt.u32 s8, $0xFFFFF086  }
0x1c: {  	p1 =	slt.u32 s9, $0xF7A;
	s5 =	simm.s32 @!p2 $0x0  }
0x1d: {  	s5 =	simm.s32 @p1 $0x1;
	p0 =	seq.s32 s7, s2  }
0x1e: {  	s7 =	smul.u32 @!p0 $0xF7A, s2;
	p2 =	seq.s32 @!p0 s5, $0x0  }
0x1f: {  	s9 =	smul.u32 $0xF7A, s1;
	s8 =	simm.s32 @!p0 $0x1BF5;
	p2 =	por !p2, p0  }
0x20: {  	[sflag:s8] =	ssyncset.s32 @!p0 $0xFFFFF086;
	s6 =	sadd.s32 @!p0 s3, s7;
	s7 =	simm.s32 @!p0 $0x108  }
0x21: {  	s3 =	sadd.s32 s3, s9;
	s6 =	sadd.s32 @!p0 $0x88, s6;
	s7 =	simm.s32 @p2 $0x1082  }
0x22: {  	[simem:s7], [sflag:s8] =	dma.local @!p0 [hbm:s6], $0xF7A  }
0x23: {  	s9 =	sor.u32 $0xD0000000, s2;
	s6 =	simm.s32 $0x108;
	_ =	swait.ge @!p0 [sflag:s8], $0x0  }
0x24: {  	s3 =	sadd.s32 $0x88, s3;
	s6 =	simm.s32 @!p1 $0x1082;
	[sflag:s4] =	ssyncset.s32 $0xFFFFF086  }
0x25: {  	[simem:s6], [sflag:s4] =	dma.local [hbm:s3], $0xF7A  }
0x26: {  	[smem:$0x3F9B] =	sst s1;
	(tag) =	ssettag s2;
	_ =	strace s9  }
0x27: {  	s1 =	sld [smem:$0x3FAB]  }
0x28: {  	s2 =	sld [smem:$0x3FAC]  }
0x29: {  	s4 =	sld [smem:$0x3FAE]  }
0x2a: {  	p0 =	seq.s32 s5, $0x0;
	s5 =	sld [smem:$0x3FAF]  }
0x2b: {  	s6 =	sld [smem:$0x3FB0]  }
0x2c: {  	s7 =	sld [smem:$0x3FB1]  }
0x2d: {  	s3 =	simm.s32 $0x108;
	s8 =	sld [smem:$0x3FB2]  }
0x2e: {  	s3 =	simm.s32 @!p0 $0x1082;
	s9 =	sld [smem:$0x3FB3]  }
0x2f: {  	lr =	sadd.s32 s0, s3;
	s0 =	sld [smem:$0x3FAA]  }
0x30: {  	s3 =	sld [smem:$0x3FAD]  }
0x31: {  	[smem:$0x3FB6] =	sst s10  }
0x32: {  	s10 =	sld [smem:$0x3FB4];
	_ =	sdelay $0x3  }
0x33: {  	p0 =	seq.s32 s10, $0x1;
	s10 =	sld [smem:$0x3FB6];
	_ =	sdelay $0x3  }
0x34: {  	[smem:$0x3FB6] =	sst s10  }
0x35: {  	s10 =	sld [smem:$0x3FB5];
	_ =	sdelay $0x3  }
0x36: {  	p1 =	seq.s32 s10, $0x1;
	s10 =	sld [smem:$0x3FB6];
	_ =	sdelay $0x3  }
0x37: {  	[smem:$0x3FB6] =	sst s10  }
0x38: {  	s10 =	sld [smem:$0x3FB7]  }
0x39: {  	_ = 	snop;
	(pc) =	sbr.ind lr, $3  }
0x3a: {  	_ = 	snop  }
0x3b: {  	_ = 	snop  }
0x3c: {  	p2 =	seq.s32 s10, $0x1;
	s10 =	sld [smem:$0x3FB6]  }
0x3d: {  	_ =	shalt  }
0x3e: {  	_ =	shalt  }
0x3f: {  	_ =	shalt  }
0x40: {  	_ =	shalt  }
0x41: {  	_ =	shalt  }
0x42: {  	_ =	shalt  }
0x43: {  	_ =	shalt  }
0x44: {  	_ =	shalt  }
0x45: {  	_ =	shalt  }
0x46: {  	_ =	shalt  }
0x47: {  	_ =	shalt  }
0x48: {  	_ =	shalt  }
0x49: {  	_ =	shalt  }
0x4a: {  	_ =	shalt  }
0x4b: {  	_ =	shalt  }
0x4c: {  	_ =	shalt  }
0x4d: {  	_ =	shalt  }
0x4e: {  	_ =	shalt  }
0x4f: {  	_ =	shalt  }
0x50: {  	_ =	shalt  }
0x51: {  	_ =	shalt  }
0x52: {  	_ =	shalt  }
0x53: {  	_ =	shalt  }
0x54: {  	_ =	shalt  }
0x55: {  	_ =	shalt  }
0x56: {  	_ =	shalt  }
0x57: {  	_ =	shalt  }
0x58: {  	_ =	shalt  }
0x59: {  	_ =	shalt  }
0x5a: {  	_ =	shalt  }
0x5b: {  	_ =	shalt  }
0x5c: {  	_ =	shalt  }
0x5d: {  	_ =	shalt  }
0x5e: {  	_ =	shalt  }
0x5f: {  	_ =	shalt  }
0x60: {  	_ =	shalt  }
0x61: {  	_ =	shalt  }
0x62: {  	_ =	shalt  }
0x63: {  	_ =	shalt  }
0x64: {  	_ =	shalt  }
0x65: {  	_ =	shalt  }
0x66: {  	_ =	shalt  }
0x67: {  	_ =	shalt  }
0x68: {  	_ =	shalt  }
0x69: {  	_ =	shalt  }
0x6a: {  	_ =	shalt  }
0x6b: {  	_ =	shalt  }
0x6c: {  	_ =	shalt  }
0x6d: {  	_ =	shalt  }
0x6e: {  	_ =	shalt  }
0x6f: {  	_ =	shalt  }
0x70: {  	_ =	shalt  }
0x71: {  	_ =	shalt  }
0x72: {  	_ =	shalt  }
0x73: {  	_ =	shalt  }
0x74: {  	_ =	shalt  }
0x75: {  	_ =	shalt  }
0x76: {  	_ =	shalt  }
0x77: {  	_ =	shalt  }
0x78: {  	_ =	shalt  }
0x79: {  	_ =	shalt  }
0x7a: {  	_ =	shalt  }
0x7b: {  	_ =	shalt  }
0x7c: {  	_ =	shalt  }
0x7d: {  	_ =	shalt  }
0x7e: {  	_ =	shalt  }
0x7f: {  	_ =	shalt  }
0x80: {  	_ =	shalt  }
0x81: {  	_ =	shalt  }
0x82: {  	_ =	shalt  }
0x83: {  	_ =	shalt  }
0x84: {  	_ =	shalt  }
0x85: {  	_ =	shalt  }
0x86: {  	_ =	shalt  }
0x87: {  	_ =	shalt  }
.Lfunc_end0:
.L_simem_size_0:
called_computation.2_lowered:
.L_overlay_start_0:
0x88: {  	s2 =	sld [smem:$0x3FD9]  }
0x89: {  	s3 =	sld [smem:$0x3FFE];
	_ =	sdelay $0x1  }
0x8a: {  	s1 =	srdreg.scid  }
0x8b: {  	s0 =	sand.u32 $0x1, s1  }
0x8c: {  	s17 =	sshll.u32 s0, $0xA;
	s2 =	sadd.s32 s3, s2  }
0x8d: {  	s2 =	sadd.s32 s2, s17  }
0x8e: {  	[smem:$0x3FC2] =	sst s2  }
0x8f: {  	_ = 	snop  }
0x90: {  	s2 =	sld [smem:$0x3FC4]  }
0x91: {  	s18 =	sld [smem:$0x3FD0];
	(tm) =	ssettm $0x1  }
0x92: {  	s4 =	sld [smem:$0x3FFB];
	_ =	sdelay $0x3  }
0x93: {  	_ =	strace s4  }
0x94: {  	s4 =	sld [smem:$0x3FFC];
	_ =	sdelay $0x3  }
0x95: {  	_ =	strace s4  }
0x96: {  	s4 =	sld [smem:$0x3FFD];
	_ =	sdelay $0x3  }
0x97: {  	_ =	strace s4  }
0x98: {  	_ =	strace $0x8FFFFFFF  }
0x99: {  	s19 =	sld [smem:$0x3FDB];
	_ =	sdelay $0x1  }
0x9a: {  	s5 =	simm.s32 $_scs_section_size  }
0x9b: {  	s6 =	simm.s32 $_size__tile_overlayer_lowered;
	s7 =	simm.s32 $_tile_overlayer_lowered  }
0x9c: {  	s22 =	simm.s32 $0x1BFF;
	s21 =	sshll.u32 s7, $0x1;
	s4 =	sadd.s32 s5, s19  }
0x9d: {  	s8 =	simm.s32 $0x0;
	s20 =	sshll.u32 s6, $0x1;
	s6 =	sadd.s32 s21, s4  }
0x9e: {  	[timem:s8], [sflag:s22] =	dma.local [hbm:s6], s20  }
0x9f: {  	_ =	swait.ge [sflag:s22], s20  }
0xa0: {  	s5 =	ssub.s32 $0x0, s20;
	[sflag:s22] =	ssyncset.done $0x0  }
0xa1: {  	[sflag:s22] =	ssyncadd.s32 s5;
	_ =	sdelay $0x1  }
0xa2: {  	s23 =	simm.s32 $0x1B8B  }
0xa3: {  	_ =	swait.ge [sflag:s23], $0x1  }
0xa4: {  	[sflag:s23] =	ssyncset.done $0x0  }
0xa5: {  	s25 =	simm.s32 $0x1B8E;
	s24 =	sld [smem:$0x3FFE];
	[sflag:s23] =	ssyncadd.s32 $0xFFFFFFFF  }
0xa6: {  	s26 =	simm.s32 $execute0_lowered;
	[smem:$0x3FD2] =	sst s25  }
0xa7: {  	s6 =	sshll.u32 s26, $0x1;
	_ =	strace $0x8000004C;
	[dreg:$0x1] =	wrdreg $0xFFFFFFFF  }
0xa8: {  	s28 =	simm.s32 $_size_execute0_lowered;
	s4 =	sadd.s32 s4, s6;
	[dreg:$0x0] =	wrdreg $0x0  }
0xa9: {  	s6 =	sshll.u32 s28, $0x1;
	[dreg:$0x2] =	wrdreg s4  }
0xaa: {  	[dreg:$0x3] =	wrdreg s6  }
0xab: {  	[dreg:$0x4] =	wrdreg $0xC0  }
0xac: {  	_ =	task [dreg:s8], $0x5FFFF  }
0xad: {  	[dreg:$0x1] =	wrdreg $0xFFFFFFFF  }
0xae: {  	[dreg:$0x0] =	wrdreg $0x60  }
0xaf: {  	[dreg:$0x2] =	wrdreg s24  }
0xb0: {  	[dreg:$0x3] =	wrdreg s18  }
0xb1: {  	[dreg:$0x4] =	wrdreg s2  }
0xb2: {  	[dreg:$0x5] =	wrdreg $0x139E00  }
0xb3: {  	[dreg:$0x6] =	wrdreg $0x9  }
0xb4: {  	_ =	task.clear_ibuf [dreg:s8], $0x7FFFF;
	_ =	strace $0x9000004C  }
0xb5: {  	s29 =	simm.s32 $0x9;
	_ =	strace $0x8000004E  }
0xb6: {  	_ =	swait.ge [sflag:s29], $0x1  }
0xb7: {  	[sflag:s29] =	ssyncadd.s32 $0xFFFFFFFF  }
0xb8: {  	_ =	strace $0x9000004E  }
0xb9: {  	_ =	sfence  }
0xba: {  	s30 =	sld [smem:$0x0];
	_ =	sdelay $0x2  }
0xbb: {  	s31 =	sshll.u32 s1, $0xD;
	s1 =	sshrl.u32 s1, $0x2  }
0xbc: {  	s3 =	sand.u32 $0x4000, s31;
	s1 =	sadd.s32 s1, s30  }
0xbd: {  	s0 =	sor.u32 s3, s0;
	s1 =	sshll.u32 s1, $0x11  }
0xbe: {  	s0 =	sor.u32 s1, s0  }
0xbf: {  	s0 =	sadd.s32 $0x8F2B, s0  }
0xc0: {  	[sflag:s0] =	ssyncadd.remote.s32 $0x1  }
0xc1: {  	_ =	sfence.sel $0xFFFF  }
0xc2: {  	[dreg:$0x0] =	wrdreg $0xFFFFFFFF;
	(pc) =	sbr.abs _section_cstart, $3  }
0xc3: {  	[dreg:$0x1] =	wrdreg $0xFFFFFFFF  }
0xc4: {  	_ =	task.clear_ibuf [dreg:s8], $0x2FFFF;
	_ =	strace $0x9FFFFFFF  }
0xc5: {  	(tm) =	ssettm $0x7FFFFFFF  }
tec
execute0_lowered:
.L_overlay_start_1:
0x0: {  	(tag) =	ssettag $0x1  }
0x1: {  	s0 =	rddreg [dreg:$0x0]  }
0x2: {  	s1 =	rddreg [dreg:$0x1]  }
0x3: {  	s6 =	rddreg [dreg:$0x2];
	s19 =	stileid.u32  }
0x4: {  	s2 =	rddreg [dreg:$0x3];
	s3 =	simm.s32 $0x0;
	s4 =	smul.u32 $0x9D8, s19  }
0x5: {  	s5 =	srdreg.scid;
	s28 =	simm.s32 $0x9B88;
	s22 =	smul.u32 $0x271, s19  }
0x6: {  	s29 =	simm.s32 $0x20;
	s30 =	simm.s32 $0x40;
	s9 =	smul.u32 $0x4E20, s19  }
0x7: {  	s31 =	simm.s32 $0x0;
	[smem:$0x7FF] =	sst s3;
	s11 =	smul.u32 $0x9C40, s19  }
0x8: {  	s7 =	sand.u32 $0x1, s5;
	s14 =	sadd.s32 $0xBC00, s0;
	s19 =	smul.u32 $0x4E2, s19  }
0x9: {  	_ =	strace $0x8000004D;
	s21 =	ssub.s32 $0x2, s7;
	s13 =	sshll.u32 s7, $0x5  }
0xa: {  	s10 =	sshll.u32 s7, $0x2;
	s17 =	smul.u32 $0x4E200, s7;
	s20 =	sadd.s32 s4, s0  }
0xb: {  	s0 =	sadd.s32 $0x10C00, s0;
	s8 =	sshrl.u32 s21, $0x1;
	s15 =	sadd.s32 $0x1F4, s22  }
0xc: {  	s6 =	sadd.s32 s6, s10;
	s7 =	sadd.s32 s9, s2;
	s24 =	sor.u32 s13, s11  }
0xd: {  	s11 =	sadd.s32 s14, s19;
	s22 =	simm.s32 $0xDC00;
	s16 =	ssub.s32 s21, s8  }
0xe: {  	s4 =	sadd.s32 $0xE3000, s20;
	s5 =	sadd.s32 $0x1E00, s20;
	s18 =	sshll.u32 s15, $0x5  }
0xf: {  	s9 =	sadd.s32 s9, s17;
	s23 =	sshrl.u32 s17, $0x3;
	s25 =	sshll.u32 s15, $0x6  }
0x10: {  	s15 =	sshll.u32 s15, $0x1;
	s20 =	simm.s32 $0x9D80;
	s21 =	simm.s32 $0x1F4  }
0x11: {  	s8 =	sadd.s32 s18, s2;
	s12 =	sshrl.u32 s9, $0x3;
	s9 =	sadd.s32 s1, s23  }
0x12: {  	s17 =	sadd.s32 s17, s18;
	s13 =	sor.u32 s13, s25;
	s14 =	sadd.s32 s14, s15  }
0x13: {  	s16 =	smax.u32 s16, $0x1;
	s23 =	simm.s32 $0x1;
	s10 =	sadd.s32 s1, s12  }
0x14: {  	s12 =	sshrl.u32 s24, $0x3;
	s17 =	sshrl.u32 s17, $0x3;
	s26 =	sshrl.u32 s13, $0x3  }
0x15: {  	s24 =	simm.s32 $0x2;
	s12 =	sadd.s32 s0, s12;
	s13 =	sadd.s32 s1, s17  }
0x16: {  	v0 =	vimm.f32 $0.0e+00;
	s15 =	sadd.s32 s0, s26;
	s17 =	simm.s32 $0x3;
	s26 =	simm.s32 $0x9990  }
.LBB2_1:
0x17: {  	[tilespmem:s3], [sflag:$0x3] =	stream.linear.gather [hbm4b:s4+s3], $0x4EC0, $0x38;
	[tilespmem:$0x18800] =	vst v63  }
0x18: {  	_ =	swait.ge [sflag:s17], $0x4EC0  }
0x19: {  	[sflag:s17] =	ssyncset.done $0x0  }
0x1a: {  	s0 =	simm.s32 $0x4EC0;
	[sflag:s17] =	ssyncadd.s32 $0xFFFFB140  }
0x1b: {  	[tilespmem:s0], [sflag:$0x3] =	stream.linear.gather [hbm4b:s5+s3], $0x4EC0, $0x38;
	[tilespmem:$0x18800] =	vst v63  }
0x1c: {  	_ =	swait.ge [sflag:s17], $0x4EC0  }
0x1d: {  	[sflag:s17] =	ssyncset.done $0x0  }
0x1e: {  	s25 =	simm.s32 $0x139C0;
	[sflag:s17] =	ssyncadd.s32 $0xFFFFB140  }
0x1f: {  	[tilespmem:s25], [sflag:$0x3] =	stream.linear.gather [hbm4b:s6+s3], $0x20, $0x38;
	[tilespmem:$0x18800] =	vst v63  }
0x20: {  	_ =	swait.ge [sflag:s17], $0x20  }
0x21: {  	[sflag:s17] =	ssyncset.done $0x0  }
0x22: {  	s1 =	simm.s32 $0x0;
	s0 =	simm.s32 $0x80;
	[sflag:s17] =	ssyncadd.s32 $0xFFFFFFE0  }
.LBB2_2:
0x23: {  	p0 =	sne.s32 s0, $0xF980;
	[tilespmem:s1+$0x9D80] =	vst v0;
	s18 =	smov.u32 s0;
	s0 =	sadd.s32 $0x80, s0  }
.Ltmp0:
0x24: {  	[tilespmem:s1+$0x9D90] =	vst v0;
	(pc) =	sbr.rel @p0 .LBB2_2-.Ltmp0, $2  }
0x25: {  	_ =	sdelay $0x2  }
0x26: {  	s1 =	sshra.s32 s18, $0x2  }
0x27: {  	[tilespmem:s1+$0x9D80] =	vst v0  }
0x28: {  	[tilespmem:s1+$0x9D90] =	vst v0  }
0x29: {  	[spmem:s7] =	stream.linear.scatter [tilespmem:s20], [sflag:$0x3], $0x3E80, $0x38;
	[tilespmem:$0x18800] =	vst v63  }
0x2a: {  	_ =	swait.ge [sflag:s17], $0x3E80  }
0x2b: {  	[sflag:s17] =	ssyncset.done $0x0  }
0x2c: {  	[sflag:s17] =	ssyncadd.s32 $0xFFFFC180  }
0x2d: {  	[spmem:s8] =	stream.linear.scatter [tilespmem:s20], [sflag:$0x3], $0xFA0, $0x38;
	[tilespmem:$0x18800] =	vst v63  }
0x2e: {  	_ =	swait.ge [sflag:s17], $0xFA0  }
0x2f: {  	[sflag:s17] =	ssyncset.done $0x0  }
0x30: {  	[sflag:s17] =	ssyncadd.s32 $0xFFFFF060  }
0x31: {  	s0 =	simm.s32 $0x0;
	[bflag:$0x0] =	sbarrier.arrive $0xFFFF  }
0x32: {  	[tilespmem:s20], [sflag:$0x1] =	stream.indirect.gather [hbm4b:s9+s21], $0x20, s0, s21, $0xb8;
	[tilespmem:$0x18800] =	vst v63  }
0x33: {  	s1 =	simm.s32 $0x1F8  }
0x34: {  	[tilespmem:s22], [sflag:$0x2] =	stream.indirect.gather [hbm4b:s9+s21], $0x20, s1, s21, $0xb8;
	[tilespmem:$0x18800] =	vst v63  }
0x35: {  	_ =	swait.ge [sflag:s23], $0x3E80  }
0x36: {  	[sflag:s23] =	ssyncset.done $0x0  }
0x37: {  	s18 =	simm.s32 $0x4EC0;
	[sflag:s23] =	ssyncadd.s32 $0xFFFFC180  }
0x38: {  	[spmem:s2] =	stream.indirect.scatter.add.f32 [tilespmem:s20], [sflag:$0x3], $0x20, s18, s21, $0xb8;
	[tilespmem:$0x18800] =	vst v63  }
0x39: {  	_ =	swait.ge [sflag:s17], $0x3E80  }
0x3a: {  	[sflag:s17] =	ssyncset.done $0x0  }
0x3b: {  	s19 =	simm.s32 $0x3F0;
	[sflag:s17] =	ssyncadd.s32 $0xFFFFC180  }
0x3c: {  	[tilespmem:s20], [sflag:$0x1] =	stream.indirect.gather [hbm4b:s9+s21], $0x20, s19, s21, $0xb8;
	[tilespmem:$0x18800] =	vst v63  }
0x3d: {  	_ =	swait.ge [sflag:s24], $0x3E80  }
0x3e: {  	[sflag:s24] =	ssyncset.done $0x0  }
0x3f: {  	s25 =	simm.s32 $0x50B8;
	[sflag:s24] =	ssyncadd.s32 $0xFFFFC180  }
0x40: {  	[spmem:s2] =	stream.indirect.scatter.add.f32 [tilespmem:s22], [sflag:$0x3], $0x20, s25, s21, $0xb8;
	[tilespmem:$0x18800] =	vst v63  }
0x41: {  	_ =	swait.ge [sflag:s17], $0x3E80  }
0x42: {  	s0 =	simm.s32 $0x3F0;
	s1 =	simm.s32 $0x1F80;
	[sflag:s17] =	ssyncset.done $0x0  }
.LBB2_4:
0x43: {  	s18 =	sadd.s32 $0x1F8, s0  }
0x44: {  	[sflag:s17] =	ssyncadd.s32 $0xFFFFC180;
	s19 =	smov.u32 s1;
	s25 =	sadd.s32 $0xFC0, s1  }
0x45: {  	[tilespmem:s22], [sflag:$0x2] =	stream.indirect.gather [hbm4b:s9+s21], $0x20, s18, s21, $0xb8;
	[tilespmem:$0x18800] =	vst v63  }
0x46: {  	p0 =	sne.s32 s1, $0x11B80;
	_ =	swait.ge [sflag:s23], $0x3E80  }
0x47: {  	[sflag:s23] =	ssyncset.done $0x0  }
0x48: {  	s1 =	sadd.s32 $0x4EC0, s0;
	[sflag:s23] =	ssyncadd.s32 $0xFFFFC180  }
0x49: {  	[spmem:s2] =	stream.indirect.scatter.add.f32 [tilespmem:s20], [sflag:$0x3], $0x20, s1, s21, $0xb8;
	[tilespmem:$0x18800] =	vst v63  }
0x4a: {  	_ =	swait.ge [sflag:s17], $0x3E80  }
0x4b: {  	[sflag:s17] =	ssyncset.done $0x0  }
0x4c: {  	s1 =	sadd.s32 $0x3F0, s0;
	[sflag:s17] =	ssyncadd.s32 $0xFFFFC180  }
0x4d: {  	[tilespmem:s20], [sflag:$0x1] =	stream.indirect.gather [hbm4b:s9+s21], $0x20, s1, s21, $0xb8;
	[tilespmem:$0x18800] =	vst v63  }
0x4e: {  	_ =	swait.ge [sflag:s24], $0x3E80  }
.Ltmp1:
0x4f: {  	[sflag:s24] =	ssyncset.done $0x0;
	(pc) =	sbr.rel @p0 .LBB2_4-.Ltmp1, $4  }
0x50: {  	s0 =	sadd.s32 $0x50B8, s0;
	[sflag:s24] =	ssyncadd.s32 $0xFFFFC180  }
0x51: {  	[spmem:s2] =	stream.indirect.scatter.add.f32 [tilespmem:s22], [sflag:$0x3], $0x20, s0, s21, $0xb8;
	[tilespmem:$0x18800] =	vst v63  }
0x52: {  	_ =	swait.ge [sflag:s17], $0x3E80  }
0x53: {  	s1 =	smov.u32 s25;
	s0 =	sshra.s32 s19, $0x2;
	[sflag:s17] =	ssyncset.done $0x0  }
0x54: {  	s1 =	sadd.s32 $0x1F8, s0;
	[sflag:s17] =	ssyncadd.s32 $0xFFFFC180  }
0x55: {  	[tilespmem:s22], [sflag:$0x2] =	stream.indirect.gather [hbm4b:s9+s21], $0x20, s1, s21, $0xb8;
	[tilespmem:$0x18800] =	vst v63  }
0x56: {  	_ =	swait.ge [sflag:s23], $0x3E80  }
0x57: {  	[sflag:s23] =	ssyncset.done $0x0  }
0x58: {  	s19 =	sadd.s32 $0x4EC0, s0;
	[sflag:s23] =	ssyncadd.s32 $0xFFFFC180  }
0x59: {  	[spmem:s2] =	stream.indirect.scatter.add.f32 [tilespmem:s20], [sflag:$0x3], $0x20, s19, s21, $0xb8;
	[tilespmem:$0x18800] =	vst v63  }
0x5a: {  	_ =	swait.ge [sflag:s17], $0x3E80  }
0x5b: {  	[sflag:s17] =	ssyncset.done $0x0  }
0x5c: {  	s25 =	sadd.s32 $0x3F0, s0;
	[sflag:s17] =	ssyncadd.s32 $0xFFFFC180  }
0x5d: {  	[tilespmem:s20], [sflag:$0x1] =	stream.indirect.gather [hbm4b:s9+s21], $0x20, s25, s21, $0xb8;
	[tilespmem:$0x18800] =	vst v63  }
0x5e: {  	_ =	swait.ge [sflag:s24], $0x3E80  }
0x5f: {  	[sflag:s24] =	ssyncset.done $0x0  }
0x60: {  	s18 =	sadd.s32 $0x50B8, s0;
	[sflag:s24] =	ssyncadd.s32 $0xFFFFC180  }
0x61: {  	[spmem:s2] =	stream.indirect.scatter.add.f32 [tilespmem:s22], [sflag:$0x3], $0x20, s18, s21, $0xb8;
	[tilespmem:$0x18800] =	vst v63  }
0x62: {  	_ =	swait.ge [sflag:s17], $0x3E80  }
0x63: {  	[sflag:s17] =	ssyncset.done $0x0  }
0x64: {  	s19 =	simm.s32 $0x4CC8;
	[sflag:s17] =	ssyncadd.s32 $0xFFFFC180  }
0x65: {  	[tilespmem:s22], [sflag:$0x2] =	stream.indirect.gather [hbm4b:s9+s21], $0x20, s19, s21, $0xb8;
	[tilespmem:$0x18800] =	vst v63  }
0x66: {  	_ =	swait.ge [sflag:s23], $0x3E80  }
0x67: {  	[sflag:s23] =	ssyncset.done $0x0  }
0x68: {  	[sflag:s23] =	ssyncadd.s32 $0xFFFFC180  }
0x69: {  	[spmem:s2] =	stream.indirect.scatter.add.f32 [tilespmem:s20], [sflag:$0x3], $0x20, s26, s21, $0xb8;
	[tilespmem:$0x18800] =	vst v63  }
0x6a: {  	_ =	swait.ge [sflag:s17], $0x3E80  }
0x6b: {  	[sflag:s17] =	ssyncset.done $0x0  }
0x6c: {  	[sflag:s17] =	ssyncadd.s32 $0xFFFFC180  }
0x6d: {  	_ =	swait.ge [sflag:s24], $0x3E80  }
0x6e: {  	[sflag:s24] =	ssyncset.done $0x0  }
0x6f: {  	[sflag:s24] =	ssyncadd.s32 $0xFFFFC180  }
0x70: {  	[spmem:s2] =	stream.indirect.scatter.add.f32 [tilespmem:s22], [sflag:$0x3], $0x20, s28, s21, $0xb8;
	[tilespmem:$0x18800] =	vst v63  }
0x71: {  	_ =	swait.ge [sflag:s17], $0x3E80  }
0x72: {  	[sflag:s17] =	ssyncset.done $0x0  }
0x73: {  	[sflag:s17] =	ssyncadd.s32 $0xFFFFC180  }
0x74: {  	[bflag:$0x0] =	sbarrier.arrive $0xFFFF  }
0x75: {  	[tilespmem:s20], [sflag:$0x3] =	stream.linear.gather [spmem:s7], $0x3E80, $0x38;
	[tilespmem:$0x18800] =	vst v63  }
0x76: {  	_ =	swait.ge [sflag:s17], $0x3E80  }
0x77: {  	[sflag:s17] =	ssyncset.done $0x0  }
0x78: {  	s25 =	simm.s32 $0x0;
	[sflag:s17] =	ssyncadd.s32 $0xFFFFC180  }
0x79: {  	[tilespmem:s22], [sflag:$0x3] =	stream.linear.gather [hbm4b:s10+s25], $0x3E80, $0x38;
	[tilespmem:$0x18800] =	vst v63  }
0x7a: {  	_ =	swait.ge [sflag:s17], $0x3E80  }
0x7b: {  	[sflag:s17] =	ssyncset.done $0x0  }
0x7c: {  	s0 =	simm.s32 $0x11A80;
	[sflag:s17] =	ssyncadd.s32 $0xFFFFC180  }
0x7d: {  	[tilespmem:s0], [sflag:$0x3] =	stream.linear.gather [hbm4b:s11+s25], $0x1F40, $0x38;
	[tilespmem:$0x18800] =	vst v63  }
0x7e: {  	_ =	swait.ge [sflag:s17], $0x1F40  }
0x7f: {  	[sflag:s17] =	ssyncset.done $0x0  }
0x80: {  	s1 =	simm.s32 $0x0;
	[sflag:s17] =	ssyncadd.s32 $0xFFFFE0C0  }
0x81: {  	v1 =	vld [tilespmem:s1+$0x9D80]  }
0x82: {  	v2 =	vld [tilespmem:s1+$0xDC00];
	_ =	sdelay $0x1  }
0x83: {  	v3 =	vld [tilespmem:s0+$0x0];
	_ =	sdelay $0x1  }
0x84: {  	v4 =	vld [tilespmem:$0x139C0]  }
0x85: {  	v1 =	vadd.f32 v2, v1;
	_ =	sdelay $0x1  }
0x86: {  	v5 =	vld [tilespmem:s1+$0x9D90];
	v1 =	vmul.f32 v1, v3  }
0x87: {  	v2 =	vld [tilespmem:s1+$0xDC10]  }
0x88: {  	v1 =	vadd.f32 v1, v4;
	_ =	sdelay $0x1  }
0x89: {  	[tilespmem:s1+$0x9D80] =	vst v1  }
0x8a: {  	v63 =	vld [tilespmem:$0x139D0]  }
0x8b: {  	v1 =	vadd.f32 v2, v5;
	_ =	sdelay $0x1  }
0x8c: {  	v2 =	vmul.f32 v1, v3  }
0x8d: {  	s19 =	simm.s32 $0x20  }
0x8e: {  	s18 =	simm.s32 $0x100;
	v1 =	vld [tilespmem:s19+$0x9D80];
	v2 =	vadd.f32 v2, v63  }
.LBB2_6:
0x8f: {  	p0 =	sne.s32 s18, $0xF980  }
0x90: {  	v3 =	vld [tilespmem:s19+$0xDC00];
	s0 =	sadd.s32 $0x10, s0;
	s25 =	smov.u32 s18;
	s18 =	sadd.s32 $0x80, s18  }
0x91: {  	[tilespmem:s1+$0x9D90] =	vst v2;
	s1 =	smov.u32 s19  }
0x92: {  	v2 =	vld [tilespmem:s0+$0x0]  }
0x93: {  	v4 =	vld [tilespmem:$0x139C0];
	_ =	sdelay $0x1  }
0x94: {  	v1 =	vadd.f32 v3, v1  }
0x95: {  	v3 =	vld [tilespmem:s1+$0xDC10]  }
0x96: {  	v1 =	vmul.f32 v1, v2;
	v5 =	vld [tilespmem:s1+$0x9D90];
	_ =	sdelay $0x1  }
0x97: {  	v1 =	vadd.f32 v1, v4;
	_ =	sdelay $0x1  }
0x98: {  	[tilespmem:s1+$0x9D80] =	vst v1  }
0x99: {  	v1 =	vadd.f32 v3, v5;
	v3 =	vld [tilespmem:$0x139D0]  }
.Ltmp2:
0x9a: {  	(pc) =	sbr.rel @p0 .LBB2_6-.Ltmp2, $3  }
0x9b: {  	v2 =	vmul.f32 v1, v2;
	_ =	sdelay $0x1  }
0x9c: {  	s19 =	sshra.s32 s25, $0x2  }
0x9d: {  	v1 =	vld [tilespmem:s19+$0x9D80];
	v2 =	vadd.f32 v2, v3  }
0x9e: {  	v3 =	vld [tilespmem:s19+$0xDC00]  }
0x9f: {  	s0 =	sadd.s32 $0x10, s0;
	[tilespmem:s1+$0x9D90] =	vst v2  }
0xa0: {  	v2 =	vld [tilespmem:s0+$0x0];
	_ =	sdelay $0x1  }
0xa1: {  	v4 =	vld [tilespmem:$0x139C0]  }
0xa2: {  	v1 =	vadd.f32 v3, v1;
	_ =	sdelay $0x1  }
0xa3: {  	v5 =	vld [tilespmem:s19+$0x9D90];
	v1 =	vmul.f32 v1, v2  }
0xa4: {  	v3 =	vld [tilespmem:s19+$0xDC10]  }
0xa5: {  	v1 =	vadd.f32 v1, v4;
	_ =	sdelay $0x1  }
0xa6: {  	[tilespmem:s19+$0x9D80] =	vst v1  }
0xa7: {  	v1 =	vld [tilespmem:$0x139D0]  }
0xa8: {  	v3 =	vadd.f32 v3, v5;
	_ =	sdelay $0x1  }
0xa9: {  	v2 =	vmul.f32 v3, v2;
	_ =	sdelay $0x1  }
0xaa: {  	v1 =	vadd.f32 v2, v1;
	_ =	sdelay $0x1  }
0xab: {  	[tilespmem:s19+$0x9D90] =	vst v1  }
0xac: {  	[hbm4b:s12+s29] =	stream.strided.scatter [tilespmem:s20], [sflag:$0x3], $0x3E80, s30, s29, $0x38;
	[tilespmem:$0x18800] =	vst v63  }
0xad: {  	_ =	swait.ge [sflag:s17], $0x3E80  }
0xae: {  	[sflag:s17] =	ssyncset.done $0x0  }
0xaf: {  	[sflag:s17] =	ssyncadd.s32 $0xFFFFC180  }
0xb0: {  	[tilespmem:s20], [sflag:$0x3] =	stream.linear.gather [spmem:s8], $0xFA0, $0x38;
	[tilespmem:$0x18800] =	vst v63  }
0xb1: {  	_ =	swait.ge [sflag:s17], $0xFA0  }
0xb2: {  	[sflag:s17] =	ssyncset.done $0x0  }
0xb3: {  	s25 =	simm.s32 $0x0;
	[sflag:s17] =	ssyncadd.s32 $0xFFFFF060  }
0xb4: {  	[tilespmem:s22], [sflag:$0x3] =	stream.linear.gather [hbm4b:s13+s25], $0xFA0, $0x38;
	[tilespmem:$0x18800] =	vst v63  }
0xb5: {  	_ =	swait.ge [sflag:s17], $0xFA0  }
0xb6: {  	[sflag:s17] =	ssyncset.done $0x0  }
0xb7: {  	s0 =	simm.s32 $0x11A80;
	[sflag:s17] =	ssyncadd.s32 $0xFFFFF060  }
0xb8: {  	[tilespmem:s0], [sflag:$0x3] =	stream.linear.gather [hbm4b:s14+s25], $0x7D0, $0x38;
	[tilespmem:$0x18800] =	vst v63  }
0xb9: {  	_ =	swait.ge [sflag:s17], $0x7D0  }
0xba: {  	[sflag:s17] =	ssyncset.done $0x0  }
0xbb: {  	s1 =	simm.s32 $0x0;
	[sflag:s17] =	ssyncadd.s32 $0xFFFFF830  }
0xbc: {  	v1 =	vld [tilespmem:s1+$0x9D80]  }
0xbd: {  	v2 =	vld [tilespmem:s1+$0xDC00];
	_ =	sdelay $0x1  }
0xbe: {  	v3 =	vld [tilespmem:s0+$0x0];
	_ =	sdelay $0x1  }
0xbf: {  	v61 =	vld [tilespmem:$0x139C0]  }
0xc0: {  	v1 =	vadd.f32 v2, v1;
	_ =	sdelay $0x1  }
0xc1: {  	v62 =	vld [tilespmem:s1+$0x9D90];
	v1 =	vmul.f32 v1, v3  }
0xc2: {  	v2 =	vld [tilespmem:s1+$0xDC10]  }
0xc3: {  	v1 =	vadd.f32 v1, v61;
	_ =	sdelay $0x1  }
0xc4: {  	[tilespmem:s1+$0x9D80] =	vst v1  }
0xc5: {  	v63 =	vld [tilespmem:$0x139D0]  }
0xc6: {  	v1 =	vadd.f32 v2, v62;
	_ =	sdelay $0x1  }
0xc7: {  	v2 =	vmul.f32 v1, v3  }
0xc8: {  	s19 =	simm.s32 $0x20  }
0xc9: {  	s18 =	simm.s32 $0x100;
	v1 =	vld [tilespmem:s19+$0x9D80];
	v2 =	vadd.f32 v2, v63  }
.LBB2_8:
0xca: {  	p0 =	sne.s32 s18, $0x3E00  }
0xcb: {  	v3 =	vld [tilespmem:s19+$0xDC00];
	s0 =	sadd.s32 $0x10, s0;
	s25 =	smov.u32 s18;
	s18 =	sadd.s32 $0x80, s18  }
0xcc: {  	[tilespmem:s1+$0x9D90] =	vst v2;
	s1 =	smov.u32 s19  }
0xcd: {  	v2 =	vld [tilespmem:s0+$0x0]  }
0xce: {  	v4 =	vld [tilespmem:$0x139C0];
	_ =	sdelay $0x1  }
0xcf: {  	v1 =	vadd.f32 v3, v1  }
0xd0: {  	v3 =	vld [tilespmem:s1+$0xDC10]  }
0xd1: {  	v1 =	vmul.f32 v1, v2;
	v5 =	vld [tilespmem:s1+$0x9D90];
	_ =	sdelay $0x1  }
0xd2: {  	v1 =	vadd.f32 v1, v4;
	_ =	sdelay $0x1  }
0xd3: {  	[tilespmem:s1+$0x9D80] =	vst v1  }
0xd4: {  	v1 =	vadd.f32 v3, v5;
	v3 =	vld [tilespmem:$0x139D0]  }
.Ltmp3:
0xd5: {  	(pc) =	sbr.rel @p0 .LBB2_8-.Ltmp3, $3  }
0xd6: {  	v2 =	vmul.f32 v1, v2;
	_ =	sdelay $0x1  }
0xd7: {  	s19 =	sshra.s32 s25, $0x2  }
0xd8: {  	v1 =	vld [tilespmem:s19+$0x9D80];
	v2 =	vadd.f32 v2, v3  }
0xd9: {  	v3 =	vld [tilespmem:s19+$0xDC00]  }
0xda: {  	s0 =	sadd.s32 $0x10, s0;
	[tilespmem:s1+$0x9D90] =	vst v2  }
0xdb: {  	v2 =	vld [tilespmem:s0+$0x0];
	_ =	sdelay $0x1  }
0xdc: {  	v4 =	vld [tilespmem:$0x139C0]  }
0xdd: {  	v1 =	vadd.f32 v3, v1;
	_ =	sdelay $0x1  }
0xde: {  	v5 =	vld [tilespmem:s19+$0x9D90];
	v1 =	vmul.f32 v1, v2  }
0xdf: {  	v3 =	vld [tilespmem:s19+$0xDC10]  }
0xe0: {  	v1 =	vadd.f32 v1, v4;
	_ =	sdelay $0x1  }
0xe1: {  	[tilespmem:s19+$0x9D80] =	vst v1  }
0xe2: {  	v1 =	vld [tilespmem:$0x139D0]  }
0xe3: {  	v3 =	vadd.f32 v3, v5;
	_ =	sdelay $0x1  }
0xe4: {  	v2 =	vmul.f32 v3, v2;
	_ =	sdelay $0x1  }
0xe5: {  	s31 =	sadd.s32 $0x1, s31;
	v1 =	vadd.f32 v2, v1  }
0xe6: {  	p0 =	sne.s32 s31, s16  }
.Ltmp4:
0xe7: {  	[tilespmem:s19+$0x9D90] =	vst v1;
	(pc) =	sbr.rel @p0 .LBB2_1-.Ltmp4, $4  }
0xe8: {  	[hbm4b:s15+s29] =	stream.strided.scatter [tilespmem:s20], [sflag:$0x3], $0xFA0, s30, s29, $0x38;
	[tilespmem:$0x18800] =	vst v63  }
0xe9: {  	_ =	swait.ge [sflag:s17], $0xFA0  }
0xea: {  	[sflag:s17] =	ssyncset.done $0x0  }
0xeb: {  	[sflag:s17] =	ssyncadd.s32 $0xFFFFF060  }
0xec: {  	_ =	sfence.sel $0x180000  }
0xed: {  	[bflag:$0x0] =	sbarrier.arrive $0xFFFF  }
0xee: {  	_ =	strace $0x9000004D  }
0xef: {  	s0 =	stileid.u32;
	[bflag:$0x2] =	sbarrier.arrive $0xFFFF  }
0xf0: {  	p0 =	sne.s32 s0, $0x0;
	s0 =	rddreg [dreg:$0x4]  }
0xf1: {  	s0 =	sadd.s32 @!p0 $0x100000, s0  }
0xf2: {  	[sflag:s0] =	ssyncadd.tile.s32 @!p0 $0x1;
	_ =	shalt  }
.Lfunc_end2:
_tile_overlayer_lowered:
.L_overlay_start_2:
0xf3: {  	(tag) =	ssettag $0x2  }
0xf4: {  	s0 =	rddreg [dreg:$0x0];
	s2 =	stileid.u32  }
0xf5: {  	s1 =	rddreg [dreg:$0x1];
	p0 =	sne.s32 s2, $0x0  }
0xf6: {  	s3 =	rddreg [dreg:$0x2];
	[bflag:$0x3] =	sbarrier.arrive $0xFFFF;
	s2 =	simm.s32 @!p0 $0x1C03  }
0xf7: {  	[timem:s3], [sflag:s2] =	dma.local @!p0 [hbm:s0], s1  }
0xf8: {  	s0 =	simm.s32 @!p0 $0x3  }
0xf9: {  	_ =	swait.ge @!p0 [sflag:s0], s1  }
0xfa: {  	s1 =	ssub.s32 @!p0 $0x0, s1;
	[sflag:s0] =	ssyncset.done @!p0 $0x0  }
0xfb: {  	[sflag:s0] =	ssyncadd.s32 @!p0 s1  }
0xfc: {  	[bflag:$0x3] =	sbarrier.arrive $0xFFFF  }
0xfd: {  	_ =	shalt  }

// kernel: kernel.8.cloned.1.call-start
scs
__scs_entry_jumppad:
0x0: {  	(pc) =	sbr.rel $0x88, $3  }
0x1: {  	(tag) =	ssettag $0x0;
	lr =	simm.s32 $0x1  }
0x2: {  	[smem:$0x3F9B] =	sst lr;
	_ =	strace $0xD0000000  }
0x3: {  	_ = 	snop  }
0x4: {  	_ = 	snop  }
0x5: {  	_ = 	snop  }
0x6: {  	_ = 	snop  }
0x7: {  	_ = 	snop  }
__scs_overlays_trampoline_lowered:
0x8: {  	[smem:$0x3FAA] =	sst s0  }
0x9: {  	[smem:$0x3FAB] =	sst s1  }
0xa: {  	[smem:$0x3FAC] =	sst s2  }
0xb: {  	[smem:$0x3FAD] =	sst s3  }
0xc: {  	[smem:$0x3FAE] =	sst s4  }
0xd: {  	[smem:$0x3FAF] =	sst s5  }
0xe: {  	[smem:$0x3FB0] =	sst s6  }
0xf: {  	[smem:$0x3FB1] =	sst s7  }
0x10: {  	[smem:$0x3FB2] =	sst s8  }
0x11: {  	[smem:$0x3FB3] =	sst s9;
	s0 =	simm.s32 @!p0 $0x0  }
0x12: {  	s1 =	sld [smem:$0x3F99];
	s0 =	simm.s32 @p0 $0x1  }
0x13: {  	[smem:$0x3FB4] =	sst s0;
	s0 =	simm.s32 @!p1 $0x0  }
0x14: {  	s2 =	sld [smem:$0x3F98];
	s0 =	simm.s32 @p1 $0x1  }
0x15: {  	[smem:$0x3FB5] =	sst s0;
	s0 =	simm.s32 @!p2 $0x0  }
0x16: {  	s3 =	sld [smem:$0x3FDB];
	s0 =	simm.s32 @p2 $0x1  }
0x17: {  	s4 =	simm.s32 $0x1BF5;
	[smem:$0x3FB7] =	sst s0  }
0x18: {  	s0 =	sld [smem:$0x3F9A];
	_ =	swait.ge [sflag:s4], $0x0  }
0x19: {  	s7 =	sld [smem:$0x3F9B]  }
0x1a: {  	s8 =	sadd.s32 $0xFFFFE003, lr  }
0x1b: {  	s9 =	sadd.s32 $0xFFFFFEF7, lr;
	s5 =	simm.s32 $0xFFFFFFFF;
	p2 =	slt.u32 s8, $0xFFFFF086  }
0x1c: {  	p1 =	slt.u32 s9, $0xF7A;
	s5 =	simm.s32 @!p2 $0x0  }
0x1d: {  	s5 =	simm.s32 @p1 $0x1;
	p0 =	seq.s32 s7, s2  }
0x1e: {  	s7 =	smul.u32 @!p0 $0xF7A, s2;
	p2 =	seq.s32 @!p0 s5, $0x0  }
0x1f: {  	s9 =	smul.u32 $0xF7A, s1;
	s8 =	simm.s32 @!p0 $0x1BF5;
	p2 =	por !p2, p0  }
0x20: {  	[sflag:s8] =	ssyncset.s32 @!p0 $0xFFFFF086;
	s6 =	sadd.s32 @!p0 s3, s7;
	s7 =	simm.s32 @!p0 $0x108  }
0x21: {  	s3 =	sadd.s32 s3, s9;
	s6 =	sadd.s32 @!p0 $0x88, s6;
	s7 =	simm.s32 @p2 $0x1082  }
0x22: {  	[simem:s7], [sflag:s8] =	dma.local @!p0 [hbm:s6], $0xF7A  }
0x23: {  	s9 =	sor.u32 $0xD0000000, s2;
	s6 =	simm.s32 $0x108;
	_ =	swait.ge @!p0 [sflag:s8], $0x0  }
0x24: {  	s3 =	sadd.s32 $0x88, s3;
	s6 =	simm.s32 @!p1 $0x1082;
	[sflag:s4] =	ssyncset.s32 $0xFFFFF086  }
0x25: {  	[simem:s6], [sflag:s4] =	dma.local [hbm:s3], $0xF7A  }
0x26: {  	[smem:$0x3F9B] =	sst s1;
	(tag) =	ssettag s2;
	_ =	strace s9  }
0x27: {  	s1 =	sld [smem:$0x3FAB]  }
0x28: {  	s2 =	sld [smem:$0x3FAC]  }
0x29: {  	s4 =	sld [smem:$0x3FAE]  }
0x2a: {  	p0 =	seq.s32 s5, $0x0;
	s5 =	sld [smem:$0x3FAF]  }
0x2b: {  	s6 =	sld [smem:$0x3FB0]  }
0x2c: {  	s7 =	sld [smem:$0x3FB1]  }
0x2d: {  	s3 =	simm.s32 $0x108;
	s8 =	sld [smem:$0x3FB2]  }
0x2e: {  	s3 =	simm.s32 @!p0 $0x1082;
	s9 =	sld [smem:$0x3FB3]  }
0x2f: {  	lr =	sadd.s32 s0, s3;
	s0 =	sld [smem:$0x3FAA]  }
0x30: {  	s3 =	sld [smem:$0x3FAD]  }
0x31: {  	[smem:$0x3FB6] =	sst s10  }
0x32: {  	s10 =	sld [smem:$0x3FB4];
	_ =	sdelay $0x3  }
0x33: {  	p0 =	seq.s32 s10, $0x1;
	s10 =	sld [smem:$0x3FB6];
	_ =	sdelay $0x3  }
0x34: {  	[smem:$0x3FB6] =	sst s10  }
0x35: {  	s10 =	sld [smem:$0x3FB5];
	_ =	sdelay $0x3  }
0x36: {  	p1 =	seq.s32 s10, $0x1;
	s10 =	sld [smem:$0x3FB6];
	_ =	sdelay $0x3  }
0x37: {  	[smem:$0x3FB6] =	sst s10  }
0x38: {  	s10 =	sld [smem:$0x3FB7]  }
0x39: {  	_ = 	snop;
	(pc) =	sbr.ind lr, $3  }
0x3a: {  	_ = 	snop  }
0x3b: {  	_ = 	snop  }
0x3c: {  	p2 =	seq.s32 s10, $0x1;
	s10 =	sld [smem:$0x3FB6]  }
0x3d: {  	_ =	shalt  }
0x3e: {  	_ =	shalt  }
0x3f: {  	_ =	shalt  }
0x40: {  	_ =	shalt  }
0x41: {  	_ =	shalt  }
0x42: {  	_ =	shalt  }
0x43: {  	_ =	shalt  }
0x44: {  	_ =	shalt  }
0x45: {  	_ =	shalt  }
0x46: {  	_ =	shalt  }
0x47: {  	_ =	shalt  }
0x48: {  	_ =	shalt  }
0x49: {  	_ =	shalt  }
0x4a: {  	_ =	shalt  }
0x4b: {  	_ =	shalt  }
0x4c: {  	_ =	shalt  }
0x4d: {  	_ =	shalt  }
0x4e: {  	_ =	shalt  }
0x4f: {  	_ =	shalt  }
0x50: {  	_ =	shalt  }
0x51: {  	_ =	shalt  }
0x52: {  	_ =	shalt  }
0x53: {  	_ =	shalt  }
0x54: {  	_ =	shalt  }
0x55: {  	_ =	shalt  }
0x56: {  	_ =	shalt  }
0x57: {  	_ =	shalt  }
0x58: {  	_ =	shalt  }
0x59: {  	_ =	shalt  }
0x5a: {  	_ =	shalt  }
0x5b: {  	_ =	shalt  }
0x5c: {  	_ =	shalt  }
0x5d: {  	_ =	shalt  }
0x5e: {  	_ =	shalt  }
0x5f: {  	_ =	shalt  }
0x60: {  	_ =	shalt  }
0x61: {  	_ =	shalt  }
0x62: {  	_ =	shalt  }
0x63: {  	_ =	shalt  }
0x64: {  	_ =	shalt  }
0x65: {  	_ =	shalt  }
0x66: {  	_ =	shalt  }
0x67: {  	_ =	shalt  }
0x68: {  	_ =	shalt  }
0x69: {  	_ =	shalt  }
0x6a: {  	_ =	shalt  }
0x6b: {  	_ =	shalt  }
0x6c: {  	_ =	shalt  }
0x6d: {  	_ =	shalt  }
0x6e: {  	_ =	shalt  }
0x6f: {  	_ =	shalt  }
0x70: {  	_ =	shalt  }
0x71: {  	_ =	shalt  }
0x72: {  	_ =	shalt  }
0x73: {  	_ =	shalt  }
0x74: {  	_ =	shalt  }
0x75: {  	_ =	shalt  }
0x76: {  	_ =	shalt  }
0x77: {  	_ =	shalt  }
0x78: {  	_ =	shalt  }
0x79: {  	_ =	shalt  }
0x7a: {  	_ =	shalt  }
0x7b: {  	_ =	shalt  }
0x7c: {  	_ =	shalt  }
0x7d: {  	_ =	shalt  }
0x7e: {  	_ =	shalt  }
0x7f: {  	_ =	shalt  }
0x80: {  	_ =	shalt  }
0x81: {  	_ =	shalt  }
0x82: {  	_ =	shalt  }
0x83: {  	_ =	shalt  }
0x84: {  	_ =	shalt  }
0x85: {  	_ =	shalt  }
0x86: {  	_ =	shalt  }
0x87: {  	_ =	shalt  }
.Lfunc_end0:
.L_simem_size_0:
called_computation_lowered:
.L_overlay_start_0:
0x88: {  	s2 =	sld [smem:$0x3FD9]  }
0x89: {  	s3 =	sld [smem:$0x3FFE];
	_ =	sdelay $0x1  }
0x8a: {  	s1 =	srdreg.scid  }
0x8b: {  	s0 =	sand.u32 $0x1, s1  }
0x8c: {  	s16 =	sshll.u32 s0, $0xA;
	s2 =	sadd.s32 s3, s2  }
0x8d: {  	s2 =	sadd.s32 s2, s16  }
0x8e: {  	[smem:$0x3FC2] =	sst s2  }
0x8f: {  	_ = 	snop  }
0x90: {  	(tm) =	ssettm $0x1  }
0x91: {  	s17 =	sld [smem:$0x3FFB];
	_ =	sdelay $0x3  }
0x92: {  	_ =	strace s17  }
0x93: {  	s2 =	sld [smem:$0x3FFC];
	_ =	sdelay $0x3  }
0x94: {  	_ =	strace s2  }
0x95: {  	s2 =	sld [smem:$0x3FFD];
	_ =	sdelay $0x3  }
0x96: {  	_ =	strace s2  }
0x97: {  	_ =	strace $0x8FFFFFFF  }
0x98: {  	s18 =	sld [smem:$0x3FDB];
	_ =	sdelay $0x1  }
0x99: {  	s19 =	simm.s32 $_scs_section_size  }
0x9a: {  	s4 =	simm.s32 $_size__tile_overlayer_lowered;
	s5 =	simm.s32 $_tile_overlayer_lowered  }
0x9b: {  	s22 =	simm.s32 $0x1BFF;
	s21 =	sshll.u32 s5, $0x1;
	s2 =	sadd.s32 s19, s18  }
0x9c: {  	s6 =	simm.s32 $0x0;
	s20 =	sshll.u32 s4, $0x1;
	s4 =	sadd.s32 s21, s2  }
0x9d: {  	[timem:s6], [sflag:s22] =	dma.local [hbm:s4], s20  }
0x9e: {  	_ =	swait.ge [sflag:s22], s20  }
0x9f: {  	s3 =	ssub.s32 $0x0, s20;
	[sflag:s22] =	ssyncset.done $0x0  }
0xa0: {  	[sflag:s22] =	ssyncadd.s32 s3;
	_ =	sdelay $0x1  }
0xa1: {  	s23 =	simm.s32 $0x1B8B  }
0xa2: {  	_ =	swait.ge [sflag:s23], $0x1  }
0xa3: {  	[sflag:s23] =	ssyncset.done $0x0  }
0xa4: {  	s25 =	simm.s32 $0x1B8E;
	s24 =	sld [smem:$0x3FFE];
	[sflag:s23] =	ssyncadd.s32 $0xFFFFFFFF  }
0xa5: {  	s26 =	simm.s32 $execute0_lowered;
	[smem:$0x3FD2] =	sst s25  }
0xa6: {  	s4 =	sshll.u32 s26, $0x1;
	_ =	strace $0x80000046;
	[dreg:$0x1] =	wrdreg $0xFFFFFFFF  }
0xa7: {  	s28 =	simm.s32 $_size_execute0_lowered;
	s2 =	sadd.s32 s2, s4;
	[dreg:$0x0] =	wrdreg $0x0  }
0xa8: {  	s4 =	sshll.u32 s28, $0x1;
	[dreg:$0x2] =	wrdreg s2  }
0xa9: {  	[dreg:$0x3] =	wrdreg s4  }
0xaa: {  	[dreg:$0x4] =	wrdreg $0xC0  }
0xab: {  	_ =	task [dreg:s6], $0x5FFFF  }
0xac: {  	[dreg:$0x1] =	wrdreg $0xFFFFFFFF  }
0xad: {  	[dreg:$0x0] =	wrdreg $0x60  }
0xae: {  	[dreg:$0x2] =	wrdreg s24  }
0xaf: {  	[dreg:$0x3] =	wrdreg $0x73980  }
0xb0: {  	[dreg:$0x4] =	wrdreg $0x9  }
0xb1: {  	_ =	task.clear_ibuf [dreg:s6], $0x5FFFF;
	_ =	strace $0x90000046  }
0xb2: {  	s29 =	simm.s32 $0x9;
	_ =	strace $0x80000048  }
0xb3: {  	_ =	swait.ge [sflag:s29], $0x1  }
0xb4: {  	[sflag:s29] =	ssyncadd.s32 $0xFFFFFFFF  }
0xb5: {  	_ =	strace $0x90000048  }
0xb6: {  	_ =	sfence  }
0xb7: {  	s30 =	sld [smem:$0x0];
	_ =	sdelay $0x2  }
0xb8: {  	s31 =	sshll.u32 s1, $0xD;
	s1 =	sshrl.u32 s1, $0x2  }
0xb9: {  	s3 =	sand.u32 $0x4000, s31;
	s1 =	sadd.s32 s1, s30  }
0xba: {  	s0 =	sor.u32 s3, s0;
	s1 =	sshll.u32 s1, $0x11  }
0xbb: {  	s0 =	sor.u32 s1, s0  }
0xbc: {  	s0 =	sadd.s32 $0x8F2B, s0  }
0xbd: {  	[sflag:s0] =	ssyncadd.remote.s32 $0x1  }
0xbe: {  	_ =	sfence.sel $0xFFFF  }
0xbf: {  	[dreg:$0x0] =	wrdreg $0xFFFFFFFF;
	(pc) =	sbr.abs _section_cstart, $3  }
0xc0: {  	[dreg:$0x1] =	wrdreg $0xFFFFFFFF  }
0xc1: {  	_ =	task.clear_ibuf [dreg:s6], $0x2FFFF;
	_ =	strace $0x9FFFFFFF  }
0xc2: {  	(tm) =	ssettm $0x7FFFFFFF  }
0xc3: {  	_ =	shalt  }
tec
execute0_lowered:
.L_overlay_start_1:
0x0: {  	(tag) =	ssettag $0x1  }
0x1: {  	s0 =	rddreg [dreg:$0x0]  }
0x2: {  	s1 =	rddreg [dreg:$0x1]  }
0x3: {  	s2 =	srdreg.scid;
	s8 =	stileid.u32;
	s11 =	simm.s32 $0x1  }
0x4: {  	s12 =	simm.s32 $0x1F4;
	s13 =	simm.s32 $0x2760;
	s17 =	simm.s32 $0x7E0  }
0x5: {  	s18 =	simm.s32 $0x9D8;
	s19 =	simm.s32 $0xBD0;
	s20 =	simm.s32 $0xDC8  }
0x6: {  	s21 =	simm.s32 $0xFC0;
	s22 =	simm.s32 $0x11B8;
	s23 =	simm.s32 $0x13B0  }
0x7: {  	s24 =	simm.s32 $0x15A8;
	s28 =	simm.s32 $0x1B90;
	s29 =	simm.s32 $0x1D88  }
0x8: {  	s30 =	simm.s32 $0x1F80;
	s31 =	simm.s32 $0x2178;
	s14 =	simm.s32 $0x3130  }
0x9: {  	s3 =	sand.u32 $0x1, s2;
	s2 =	simm.s32 $0x0;
	s6 =	smul.u32 $0x3E80, s8  }
0xa: {  	s10 =	smul.u32 $0xFA0, s8;
	p0 =	sne.s32 s8, $0x0;
	p1 =	sgt.u32 s8, $0x9  }
0xb: {  	s4 =	sshll.u32 s3, $0x4;
	s5 =	smul.u32 $0x27100, s3;
	[smem:$0x7FF] =	sst s2  }
0xc: {  	s3 =	ssub.s32 $0x2, s3;
	s4 =	sor.u32 s8, s4;
	_ =	strace $0x80000047  }
0xd: {  	s26 =	sshrl.u32 s3, $0x1;
	s10 =	sshrl.u32 s10, $0x2;
	s8 =	simm.s32 $0x2568  }
0xe: {  	s4 =	smul.u32 $0x4EC, s4;
	s5 =	sadd.s32 s6, s5;
	s9 =	ssub.s32 s3, s26  }
0xf: {  	s3 =	sadd.s32 $0x7D0, s1;
	s6 =	sadd.s32 $0x1F40, s1;
	s10 =	sadd.s32 s10, s1  }
.Ltmp0:
0x10: {  	s26 =	simm.s32 $0x1998;
	s25 =	sshrl.u32 s5, $0x3;
	(pc) =	sbr.rel .LBB2_1-.Ltmp0, $4  }
0x11: {  	s5 =	sadd.s32 $0x1770, s1;
	[dreg:$0x3] =	wrdreg s10;
	s10 =	smax.u32 s9, $0x1  }
0x12: {  	s9 =	simm.s32 $0x0;
	s7 =	sadd.s32 s4, s0;
	s0 =	sadd.s32 s25, s0  }
0x13: {  	s4 =	sadd.s32 $0xFA0, s1;
	s25 =	simm.s32 $0x17A0;
	s0 =	sadd.s32 $0xBC00, s0  }
0x14: {  	v0 =	vimm.f32 $1.000000000e+00;
	v1 =	vimm.f32 $0.0e+00;
	s7 =	sadd.s32 $0x1E00, s7;
	[dreg:$0x4] =	wrdreg s0;
	s0 =	simm.s32 $0x2370  }
.LBB2_6:
0x15: {  	_ =	sdelay $0x1  }
0x16: {  	s15 =	sadd.s32 $0x10, s15  }
0x17: {  	[tilespmem:s15+$0x0] =	vst v2  }
0x18: {  	v2 =	vld.idx.msk [tilespmem:v3+s14+$0x0], $0xffff;
	_ =	sdelay $0x3  }
0x19: {  	s15 =	sadd.s32 $0x10, s15  }
0x1a: {  	s16 =	simm.s32 $0x3518;
	[tilespmem:s15+$0x0] =	vst v2;
	s15 =	rddreg [dreg:$0x4]  }
0x1b: {  	[hbm4b:s15+s2] =	stream.linear.scatter [tilespmem:s16], [sflag:$0x1], $0x3E80, $0x38;
	[tilespmem:$0x7610] =	vst v63  }
0x1c: {  	_ =	swait.ge [sflag:s11], $0x3E80  }
0x1d: {  	[sflag:s11] =	ssyncset.done $0x0  }
0x1e: {  	[sflag:s11] =	ssyncadd.s32 $0xFFFFC180  }
.LBB2_7:
0x1f: {  	s9 =	sadd.s32 $0x1, s9  }
0x20: {  	p2 =	sne.s32 s9, s10  }
.Ltmp1:
0x21: {  	_ = 	snop;
	(pc) =	sbr.rel @!p2 .LBB2_8-.Ltmp1, $1  }
0x22: {  	_ =	sdelay $0x3  }
.LBB2_1:
0x23: {  	[tilespmem:$0x2760] =	vst v0  }
0x24: {  	[tilespmem:$0x2770] =	vst v0  }
0x25: {  	[tilespmem:$0x2780] =	vst v0  }
0x26: {  	[tilespmem:$0x2790] =	vst v0  }
0x27: {  	[tilespmem:$0x27A0] =	vst v0  }
0x28: {  	[tilespmem:$0x27B0] =	vst v0  }
0x29: {  	[tilespmem:$0x27C0] =	vst v0  }
0x2a: {  	[tilespmem:$0x27D0] =	vst v0  }
0x2b: {  	[tilespmem:$0x27E0] =	vst v0  }
0x2c: {  	[tilespmem:$0x27F0] =	vst v0  }
0x2d: {  	[tilespmem:$0x2800] =	vst v0  }
0x2e: {  	[tilespmem:$0x2810] =	vst v0  }
0x2f: {  	[tilespmem:$0x2820] =	vst v0  }
0x30: {  	[tilespmem:$0x2830] =	vst v0  }
0x31: {  	[tilespmem:$0x2840] =	vst v0  }
0x32: {  	[tilespmem:$0x2850] =	vst v0  }
0x33: {  	[tilespmem:$0x2860] =	vst v0  }
0x34: {  	[tilespmem:$0x2870] =	vst v0  }
0x35: {  	[tilespmem:$0x2880] =	vst v0  }
0x36: {  	[tilespmem:$0x2890] =	vst v0  }
0x37: {  	[tilespmem:$0x28A0] =	vst v0  }
0x38: {  	[tilespmem:$0x28B0] =	vst v0  }
0x39: {  	[tilespmem:$0x28C0] =	vst v0  }
0x3a: {  	[tilespmem:$0x28D0] =	vst v0  }
0x3b: {  	[tilespmem:$0x28E0] =	vst v0  }
0x3c: {  	[tilespmem:$0x28F0] =	vst v0  }
0x3d: {  	[tilespmem:$0x2900] =	vst v0  }
0x3e: {  	[tilespmem:$0x2910] =	vst v0  }
0x3f: {  	[tilespmem:$0x2920] =	vst v0  }
0x40: {  	[tilespmem:$0x2930] =	vst v0  }
0x41: {  	[tilespmem:$0x2940] =	vst v0  }
0x42: {  	[tilespmem:$0x2950] =	vst v0;
	s15 =	simm.s32 $0x40;
	s16 =	simm.s32 $0x0  }
.LBB2_2:
0x43: {  	p2 =	sne.s32 s15, $0x1F00;
	[tilespmem:s16+$0x2960] =	vst v1;
	s16 =	smov.u32 s15;
	s15 =	sadd.s32 $0x40, s15  }
.Ltmp2:
0x44: {  	(pc) =	sbr.rel @p2 .LBB2_2-.Ltmp2, $2  }
0x45: {  	_ =	sdelay $0x2  }
0x46: {  	s16 =	sshra.s32 s16, $0x2  }
0x47: {  	[tilespmem:s16+$0x2960] =	vst v1;
	s15 =	simm.s32 @!p0 $0x2960;
	s16 =	simm.s32 @!p0 $0x1  }
0x48: {  	[spmem:s1] =	stream.linear.scatter @!p0 [tilespmem:s15], [sflag:$0x1], $0x7D0, $0x38;
	[tilespmem:$0x7610] =	vst v63  }
0x49: {  	_ =	swait.ge @!p0 [sflag:s16], $0x7D0  }
0x4a: {  	[sflag:s16] =	ssyncset.done @!p0 $0x0  }
0x4b: {  	[sflag:s16] =	ssyncadd.s32 @!p0 $0xFFFFF830  }
0x4c: {  	[spmem:s3] =	stream.linear.scatter @!p0 [tilespmem:s15], [sflag:$0x1], $0x7D0, $0x38;
	[tilespmem:$0x7610] =	vst v63  }
0x4d: {  	_ =	swait.ge @!p0 [sflag:s16], $0x7D0  }
0x4e: {  	[sflag:s16] =	ssyncset.done @!p0 $0x0  }
0x4f: {  	[sflag:s16] =	ssyncadd.s32 @!p0 $0xFFFFF830  }
0x50: {  	[spmem:s4] =	stream.linear.scatter @!p0 [tilespmem:s15], [sflag:$0x1], $0x7D0, $0x38;
	[tilespmem:$0x7610] =	vst v63  }
0x51: {  	_ =	swait.ge @!p0 [sflag:s16], $0x7D0  }
0x52: {  	[sflag:s16] =	ssyncset.done @!p0 $0x0  }
0x53: {  	[sflag:s16] =	ssyncadd.s32 @!p0 $0xFFFFF830  }
0x54: {  	[spmem:s5] =	stream.linear.scatter @!p0 [tilespmem:s15], [sflag:$0x1], $0x7D0, $0x38;
	[tilespmem:$0x7610] =	vst v63  }
0x55: {  	_ =	swait.ge @!p0 [sflag:s16], $0x7D0  }
0x56: {  	[sflag:s16] =	ssyncset.done @!p0 $0x0  }
0x57: {  	[sflag:s16] =	ssyncadd.s32 @!p0 $0xFFFFF830  }
0x58: {  	[spmem:s6] =	stream.linear.scatter @!p0 [tilespmem:s15], [sflag:$0x1], $0x7D0, $0x38;
	[tilespmem:$0x7610] =	vst v63  }
0x59: {  	_ =	swait.ge @!p0 [sflag:s16], $0x7D0  }
0x5a: {  	[sflag:s16] =	ssyncset.done @!p0 $0x0  }
0x5b: {  	[sflag:s16] =	ssyncadd.s32 @!p0 $0xFFFFF830  }
0x5c: {  	[tilespmem:s2], [sflag:$0x1] =	stream.linear.gather [hbm4b:s7+s2], $0x2760, $0x38;
	[tilespmem:$0x7610] =	vst v63  }
0x5d: {  	_ =	swait.ge [sflag:s11], $0x2760  }
0x5e: {  	[sflag:s11] =	ssyncset.done $0x0  }
0x5f: {  	[sflag:s11] =	ssyncadd.s32 $0xFFFFD8A0  }
0x60: {  	[bflag:$0x0] =	sbarrier.arrive $0xFFFF  }
0x61: {  	[spmem:s1] =	stream.indirect.scatter.add.f32 [tilespmem:s13], [sflag:$0x1], $0x1, s2, s12, $0xb8;
	[tilespmem:$0x7610] =	vst v63  }
0x62: {  	_ =	swait.ge [sflag:s11], $0x1F4  }
0x63: {  	[sflag:s11] =	ssyncset.done $0x0  }
0x64: {  	s16 =	simm.s32 $0x1F8;
	[sflag:s11] =	ssyncadd.s32 $0xFFFFFE0C  }
0x65: {  	[spmem:s1] =	stream.indirect.scatter.add.f32 [tilespmem:s13], [sflag:$0x1], $0x1, s16, s12, $0xb8;
	[tilespmem:$0x7610] =	vst v63  }
0x66: {  	_ =	swait.ge [sflag:s11], $0x1F4  }
0x67: {  	[sflag:s11] =	ssyncset.done $0x0  }
0x68: {  	s16 =	simm.s32 $0x3F0;
	[sflag:s11] =	ssyncadd.s32 $0xFFFFFE0C  }
0x69: {  	[spmem:s1] =	stream.indirect.scatter.add.f32 [tilespmem:s13], [sflag:$0x1], $0x1, s16, s12, $0xb8;
	[tilespmem:$0x7610] =	vst v63  }
0x6a: {  	_ =	swait.ge [sflag:s11], $0x1F4  }
0x6b: {  	[sflag:s11] =	ssyncset.done $0x0  }
0x6c: {  	s16 =	simm.s32 $0x5E8;
	[sflag:s11] =	ssyncadd.s32 $0xFFFFFE0C  }
0x6d: {  	[spmem:s1] =	stream.indirect.scatter.add.f32 [tilespmem:s13], [sflag:$0x1], $0x1, s16, s12, $0xb8;
	[tilespmem:$0x7610] =	vst v63  }
0x6e: {  	_ =	swait.ge [sflag:s11], $0x1F4  }
0x6f: {  	[sflag:s11] =	ssyncset.done $0x0  }
0x70: {  	[sflag:s11] =	ssyncadd.s32 $0xFFFFFE0C  }
0x71: {  	[spmem:s1] =	stream.indirect.scatter.add.f32 [tilespmem:s13], [sflag:$0x1], $0x1, s17, s12, $0xb8;
	[tilespmem:$0x7610] =	vst v63  }
0x72: {  	_ =	swait.ge [sflag:s11], $0x1F4  }
0x73: {  	[sflag:s11] =	ssyncset.done $0x0  }
0x74: {  	[sflag:s11] =	ssyncadd.s32 $0xFFFFFE0C  }
0x75: {  	[spmem:s1] =	stream.indirect.scatter.add.f32 [tilespmem:s13], [sflag:$0x1], $0x1, s18, s12, $0xb8;
	[tilespmem:$0x7610] =	vst v63  }
0x76: {  	_ =	swait.ge [sflag:s11], $0x1F4  }
0x77: {  	[sflag:s11] =	ssyncset.done $0x0  }
0x78: {  	[sflag:s11] =	ssyncadd.s32 $0xFFFFFE0C  }
0x79: {  	[spmem:s1] =	stream.indirect.scatter.add.f32 [tilespmem:s13], [sflag:$0x1], $0x1, s19, s12, $0xb8;
	[tilespmem:$0x7610] =	vst v63  }
0x7a: {  	_ =	swait.ge [sflag:s11], $0x1F4  }
0x7b: {  	[sflag:s11] =	ssyncset.done $0x0  }
0x7c: {  	[sflag:s11] =	ssyncadd.s32 $0xFFFFFE0C  }
0x7d: {  	[spmem:s1] =	stream.indirect.scatter.add.f32 [tilespmem:s13], [sflag:$0x1], $0x1, s20, s12, $0xb8;
	[tilespmem:$0x7610] =	vst v63  }
0x7e: {  	_ =	swait.ge [sflag:s11], $0x1F4  }
0x7f: {  	[sflag:s11] =	ssyncset.done $0x0  }
0x80: {  	[sflag:s11] =	ssyncadd.s32 $0xFFFFFE0C  }
0x81: {  	[spmem:s1] =	stream.indirect.scatter.add.f32 [tilespmem:s13], [sflag:$0x1], $0x1, s21, s12, $0xb8;
	[tilespmem:$0x7610] =	vst v63  }
0x82: {  	_ =	swait.ge [sflag:s11], $0x1F4  }
0x83: {  	[sflag:s11] =	ssyncset.done $0x0  }
0x84: {  	[sflag:s11] =	ssyncadd.s32 $0xFFFFFE0C  }
0x85: {  	[spmem:s1] =	stream.indirect.scatter.add.f32 [tilespmem:s13], [sflag:$0x1], $0x1, s22, s12, $0xb8;
	[tilespmem:$0x7610] =	vst v63  }
0x86: {  	_ =	swait.ge [sflag:s11], $0x1F4  }
0x87: {  	[sflag:s11] =	ssyncset.done $0x0  }
0x88: {  	[sflag:s11] =	ssyncadd.s32 $0xFFFFFE0C  }
0x89: {  	[spmem:s1] =	stream.indirect.scatter.add.f32 [tilespmem:s13], [sflag:$0x1], $0x1, s23, s12, $0xb8;
	[tilespmem:$0x7610] =	vst v63  }
0x8a: {  	_ =	swait.ge [sflag:s11], $0x1F4  }
0x8b: {  	[sflag:s11] =	ssyncset.done $0x0  }
0x8c: {  	[sflag:s11] =	ssyncadd.s32 $0xFFFFFE0C  }
0x8d: {  	[spmem:s1] =	stream.indirect.scatter.add.f32 [tilespmem:s13], [sflag:$0x1], $0x1, s24, s12, $0xb8;
	[tilespmem:$0x7610] =	vst v63  }
0x8e: {  	_ =	swait.ge [sflag:s11], $0x1F4  }
0x8f: {  	[sflag:s11] =	ssyncset.done $0x0  }
0x90: {  	[sflag:s11] =	ssyncadd.s32 $0xFFFFFE0C  }
0x91: {  	[spmem:s1] =	stream.indirect.scatter.add.f32 [tilespmem:s13], [sflag:$0x1], $0x1, s25, s12, $0xb8;
	[tilespmem:$0x7610] =	vst v63  }
0x92: {  	_ =	swait.ge [sflag:s11], $0x1F4  }
0x93: {  	[sflag:s11] =	ssyncset.done $0x0  }
0x94: {  	[sflag:s11] =	ssyncadd.s32 $0xFFFFFE0C  }
0x95: {  	[spmem:s1] =	stream.indirect.scatter.add.f32 [tilespmem:s13], [sflag:$0x1], $0x1, s26, s12, $0xb8;
	[tilespmem:$0x7610] =	vst v63  }
0x96: {  	_ =	swait.ge [sflag:s11], $0x1F4  }
0x97: {  	[sflag:s11] =	ssyncset.done $0x0  }
0x98: {  	[sflag:s11] =	ssyncadd.s32 $0xFFFFFE0C  }
0x99: {  	[spmem:s1] =	stream.indirect.scatter.add.f32 [tilespmem:s13], [sflag:$0x1], $0x1, s28, s12, $0xb8;
	[tilespmem:$0x7610] =	vst v63  }
0x9a: {  	_ =	swait.ge [sflag:s11], $0x1F4  }
0x9b: {  	[sflag:s11] =	ssyncset.done $0x0  }
0x9c: {  	[sflag:s11] =	ssyncadd.s32 $0xFFFFFE0C  }
0x9d: {  	[spmem:s1] =	stream.indirect.scatter.add.f32 [tilespmem:s13], [sflag:$0x1], $0x1, s29, s12, $0xb8;
	[tilespmem:$0x7610] =	vst v63  }
0x9e: {  	_ =	swait.ge [sflag:s11], $0x1F4  }
0x9f: {  	[sflag:s11] =	ssyncset.done $0x0  }
0xa0: {  	[sflag:s11] =	ssyncadd.s32 $0xFFFFFE0C  }
0xa1: {  	[spmem:s1] =	stream.indirect.scatter.add.f32 [tilespmem:s13], [sflag:$0x1], $0x1, s30, s12, $0xb8;
	[tilespmem:$0x7610] =	vst v63  }
0xa2: {  	_ =	swait.ge [sflag:s11], $0x1F4  }
0xa3: {  	[sflag:s11] =	ssyncset.done $0x0  }
0xa4: {  	[sflag:s11] =	ssyncadd.s32 $0xFFFFFE0C  }
0xa5: {  	[spmem:s1] =	stream.indirect.scatter.add.f32 [tilespmem:s13], [sflag:$0x1], $0x1, s31, s12, $0xb8;
	[tilespmem:$0x7610] =	vst v63  }
0xa6: {  	_ =	swait.ge [sflag:s11], $0x1F4  }
0xa7: {  	[sflag:s11] =	ssyncset.done $0x0  }
0xa8: {  	[sflag:s11] =	ssyncadd.s32 $0xFFFFFE0C  }
0xa9: {  	[spmem:s1] =	stream.indirect.scatter.add.f32 [tilespmem:s13], [sflag:$0x1], $0x1, s0, s12, $0xb8;
	[tilespmem:$0x7610] =	vst v63  }
0xaa: {  	_ =	swait.ge [sflag:s11], $0x1F4  }
0xab: {  	[sflag:s11] =	ssyncset.done $0x0  }
0xac: {  	[sflag:s11] =	ssyncadd.s32 $0xFFFFFE0C  }
0xad: {  	[spmem:s1] =	stream.indirect.scatter.add.f32 [tilespmem:s13], [sflag:$0x1], $0x1, s8, s12, $0xb8;
	[tilespmem:$0x7610] =	vst v63  }
.Ltmp3:
0xae: {  	_ =	swait.ge [sflag:s11], $0x1F4;
	(pc) =	sbr.rel @p1 .LBB2_7-.Ltmp3, $3  }
0xaf: {  	[sflag:s11] =	ssyncset.done $0x0  }
0xb0: {  	[sflag:s11] =	ssyncadd.s32 $0xFFFFFE0C  }
0xb1: {  	[bflag:$0x0] =	sbarrier.arrive $0xFFFF;
	_ =	sdelay $0x1  }
0xb2: {  	s15 =	simm.s32 $0x0  }
0xb3: {  	s16 =	rddreg [dreg:$0x3];
	v2 =	vmov s15  }
0xb4: {  	[tilespmem:s14], [sflag:$0x1] =	stream.linear.gather [spmem:s16], $0x3E8, $0x38;
	[tilespmem:$0x7610] =	vst v63  }
0xb5: {  	_ =	swait.ge [sflag:s11], $0x3E8  }
0xb6: {  	[sflag:s11] =	ssyncset.done $0x0  }
0xb7: {  	[sflag:s11] =	ssyncadd.s32 $0xFFFFFC18  }
0xb8: {  	s16 =	simm.s32 $0x1;
	v2 =	vld.idx.msk [tilespmem:v2+s14+$0x0], $0xffff  }
0xb9: {  	v3 =	vmov s16;
	_ =	sdelay $0x2  }
0xba: {  	s15 =	simm.s32 $0x3518  }
0xbb: {  	[tilespmem:s15+$0x0] =	vst v2  }
0xbc: {  	s16 =	simm.s32 $0x2;
	v2 =	vld.idx.msk [tilespmem:v3+s14+$0x0], $0xffff  }
0xbd: {  	v3 =	vmov s16;
	s16 =	simm.s32 $0x3  }
.LBB2_5:
0xbe: {  	p2 =	sne.s32 s16, $0x3E7;
	_ =	sdelay $0x1  }
.Ltmp4:
0xbf: {  	s15 =	sadd.s32 $0x10, s15;
	(pc) =	sbr.rel @p2 .LBB2_5-.Ltmp4, $3  }
0xc0: {  	[tilespmem:s15+$0x0] =	vst v2  }
0xc1: {  	v2 =	vld.idx.msk [tilespmem:v3+s14+$0x0], $0xffff;
	_ =	sdelay $0x1  }
0xc2: {  	v3 =	vmov s16;
	s16 =	sadd.s32 $0x1, s16  }
.Ltmp5:
0xc3: {  	_ = 	snop;
	(pc) =	sbr.rel .LBB2_6-.Ltmp5, $1  }
0xc4: {  	_ =	sdelay $0x3  }
.LBB2_8:
0xc5: {  	_ =	sfence.sel $0x180000  }
0xc6: {  	[bflag:$0x0] =	sbarrier.arrive $0xFFFF  }
0xc7: {  	_ =	strace $0x90000047  }
0xc8: {  	[bflag:$0x2] =	sbarrier.arrive $0xFFFF  }
0xc9: {  	s0 =	rddreg [dreg:$0x2]  }
0xca: {  	s0 =	sadd.s32 @!p0 $0x100000, s0  }
0xcb: {  	[sflag:s0] =	ssyncadd.tile.s32 @!p0 $0x1;
	_ =	shalt  }
.Lfunc_end2:
_tile_overlayer_lowered:
.L_overlay_start_2:
0xcc: {  	(tag) =	ssettag $0x2  }
0xcd: {  	s0 =	rddreg [dreg:$0x0];
	s2 =	stileid.u32  }
0xce: {  	s1 =	rddreg [dreg:$0x1];
	p0 =	sne.s32 s2, $0x0  }
0xcf: {  	s3 =	rddreg [dreg:$0x2];
	[bflag:$0x3] =	sbarrier.arrive $0xFFFF;
	s2 =	simm.s32 @!p0 $0x1C01  }
0xd0: {  	[timem:s3], [sflag:s2] =	dma.local @!p0 [hbm:s0], s1  }
0xd1: {  	s0 =	simm.s32 @!p0 $0x1  }
0xd2: {  	_ =	swait.ge @!p0 [sflag:s0], s1  }
0xd3: {  	s1 =	ssub.s32 @!p0 $0x0, s1;
	[sflag:s0] =	ssyncset.done @!p0 $0x0  }
0xd4: {  	[sflag:s0] =	ssyncadd.s32 @!p0 s1  }
0xd5: {  	[bflag:$0x3] =	sbarrier.arrive $0xFFFF  }
0xd6: {  	_ =	shalt  }

</sc_bundles>
